<compile_context>
chip_gen: v7x
topology: tpu7x:2x2x1
jax: 0.10.2.dev20260603
libtpu: 0.0.44.dev20260713+nightly
codegen_flags: <defaults>
</compile_context>

<pallas_src>
import functools

import jax
import jax.numpy as jnp
from jax import lax
from jax.experimental import pallas as pl
from jax.experimental.pallas import tpu as pltpu
from jax.experimental.pallas import tpu_sc as plsc

_VOCAB = 100000
_D = 64
_B = 16384
_NEG = 3
_L = 16

_NC, _NS = 2, 16
_NW = _NC * _NS
_NROUND = _D // _NW
_CH = 2048
_NCH = _B // _CH
_ROWLEN = _B * 4


@functools.cache
def _build_sc_dim_dots():
    mesh = plsc.VectorSubcoreMesh(core_axis_name="c", subcore_axis_name="s")

    @functools.partial(
        pl.kernel,
        mesh=mesh,
        compiler_params=pltpu.CompilerParams(
            use_tc_tiling_on_sc=True, needs_layout_passes=False),
        out_type=jax.ShapeDtypeStruct((_D * _ROWLEN,), jnp.bfloat16),
        scratch_types=[
            pltpu.VMEM((_VOCAB,), jnp.float32),
            pltpu.VMEM((_CH,), jnp.int32),
            pltpu.VMEM((_CH,), jnp.int32),
            pltpu.VMEM((_CH,), jnp.int32),
            pltpu.VMEM((_CH,), jnp.int32),
            pltpu.VMEM((_L,), jnp.int32),
            pltpu.VMEM((4 * _CH,), jnp.bfloat16),
            pltpu.VMEM((4 * _CH,), jnp.bfloat16),
            pltpu.SemaphoreType.DMA,
            pltpu.SemaphoreType.DMA,
            pltpu.SemaphoreType.DMA,
            pltpu.SemaphoreType.DMA,
            pltpu.SemaphoreType.DMA,
            pltpu.SemaphoreType.DMA,
            pltpu.SemaphoreType.DMA,
        ],
    )
    def _sc_dim_dots(embT_hbm, tidx_hbm, cidx_hbm, nidx_hbm, parts_out,
                     ed, tq0, tq1, cq0, cq1, niv, av0, av1,
                     sem_e, st0, st1, sc0, sc1, so0, so1):
        wid = lax.axis_index("s") * _NC + lax.axis_index("c")
        pltpu.sync_copy(nidx_hbm, niv)
        nvals = niv[...]
        tqs, cqs, avs = (tq0, tq1), (cq0, cq1), (av0, av1)
        sts, scs, sos = (st0, st1), (sc0, sc1), (so0, so1)

        def start_idx(k, buf):
            cp_t = pltpu.async_copy(
                tidx_hbm.at[pl.ds(k * _CH, _CH)], tqs[buf], sts[buf])
            cp_c = pltpu.async_copy(
                cidx_hbm.at[pl.ds(k * _CH, _CH)], cqs[buf], scs[buf])
            return cp_t, cp_c

        for r in range(_NROUND):
            d = r * _NW + wid
            pend_idx = [start_idx(0, 0), None]
            pltpu.sync_copy(embT_hbm.at[d], ed)
            nd = plsc.load_gather(ed, [nvals])
            nb0 = jnp.broadcast_to(nd[0], (_L,))
            nb1 = jnp.broadcast_to(nd[1], (_L,))
            nb2 = jnp.broadcast_to(nd[2], (_L,))
            row_base = d * _ROWLEN

            pend_out = [None, None]
            for k in range(_NCH):
                buf = k & 1
                if k + 1 < _NCH:
                    pend_idx[1 - buf] = start_idx(k + 1, 1 - buf)
                cp_t, cp_c = pend_idx[buf]
                cp_t.wait()
                cp_c.wait()
                if pend_out[buf] is not None:
                    pend_out[buf].wait()
                tqi, cqi, accv = tqs[buf], cqs[buf], avs[buf]

                def group(jj, _, tqi=tqi, cqi=cqi, accv=accv,
                          nb0=nb0, nb1=nb1, nb2=nb2):
                    js = [jj * 4 + u for u in range(4)]
                    tvs = [tqi[pl.ds(j * _L, _L)] for j in js]
                    cvs = [cqi[pl.ds(j * _L, _L)] for j in js]
                    tcols = [plsc.load_gather(ed, [tv]) for tv in tvs]
                    ccols = [plsc.load_gather(ed, [cv]) for cv in cvs]
                    for u in (0, 2):
                        j = js[u]
                        for base, rhs in ((0, None), (_CH, nb0),
                                          (2 * _CH, nb1), (3 * _CH, nb2)):
                            a = tcols[u] * (ccols[u] if rhs is None else rhs)
                            b = tcols[u + 1] * (
                                ccols[u + 1] if rhs is None else rhs)
                            accv[pl.ds(base + j * _L, 2 * _L)] = plsc.pack(
                                a, b, format=plsc.PackFormat.INTERLEAVED)
                    return _

                lax.fori_loop(0, _CH // (_L * 4), group, None)
                pend_out[buf] = pltpu.async_copy(
                    accv,
                    parts_out.at[pl.ds(row_base + k * 4 * _CH, 4 * _CH)],
                    sos[buf])
            for po in pend_out:
                if po is not None:
                    po.wait()

    return _sc_dim_dots


_TCROWS = _ROWLEN // 128


def _tc_body(parts_ref, out_ref, acc_ref):
    i = pl.program_id(0)
    x = parts_ref[...]
    part = x[0:_TCROWS].astype(jnp.float32)
    for k in range(1, 16):
        part = part + x[k * _TCROWS:(k + 1) * _TCROWS].astype(jnp.float32)

    @pl.when(i == 0)
    def _():
        acc_ref[...] = jnp.zeros((_TCROWS, 128), jnp.float32)

    acc_ref[...] += part

    @pl.when(i == _D // 16 - 1)
    def _():
        s = acc_ref[...]
        ch = (lax.broadcasted_iota(jnp.int32, (_TCROWS, 128), 0)
              // (_CH // 128)) % 4
        s = jnp.where(ch == 0, s, -s)
        ls = jnp.minimum(s, 0.0) - jnp.log1p(jnp.exp(-jnp.abs(s)))
        out_ref[0, 0] = -jnp.sum(ls) / _B


def _tc_loss(parts):
    return pl.pallas_call(
        _tc_body,
        grid=(_D // 16,),
        in_specs=[
            pl.BlockSpec((16 * _TCROWS, 128), lambda i: (i, 0)),
        ],
        out_specs=pl.BlockSpec(memory_space=pltpu.SMEM),
        out_shape=jax.ShapeDtypeStruct((1, 1), jnp.float32),
        scratch_shapes=[pltpu.VMEM((_TCROWS, 128), jnp.float32)],
    )(parts.reshape(_D * _TCROWS, 128))


def kernel(target_idx, context_idx, embeddings, neg_idx):
    nidx = jnp.concatenate(
        [neg_idx.astype(jnp.int32), jnp.zeros((_L - _NEG,), jnp.int32)])
    parts = _build_sc_dim_dots()(
        embeddings.T, target_idx.astype(jnp.int32),
        context_idx.astype(jnp.int32), nidx)
    acc = _tc_loss(parts)
    return acc[0, 0]

# --- scband reference (transcript-rebuilt; emitter-appended) ---
"""Pipeline reference for scband-skip-gram-63943473103350 (READ-ONLY COPY).

The authoritative reference and input builder live on the scoring server;
editing this copy changes nothing except your own understanding.
"""

import jax, jax.numpy as jnp
import numpy as np

VOCAB = 100000
EMBED_DIM = 64
NEG_SAMPLES = 3
BATCH = 16384

def setup_inputs(seed: int = 0) -> dict:
    key = jax.random.key(seed)
    k1, k2, k3, k4 = jax.random.split(key, 4)
    target_idx = jax.random.randint(k1, (BATCH,), 0, VOCAB, dtype=jnp.int64 if jax.config.jax_enable_x64 else jnp.int32)
    context_idx = jax.random.randint(k2, (BATCH,), 0, VOCAB, dtype=jnp.int64 if jax.config.jax_enable_x64 else jnp.int32)
    embeddings = jax.random.normal(k3, (VOCAB, EMBED_DIM), dtype=jnp.float32)
    # Torch code draws negatives with python random.randint each call; here we
    # materialize a deterministic set of negative indices for reproducibility.
    neg_idx = jax.random.randint(k4, (NEG_SAMPLES,), 0, VOCAB, dtype=jnp.int32)
    return {"target_idx": target_idx, "context_idx": context_idx, "embeddings": embeddings, "neg_idx": neg_idx}

def reference(target_idx, context_idx, embeddings, neg_idx):
    # gather embeddings (SparseCore-friendly)
    target_embed = jnp.take(embeddings, target_idx, axis=0)   # [B, D]
    context_embed = jnp.take(embeddings, context_idx, axis=0) # [B, D]
    pos_loss = jax.nn.log_sigmoid(jnp.sum(target_embed * context_embed, axis=1))  # [B]
    neg_loss = jnp.zeros_like(pos_loss)
    for i in range(NEG_SAMPLES):
        neg_target_embed = jnp.take(embeddings, neg_idx[i:i+1], axis=0)  # [1, D], broadcasts over batch
        neg_loss = neg_loss + jax.nn.log_sigmoid(-jnp.sum(target_embed * neg_target_embed, axis=1))
    total_loss = -jnp.mean(pos_loss + neg_loss)
    return total_loss

if __name__ == "__main__":
    import jax
    _d = setup_inputs()
    print(jax.jit(kernel)(*tuple(_d.values())))

</pallas_src>

<mosaic_0001>
#map = affine_map<(d0, d1) -> (0, 0)>
#map1 = affine_map<(d0, d1) -> (0)>
module attributes {stable_mosaic.version = 14 : i64} {
  func.func @_sc_dim_dots(%arg0: i32, %arg1: i32, %arg2: memref<64x100000xf32, #tpu.memory_space<hbm>>, %arg3: memref<16384xi32, #tpu.memory_space<hbm>>, %arg4: memref<16384xi32, #tpu.memory_space<hbm>>, %arg5: memref<16xi32, #tpu.memory_space<hbm>>, %arg6: memref<4194304xbf16, #tpu.memory_space<hbm>>, %arg7: memref<100000xf32, #tpu.memory_space<vmem>>, %arg8: memref<2048xi32, #tpu.memory_space<vmem>>, %arg9: memref<2048xi32, #tpu.memory_space<vmem>>, %arg10: memref<2048xi32, #tpu.memory_space<vmem>>, %arg11: memref<2048xi32, #tpu.memory_space<vmem>>, %arg12: memref<16xi32, #tpu.memory_space<vmem>>, %arg13: memref<8192xbf16, #tpu.memory_space<vmem>>, %arg14: memref<8192xbf16, #tpu.memory_space<vmem>>, %arg15: memref<!tpu.dma_semaphore, #tpu.memory_space<semaphore_mem>>, %arg16: memref<!tpu.dma_semaphore, #tpu.memory_space<semaphore_mem>>, %arg17: memref<!tpu.dma_semaphore, #tpu.memory_space<semaphore_mem>>, %arg18: memref<!tpu.dma_semaphore, #tpu.memory_space<semaphore_mem>>, %arg19: memref<!tpu.dma_semaphore, #tpu.memory_space<semaphore_mem>>, %arg20: memref<!tpu.dma_semaphore, #tpu.memory_space<semaphore_mem>>, %arg21: memref<!tpu.dma_semaphore, #tpu.memory_space<semaphore_mem>>) attributes {dimension_semantics = [#tpu.dimension_semantics<core_parallel>, #tpu.dimension_semantics<subcore_parallel>], iteration_bounds = array<i64: 2, 16>, scalar_prefetch = 0 : i64, scratch_operands = 15 : i64, tpu.core_type = #tpu.core_type<sc_vector_subcore>, window_params = [{transform_indices = #map}, {transform_indices = #map1}, {transform_indices = #map1}, {transform_indices = #map1}, {transform_indices = #map1}]} {
    %mul3A = arith.constant 2 : i32
    %mul3A_0 = arith.muli %arg1, %mul3A : i32
    %add3A = arith.addi %mul3A_0, %arg0 : i32
    "tpu.region"() ({
      %run_scoped3A = tpu.sem_alloc : memref<!tpu.dma_semaphore, #tpu.memory_space<semaphore_mem>>
      tpu.enqueue_dma source(%arg5 : memref<16xi32, #tpu.memory_space<hbm>>) target(%arg12 : memref<16xi32, #tpu.memory_space<vmem>>) target_semaphore(%run_scoped3A : memref<!tpu.dma_semaphore, #tpu.memory_space<semaphore_mem>>)
      tpu.wait_dma2 semaphore(%run_scoped3A : memref<!tpu.dma_semaphore, #tpu.memory_space<semaphore_mem>>) src(%arg5 : memref<16xi32, #tpu.memory_space<hbm>>) dst(%arg12 : memref<16xi32, #tpu.memory_space<vmem>>)
      tpu.yield
    }) : () -> ()
    %get3A = arith.constant 0 : index
    %get3A_1 = tpu.vector_load %arg12[%get3A] {strides = array<i32>} : memref<16xi32, #tpu.memory_space<vmem>>, vector<16xi32>,
    %add3A_2 = arith.constant 0 : i32
    %add3A_3 = arith.addi %add3A_2, %add3A : i32
    %dma_start3A = arith.constant 0 : i32
    %dma_start3A_4 = tpu.memref_slice %arg3[%dma_start3A] : memref<16384xi32, #tpu.memory_space<hbm>> -> memref<2048xi32, #tpu.memory_space<hbm>>
    %dma_start3A_5 = arith.constant 0 : i32
    %dma_start3A_6 = tpu.memref_slice %arg3[%dma_start3A_5] : memref<16384xi32, #tpu.memory_space<hbm>> -> memref<2048xi32, #tpu.memory_space<hbm>>
    tpu.enqueue_dma source(%dma_start3A_6 : memref<2048xi32, #tpu.memory_space<hbm>>) target(%arg8 : memref<2048xi32, #tpu.memory_space<vmem>>) target_semaphore(%arg16 : memref<!tpu.dma_semaphore, #tpu.memory_space<semaphore_mem>>)
    %dma_start3A_7 = arith.constant 0 : i32
    %dma_start3A_8 = tpu.memref_slice %arg4[%dma_start3A_7] : memref<16384xi32, #tpu.memory_space<hbm>> -> memref<2048xi32, #tpu.memory_space<hbm>>
    %dma_start3A_9 = arith.constant 0 : i32
    %dma_start3A_10 = tpu.memref_slice %arg4[%dma_start3A_9] : memref<16384xi32, #tpu.memory_space<hbm>> -> memref<2048xi32, #tpu.memory_space<hbm>>
    tpu.enqueue_dma source(%dma_start3A_10 : memref<2048xi32, #tpu.memory_space<hbm>>) target(%arg10 : memref<2048xi32, #tpu.memory_space<vmem>>) target_semaphore(%arg18 : memref<!tpu.dma_semaphore, #tpu.memory_space<semaphore_mem>>)
    "tpu.region"() ({
      %run_scoped3A = tpu.sem_alloc : memref<!tpu.dma_semaphore, #tpu.memory_space<semaphore_mem>>
      %dma_start3A_455 = arith.constant 0 : i32
      %dma_start3A_456 = tpu.memref_slice %arg2[%add3A_3, %dma_start3A_455] : memref<64x100000xf32, #tpu.memory_space<hbm>> -> memref<1x100000xf32, #tpu.memory_space<hbm>>
      %dma_start3A_457 = tpu.memref_squeeze %dma_start3A_456 : memref<1x100000xf32, #tpu.memory_space<hbm>> -> memref<100000xf32, #tpu.memory_space<hbm>>
      %dma_start3A_458 = arith.constant 0 : i32
      %dma_start3A_459 = tpu.memref_slice %arg2[%add3A_3, %dma_start3A_458] : memref<64x100000xf32, #tpu.memory_space<hbm>> -> memref<1x100000xf32, #tpu.memory_space<hbm>>
      %dma_start3A_460 = tpu.memref_squeeze %dma_start3A_459 : memref<1x100000xf32, #tpu.memory_space<hbm>> -> memref<100000xf32, #tpu.memory_space<hbm>>
      tpu.enqueue_dma source(%dma_start3A_460 : memref<100000xf32, #tpu.memory_space<hbm>>) target(%arg7 : memref<100000xf32, #tpu.memory_space<vmem>>) target_semaphore(%run_scoped3A : memref<!tpu.dma_semaphore, #tpu.memory_space<semaphore_mem>>)
      %dma_wait3A_461 = arith.constant 0 : i32
      %dma_wait3A_462 = tpu.memref_slice %arg2[%add3A_3, %dma_wait3A_461] : memref<64x100000xf32, #tpu.memory_space<hbm>> -> memref<1x100000xf32, #tpu.memory_space<hbm>>
      %dma_wait3A_463 = tpu.memref_squeeze %dma_wait3A_462 : memref<1x100000xf32, #tpu.memory_space<hbm>> -> memref<100000xf32, #tpu.memory_space<hbm>>
      %dma_wait3A_464 = arith.constant 0 : i32
      %dma_wait3A_465 = tpu.memref_slice %arg2[%add3A_3, %dma_wait3A_464] : memref<64x100000xf32, #tpu.memory_space<hbm>> -> memref<1x100000xf32, #tpu.memory_space<hbm>>
      %dma_wait3A_466 = tpu.memref_squeeze %dma_wait3A_465 : memref<1x100000xf32, #tpu.memory_space<hbm>> -> memref<100000xf32, #tpu.memory_space<hbm>>
      tpu.wait_dma2 semaphore(%run_scoped3A : memref<!tpu.dma_semaphore, #tpu.memory_space<semaphore_mem>>) src(%dma_wait3A_466 : memref<100000xf32, #tpu.memory_space<hbm>>) dst(%arg7 : memref<100000xf32, #tpu.memory_space<vmem>>)
      tpu.yield
    }) : () -> ()
    %gather3A = tpu.vector_load_idx %arg7[%get3A_1] : memref<100000xf32, #tpu.memory_space<vmem>>[vector<16xi32>], vector<16xf32>,
    %slice3A = vector.extract_strided_slice %gather3A {offsets = [0], sizes = [1], strides = [1]} : vector<16xf32> to vector<1xf32>
    %squeeze3A = vector.extract %slice3A[0] : f32 from vector<1xf32>
    %broadcast_in_dim3A = vector.broadcast %squeeze3A : f32 to vector<16xf32>
    %slice3A_11 = vector.extract_strided_slice %gather3A {offsets = [1], sizes = [1], strides = [1]} : vector<16xf32> to vector<1xf32>
    %squeeze3A_12 = vector.extract %slice3A_11[0] : f32 from vector<1xf32>
    %broadcast_in_dim3A_13 = vector.broadcast %squeeze3A_12 : f32 to vector<16xf32>
    %slice3A_14 = vector.extract_strided_slice %gather3A {offsets = [2], sizes = [1], strides = [1]} : vector<16xf32> to vector<1xf32>
    %squeeze3A_15 = vector.extract %slice3A_14[0] : f32 from vector<1xf32>
    %broadcast_in_dim3A_16 = vector.broadcast %squeeze3A_15 : f32 to vector<16xf32>
    %mul3A_17 = arith.constant 65536 : i32
    %mul3A_18 = arith.muli %add3A_3, %mul3A_17 : i32
    %dma_start3A_19 = arith.constant 2048 : i32
    %dma_start3A_20 = tpu.memref_slice %arg3[%dma_start3A_19] : memref<16384xi32, #tpu.memory_space<hbm>> -> memref<2048xi32, #tpu.memory_space<hbm>>
    %dma_start3A_21 = arith.constant 2048 : i32
    %dma_start3A_22 = tpu.memref_slice %arg3[%dma_start3A_21] : memref<16384xi32, #tpu.memory_space<hbm>> -> memref<2048xi32, #tpu.memory_space<hbm>>
    tpu.enqueue_dma source(%dma_start3A_22 : memref<2048xi32, #tpu.memory_space<hbm>>) target(%arg9 : memref<2048xi32, #tpu.memory_space<vmem>>) target_semaphore(%arg17 : memref<!tpu.dma_semaphore, #tpu.memory_space<semaphore_mem>>)
    %dma_start3A_23 = arith.constant 2048 : i32
    %dma_start3A_24 = tpu.memref_slice %arg4[%dma_start3A_23] : memref<16384xi32, #tpu.memory_space<hbm>> -> memref<2048xi32, #tpu.memory_space<hbm>>
    %dma_start3A_25 = arith.constant 2048 : i32
    %dma_start3A_26 = tpu.memref_slice %arg4[%dma_start3A_25] : memref<16384xi32, #tpu.memory_space<hbm>> -> memref<2048xi32, #tpu.memory_space<hbm>>
    tpu.enqueue_dma source(%dma_start3A_26 : memref<2048xi32, #tpu.memory_space<hbm>>) target(%arg11 : memref<2048xi32, #tpu.memory_space<vmem>>) target_semaphore(%arg19 : memref<!tpu.dma_semaphore, #tpu.memory_space<semaphore_mem>>)
    %dma_wait3A = arith.constant 0 : i32
    %dma_wait3A_27 = tpu.memref_slice %arg3[%dma_wait3A] : memref<16384xi32, #tpu.memory_space<hbm>> -> memref<2048xi32, #tpu.memory_space<hbm>>
    %dma_wait3A_28 = arith.constant 0 : i32
    %dma_wait3A_29 = tpu.memref_slice %arg3[%dma_wait3A_28] : memref<16384xi32, #tpu.memory_space<hbm>> -> memref<2048xi32, #tpu.memory_space<hbm>>
    tpu.wait_dma2 semaphore(%arg16 : memref<!tpu.dma_semaphore, #tpu.memory_space<semaphore_mem>>) src(%dma_wait3A_29 : memref<2048xi32, #tpu.memory_space<hbm>>) dst(%arg8 : memref<2048xi32, #tpu.memory_space<vmem>>)
    %dma_wait3A_30 = arith.constant 0 : i32
    %dma_wait3A_31 = tpu.memref_slice %arg4[%dma_wait3A_30] : memref<16384xi32, #tpu.memory_space<hbm>> -> memref<2048xi32, #tpu.memory_space<hbm>>
    %dma_wait3A_32 = arith.constant 0 : i32
    %dma_wait3A_33 = tpu.memref_slice %arg4[%dma_wait3A_32] : memref<16384xi32, #tpu.memory_space<hbm>> -> memref<2048xi32, #tpu.memory_space<hbm>>
    tpu.wait_dma2 semaphore(%arg18 : memref<!tpu.dma_semaphore, #tpu.memory_space<semaphore_mem>>) src(%dma_wait3A_33 : memref<2048xi32, #tpu.memory_space<hbm>>) dst(%arg10 : memref<2048xi32, #tpu.memory_space<vmem>>)
    %scan3A = arith.constant 0 : i32
    %scan3A_34 = arith.constant 32 : i32
    %scan3A_35 = arith.addi %scan3A, %scan3A_34 : i32
    %scan3A_36 = arith.constant 1 : i32
    scf.for %scan3A_455 = %scan3A to %scan3A_35 step %scan3A_36  : i32 {
      %mul3A_456 = arith.constant 4 : i32
      %mul3A_457 = arith.muli %scan3A_455, %mul3A_456 : i32
      %add3A_458 = arith.constant 0 : i32
      %add3A_459 = arith.addi %mul3A_457, %add3A_458 : i32
      %mul3A_460 = arith.constant 4 : i32
      %mul3A_461 = arith.muli %scan3A_455, %mul3A_460 : i32
      %add3A_462 = arith.constant 1 : i32
      %add3A_463 = arith.addi %mul3A_461, %add3A_462 : i32
      %mul3A_464 = arith.constant 4 : i32
      %mul3A_465 = arith.muli %scan3A_455, %mul3A_464 : i32
      %add3A_466 = arith.constant 2 : i32
      %add3A_467 = arith.addi %mul3A_465, %add3A_466 : i32
      %mul3A_468 = arith.constant 4 : i32
      %mul3A_469 = arith.muli %scan3A_455, %mul3A_468 : i32
      %add3A_470 = arith.constant 3 : i32
      %add3A_471 = arith.addi %mul3A_469, %add3A_470 : i32
      %mul3A_472 = arith.constant 16 : i32
      %mul3A_473 = arith.muli %add3A_459, %mul3A_472 : i32
      %get3A_474 = arith.index_cast %mul3A_473 : i32 to index
      %get3A_475 = tpu.vector_load %arg8[%get3A_474] {strides = array<i32>} : memref<2048xi32, #tpu.memory_space<vmem>>, vector<16xi32>,
      %mul3A_476 = arith.constant 16 : i32
      %mul3A_477 = arith.muli %add3A_463, %mul3A_476 : i32
      %get3A_478 = arith.index_cast %mul3A_477 : i32 to index
      %get3A_479 = tpu.vector_load %arg8[%get3A_478] {strides = array<i32>} : memref<2048xi32, #tpu.memory_space<vmem>>, vector<16xi32>,
      %mul3A_480 = arith.constant 16 : i32
      %mul3A_481 = arith.muli %add3A_467, %mul3A_480 : i32
      %get3A_482 = arith.index_cast %mul3A_481 : i32 to index
      %get3A_483 = tpu.vector_load %arg8[%get3A_482] {strides = array<i32>} : memref<2048xi32, #tpu.memory_space<vmem>>, vector<16xi32>,
      %mul3A_484 = arith.constant 16 : i32
      %mul3A_485 = arith.muli %add3A_471, %mul3A_484 : i32
      %get3A_486 = arith.index_cast %mul3A_485 : i32 to index
      %get3A_487 = tpu.vector_load %arg8[%get3A_486] {strides = array<i32>} : memref<2048xi32, #tpu.memory_space<vmem>>, vector<16xi32>,
      %mul3A_488 = arith.constant 16 : i32
      %mul3A_489 = arith.muli %add3A_459, %mul3A_488 : i32
      %get3A_490 = arith.index_cast %mul3A_489 : i32 to index
      %get3A_491 = tpu.vector_load %arg10[%get3A_490] {strides = array<i32>} : memref<2048xi32, #tpu.memory_space<vmem>>, vector<16xi32>,
      %mul3A_492 = arith.constant 16 : i32
      %mul3A_493 = arith.muli %add3A_463, %mul3A_492 : i32
      %get3A_494 = arith.index_cast %mul3A_493 : i32 to index
      %get3A_495 = tpu.vector_load %arg10[%get3A_494] {strides = array<i32>} : memref<2048xi32, #tpu.memory_space<vmem>>, vector<16xi32>,
      %mul3A_496 = arith.constant 16 : i32
      %mul3A_497 = arith.muli %add3A_467, %mul3A_496 : i32
      %get3A_498 = arith.index_cast %mul3A_497 : i32 to index
      %get3A_499 = tpu.vector_load %arg10[%get3A_498] {strides = array<i32>} : memref<2048xi32, #tpu.memory_space<vmem>>, vector<16xi32>,
      %mul3A_500 = arith.constant 16 : i32
      %mul3A_501 = arith.muli %add3A_471, %mul3A_500 : i32
      %get3A_502 = arith.index_cast %mul3A_501 : i32 to index
      %get3A_503 = tpu.vector_load %arg10[%get3A_502] {strides = array<i32>} : memref<2048xi32, #tpu.memory_space<vmem>>, vector<16xi32>,
      %gather3A_504 = tpu.vector_load_idx %arg7[%get3A_475] : memref<100000xf32, #tpu.memory_space<vmem>>[vector<16xi32>], vector<16xf32>,
      %gather3A_505 = tpu.vector_load_idx %arg7[%get3A_479] : memref<100000xf32, #tpu.memory_space<vmem>>[vector<16xi32>], vector<16xf32>,
      %gather3A_506 = tpu.vector_load_idx %arg7[%get3A_483] : memref<100000xf32, #tpu.memory_space<vmem>>[vector<16xi32>], vector<16xf32>,
      %gather3A_507 = tpu.vector_load_idx %arg7[%get3A_487] : memref<100000xf32, #tpu.memory_space<vmem>>[vector<16xi32>], vector<16xf32>,
      %gather3A_508 = tpu.vector_load_idx %arg7[%get3A_491] : memref<100000xf32, #tpu.memory_space<vmem>>[vector<16xi32>], vector<16xf32>,
      %gather3A_509 = tpu.vector_load_idx %arg7[%get3A_495] : memref<100000xf32, #tpu.memory_space<vmem>>[vector<16xi32>], vector<16xf32>,
      %gather3A_510 = tpu.vector_load_idx %arg7[%get3A_499] : memref<100000xf32, #tpu.memory_space<vmem>>[vector<16xi32>], vector<16xf32>,
      %gather3A_511 = tpu.vector_load_idx %arg7[%get3A_503] : memref<100000xf32, #tpu.memory_space<vmem>>[vector<16xi32>], vector<16xf32>,
      %mul3A_512 = arith.mulf %gather3A_504, %gather3A_508 : vector<16xf32>
      %mul3A_513 = arith.mulf %gather3A_505, %gather3A_509 : vector<16xf32>
      %pack3A = tpu.pack_subelements %mul3A_512, %mul3A_513 {pack_format = #tpu.pack_format<interleaved>, positions = array<i32: 0, 1>} : vector<16xf32>, vector<16xf32> -> vector<32xbf16>
      %mul3A_514 = arith.constant 16 : i32
      %mul3A_515 = arith.muli %add3A_459, %mul3A_514 : i32
      %add3A_516 = arith.constant 0 : i32
      %add3A_517 = arith.addi %add3A_516, %mul3A_515 : i32
      %swap3A = arith.index_cast %add3A_517 : i32 to index
      %swap3A_518 = tpu.vector_load %arg13[%swap3A] {strides = array<i32>} : memref<8192xbf16, #tpu.memory_space<vmem>>, vector<32xbf16>,
      tpu.vector_store %arg13[%swap3A], %pack3A {strides = array<i32>} : memref<8192xbf16, #tpu.memory_space<vmem>>, vector<32xbf16>,
      %mul3A_519 = arith.mulf %gather3A_504, %broadcast_in_dim3A : vector<16xf32>
      %mul3A_520 = arith.mulf %gather3A_505, %broadcast_in_dim3A : vector<16xf32>
      %pack3A_521 = tpu.pack_subelements %mul3A_519, %mul3A_520 {pack_format = #tpu.pack_format<interleaved>, positions = array<i32: 0, 1>} : vector<16xf32>, vector<16xf32> -> vector<32xbf16>
      %mul3A_522 = arith.constant 16 : i32
      %mul3A_523 = arith.muli %add3A_459, %mul3A_522 : i32
      %add3A_524 = arith.constant 2048 : i32
      %add3A_525 = arith.addi %add3A_524, %mul3A_523 : i32
      %swap3A_526 = arith.index_cast %add3A_525 : i32 to index
      %swap3A_527 = tpu.vector_load %arg13[%swap3A_526] {strides = array<i32>} : memref<8192xbf16, #tpu.memory_space<vmem>>, vector<32xbf16>,
      tpu.vector_store %arg13[%swap3A_526], %pack3A_521 {strides = array<i32>} : memref<8192xbf16, #tpu.memory_space<vmem>>, vector<32xbf16>,
      %mul3A_528 = arith.mulf %gather3A_504, %broadcast_in_dim3A_13 : vector<16xf32>
      %mul3A_529 = arith.mulf %gather3A_505, %broadcast_in_dim3A_13 : vector<16xf32>
      %pack3A_530 = tpu.pack_subelements %mul3A_528, %mul3A_529 {pack_format = #tpu.pack_format<interleaved>, positions = array<i32: 0, 1>} : vector<16xf32>, vector<16xf32> -> vector<32xbf16>
      %mul3A_531 = arith.constant 16 : i32
      %mul3A_532 = arith.muli %add3A_459, %mul3A_531 : i32
      %add3A_533 = arith.constant 4096 : i32
      %add3A_534 = arith.addi %add3A_533, %mul3A_532 : i32
      %swap3A_535 = arith.index_cast %add3A_534 : i32 to index
      %swap3A_536 = tpu.vector_load %arg13[%swap3A_535] {strides = array<i32>} : memref<8192xbf16, #tpu.memory_space<vmem>>, vector<32xbf16>,
      tpu.vector_store %arg13[%swap3A_535], %pack3A_530 {strides = array<i32>} : memref<8192xbf16, #tpu.memory_space<vmem>>, vector<32xbf16>,
      %mul3A_537 = arith.mulf %gather3A_504, %broadcast_in_dim3A_16 : vector<16xf32>
      %mul3A_538 = arith.mulf %gather3A_505, %broadcast_in_dim3A_16 : vector<16xf32>
      %pack3A_539 = tpu.pack_subelements %mul3A_537, %mul3A_538 {pack_format = #tpu.pack_format<interleaved>, positions = array<i32: 0, 1>} : vector<16xf32>, vector<16xf32> -> vector<32xbf16>
      %mul3A_540 = arith.constant 16 : i32
      %mul3A_541 = arith.muli %add3A_459, %mul3A_540 : i32
      %add3A_542 = arith.constant 6144 : i32
      %add3A_543 = arith.addi %add3A_542, %mul3A_541 : i32
      %swap3A_544 = arith.index_cast %add3A_543 : i32 to index
      %swap3A_545 = tpu.vector_load %arg13[%swap3A_544] {strides = array<i32>} : memref<8192xbf16, #tpu.memory_space<vmem>>, vector<32xbf16>,
      tpu.vector_store %arg13[%swap3A_544], %pack3A_539 {strides = array<i32>} : memref<8192xbf16, #tpu.memory_space<vmem>>, vector<32xbf16>,
      %mul3A_546 = arith.mulf %gather3A_506, %gather3A_510 : vector<16xf32>
      %mul3A_547 = arith.mulf %gather3A_507, %gather3A_511 : vector<16xf32>
      %pack3A_548 = tpu.pack_subelements %mul3A_546, %mul3A_547 {pack_format = #tpu.pack_format<interleaved>, positions = array<i32: 0, 1>} : vector<16xf32>, vector<16xf32> -> vector<32xbf16>
      %mul3A_549 = arith.constant 16 : i32
      %mul3A_550 = arith.muli %add3A_467, %mul3A_549 : i32
      %add3A_551 = arith.constant 0 : i32
      %add3A_552 = arith.addi %add3A_551, %mul3A_550 : i32
      %swap3A_553 = arith.index_cast %add3A_552 : i32 to index
      %swap3A_554 = tpu.vector_load %arg13[%swap3A_553] {strides = array<i32>} : memref<8192xbf16, #tpu.memory_space<vmem>>, vector<32xbf16>,
      tpu.vector_store %arg13[%swap3A_553], %pack3A_548 {strides = array<i32>} : memref<8192xbf16, #tpu.memory_space<vmem>>, vector<32xbf16>,
      %mul3A_555 = arith.mulf %gather3A_506, %broadcast_in_dim3A : vector<16xf32>
      %mul3A_556 = arith.mulf %gather3A_507, %broadcast_in_dim3A : vector<16xf32>
      %pack3A_557 = tpu.pack_subelements %mul3A_555, %mul3A_556 {pack_format = #tpu.pack_format<interleaved>, positions = array<i32: 0, 1>} : vector<16xf32>, vector<16xf32> -> vector<32xbf16>
      %mul3A_558 = arith.constant 16 : i32
      %mul3A_559 = arith.muli %add3A_467, %mul3A_558 : i32
      %add3A_560 = arith.constant 2048 : i32
      %add3A_561 = arith.addi %add3A_560, %mul3A_559 : i32
      %swap3A_562 = arith.index_cast %add3A_561 : i32 to index
      %swap3A_563 = tpu.vector_load %arg13[%swap3A_562] {strides = array<i32>} : memref<8192xbf16, #tpu.memory_space<vmem>>, vector<32xbf16>,
      tpu.vector_store %arg13[%swap3A_562], %pack3A_557 {strides = array<i32>} : memref<8192xbf16, #tpu.memory_space<vmem>>, vector<32xbf16>,
      %mul3A_564 = arith.mulf %gather3A_506, %broadcast_in_dim3A_13 : vector<16xf32>
      %mul3A_565 = arith.mulf %gather3A_507, %broadcast_in_dim3A_13 : vector<16xf32>
      %pack3A_566 = tpu.pack_subelements %mul3A_564, %mul3A_565 {pack_format = #tpu.pack_format<interleaved>, positions = array<i32: 0, 1>} : vector<16xf32>, vector<16xf32> -> vector<32xbf16>
      %mul3A_567 = arith.constant 16 : i32
      %mul3A_568 = arith.muli %add3A_467, %mul3A_567 : i32
      %add3A_569 = arith.constant 4096 : i32
      %add3A_570 = arith.addi %add3A_569, %mul3A_568 : i32
      %swap3A_571 = arith.index_cast %add3A_570 : i32 to index
      %swap3A_572 = tpu.vector_load %arg13[%swap3A_571] {strides = array<i32>} : memref<8192xbf16, #tpu.memory_space<vmem>>, vector<32xbf16>,
      tpu.vector_store %arg13[%swap3A_571], %pack3A_566 {strides = array<i32>} : memref<8192xbf16, #tpu.memory_space<vmem>>, vector<32xbf16>,
      %mul3A_573 = arith.mulf %gather3A_506, %broadcast_in_dim3A_16 : vector<16xf32>
      %mul3A_574 = arith.mulf %gather3A_507, %broadcast_in_dim3A_16 : vector<16xf32>
      %pack3A_575 = tpu.pack_subelements %mul3A_573, %mul3A_574 {pack_format = #tpu.pack_format<interleaved>, positions = array<i32: 0, 1>} : vector<16xf32>, vector<16xf32> -> vector<32xbf16>
      %mul3A_576 = arith.constant 16 : i32
      %mul3A_577 = arith.muli %add3A_467, %mul3A_576 : i32
      %add3A_578 = arith.constant 6144 : i32
      %add3A_579 = arith.addi %add3A_578, %mul3A_577 : i32
      %swap3A_580 = arith.index_cast %add3A_579 : i32 to index
      %swap3A_581 = tpu.vector_load %arg13[%swap3A_580] {strides = array<i32>} : memref<8192xbf16, #tpu.memory_space<vmem>>, vector<32xbf16>,
      tpu.vector_store %arg13[%swap3A_580], %pack3A_575 {strides = array<i32>} : memref<8192xbf16, #tpu.memory_space<vmem>>, vector<32xbf16>,
    }
    %scan3A_37 = arith.constant 32 : i32
    %add3A_38 = arith.constant 0 : i32
    %add3A_39 = arith.addi %mul3A_18, %add3A_38 : i32
    %dma_start3A_40 = tpu.memref_slice %arg6[%add3A_39] : memref<4194304xbf16, #tpu.memory_space<hbm>> -> memref<8192xbf16, #tpu.memory_space<hbm>>
    %dma_start3A_41 = tpu.memref_slice %arg6[%add3A_39] : memref<4194304xbf16, #tpu.memory_space<hbm>> -> memref<8192xbf16, #tpu.memory_space<hbm>>
    tpu.enqueue_dma source(%arg13 : memref<8192xbf16, #tpu.memory_space<vmem>>) target(%dma_start3A_41 : memref<8192xbf16, #tpu.memory_space<hbm>>) target_semaphore(%arg20 : memref<!tpu.dma_semaphore, #tpu.memory_space<semaphore_mem>>)
    %dma_start3A_42 = arith.constant 4096 : i32
    %dma_start3A_43 = tpu.memref_slice %arg3[%dma_start3A_42] : memref<16384xi32, #tpu.memory_space<hbm>> -> memref<2048xi32, #tpu.memory_space<hbm>>
    %dma_start3A_44 = arith.constant 4096 : i32
    %dma_start3A_45 = tpu.memref_slice %arg3[%dma_start3A_44] : memref<16384xi32, #tpu.memory_space<hbm>> -> memref<2048xi32, #tpu.memory_space<hbm>>
    tpu.enqueue_dma source(%dma_start3A_45 : memref<2048xi32, #tpu.memory_space<hbm>>) target(%arg8 : memref<2048xi32, #tpu.memory_space<vmem>>) target_semaphore(%arg16 : memref<!tpu.dma_semaphore, #tpu.memory_space<semaphore_mem>>)
    %dma_start3A_46 = arith.constant 4096 : i32
    %dma_start3A_47 = tpu.memref_slice %arg4[%dma_start3A_46] : memref<16384xi32, #tpu.memory_space<hbm>> -> memref<2048xi32, #tpu.memory_space<hbm>>
    %dma_start3A_48 = arith.constant 4096 : i32
    %dma_start3A_49 = tpu.memref_slice %arg4[%dma_start3A_48] : memref<16384xi32, #tpu.memory_space<hbm>> -> memref<2048xi32, #tpu.memory_space<hbm>>
    tpu.enqueue_dma source(%dma_start3A_49 : memref<2048xi32, #tpu.memory_space<hbm>>) target(%arg10 : memref<2048xi32, #tpu.memory_space<vmem>>) target_semaphore(%arg18 : memref<!tpu.dma_semaphore, #tpu.memory_space<semaphore_mem>>)
    %dma_wait3A_50 = arith.constant 2048 : i32
    %dma_wait3A_51 = tpu.memref_slice %arg3[%dma_wait3A_50] : memref<16384xi32, #tpu.memory_space<hbm>> -> memref<2048xi32, #tpu.memory_space<hbm>>
    %dma_wait3A_52 = arith.constant 2048 : i32
    %dma_wait3A_53 = tpu.memref_slice %arg3[%dma_wait3A_52] : memref<16384xi32, #tpu.memory_space<hbm>> -> memref<2048xi32, #tpu.memory_space<hbm>>
    tpu.wait_dma2 semaphore(%arg17 : memref<!tpu.dma_semaphore, #tpu.memory_space<semaphore_mem>>) src(%dma_wait3A_53 : memref<2048xi32, #tpu.memory_space<hbm>>) dst(%arg9 : memref<2048xi32, #tpu.memory_space<vmem>>)
    %dma_wait3A_54 = arith.constant 2048 : i32
    %dma_wait3A_55 = tpu.memref_slice %arg4[%dma_wait3A_54] : memref<16384xi32, #tpu.memory_space<hbm>> -> memref<2048xi32, #tpu.memory_space<hbm>>
    %dma_wait3A_56 = arith.constant 2048 : i32
    %dma_wait3A_57 = tpu.memref_slice %arg4[%dma_wait3A_56] : memref<16384xi32, #tpu.memory_space<hbm>> -> memref<2048xi32, #tpu.memory_space<hbm>>
    tpu.wait_dma2 semaphore(%arg19 : memref<!tpu.dma_semaphore, #tpu.memory_space<semaphore_mem>>) src(%dma_wait3A_57 : memref<2048xi32, #tpu.memory_space<hbm>>) dst(%arg11 : memref<2048xi32, #tpu.memory_space<vmem>>)
    %scan3A_58 = arith.constant 0 : i32
    %scan3A_59 = arith.constant 32 : i32
    %scan3A_60 = arith.addi %scan3A_58, %scan3A_59 : i32
    %scan3A_61 = arith.constant 1 : i32
    scf.for %scan3A_455 = %scan3A_58 to %scan3A_60 step %scan3A_61  : i32 {
      %mul3A_456 = arith.constant 4 : i32
      %mul3A_457 = arith.muli %scan3A_455, %mul3A_456 : i32
      %add3A_458 = arith.constant 0 : i32
      %add3A_459 = arith.addi %mul3A_457, %add3A_458 : i32
      %mul3A_460 = arith.constant 4 : i32
      %mul3A_461 = arith.muli %scan3A_455, %mul3A_460 : i32
      %add3A_462 = arith.constant 1 : i32
      %add3A_463 = arith.addi %mul3A_461, %add3A_462 : i32
      %mul3A_464 = arith.constant 4 : i32
      %mul3A_465 = arith.muli %scan3A_455, %mul3A_464 : i32
      %add3A_466 = arith.constant 2 : i32
      %add3A_467 = arith.addi %mul3A_465, %add3A_466 : i32
      %mul3A_468 = arith.constant 4 : i32
      %mul3A_469 = arith.muli %scan3A_455, %mul3A_468 : i32
      %add3A_470 = arith.constant 3 : i32
      %add3A_471 = arith.addi %mul3A_469, %add3A_470 : i32
      %mul3A_472 = arith.constant 16 : i32
      %mul3A_473 = arith.muli %add3A_459, %mul3A_472 : i32
      %get3A_474 = arith.index_cast %mul3A_473 : i32 to index
      %get3A_475 = tpu.vector_load %arg9[%get3A_474] {strides = array<i32>} : memref<2048xi32, #tpu.memory_space<vmem>>, vector<16xi32>,
      %mul3A_476 = arith.constant 16 : i32
      %mul3A_477 = arith.muli %add3A_463, %mul3A_476 : i32
      %get3A_478 = arith.index_cast %mul3A_477 : i32 to index
      %get3A_479 = tpu.vector_load %arg9[%get3A_478] {strides = array<i32>} : memref<2048xi32, #tpu.memory_space<vmem>>, vector<16xi32>,
      %mul3A_480 = arith.constant 16 : i32
      %mul3A_481 = arith.muli %add3A_467, %mul3A_480 : i32
      %get3A_482 = arith.index_cast %mul3A_481 : i32 to index
      %get3A_483 = tpu.vector_load %arg9[%get3A_482] {strides = array<i32>} : memref<2048xi32, #tpu.memory_space<vmem>>, vector<16xi32>,
      %mul3A_484 = arith.constant 16 : i32
      %mul3A_485 = arith.muli %add3A_471, %mul3A_484 : i32
      %get3A_486 = arith.index_cast %mul3A_485 : i32 to index
      %get3A_487 = tpu.vector_load %arg9[%get3A_486] {strides = array<i32>} : memref<2048xi32, #tpu.memory_space<vmem>>, vector<16xi32>,
      %mul3A_488 = arith.constant 16 : i32
      %mul3A_489 = arith.muli %add3A_459, %mul3A_488 : i32
      %get3A_490 = arith.index_cast %mul3A_489 : i32 to index
      %get3A_491 = tpu.vector_load %arg11[%get3A_490] {strides = array<i32>} : memref<2048xi32, #tpu.memory_space<vmem>>, vector<16xi32>,
      %mul3A_492 = arith.constant 16 : i32
      %mul3A_493 = arith.muli %add3A_463, %mul3A_492 : i32
      %get3A_494 = arith.index_cast %mul3A_493 : i32 to index
      %get3A_495 = tpu.vector_load %arg11[%get3A_494] {strides = array<i32>} : memref<2048xi32, #tpu.memory_space<vmem>>, vector<16xi32>,
      %mul3A_496 = arith.constant 16 : i32
      %mul3A_497 = arith.muli %add3A_467, %mul3A_496 : i32
      %get3A_498 = arith.index_cast %mul3A_497 : i32 to index
      %get3A_499 = tpu.vector_load %arg11[%get3A_498] {strides = array<i32>} : memref<2048xi32, #tpu.memory_space<vmem>>, vector<16xi32>,
      %mul3A_500 = arith.constant 16 : i32
      %mul3A_501 = arith.muli %add3A_471, %mul3A_500 : i32
      %get3A_502 = arith.index_cast %mul3A_501 : i32 to index
      %get3A_503 = tpu.vector_load %arg11[%get3A_502] {strides = array<i32>} : memref<2048xi32, #tpu.memory_space<vmem>>, vector<16xi32>,
      %gather3A_504 = tpu.vector_load_idx %arg7[%get3A_475] : memref<100000xf32, #tpu.memory_space<vmem>>[vector<16xi32>], vector<16xf32>,
      %gather3A_505 = tpu.vector_load_idx %arg7[%get3A_479] : memref<100000xf32, #tpu.memory_space<vmem>>[vector<16xi32>], vector<16xf32>,
      %gather3A_506 = tpu.vector_load_idx %arg7[%get3A_483] : memref<100000xf32, #tpu.memory_space<vmem>>[vector<16xi32>], vector<16xf32>,
      %gather3A_507 = tpu.vector_load_idx %arg7[%get3A_487] : memref<100000xf32, #tpu.memory_space<vmem>>[vector<16xi32>], vector<16xf32>,
      %gather3A_508 = tpu.vector_load_idx %arg7[%get3A_491] : memref<100000xf32, #tpu.memory_space<vmem>>[vector<16xi32>], vector<16xf32>,
      %gather3A_509 = tpu.vector_load_idx %arg7[%get3A_495] : memref<100000xf32, #tpu.memory_space<vmem>>[vector<16xi32>], vector<16xf32>,
      %gather3A_510 = tpu.vector_load_idx %arg7[%get3A_499] : memref<100000xf32, #tpu.memory_space<vmem>>[vector<16xi32>], vector<16xf32>,
      %gather3A_511 = tpu.vector_load_idx %arg7[%get3A_503] : memref<100000xf32, #tpu.memory_space<vmem>>[vector<16xi32>], vector<16xf32>,
      %mul3A_512 = arith.mulf %gather3A_504, %gather3A_508 : vector<16xf32>
      %mul3A_513 = arith.mulf %gather3A_505, %gather3A_509 : vector<16xf32>
      %pack3A = tpu.pack_subelements %mul3A_512, %mul3A_513 {pack_format = #tpu.pack_format<interleaved>, positions = array<i32: 0, 1>} : vector<16xf32>, vector<16xf32> -> vector<32xbf16>
      %mul3A_514 = arith.constant 16 : i32
      %mul3A_515 = arith.muli %add3A_459, %mul3A_514 : i32
      %add3A_516 = arith.constant 0 : i32
      %add3A_517 = arith.addi %add3A_516, %mul3A_515 : i32
      %swap3A = arith.index_cast %add3A_517 : i32 to index
      %swap3A_518 = tpu.vector_load %arg14[%swap3A] {strides = array<i32>} : memref<8192xbf16, #tpu.memory_space<vmem>>, vector<32xbf16>,
      tpu.vector_store %arg14[%swap3A], %pack3A {strides = array<i32>} : memref<8192xbf16, #tpu.memory_space<vmem>>, vector<32xbf16>,
      %mul3A_519 = arith.mulf %gather3A_504, %broadcast_in_dim3A : vector<16xf32>
      %mul3A_520 = arith.mulf %gather3A_505, %broadcast_in_dim3A : vector<16xf32>
      %pack3A_521 = tpu.pack_subelements %mul3A_519, %mul3A_520 {pack_format = #tpu.pack_format<interleaved>, positions = array<i32: 0, 1>} : vector<16xf32>, vector<16xf32> -> vector<32xbf16>
      %mul3A_522 = arith.constant 16 : i32
      %mul3A_523 = arith.muli %add3A_459, %mul3A_522 : i32
      %add3A_524 = arith.constant 2048 : i32
      %add3A_525 = arith.addi %add3A_524, %mul3A_523 : i32
      %swap3A_526 = arith.index_cast %add3A_525 : i32 to index
      %swap3A_527 = tpu.vector_load %arg14[%swap3A_526] {strides = array<i32>} : memref<8192xbf16, #tpu.memory_space<vmem>>, vector<32xbf16>,
      tpu.vector_store %arg14[%swap3A_526], %pack3A_521 {strides = array<i32>} : memref<8192xbf16, #tpu.memory_space<vmem>>, vector<32xbf16>,
      %mul3A_528 = arith.mulf %gather3A_504, %broadcast_in_dim3A_13 : vector<16xf32>
      %mul3A_529 = arith.mulf %gather3A_505, %broadcast_in_dim3A_13 : vector<16xf32>
      %pack3A_530 = tpu.pack_subelements %mul3A_528, %mul3A_529 {pack_format = #tpu.pack_format<interleaved>, positions = array<i32: 0, 1>} : vector<16xf32>, vector<16xf32> -> vector<32xbf16>
      %mul3A_531 = arith.constant 16 : i32
      %mul3A_532 = arith.muli %add3A_459, %mul3A_531 : i32
      %add3A_533 = arith.constant 4096 : i32
      %add3A_534 = arith.addi %add3A_533, %mul3A_532 : i32
      %swap3A_535 = arith.index_cast %add3A_534 : i32 to index
      %swap3A_536 = tpu.vector_load %arg14[%swap3A_535] {strides = array<i32>} : memref<8192xbf16, #tpu.memory_space<vmem>>, vector<32xbf16>,
      tpu.vector_store %arg14[%swap3A_535], %pack3A_530 {strides = array<i32>} : memref<8192xbf16, #tpu.memory_space<vmem>>, vector<32xbf16>,
      %mul3A_537 = arith.mulf %gather3A_504, %broadcast_in_dim3A_16 : vector<16xf32>
      %mul3A_538 = arith.mulf %gather3A_505, %broadcast_in_dim3A_16 : vector<16xf32>
      %pack3A_539 = tpu.pack_subelements %mul3A_537, %mul3A_538 {pack_format = #tpu.pack_format<interleaved>, positions = array<i32: 0, 1>} : vector<16xf32>, vector<16xf32> -> vector<32xbf16>
      %mul3A_540 = arith.constant 16 : i32
      %mul3A_541 = arith.muli %add3A_459, %mul3A_540 : i32
      %add3A_542 = arith.constant 6144 : i32
      %add3A_543 = arith.addi %add3A_542, %mul3A_541 : i32
      %swap3A_544 = arith.index_cast %add3A_543 : i32 to index
      %swap3A_545 = tpu.vector_load %arg14[%swap3A_544] {strides = array<i32>} : memref<8192xbf16, #tpu.memory_space<vmem>>, vector<32xbf16>,
      tpu.vector_store %arg14[%swap3A_544], %pack3A_539 {strides = array<i32>} : memref<8192xbf16, #tpu.memory_space<vmem>>, vector<32xbf16>,
      %mul3A_546 = arith.mulf %gather3A_506, %gather3A_510 : vector<16xf32>
      %mul3A_547 = arith.mulf %gather3A_507, %gather3A_511 : vector<16xf32>
      %pack3A_548 = tpu.pack_subelements %mul3A_546, %mul3A_547 {pack_format = #tpu.pack_format<interleaved>, positions = array<i32: 0, 1>} : vector<16xf32>, vector<16xf32> -> vector<32xbf16>
      %mul3A_549 = arith.constant 16 : i32
      %mul3A_550 = arith.muli %add3A_467, %mul3A_549 : i32
      %add3A_551 = arith.constant 0 : i32
      %add3A_552 = arith.addi %add3A_551, %mul3A_550 : i32
      %swap3A_553 = arith.index_cast %add3A_552 : i32 to index
      %swap3A_554 = tpu.vector_load %arg14[%swap3A_553] {strides = array<i32>} : memref<8192xbf16, #tpu.memory_space<vmem>>, vector<32xbf16>,
      tpu.vector_store %arg14[%swap3A_553], %pack3A_548 {strides = array<i32>} : memref<8192xbf16, #tpu.memory_space<vmem>>, vector<32xbf16>,
      %mul3A_555 = arith.mulf %gather3A_506, %broadcast_in_dim3A : vector<16xf32>
      %mul3A_556 = arith.mulf %gather3A_507, %broadcast_in_dim3A : vector<16xf32>
      %pack3A_557 = tpu.pack_subelements %mul3A_555, %mul3A_556 {pack_format = #tpu.pack_format<interleaved>, positions = array<i32: 0, 1>} : vector<16xf32>, vector<16xf32> -> vector<32xbf16>
      %mul3A_558 = arith.constant 16 : i32
      %mul3A_559 = arith.muli %add3A_467, %mul3A_558 : i32
      %add3A_560 = arith.constant 2048 : i32
      %add3A_561 = arith.addi %add3A_560, %mul3A_559 : i32
      %swap3A_562 = arith.index_cast %add3A_561 : i32 to index
      %swap3A_563 = tpu.vector_load %arg14[%swap3A_562] {strides = array<i32>} : memref<8192xbf16, #tpu.memory_space<vmem>>, vector<32xbf16>,
      tpu.vector_store %arg14[%swap3A_562], %pack3A_557 {strides = array<i32>} : memref<8192xbf16, #tpu.memory_space<vmem>>, vector<32xbf16>,
      %mul3A_564 = arith.mulf %gather3A_506, %broadcast_in_dim3A_13 : vector<16xf32>
      %mul3A_565 = arith.mulf %gather3A_507, %broadcast_in_dim3A_13 : vector<16xf32>
      %pack3A_566 = tpu.pack_subelements %mul3A_564, %mul3A_565 {pack_format = #tpu.pack_format<interleaved>, positions = array<i32: 0, 1>} : vector<16xf32>, vector<16xf32> -> vector<32xbf16>
      %mul3A_567 = arith.constant 16 : i32
      %mul3A_568 = arith.muli %add3A_467, %mul3A_567 : i32
      %add3A_569 = arith.constant 4096 : i32
      %add3A_570 = arith.addi %add3A_569, %mul3A_568 : i32
      %swap3A_571 = arith.index_cast %add3A_570 : i32 to index
      %swap3A_572 = tpu.vector_load %arg14[%swap3A_571] {strides = array<i32>} : memref<8192xbf16, #tpu.memory_space<vmem>>, vector<32xbf16>,
      tpu.vector_store %arg14[%swap3A_571], %pack3A_566 {strides = array<i32>} : memref<8192xbf16, #tpu.memory_space<vmem>>, vector<32xbf16>,
      %mul3A_573 = arith.mulf %gather3A_506, %broadcast_in_dim3A_16 : vector<16xf32>
      %mul3A_574 = arith.mulf %gather3A_507, %broadcast_in_dim3A_16 : vector<16xf32>
      %pack3A_575 = tpu.pack_subelements %mul3A_573, %mul3A_574 {pack_format = #tpu.pack_format<interleaved>, positions = array<i32: 0, 1>} : vector<16xf32>, vector<16xf32> -> vector<32xbf16>
      %mul3A_576 = arith.constant 16 : i32
      %mul3A_577 = arith.muli %add3A_467, %mul3A_576 : i32
      %add3A_578 = arith.constant 6144 : i32
      %add3A_579 = arith.addi %add3A_578, %mul3A_577 : i32
      %swap3A_580 = arith.index_cast %add3A_579 : i32 to index
      %swap3A_581 = tpu.vector_load %arg14[%swap3A_580] {strides = array<i32>} : memref<8192xbf16, #tpu.memory_space<vmem>>, vector<32xbf16>,
      tpu.vector_store %arg14[%swap3A_580], %pack3A_575 {strides = array<i32>} : memref<8192xbf16, #tpu.memory_space<vmem>>, vector<32xbf16>,
    }
    %scan3A_62 = arith.constant 32 : i32
    %add3A_63 = arith.constant 8192 : i32
    %add3A_64 = arith.addi %mul3A_18, %add3A_63 : i32
    %dma_start3A_65 = tpu.memref_slice %arg6[%add3A_64] : memref<4194304xbf16, #tpu.memory_space<hbm>> -> memref<8192xbf16, #tpu.memory_space<hbm>>
    %dma_start3A_66 = tpu.memref_slice %arg6[%add3A_64] : memref<4194304xbf16, #tpu.memory_space<hbm>> -> memref<8192xbf16, #tpu.memory_space<hbm>>
    tpu.enqueue_dma source(%arg14 : memref<8192xbf16, #tpu.memory_space<vmem>>) target(%dma_start3A_66 : memref<8192xbf16, #tpu.memory_space<hbm>>) target_semaphore(%arg21 : memref<!tpu.dma_semaphore, #tpu.memory_space<semaphore_mem>>)
    %dma_start3A_67 = arith.constant 6144 : i32
    %dma_start3A_68 = tpu.memref_slice %arg3[%dma_start3A_67] : memref<16384xi32, #tpu.memory_space<hbm>> -> memref<2048xi32, #tpu.memory_space<hbm>>
    %dma_start3A_69 = arith.constant 6144 : i32
    %dma_start3A_70 = tpu.memref_slice %arg3[%dma_start3A_69] : memref<16384xi32, #tpu.memory_space<hbm>> -> memref<2048xi32, #tpu.memory_space<hbm>>
    tpu.enqueue_dma source(%dma_start3A_70 : memref<2048xi32, #tpu.memory_space<hbm>>) target(%arg9 : memref<2048xi32, #tpu.memory_space<vmem>>) target_semaphore(%arg17 : memref<!tpu.dma_semaphore, #tpu.memory_space<semaphore_mem>>)
    %dma_start3A_71 = arith.constant 6144 : i32
    %dma_start3A_72 = tpu.memref_slice %arg4[%dma_start3A_71] : memref<16384xi32, #tpu.memory_space<hbm>> -> memref<2048xi32, #tpu.memory_space<hbm>>
    %dma_start3A_73 = arith.constant 6144 : i32
    %dma_start3A_74 = tpu.memref_slice %arg4[%dma_start3A_73] : memref<16384xi32, #tpu.memory_space<hbm>> -> memref<2048xi32, #tpu.memory_space<hbm>>
    tpu.enqueue_dma source(%dma_start3A_74 : memref<2048xi32, #tpu.memory_space<hbm>>) target(%arg11 : memref<2048xi32, #tpu.memory_space<vmem>>) target_semaphore(%arg19 : memref<!tpu.dma_semaphore, #tpu.memory_space<semaphore_mem>>)
    %dma_wait3A_75 = arith.constant 4096 : i32
    %dma_wait3A_76 = tpu.memref_slice %arg3[%dma_wait3A_75] : memref<16384xi32, #tpu.memory_space<hbm>> -> memref<2048xi32, #tpu.memory_space<hbm>>
    %dma_wait3A_77 = arith.constant 4096 : i32
    %dma_wait3A_78 = tpu.memref_slice %arg3[%dma_wait3A_77] : memref<16384xi32, #tpu.memory_space<hbm>> -> memref<2048xi32, #tpu.memory_space<hbm>>
    tpu.wait_dma2 semaphore(%arg16 : memref<!tpu.dma_semaphore, #tpu.memory_space<semaphore_mem>>) src(%dma_wait3A_78 : memref<2048xi32, #tpu.memory_space<hbm>>) dst(%arg8 : memref<2048xi32, #tpu.memory_space<vmem>>)
    %dma_wait3A_79 = arith.constant 4096 : i32
    %dma_wait3A_80 = tpu.memref_slice %arg4[%dma_wait3A_79] : memref<16384xi32, #tpu.memory_space<hbm>> -> memref<2048xi32, #tpu.memory_space<hbm>>
    %dma_wait3A_81 = arith.constant 4096 : i32
    %dma_wait3A_82 = tpu.memref_slice %arg4[%dma_wait3A_81] : memref<16384xi32, #tpu.memory_space<hbm>> -> memref<2048xi32, #tpu.memory_space<hbm>>
    tpu.wait_dma2 semaphore(%arg18 : memref<!tpu.dma_semaphore, #tpu.memory_space<semaphore_mem>>) src(%dma_wait3A_82 : memref<2048xi32, #tpu.memory_space<hbm>>) dst(%arg10 : memref<2048xi32, #tpu.memory_space<vmem>>)
    %dma_wait3A_83 = tpu.memref_slice %arg6[%add3A_39] : memref<4194304xbf16, #tpu.memory_space<hbm>> -> memref<8192xbf16, #tpu.memory_space<hbm>>
    %dma_wait3A_84 = tpu.memref_slice %arg6[%add3A_39] : memref<4194304xbf16, #tpu.memory_space<hbm>> -> memref<8192xbf16, #tpu.memory_space<hbm>>
    tpu.wait_dma2 semaphore(%arg20 : memref<!tpu.dma_semaphore, #tpu.memory_space<semaphore_mem>>) src(%arg13 : memref<8192xbf16, #tpu.memory_space<vmem>>) dst(%dma_wait3A_84 : memref<8192xbf16, #tpu.memory_space<hbm>>)
    %scan3A_85 = arith.constant 0 : i32
    %scan3A_86 = arith.constant 32 : i32
    %scan3A_87 = arith.addi %scan3A_85, %scan3A_86 : i32
    %scan3A_88 = arith.constant 1 : i32
    scf.for %scan3A_455 = %scan3A_85 to %scan3A_87 step %scan3A_88  : i32 {
      %mul3A_456 = arith.constant 4 : i32
      %mul3A_457 = arith.muli %scan3A_455, %mul3A_456 : i32
      %add3A_458 = arith.constant 0 : i32
      %add3A_459 = arith.addi %mul3A_457, %add3A_458 : i32
      %mul3A_460 = arith.constant 4 : i32
      %mul3A_461 = arith.muli %scan3A_455, %mul3A_460 : i32
      %add3A_462 = arith.constant 1 : i32
      %add3A_463 = arith.addi %mul3A_461, %add3A_462 : i32
      %mul3A_464 = arith.constant 4 : i32
      %mul3A_465 = arith.muli %scan3A_455, %mul3A_464 : i32
      %add3A_466 = arith.constant 2 : i32
      %add3A_467 = arith.addi %mul3A_465, %add3A_466 : i32
      %mul3A_468 = arith.constant 4 : i32
      %mul3A_469 = arith.muli %scan3A_455, %mul3A_468 : i32
      %add3A_470 = arith.constant 3 : i32
      %add3A_471 = arith.addi %mul3A_469, %add3A_470 : i32
      %mul3A_472 = arith.constant 16 : i32
      %mul3A_473 = arith.muli %add3A_459, %mul3A_472 : i32
      %get3A_474 = arith.index_cast %mul3A_473 : i32 to index
      %get3A_475 = tpu.vector_load %arg8[%get3A_474] {strides = array<i32>} : memref<2048xi32, #tpu.memory_space<vmem>>, vector<16xi32>,
      %mul3A_476 = arith.constant 16 : i32
      %mul3A_477 = arith.muli %add3A_463, %mul3A_476 : i32
      %get3A_478 = arith.index_cast %mul3A_477 : i32 to index
      %get3A_479 = tpu.vector_load %arg8[%get3A_478] {strides = array<i32>} : memref<2048xi32, #tpu.memory_space<vmem>>, vector<16xi32>,
      %mul3A_480 = arith.constant 16 : i32
      %mul3A_481 = arith.muli %add3A_467, %mul3A_480 : i32
      %get3A_482 = arith.index_cast %mul3A_481 : i32 to index
      %get3A_483 = tpu.vector_load %arg8[%get3A_482] {strides = array<i32>} : memref<2048xi32, #tpu.memory_space<vmem>>, vector<16xi32>,
      %mul3A_484 = arith.constant 16 : i32
      %mul3A_485 = arith.muli %add3A_471, %mul3A_484 : i32
      %get3A_486 = arith.index_cast %mul3A_485 : i32 to index
      %get3A_487 = tpu.vector_load %arg8[%get3A_486] {strides = array<i32>} : memref<2048xi32, #tpu.memory_space<vmem>>, vector<16xi32>,
      %mul3A_488 = arith.constant 16 : i32
      %mul3A_489 = arith.muli %add3A_459, %mul3A_488 : i32
      %get3A_490 = arith.index_cast %mul3A_489 : i32 to index
      %get3A_491 = tpu.vector_load %arg10[%get3A_490] {strides = array<i32>} : memref<2048xi32, #tpu.memory_space<vmem>>, vector<16xi32>,
      %mul3A_492 = arith.constant 16 : i32
      %mul3A_493 = arith.muli %add3A_463, %mul3A_492 : i32
      %get3A_494 = arith.index_cast %mul3A_493 : i32 to index
      %get3A_495 = tpu.vector_load %arg10[%get3A_494] {strides = array<i32>} : memref<2048xi32, #tpu.memory_space<vmem>>, vector<16xi32>,
      %mul3A_496 = arith.constant 16 : i32
      %mul3A_497 = arith.muli %add3A_467, %mul3A_496 : i32
      %get3A_498 = arith.index_cast %mul3A_497 : i32 to index
      %get3A_499 = tpu.vector_load %arg10[%get3A_498] {strides = array<i32>} : memref<2048xi32, #tpu.memory_space<vmem>>, vector<16xi32>,
      %mul3A_500 = arith.constant 16 : i32
      %mul3A_501 = arith.muli %add3A_471, %mul3A_500 : i32
      %get3A_502 = arith.index_cast %mul3A_501 : i32 to index
      %get3A_503 = tpu.vector_load %arg10[%get3A_502] {strides = array<i32>} : memref<2048xi32, #tpu.memory_space<vmem>>, vector<16xi32>,
      %gather3A_504 = tpu.vector_load_idx %arg7[%get3A_475] : memref<100000xf32, #tpu.memory_space<vmem>>[vector<16xi32>], vector<16xf32>,
      %gather3A_505 = tpu.vector_load_idx %arg7[%get3A_479] : memref<100000xf32, #tpu.memory_space<vmem>>[vector<16xi32>], vector<16xf32>,
      %gather3A_506 = tpu.vector_load_idx %arg7[%get3A_483] : memref<100000xf32, #tpu.memory_space<vmem>>[vector<16xi32>], vector<16xf32>,
      %gather3A_507 = tpu.vector_load_idx %arg7[%get3A_487] : memref<100000xf32, #tpu.memory_space<vmem>>[vector<16xi32>], vector<16xf32>,
      %gather3A_508 = tpu.vector_load_idx %arg7[%get3A_491] : memref<100000xf32, #tpu.memory_space<vmem>>[vector<16xi32>], vector<16xf32>,
      %gather3A_509 = tpu.vector_load_idx %arg7[%get3A_495] : memref<100000xf32, #tpu.memory_space<vmem>>[vector<16xi32>], vector<16xf32>,
      %gather3A_510 = tpu.vector_load_idx %arg7[%get3A_499] : memref<100000xf32, #tpu.memory_space<vmem>>[vector<16xi32>], vector<16xf32>,
      %gather3A_511 = tpu.vector_load_idx %arg7[%get3A_503] : memref<100000xf32, #tpu.memory_space<vmem>>[vector<16xi32>], vector<16xf32>,
      %mul3A_512 = arith.mulf %gather3A_504, %gather3A_508 : vector<16xf32>
      %mul3A_513 = arith.mulf %gather3A_505, %gather3A_509 : vector<16xf32>
      %pack3A = tpu.pack_subelements %mul3A_512, %mul3A_513 {pack_format = #tpu.pack_format<interleaved>, positions = array<i32: 0, 1>} : vector<16xf32>, vector<16xf32> -> vector<32xbf16>
      %mul3A_514 = arith.constant 16 : i32
      %mul3A_515 = arith.muli %add3A_459, %mul3A_514 : i32
      %add3A_516 = arith.constant 0 : i32
      %add3A_517 = arith.addi %add3A_516, %mul3A_515 : i32
      %swap3A = arith.index_cast %add3A_517 : i32 to index
      %swap3A_518 = tpu.vector_load %arg13[%swap3A] {strides = array<i32>} : memref<8192xbf16, #tpu.memory_space<vmem>>, vector<32xbf16>,
      tpu.vector_store %arg13[%swap3A], %pack3A {strides = array<i32>} : memref<8192xbf16, #tpu.memory_space<vmem>>, vector<32xbf16>,
      %mul3A_519 = arith.mulf %gather3A_504, %broadcast_in_dim3A : vector<16xf32>
      %mul3A_520 = arith.mulf %gather3A_505, %broadcast_in_dim3A : vector<16xf32>
      %pack3A_521 = tpu.pack_subelements %mul3A_519, %mul3A_520 {pack_format = #tpu.pack_format<interleaved>, positions = array<i32: 0, 1>} : vector<16xf32>, vector<16xf32> -> vector<32xbf16>
      %mul3A_522 = arith.constant 16 : i32
      %mul3A_523 = arith.muli %add3A_459, %mul3A_522 : i32
      %add3A_524 = arith.constant 2048 : i32
      %add3A_525 = arith.addi %add3A_524, %mul3A_523 : i32
      %swap3A_526 = arith.index_cast %add3A_525 : i32 to index
      %swap3A_527 = tpu.vector_load %arg13[%swap3A_526] {strides = array<i32>} : memref<8192xbf16, #tpu.memory_space<vmem>>, vector<32xbf16>,
      tpu.vector_store %arg13[%swap3A_526], %pack3A_521 {strides = array<i32>} : memref<8192xbf16, #tpu.memory_space<vmem>>, vector<32xbf16>,
      %mul3A_528 = arith.mulf %gather3A_504, %broadcast_in_dim3A_13 : vector<16xf32>
      %mul3A_529 = arith.mulf %gather3A_505, %broadcast_in_dim3A_13 : vector<16xf32>
      %pack3A_530 = tpu.pack_subelements %mul3A_528, %mul3A_529 {pack_format = #tpu.pack_format<interleaved>, positions = array<i32: 0, 1>} : vector<16xf32>, vector<16xf32> -> vector<32xbf16>
      %mul3A_531 = arith.constant 16 : i32
      %mul3A_532 = arith.muli %add3A_459, %mul3A_531 : i32
      %add3A_533 = arith.constant 4096 : i32
      %add3A_534 = arith.addi %add3A_533, %mul3A_532 : i32
      %swap3A_535 = arith.index_cast %add3A_534 : i32 to index
      %swap3A_536 = tpu.vector_load %arg13[%swap3A_535] {strides = array<i32>} : memref<8192xbf16, #tpu.memory_space<vmem>>, vector<32xbf16>,
      tpu.vector_store %arg13[%swap3A_535], %pack3A_530 {strides = array<i32>} : memref<8192xbf16, #tpu.memory_space<vmem>>, vector<32xbf16>,
      %mul3A_537 = arith.mulf %gather3A_504, %broadcast_in_dim3A_16 : vector<16xf32>
      %mul3A_538 = arith.mulf %gather3A_505, %broadcast_in_dim3A_16 : vector<16xf32>
      %pack3A_539 = tpu.pack_subelements %mul3A_537, %mul3A_538 {pack_format = #tpu.pack_format<interleaved>, positions = array<i32: 0, 1>} : vector<16xf32>, vector<16xf32> -> vector<32xbf16>
      %mul3A_540 = arith.constant 16 : i32
      %mul3A_541 = arith.muli %add3A_459, %mul3A_540 : i32
      %add3A_542 = arith.constant 6144 : i32
      %add3A_543 = arith.addi %add3A_542, %mul3A_541 : i32
      %swap3A_544 = arith.index_cast %add3A_543 : i32 to index
      %swap3A_545 = tpu.vector_load %arg13[%swap3A_544] {strides = array<i32>} : memref<8192xbf16, #tpu.memory_space<vmem>>, vector<32xbf16>,
      tpu.vector_store %arg13[%swap3A_544], %pack3A_539 {strides = array<i32>} : memref<8192xbf16, #tpu.memory_space<vmem>>, vector<32xbf16>,
      %mul3A_546 = arith.mulf %gather3A_506, %gather3A_510 : vector<16xf32>
      %mul3A_547 = arith.mulf %gather3A_507, %gather3A_511 : vector<16xf32>
      %pack3A_548 = tpu.pack_subelements %mul3A_546, %mul3A_547 {pack_format = #tpu.pack_format<interleaved>, positions = array<i32: 0, 1>} : vector<16xf32>, vector<16xf32> -> vector<32xbf16>
      %mul3A_549 = arith.constant 16 : i32
      %mul3A_550 = arith.muli %add3A_467, %mul3A_549 : i32
      %add3A_551 = arith.constant 0 : i32
      %add3A_552 = arith.addi %add3A_551, %mul3A_550 : i32
      %swap3A_553 = arith.index_cast %add3A_552 : i32 to index
      %swap3A_554 = tpu.vector_load %arg13[%swap3A_553] {strides = array<i32>} : memref<8192xbf16, #tpu.memory_space<vmem>>, vector<32xbf16>,
      tpu.vector_store %arg13[%swap3A_553], %pack3A_548 {strides = array<i32>} : memref<8192xbf16, #tpu.memory_space<vmem>>, vector<32xbf16>,
      %mul3A_555 = arith.mulf %gather3A_506, %broadcast_in_dim3A : vector<16xf32>
      %mul3A_556 = arith.mulf %gather3A_507, %broadcast_in_dim3A : vector<16xf32>
      %pack3A_557 = tpu.pack_subelements %mul3A_555, %mul3A_556 {pack_format = #tpu.pack_format<interleaved>, positions = array<i32: 0, 1>} : vector<16xf32>, vector<16xf32> -> vector<32xbf16>
      %mul3A_558 = arith.constant 16 : i32
      %mul3A_559 = arith.muli %add3A_467, %mul3A_558 : i32
      %add3A_560 = arith.constant 2048 : i32
      %add3A_561 = arith.addi %add3A_560, %mul3A_559 : i32
      %swap3A_562 = arith.index_cast %add3A_561 : i32 to index
      %swap3A_563 = tpu.vector_load %arg13[%swap3A_562] {strides = array<i32>} : memref<8192xbf16, #tpu.memory_space<vmem>>, vector<32xbf16>,
      tpu.vector_store %arg13[%swap3A_562], %pack3A_557 {strides = array<i32>} : memref<8192xbf16, #tpu.memory_space<vmem>>, vector<32xbf16>,
      %mul3A_564 = arith.mulf %gather3A_506, %broadcast_in_dim3A_13 : vector<16xf32>
      %mul3A_565 = arith.mulf %gather3A_507, %broadcast_in_dim3A_13 : vector<16xf32>
      %pack3A_566 = tpu.pack_subelements %mul3A_564, %mul3A_565 {pack_format = #tpu.pack_format<interleaved>, positions = array<i32: 0, 1>} : vector<16xf32>, vector<16xf32> -> vector<32xbf16>
      %mul3A_567 = arith.constant 16 : i32
      %mul3A_568 = arith.muli %add3A_467, %mul3A_567 : i32
      %add3A_569 = arith.constant 4096 : i32
      %add3A_570 = arith.addi %add3A_569, %mul3A_568 : i32
      %swap3A_571 = arith.index_cast %add3A_570 : i32 to index
      %swap3A_572 = tpu.vector_load %arg13[%swap3A_571] {strides = array<i32>} : memref<8192xbf16, #tpu.memory_space<vmem>>, vector<32xbf16>,
      tpu.vector_store %arg13[%swap3A_571], %pack3A_566 {strides = array<i32>} : memref<8192xbf16, #tpu.memory_space<vmem>>, vector<32xbf16>,
      %mul3A_573 = arith.mulf %gather3A_506, %broadcast_in_dim3A_16 : vector<16xf32>
      %mul3A_574 = arith.mulf %gather3A_507, %broadcast_in_dim3A_16 : vector<16xf32>
      %pack3A_575 = tpu.pack_subelements %mul3A_573, %mul3A_574 {pack_format = #tpu.pack_format<interleaved>, positions = array<i32: 0, 1>} : vector<16xf32>, vector<16xf32> -> vector<32xbf16>
      %mul3A_576 = arith.constant 16 : i32
      %mul3A_577 = arith.muli %add3A_467, %mul3A_576 : i32
      %add3A_578 = arith.constant 6144 : i32
      %add3A_579 = arith.addi %add3A_578, %mul3A_577 : i32
      %swap3A_580 = arith.index_cast %add3A_579 : i32 to index
      %swap3A_581 = tpu.vector_load %arg13[%swap3A_580] {strides = array<i32>} : memref<8192xbf16, #tpu.memory_space<vmem>>, vector<32xbf16>,
      tpu.vector_store %arg13[%swap3A_580], %pack3A_575 {strides = array<i32>} : memref<8192xbf16, #tpu.memory_space<vmem>>, vector<32xbf16>,
    }
    %scan3A_89 = arith.constant 32 : i32
    %add3A_90 = arith.constant 16384 : i32
    %add3A_91 = arith.addi %mul3A_18, %add3A_90 : i32
    %dma_start3A_92 = tpu.memref_slice %arg6[%add3A_91] : memref<4194304xbf16, #tpu.memory_space<hbm>> -> memref<8192xbf16, #tpu.memory_space<hbm>>
    %dma_start3A_93 = tpu.memref_slice %arg6[%add3A_91] : memref<4194304xbf16, #tpu.memory_space<hbm>> -> memref<8192xbf16, #tpu.memory_space<hbm>>
    tpu.enqueue_dma source(%arg13 : memref<8192xbf16, #tpu.memory_space<vmem>>) target(%dma_start3A_93 : memref<8192xbf16, #tpu.memory_space<hbm>>) target_semaphore(%arg20 : memref<!tpu.dma_semaphore, #tpu.memory_space<semaphore_mem>>)
    %dma_start3A_94 = arith.constant 8192 : i32
    %dma_start3A_95 = tpu.memref_slice %arg3[%dma_start3A_94] : memref<16384xi32, #tpu.memory_space<hbm>> -> memref<2048xi32, #tpu.memory_space<hbm>>
    %dma_start3A_96 = arith.constant 8192 : i32
    %dma_start3A_97 = tpu.memref_slice %arg3[%dma_start3A_96] : memref<16384xi32, #tpu.memory_space<hbm>> -> memref<2048xi32, #tpu.memory_space<hbm>>
    tpu.enqueue_dma source(%dma_start3A_97 : memref<2048xi32, #tpu.memory_space<hbm>>) target(%arg8 : memref<2048xi32, #tpu.memory_space<vmem>>) target_semaphore(%arg16 : memref<!tpu.dma_semaphore, #tpu.memory_space<semaphore_mem>>)
    %dma_start3A_98 = arith.constant 8192 : i32
    %dma_start3A_99 = tpu.memref_slice %arg4[%dma_start3A_98] : memref<16384xi32, #tpu.memory_space<hbm>> -> memref<2048xi32, #tpu.memory_space<hbm>>
    %dma_start3A_100 = arith.constant 8192 : i32
    %dma_start3A_101 = tpu.memref_slice %arg4[%dma_start3A_100] : memref<16384xi32, #tpu.memory_space<hbm>> -> memref<2048xi32, #tpu.memory_space<hbm>>
    tpu.enqueue_dma source(%dma_start3A_101 : memref<2048xi32, #tpu.memory_space<hbm>>) target(%arg10 : memref<2048xi32, #tpu.memory_space<vmem>>) target_semaphore(%arg18 : memref<!tpu.dma_semaphore, #tpu.memory_space<semaphore_mem>>)
    %dma_wait3A_102 = arith.constant 6144 : i32
    %dma_wait3A_103 = tpu.memref_slice %arg3[%dma_wait3A_102] : memref<16384xi32, #tpu.memory_space<hbm>> -> memref<2048xi32, #tpu.memory_space<hbm>>
    %dma_wait3A_104 = arith.constant 6144 : i32
    %dma_wait3A_105 = tpu.memref_slice %arg3[%dma_wait3A_104] : memref<16384xi32, #tpu.memory_space<hbm>> -> memref<2048xi32, #tpu.memory_space<hbm>>
    tpu.wait_dma2 semaphore(%arg17 : memref<!tpu.dma_semaphore, #tpu.memory_space<semaphore_mem>>) src(%dma_wait3A_105 : memref<2048xi32, #tpu.memory_space<hbm>>) dst(%arg9 : memref<2048xi32, #tpu.memory_space<vmem>>)
    %dma_wait3A_106 = arith.constant 6144 : i32
    %dma_wait3A_107 = tpu.memref_slice %arg4[%dma_wait3A_106] : memref<16384xi32, #tpu.memory_space<hbm>> -> memref<2048xi32, #tpu.memory_space<hbm>>
    %dma_wait3A_108 = arith.constant 6144 : i32
    %dma_wait3A_109 = tpu.memref_slice %arg4[%dma_wait3A_108] : memref<16384xi32, #tpu.memory_space<hbm>> -> memref<2048xi32, #tpu.memory_space<hbm>>
    tpu.wait_dma2 semaphore(%arg19 : memref<!tpu.dma_semaphore, #tpu.memory_space<semaphore_mem>>) src(%dma_wait3A_109 : memref<2048xi32, #tpu.memory_space<hbm>>) dst(%arg11 : memref<2048xi32, #tpu.memory_space<vmem>>)
    %dma_wait3A_110 = tpu.memref_slice %arg6[%add3A_64] : memref<4194304xbf16, #tpu.memory_space<hbm>> -> memref<8192xbf16, #tpu.memory_space<hbm>>
    %dma_wait3A_111 = tpu.memref_slice %arg6[%add3A_64] : memref<4194304xbf16, #tpu.memory_space<hbm>> -> memref<8192xbf16, #tpu.memory_space<hbm>>
    tpu.wait_dma2 semaphore(%arg21 : memref<!tpu.dma_semaphore, #tpu.memory_space<semaphore_mem>>) src(%arg14 : memref<8192xbf16, #tpu.memory_space<vmem>>) dst(%dma_wait3A_111 : memref<8192xbf16, #tpu.memory_space<hbm>>)
    %scan3A_112 = arith.constant 0 : i32
    %scan3A_113 = arith.constant 32 : i32
    %scan3A_114 = arith.addi %scan3A_112, %scan3A_113 : i32
    %scan3A_115 = arith.constant 1 : i32
    scf.for %scan3A_455 = %scan3A_112 to %scan3A_114 step %scan3A_115  : i32 {
      %mul3A_456 = arith.constant 4 : i32
      %mul3A_457 = arith.muli %scan3A_455, %mul3A_456 : i32
      %add3A_458 = arith.constant 0 : i32
      %add3A_459 = arith.addi %mul3A_457, %add3A_458 : i32
      %mul3A_460 = arith.constant 4 : i32
      %mul3A_461 = arith.muli %scan3A_455, %mul3A_460 : i32
      %add3A_462 = arith.constant 1 : i32
      %add3A_463 = arith.addi %mul3A_461, %add3A_462 : i32
      %mul3A_464 = arith.constant 4 : i32
      %mul3A_465 = arith.muli %scan3A_455, %mul3A_464 : i32
      %add3A_466 = arith.constant 2 : i32
      %add3A_467 = arith.addi %mul3A_465, %add3A_466 : i32
      %mul3A_468 = arith.constant 4 : i32
      %mul3A_469 = arith.muli %scan3A_455, %mul3A_468 : i32
      %add3A_470 = arith.constant 3 : i32
      %add3A_471 = arith.addi %mul3A_469, %add3A_470 : i32
      %mul3A_472 = arith.constant 16 : i32
      %mul3A_473 = arith.muli %add3A_459, %mul3A_472 : i32
      %get3A_474 = arith.index_cast %mul3A_473 : i32 to index
      %get3A_475 = tpu.vector_load %arg9[%get3A_474] {strides = array<i32>} : memref<2048xi32, #tpu.memory_space<vmem>>, vector<16xi32>,
      %mul3A_476 = arith.constant 16 : i32
      %mul3A_477 = arith.muli %add3A_463, %mul3A_476 : i32
      %get3A_478 = arith.index_cast %mul3A_477 : i32 to index
      %get3A_479 = tpu.vector_load %arg9[%get3A_478] {strides = array<i32>} : memref<2048xi32, #tpu.memory_space<vmem>>, vector<16xi32>,
      %mul3A_480 = arith.constant 16 : i32
      %mul3A_481 = arith.muli %add3A_467, %mul3A_480 : i32
      %get3A_482 = arith.index_cast %mul3A_481 : i32 to index
      %get3A_483 = tpu.vector_load %arg9[%get3A_482] {strides = array<i32>} : memref<2048xi32, #tpu.memory_space<vmem>>, vector<16xi32>,
      %mul3A_484 = arith.constant 16 : i32
      %mul3A_485 = arith.muli %add3A_471, %mul3A_484 : i32
      %get3A_486 = arith.index_cast %mul3A_485 : i32 to index
      %get3A_487 = tpu.vector_load %arg9[%get3A_486] {strides = array<i32>} : memref<2048xi32, #tpu.memory_space<vmem>>, vector<16xi32>,
      %mul3A_488 = arith.constant 16 : i32
      %mul3A_489 = arith.muli %add3A_459, %mul3A_488 : i32
      %get3A_490 = arith.index_cast %mul3A_489 : i32 to index
      %get3A_491 = tpu.vector_load %arg11[%get3A_490] {strides = array<i32>} : memref<2048xi32, #tpu.memory_space<vmem>>, vector<16xi32>,
      %mul3A_492 = arith.constant 16 : i32
      %mul3A_493 = arith.muli %add3A_463, %mul3A_492 : i32
      %get3A_494 = arith.index_cast %mul3A_493 : i32 to index
      %get3A_495 = tpu.vector_load %arg11[%get3A_494] {strides = array<i32>} : memref<2048xi32, #tpu.memory_space<vmem>>, vector<16xi32>,
      %mul3A_496 = arith.constant 16 : i32
      %mul3A_497 = arith.muli %add3A_467, %mul3A_496 : i32
      %get3A_498 = arith.index_cast %mul3A_497 : i32 to index
      %get3A_499 = tpu.vector_load %arg11[%get3A_498] {strides = array<i32>} : memref<2048xi32, #tpu.memory_space<vmem>>, vector<16xi32>,
      %mul3A_500 = arith.constant 16 : i32
      %mul3A_501 = arith.muli %add3A_471, %mul3A_500 : i32
      %get3A_502 = arith.index_cast %mul3A_501 : i32 to index
      %get3A_503 = tpu.vector_load %arg11[%get3A_502] {strides = array<i32>} : memref<2048xi32, #tpu.memory_space<vmem>>, vector<16xi32>,
      %gather3A_504 = tpu.vector_load_idx %arg7[%get3A_475] : memref<100000xf32, #tpu.memory_space<vmem>>[vector<16xi32>], vector<16xf32>,
      %gather3A_505 = tpu.vector_load_idx %arg7[%get3A_479] : memref<100000xf32, #tpu.memory_space<vmem>>[vector<16xi32>], vector<16xf32>,
      %gather3A_506 = tpu.vector_load_idx %arg7[%get3A_483] : memref<100000xf32, #tpu.memory_space<vmem>>[vector<16xi32>], vector<16xf32>,
      %gather3A_507 = tpu.vector_load_idx %arg7[%get3A_487] : memref<100000xf32, #tpu.memory_space<vmem>>[vector<16xi32>], vector<16xf32>,
      %gather3A_508 = tpu.vector_load_idx %arg7[%get3A_491] : memref<100000xf32, #tpu.memory_space<vmem>>[vector<16xi32>], vector<16xf32>,
      %gather3A_509 = tpu.vector_load_idx %arg7[%get3A_495] : memref<100000xf32, #tpu.memory_space<vmem>>[vector<16xi32>], vector<16xf32>,
      %gather3A_510 = tpu.vector_load_idx %arg7[%get3A_499] : memref<100000xf32, #tpu.memory_space<vmem>>[vector<16xi32>], vector<16xf32>,
      %gather3A_511 = tpu.vector_load_idx %arg7[%get3A_503] : memref<100000xf32, #tpu.memory_space<vmem>>[vector<16xi32>], vector<16xf32>,
      %mul3A_512 = arith.mulf %gather3A_504, %gather3A_508 : vector<16xf32>
      %mul3A_513 = arith.mulf %gather3A_505, %gather3A_509 : vector<16xf32>
      %pack3A = tpu.pack_subelements %mul3A_512, %mul3A_513 {pack_format = #tpu.pack_format<interleaved>, positions = array<i32: 0, 1>} : vector<16xf32>, vector<16xf32> -> vector<32xbf16>
      %mul3A_514 = arith.constant 16 : i32
      %mul3A_515 = arith.muli %add3A_459, %mul3A_514 : i32
      %add3A_516 = arith.constant 0 : i32
      %add3A_517 = arith.addi %add3A_516, %mul3A_515 : i32
      %swap3A = arith.index_cast %add3A_517 : i32 to index
      %swap3A_518 = tpu.vector_load %arg14[%swap3A] {strides = array<i32>} : memref<8192xbf16, #tpu.memory_space<vmem>>, vector<32xbf16>,
      tpu.vector_store %arg14[%swap3A], %pack3A {strides = array<i32>} : memref<8192xbf16, #tpu.memory_space<vmem>>, vector<32xbf16>,
      %mul3A_519 = arith.mulf %gather3A_504, %broadcast_in_dim3A : vector<16xf32>
      %mul3A_520 = arith.mulf %gather3A_505, %broadcast_in_dim3A : vector<16xf32>
      %pack3A_521 = tpu.pack_subelements %mul3A_519, %mul3A_520 {pack_format = #tpu.pack_format<interleaved>, positions = array<i32: 0, 1>} : vector<16xf32>, vector<16xf32> -> vector<32xbf16>
      %mul3A_522 = arith.constant 16 : i32
      %mul3A_523 = arith.muli %add3A_459, %mul3A_522 : i32
      %add3A_524 = arith.constant 2048 : i32
      %add3A_525 = arith.addi %add3A_524, %mul3A_523 : i32
      %swap3A_526 = arith.index_cast %add3A_525 : i32 to index
      %swap3A_527 = tpu.vector_load %arg14[%swap3A_526] {strides = array<i32>} : memref<8192xbf16, #tpu.memory_space<vmem>>, vector<32xbf16>,
      tpu.vector_store %arg14[%swap3A_526], %pack3A_521 {strides = array<i32>} : memref<8192xbf16, #tpu.memory_space<vmem>>, vector<32xbf16>,
      %mul3A_528 = arith.mulf %gather3A_504, %broadcast_in_dim3A_13 : vector<16xf32>
      %mul3A_529 = arith.mulf %gather3A_505, %broadcast_in_dim3A_13 : vector<16xf32>
      %pack3A_530 = tpu.pack_subelements %mul3A_528, %mul3A_529 {pack_format = #tpu.pack_format<interleaved>, positions = array<i32: 0, 1>} : vector<16xf32>, vector<16xf32> -> vector<32xbf16>
      %mul3A_531 = arith.constant 16 : i32
      %mul3A_532 = arith.muli %add3A_459, %mul3A_531 : i32
      %add3A_533 = arith.constant 4096 : i32
      %add3A_534 = arith.addi %add3A_533, %mul3A_532 : i32
      %swap3A_535 = arith.index_cast %add3A_534 : i32 to index
      %swap3A_536 = tpu.vector_load %arg14[%swap3A_535] {strides = array<i32>} : memref<8192xbf16, #tpu.memory_space<vmem>>, vector<32xbf16>,
      tpu.vector_store %arg14[%swap3A_535], %pack3A_530 {strides = array<i32>} : memref<8192xbf16, #tpu.memory_space<vmem>>, vector<32xbf16>,
      %mul3A_537 = arith.mulf %gather3A_504, %broadcast_in_dim3A_16 : vector<16xf32>
      %mul3A_538 = arith.mulf %gather3A_505, %broadcast_in_dim3A_16 : vector<16xf32>
      %pack3A_539 = tpu.pack_subelements %mul3A_537, %mul3A_538 {pack_format = #tpu.pack_format<interleaved>, positions = array<i32: 0, 1>} : vector<16xf32>, vector<16xf32> -> vector<32xbf16>
      %mul3A_540 = arith.constant 16 : i32
      %mul3A_541 = arith.muli %add3A_459, %mul3A_540 : i32
      %add3A_542 = arith.constant 6144 : i32
      %add3A_543 = arith.addi %add3A_542, %mul3A_541 : i32
      %swap3A_544 = arith.index_cast %add3A_543 : i32 to index
      %swap3A_545 = tpu.vector_load %arg14[%swap3A_544] {strides = array<i32>} : memref<8192xbf16, #tpu.memory_space<vmem>>, vector<32xbf16>,
      tpu.vector_store %arg14[%swap3A_544], %pack3A_539 {strides = array<i32>} : memref<8192xbf16, #tpu.memory_space<vmem>>, vector<32xbf16>,
      %mul3A_546 = arith.mulf %gather3A_506, %gather3A_510 : vector<16xf32>
      %mul3A_547 = arith.mulf %gather3A_507, %gather3A_511 : vector<16xf32>
      %pack3A_548 = tpu.pack_subelements %mul3A_546, %mul3A_547 {pack_format = #tpu.pack_format<interleaved>, positions = array<i32: 0, 1>} : vector<16xf32>, vector<16xf32> -> vector<32xbf16>
      %mul3A_549 = arith.constant 16 : i32
      %mul3A_550 = arith.muli %add3A_467, %mul3A_549 : i32
      %add3A_551 = arith.constant 0 : i32
      %add3A_552 = arith.addi %add3A_551, %mul3A_550 : i32
      %swap3A_553 = arith.index_cast %add3A_552 : i32 to index
      %swap3A_554 = tpu.vector_load %arg14[%swap3A_553] {strides = array<i32>} : memref<8192xbf16, #tpu.memory_space<vmem>>, vector<32xbf16>,
      tpu.vector_store %arg14[%swap3A_553], %pack3A_548 {strides = array<i32>} : memref<8192xbf16, #tpu.memory_space<vmem>>, vector<32xbf16>,
      %mul3A_555 = arith.mulf %gather3A_506, %broadcast_in_dim3A : vector<16xf32>
      %mul3A_556 = arith.mulf %gather3A_507, %broadcast_in_dim3A : vector<16xf32>
      %pack3A_557 = tpu.pack_subelements %mul3A_555, %mul3A_556 {pack_format = #tpu.pack_format<interleaved>, positions = array<i32: 0, 1>} : vector<16xf32>, vector<16xf32> -> vector<32xbf16>
      %mul3A_558 = arith.constant 16 : i32
      %mul3A_559 = arith.muli %add3A_467, %mul3A_558 : i32
      %add3A_560 = arith.constant 2048 : i32
      %add3A_561 = arith.addi %add3A_560, %mul3A_559 : i32
      %swap3A_562 = arith.index_cast %add3A_561 : i32 to index
      %swap3A_563 = tpu.vector_load %arg14[%swap3A_562] {strides = array<i32>} : memref<8192xbf16, #tpu.memory_space<vmem>>, vector<32xbf16>,
      tpu.vector_store %arg14[%swap3A_562], %pack3A_557 {strides = array<i32>} : memref<8192xbf16, #tpu.memory_space<vmem>>, vector<32xbf16>,
      %mul3A_564 = arith.mulf %gather3A_506, %broadcast_in_dim3A_13 : vector<16xf32>
      %mul3A_565 = arith.mulf %gather3A_507, %broadcast_in_dim3A_13 : vector<16xf32>
      %pack3A_566 = tpu.pack_subelements %mul3A_564, %mul3A_565 {pack_format = #tpu.pack_format<interleaved>, positions = array<i32: 0, 1>} : vector<16xf32>, vector<16xf32> -> vector<32xbf16>
      %mul3A_567 = arith.constant 16 : i32
      %mul3A_568 = arith.muli %add3A_467, %mul3A_567 : i32
      %add3A_569 = arith.constant 4096 : i32
      %add3A_570 = arith.addi %add3A_569, %mul3A_568 : i32
      %swap3A_571 = arith.index_cast %add3A_570 : i32 to index
      %swap3A_572 = tpu.vector_load %arg14[%swap3A_571] {strides = array<i32>} : memref<8192xbf16, #tpu.memory_space<vmem>>, vector<32xbf16>,
      tpu.vector_store %arg14[%swap3A_571], %pack3A_566 {strides = array<i32>} : memref<8192xbf16, #tpu.memory_space<vmem>>, vector<32xbf16>,
      %mul3A_573 = arith.mulf %gather3A_506, %broadcast_in_dim3A_16 : vector<16xf32>
      %mul3A_574 = arith.mulf %gather3A_507, %broadcast_in_dim3A_16 : vector<16xf32>
      %pack3A_575 = tpu.pack_subelements %mul3A_573, %mul3A_574 {pack_format = #tpu.pack_format<interleaved>, positions = array<i32: 0, 1>} : vector<16xf32>, vector<16xf32> -> vector<32xbf16>
      %mul3A_576 = arith.constant 16 : i32
      %mul3A_577 = arith.muli %add3A_467, %mul3A_576 : i32
      %add3A_578 = arith.constant 6144 : i32
      %add3A_579 = arith.addi %add3A_578, %mul3A_577 : i32
      %swap3A_580 = arith.index_cast %add3A_579 : i32 to index
      %swap3A_581 = tpu.vector_load %arg14[%swap3A_580] {strides = array<i32>} : memref<8192xbf16, #tpu.memory_space<vmem>>, vector<32xbf16>,
      tpu.vector_store %arg14[%swap3A_580], %pack3A_575 {strides = array<i32>} : memref<8192xbf16, #tpu.memory_space<vmem>>, vector<32xbf16>,
    }
    %scan3A_116 = arith.constant 32 : i32
    %add3A_117 = arith.constant 24576 : i32
    %add3A_118 = arith.addi %mul3A_18, %add3A_117 : i32
    %dma_start3A_119 = tpu.memref_slice %arg6[%add3A_118] : memref<4194304xbf16, #tpu.memory_space<hbm>> -> memref<8192xbf16, #tpu.memory_space<hbm>>
    %dma_start3A_120 = tpu.memref_slice %arg6[%add3A_118] : memref<4194304xbf16, #tpu.memory_space<hbm>> -> memref<8192xbf16, #tpu.memory_space<hbm>>
    tpu.enqueue_dma source(%arg14 : memref<8192xbf16, #tpu.memory_space<vmem>>) target(%dma_start3A_120 : memref<8192xbf16, #tpu.memory_space<hbm>>) target_semaphore(%arg21 : memref<!tpu.dma_semaphore, #tpu.memory_space<semaphore_mem>>)
    %dma_start3A_121 = arith.constant 10240 : i32
    %dma_start3A_122 = tpu.memref_slice %arg3[%dma_start3A_121] : memref<16384xi32, #tpu.memory_space<hbm>> -> memref<2048xi32, #tpu.memory_space<hbm>>
    %dma_start3A_123 = arith.constant 10240 : i32
    %dma_start3A_124 = tpu.memref_slice %arg3[%dma_start3A_123] : memref<16384xi32, #tpu.memory_space<hbm>> -> memref<2048xi32, #tpu.memory_space<hbm>>
    tpu.enqueue_dma source(%dma_start3A_124 : memref<2048xi32, #tpu.memory_space<hbm>>) target(%arg9 : memref<2048xi32, #tpu.memory_space<vmem>>) target_semaphore(%arg17 : memref<!tpu.dma_semaphore, #tpu.memory_space<semaphore_mem>>)
    %dma_start3A_125 = arith.constant 10240 : i32
    %dma_start3A_126 = tpu.memref_slice %arg4[%dma_start3A_125] : memref<16384xi32, #tpu.memory_space<hbm>> -> memref<2048xi32, #tpu.memory_space<hbm>>
    %dma_start3A_127 = arith.constant 10240 : i32
    %dma_start3A_128 = tpu.memref_slice %arg4[%dma_start3A_127] : memref<16384xi32, #tpu.memory_space<hbm>> -> memref<2048xi32, #tpu.memory_space<hbm>>
    tpu.enqueue_dma source(%dma_start3A_128 : memref<2048xi32, #tpu.memory_space<hbm>>) target(%arg11 : memref<2048xi32, #tpu.memory_space<vmem>>) target_semaphore(%arg19 : memref<!tpu.dma_semaphore, #tpu.memory_space<semaphore_mem>>)
    %dma_wait3A_129 = arith.constant 8192 : i32
    %dma_wait3A_130 = tpu.memref_slice %arg3[%dma_wait3A_129] : memref<16384xi32, #tpu.memory_space<hbm>> -> memref<2048xi32, #tpu.memory_space<hbm>>
    %dma_wait3A_131 = arith.constant 8192 : i32
    %dma_wait3A_132 = tpu.memref_slice %arg3[%dma_wait3A_131] : memref<16384xi32, #tpu.memory_space<hbm>> -> memref<2048xi32, #tpu.memory_space<hbm>>
    tpu.wait_dma2 semaphore(%arg16 : memref<!tpu.dma_semaphore, #tpu.memory_space<semaphore_mem>>) src(%dma_wait3A_132 : memref<2048xi32, #tpu.memory_space<hbm>>) dst(%arg8 : memref<2048xi32, #tpu.memory_space<vmem>>)
    %dma_wait3A_133 = arith.constant 8192 : i32
    %dma_wait3A_134 = tpu.memref_slice %arg4[%dma_wait3A_133] : memref<16384xi32, #tpu.memory_space<hbm>> -> memref<2048xi32, #tpu.memory_space<hbm>>
    %dma_wait3A_135 = arith.constant 8192 : i32
    %dma_wait3A_136 = tpu.memref_slice %arg4[%dma_wait3A_135] : memref<16384xi32, #tpu.memory_space<hbm>> -> memref<2048xi32, #tpu.memory_space<hbm>>
    tpu.wait_dma2 semaphore(%arg18 : memref<!tpu.dma_semaphore, #tpu.memory_space<semaphore_mem>>) src(%dma_wait3A_136 : memref<2048xi32, #tpu.memory_space<hbm>>) dst(%arg10 : memref<2048xi32, #tpu.memory_space<vmem>>)
    %dma_wait3A_137 = tpu.memref_slice %arg6[%add3A_91] : memref<4194304xbf16, #tpu.memory_space<hbm>> -> memref<8192xbf16, #tpu.memory_space<hbm>>
    %dma_wait3A_138 = tpu.memref_slice %arg6[%add3A_91] : memref<4194304xbf16, #tpu.memory_space<hbm>> -> memref<8192xbf16, #tpu.memory_space<hbm>>
    tpu.wait_dma2 semaphore(%arg20 : memref<!tpu.dma_semaphore, #tpu.memory_space<semaphore_mem>>) src(%arg13 : memref<8192xbf16, #tpu.memory_space<vmem>>) dst(%dma_wait3A_138 : memref<8192xbf16, #tpu.memory_space<hbm>>)
    %scan3A_139 = arith.constant 0 : i32
    %scan3A_140 = arith.constant 32 : i32
    %scan3A_141 = arith.addi %scan3A_139, %scan3A_140 : i32
    %scan3A_142 = arith.constant 1 : i32
    scf.for %scan3A_455 = %scan3A_139 to %scan3A_141 step %scan3A_142  : i32 {
      %mul3A_456 = arith.constant 4 : i32
      %mul3A_457 = arith.muli %scan3A_455, %mul3A_456 : i32
      %add3A_458 = arith.constant 0 : i32
      %add3A_459 = arith.addi %mul3A_457, %add3A_458 : i32
      %mul3A_460 = arith.constant 4 : i32
      %mul3A_461 = arith.muli %scan3A_455, %mul3A_460 : i32
      %add3A_462 = arith.constant 1 : i32
      %add3A_463 = arith.addi %mul3A_461, %add3A_462 : i32
      %mul3A_464 = arith.constant 4 : i32
      %mul3A_465 = arith.muli %scan3A_455, %mul3A_464 : i32
      %add3A_466 = arith.constant 2 : i32
      %add3A_467 = arith.addi %mul3A_465, %add3A_466 : i32
      %mul3A_468 = arith.constant 4 : i32
      %mul3A_469 = arith.muli %scan3A_455, %mul3A_468 : i32
      %add3A_470 = arith.constant 3 : i32
      %add3A_471 = arith.addi %mul3A_469, %add3A_470 : i32
      %mul3A_472 = arith.constant 16 : i32
      %mul3A_473 = arith.muli %add3A_459, %mul3A_472 : i32
      %get3A_474 = arith.index_cast %mul3A_473 : i32 to index
      %get3A_475 = tpu.vector_load %arg8[%get3A_474] {strides = array<i32>} : memref<2048xi32, #tpu.memory_space<vmem>>, vector<16xi32>,
      %mul3A_476 = arith.constant 16 : i32
      %mul3A_477 = arith.muli %add3A_463, %mul3A_476 : i32
      %get3A_478 = arith.index_cast %mul3A_477 : i32 to index
      %get3A_479 = tpu.vector_load %arg8[%get3A_478] {strides = array<i32>} : memref<2048xi32, #tpu.memory_space<vmem>>, vector<16xi32>,
      %mul3A_480 = arith.constant 16 : i32
      %mul3A_481 = arith.muli %add3A_467, %mul3A_480 : i32
      %get3A_482 = arith.index_cast %mul3A_481 : i32 to index
      %get3A_483 = tpu.vector_load %arg8[%get3A_482] {strides = array<i32>} : memref<2048xi32, #tpu.memory_space<vmem>>, vector<16xi32>,
      %mul3A_484 = arith.constant 16 : i32
      %mul3A_485 = arith.muli %add3A_471, %mul3A_484 : i32
      %get3A_486 = arith.index_cast %mul3A_485 : i32 to index
      %get3A_487 = tpu.vector_load %arg8[%get3A_486] {strides = array<i32>} : memref<2048xi32, #tpu.memory_space<vmem>>, vector<16xi32>,
      %mul3A_488 = arith.constant 16 : i32
      %mul3A_489 = arith.muli %add3A_459, %mul3A_488 : i32
      %get3A_490 = arith.index_cast %mul3A_489 : i32 to index
      %get3A_491 = tpu.vector_load %arg10[%get3A_490] {strides = array<i32>} : memref<2048xi32, #tpu.memory_space<vmem>>, vector<16xi32>,
      %mul3A_492 = arith.constant 16 : i32
      %mul3A_493 = arith.muli %add3A_463, %mul3A_492 : i32
      %get3A_494 = arith.index_cast %mul3A_493 : i32 to index
      %get3A_495 = tpu.vector_load %arg10[%get3A_494] {strides = array<i32>} : memref<2048xi32, #tpu.memory_space<vmem>>, vector<16xi32>,
      %mul3A_496 = arith.constant 16 : i32
      %mul3A_497 = arith.muli %add3A_467, %mul3A_496 : i32
      %get3A_498 = arith.index_cast %mul3A_497 : i32 to index
      %get3A_499 = tpu.vector_load %arg10[%get3A_498] {strides = array<i32>} : memref<2048xi32, #tpu.memory_space<vmem>>, vector<16xi32>,
      %mul3A_500 = arith.constant 16 : i32
      %mul3A_501 = arith.muli %add3A_471, %mul3A_500 : i32
      %get3A_502 = arith.index_cast %mul3A_501 : i32 to index
      %get3A_503 = tpu.vector_load %arg10[%get3A_502] {strides = array<i32>} : memref<2048xi32, #tpu.memory_space<vmem>>, vector<16xi32>,
      %gather3A_504 = tpu.vector_load_idx %arg7[%get3A_475] : memref<100000xf32, #tpu.memory_space<vmem>>[vector<16xi32>], vector<16xf32>,
      %gather3A_505 = tpu.vector_load_idx %arg7[%get3A_479] : memref<100000xf32, #tpu.memory_space<vmem>>[vector<16xi32>], vector<16xf32>,
      %gather3A_506 = tpu.vector_load_idx %arg7[%get3A_483] : memref<100000xf32, #tpu.memory_space<vmem>>[vector<16xi32>], vector<16xf32>,
      %gather3A_507 = tpu.vector_load_idx %arg7[%get3A_487] : memref<100000xf32, #tpu.memory_space<vmem>>[vector<16xi32>], vector<16xf32>,
      %gather3A_508 = tpu.vector_load_idx %arg7[%get3A_491] : memref<100000xf32, #tpu.memory_space<vmem>>[vector<16xi32>], vector<16xf32>,
      %gather3A_509 = tpu.vector_load_idx %arg7[%get3A_495] : memref<100000xf32, #tpu.memory_space<vmem>>[vector<16xi32>], vector<16xf32>,
      %gather3A_510 = tpu.vector_load_idx %arg7[%get3A_499] : memref<100000xf32, #tpu.memory_space<vmem>>[vector<16xi32>], vector<16xf32>,
      %gather3A_511 = tpu.vector_load_idx %arg7[%get3A_503] : memref<100000xf32, #tpu.memory_space<vmem>>[vector<16xi32>], vector<16xf32>,
      %mul3A_512 = arith.mulf %gather3A_504, %gather3A_508 : vector<16xf32>
      %mul3A_513 = arith.mulf %gather3A_505, %gather3A_509 : vector<16xf32>
      %pack3A = tpu.pack_subelements %mul3A_512, %mul3A_513 {pack_format = #tpu.pack_format<interleaved>, positions = array<i32: 0, 1>} : vector<16xf32>, vector<16xf32> -> vector<32xbf16>
      %mul3A_514 = arith.constant 16 : i32
      %mul3A_515 = arith.muli %add3A_459, %mul3A_514 : i32
      %add3A_516 = arith.constant 0 : i32
      %add3A_517 = arith.addi %add3A_516, %mul3A_515 : i32
      %swap3A = arith.index_cast %add3A_517 : i32 to index
      %swap3A_518 = tpu.vector_load %arg13[%swap3A] {strides = array<i32>} : memref<8192xbf16, #tpu.memory_space<vmem>>, vector<32xbf16>,
      tpu.vector_store %arg13[%swap3A], %pack3A {strides = array<i32>} : memref<8192xbf16, #tpu.memory_space<vmem>>, vector<32xbf16>,
      %mul3A_519 = arith.mulf %gather3A_504, %broadcast_in_dim3A : vector<16xf32>
      %mul3A_520 = arith.mulf %gather3A_505, %broadcast_in_dim3A : vector<16xf32>
      %pack3A_521 = tpu.pack_subelements %mul3A_519, %mul3A_520 {pack_format = #tpu.pack_format<interleaved>, positions = array<i32: 0, 1>} : vector<16xf32>, vector<16xf32> -> vector<32xbf16>
      %mul3A_522 = arith.constant 16 : i32
      %mul3A_523 = arith.muli %add3A_459, %mul3A_522 : i32
      %add3A_524 = arith.constant 2048 : i32
      %add3A_525 = arith.addi %add3A_524, %mul3A_523 : i32
      %swap3A_526 = arith.index_cast %add3A_525 : i32 to index
      %swap3A_527 = tpu.vector_load %arg13[%swap3A_526] {strides = array<i32>} : memref<8192xbf16, #tpu.memory_space<vmem>>, vector<32xbf16>,
      tpu.vector_store %arg13[%swap3A_526], %pack3A_521 {strides = array<i32>} : memref<8192xbf16, #tpu.memory_space<vmem>>, vector<32xbf16>,
      %mul3A_528 = arith.mulf %gather3A_504, %broadcast_in_dim3A_13 : vector<16xf32>
      %mul3A_529 = arith.mulf %gather3A_505, %broadcast_in_dim3A_13 : vector<16xf32>
      %pack3A_530 = tpu.pack_subelements %mul3A_528, %mul3A_529 {pack_format = #tpu.pack_format<interleaved>, positions = array<i32: 0, 1>} : vector<16xf32>, vector<16xf32> -> vector<32xbf16>
      %mul3A_531 = arith.constant 16 : i32
      %mul3A_532 = arith.muli %add3A_459, %mul3A_531 : i32
      %add3A_533 = arith.constant 4096 : i32
      %add3A_534 = arith.addi %add3A_533, %mul3A_532 : i32
      %swap3A_535 = arith.index_cast %add3A_534 : i32 to index
      %swap3A_536 = tpu.vector_load %arg13[%swap3A_535] {strides = array<i32>} : memref<8192xbf16, #tpu.memory_space<vmem>>, vector<32xbf16>,
      tpu.vector_store %arg13[%swap3A_535], %pack3A_530 {strides = array<i32>} : memref<8192xbf16, #tpu.memory_space<vmem>>, vector<32xbf16>,
      %mul3A_537 = arith.mulf %gather3A_504, %broadcast_in_dim3A_16 : vector<16xf32>
      %mul3A_538 = arith.mulf %gather3A_505, %broadcast_in_dim3A_16 : vector<16xf32>
      %pack3A_539 = tpu.pack_subelements %mul3A_537, %mul3A_538 {pack_format = #tpu.pack_format<interleaved>, positions = array<i32: 0, 1>} : vector<16xf32>, vector<16xf32> -> vector<32xbf16>
      %mul3A_540 = arith.constant 16 : i32
      %mul3A_541 = arith.muli %add3A_459, %mul3A_540 : i32
      %add3A_542 = arith.constant 6144 : i32
      %add3A_543 = arith.addi %add3A_542, %mul3A_541 : i32
      %swap3A_544 = arith.index_cast %add3A_543 : i32 to index
      %swap3A_545 = tpu.vector_load %arg13[%swap3A_544] {strides = array<i32>} : memref<8192xbf16, #tpu.memory_space<vmem>>, vector<32xbf16>,
      tpu.vector_store %arg13[%swap3A_544], %pack3A_539 {strides = array<i32>} : memref<8192xbf16, #tpu.memory_space<vmem>>, vector<32xbf16>,
      %mul3A_546 = arith.mulf %gather3A_506, %gather3A_510 : vector<16xf32>
      %mul3A_547 = arith.mulf %gather3A_507, %gather3A_511 : vector<16xf32>
      %pack3A_548 = tpu.pack_subelements %mul3A_546, %mul3A_547 {pack_format = #tpu.pack_format<interleaved>, positions = array<i32: 0, 1>} : vector<16xf32>, vector<16xf32> -> vector<32xbf16>
      %mul3A_549 = arith.constant 16 : i32
      %mul3A_550 = arith.muli %add3A_467, %mul3A_549 : i32
      %add3A_551 = arith.constant 0 : i32
      %add3A_552 = arith.addi %add3A_551, %mul3A_550 : i32
      %swap3A_553 = arith.index_cast %add3A_552 : i32 to index
      %swap3A_554 = tpu.vector_load %arg13[%swap3A_553] {strides = array<i32>} : memref<8192xbf16, #tpu.memory_space<vmem>>, vector<32xbf16>,
      tpu.vector_store %arg13[%swap3A_553], %pack3A_548 {strides = array<i32>} : memref<8192xbf16, #tpu.memory_space<vmem>>, vector<32xbf16>,
      %mul3A_555 = arith.mulf %gather3A_506, %broadcast_in_dim3A : vector<16xf32>
      %mul3A_556 = arith.mulf %gather3A_507, %broadcast_in_dim3A : vector<16xf32>
      %pack3A_557 = tpu.pack_subelements %mul3A_555, %mul3A_556 {pack_format = #tpu.pack_format<interleaved>, positions = array<i32: 0, 1>} : vector<16xf32>, vector<16xf32> -> vector<32xbf16>
      %mul3A_558 = arith.constant 16 : i32
      %mul3A_559 = arith.muli %add3A_467, %mul3A_558 : i32
      %add3A_560 = arith.constant 2048 : i32
      %add3A_561 = arith.addi %add3A_560, %mul3A_559 : i32
      %swap3A_562 = arith.index_cast %add3A_561 : i32 to index
      %swap3A_563 = tpu.vector_load %arg13[%swap3A_562] {strides = array<i32>} : memref<8192xbf16, #tpu.memory_space<vmem>>, vector<32xbf16>,
      tpu.vector_store %arg13[%swap3A_562], %pack3A_557 {strides = array<i32>} : memref<8192xbf16, #tpu.memory_space<vmem>>, vector<32xbf16>,
      %mul3A_564 = arith.mulf %gather3A_506, %broadcast_in_dim3A_13 : vector<16xf32>
      %mul3A_565 = arith.mulf %gather3A_507, %broadcast_in_dim3A_13 : vector<16xf32>
      %pack3A_566 = tpu.pack_subelements %mul3A_564, %mul3A_565 {pack_format = #tpu.pack_format<interleaved>, positions = array<i32: 0, 1>} : vector<16xf32>, vector<16xf32> -> vector<32xbf16>
      %mul3A_567 = arith.constant 16 : i32
      %mul3A_568 = arith.muli %add3A_467, %mul3A_567 : i32
      %add3A_569 = arith.constant 4096 : i32
      %add3A_570 = arith.addi %add3A_569, %mul3A_568 : i32
      %swap3A_571 = arith.index_cast %add3A_570 : i32 to index
      %swap3A_572 = tpu.vector_load %arg13[%swap3A_571] {strides = array<i32>} : memref<8192xbf16, #tpu.memory_space<vmem>>, vector<32xbf16>,
      tpu.vector_store %arg13[%swap3A_571], %pack3A_566 {strides = array<i32>} : memref<8192xbf16, #tpu.memory_space<vmem>>, vector<32xbf16>,
      %mul3A_573 = arith.mulf %gather3A_506, %broadcast_in_dim3A_16 : vector<16xf32>
      %mul3A_574 = arith.mulf %gather3A_507, %broadcast_in_dim3A_16 : vector<16xf32>
      %pack3A_575 = tpu.pack_subelements %mul3A_573, %mul3A_574 {pack_format = #tpu.pack_format<interleaved>, positions = array<i32: 0, 1>} : vector<16xf32>, vector<16xf32> -> vector<32xbf16>
      %mul3A_576 = arith.constant 16 : i32
      %mul3A_577 = arith.muli %add3A_467, %mul3A_576 : i32
      %add3A_578 = arith.constant 6144 : i32
      %add3A_579 = arith.addi %add3A_578, %mul3A_577 : i32
      %swap3A_580 = arith.index_cast %add3A_579 : i32 to index
      %swap3A_581 = tpu.vector_load %arg13[%swap3A_580] {strides = array<i32>} : memref<8192xbf16, #tpu.memory_space<vmem>>, vector<32xbf16>,
      tpu.vector_store %arg13[%swap3A_580], %pack3A_575 {strides = array<i32>} : memref<8192xbf16, #tpu.memory_space<vmem>>, vector<32xbf16>,
    }
    %scan3A_143 = arith.constant 32 : i32
    %add3A_144 = arith.constant 32768 : i32
    %add3A_145 = arith.addi %mul3A_18, %add3A_144 : i32
    %dma_start3A_146 = tpu.memref_slice %arg6[%add3A_145] : memref<4194304xbf16, #tpu.memory_space<hbm>> -> memref<8192xbf16, #tpu.memory_space<hbm>>
    %dma_start3A_147 = tpu.memref_slice %arg6[%add3A_145] : memref<4194304xbf16, #tpu.memory_space<hbm>> -> memref<8192xbf16, #tpu.memory_space<hbm>>
    tpu.enqueue_dma source(%arg13 : memref<8192xbf16, #tpu.memory_space<vmem>>) target(%dma_start3A_147 : memref<8192xbf16, #tpu.memory_space<hbm>>) target_semaphore(%arg20 : memref<!tpu.dma_semaphore, #tpu.memory_space<semaphore_mem>>)
    %dma_start3A_148 = arith.constant 12288 : i32
    %dma_start3A_149 = tpu.memref_slice %arg3[%dma_start3A_148] : memref<16384xi32, #tpu.memory_space<hbm>> -> memref<2048xi32, #tpu.memory_space<hbm>>
    %dma_start3A_150 = arith.constant 12288 : i32
    %dma_start3A_151 = tpu.memref_slice %arg3[%dma_start3A_150] : memref<16384xi32, #tpu.memory_space<hbm>> -> memref<2048xi32, #tpu.memory_space<hbm>>
    tpu.enqueue_dma source(%dma_start3A_151 : memref<2048xi32, #tpu.memory_space<hbm>>) target(%arg8 : memref<2048xi32, #tpu.memory_space<vmem>>) target_semaphore(%arg16 : memref<!tpu.dma_semaphore, #tpu.memory_space<semaphore_mem>>)
    %dma_start3A_152 = arith.constant 12288 : i32
    %dma_start3A_153 = tpu.memref_slice %arg4[%dma_start3A_152] : memref<16384xi32, #tpu.memory_space<hbm>> -> memref<2048xi32, #tpu.memory_space<hbm>>
    %dma_start3A_154 = arith.constant 12288 : i32
    %dma_start3A_155 = tpu.memref_slice %arg4[%dma_start3A_154] : memref<16384xi32, #tpu.memory_space<hbm>> -> memref<2048xi32, #tpu.memory_space<hbm>>
    tpu.enqueue_dma source(%dma_start3A_155 : memref<2048xi32, #tpu.memory_space<hbm>>) target(%arg10 : memref<2048xi32, #tpu.memory_space<vmem>>) target_semaphore(%arg18 : memref<!tpu.dma_semaphore, #tpu.memory_space<semaphore_mem>>)
    %dma_wait3A_156 = arith.constant 10240 : i32
    %dma_wait3A_157 = tpu.memref_slice %arg3[%dma_wait3A_156] : memref<16384xi32, #tpu.memory_space<hbm>> -> memref<2048xi32, #tpu.memory_space<hbm>>
    %dma_wait3A_158 = arith.constant 10240 : i32
    %dma_wait3A_159 = tpu.memref_slice %arg3[%dma_wait3A_158] : memref<16384xi32, #tpu.memory_space<hbm>> -> memref<2048xi32, #tpu.memory_space<hbm>>
    tpu.wait_dma2 semaphore(%arg17 : memref<!tpu.dma_semaphore, #tpu.memory_space<semaphore_mem>>) src(%dma_wait3A_159 : memref<2048xi32, #tpu.memory_space<hbm>>) dst(%arg9 : memref<2048xi32, #tpu.memory_space<vmem>>)
    %dma_wait3A_160 = arith.constant 10240 : i32
    %dma_wait3A_161 = tpu.memref_slice %arg4[%dma_wait3A_160] : memref<16384xi32, #tpu.memory_space<hbm>> -> memref<2048xi32, #tpu.memory_space<hbm>>
    %dma_wait3A_162 = arith.constant 10240 : i32
    %dma_wait3A_163 = tpu.memref_slice %arg4[%dma_wait3A_162] : memref<16384xi32, #tpu.memory_space<hbm>> -> memref<2048xi32, #tpu.memory_space<hbm>>
    tpu.wait_dma2 semaphore(%arg19 : memref<!tpu.dma_semaphore, #tpu.memory_space<semaphore_mem>>) src(%dma_wait3A_163 : memref<2048xi32, #tpu.memory_space<hbm>>) dst(%arg11 : memref<2048xi32, #tpu.memory_space<vmem>>)
    %dma_wait3A_164 = tpu.memref_slice %arg6[%add3A_118] : memref<4194304xbf16, #tpu.memory_space<hbm>> -> memref<8192xbf16, #tpu.memory_space<hbm>>
    %dma_wait3A_165 = tpu.memref_slice %arg6[%add3A_118] : memref<4194304xbf16, #tpu.memory_space<hbm>> -> memref<8192xbf16, #tpu.memory_space<hbm>>
    tpu.wait_dma2 semaphore(%arg21 : memref<!tpu.dma_semaphore, #tpu.memory_space<semaphore_mem>>) src(%arg14 : memref<8192xbf16, #tpu.memory_space<vmem>>) dst(%dma_wait3A_165 : memref<8192xbf16, #tpu.memory_space<hbm>>)
    %scan3A_166 = arith.constant 0 : i32
    %scan3A_167 = arith.constant 32 : i32
    %scan3A_168 = arith.addi %scan3A_166, %scan3A_167 : i32
    %scan3A_169 = arith.constant 1 : i32
    scf.for %scan3A_455 = %scan3A_166 to %scan3A_168 step %scan3A_169  : i32 {
      %mul3A_456 = arith.constant 4 : i32
      %mul3A_457 = arith.muli %scan3A_455, %mul3A_456 : i32
      %add3A_458 = arith.constant 0 : i32
      %add3A_459 = arith.addi %mul3A_457, %add3A_458 : i32
      %mul3A_460 = arith.constant 4 : i32
      %mul3A_461 = arith.muli %scan3A_455, %mul3A_460 : i32
      %add3A_462 = arith.constant 1 : i32
      %add3A_463 = arith.addi %mul3A_461, %add3A_462 : i32
      %mul3A_464 = arith.constant 4 : i32
      %mul3A_465 = arith.muli %scan3A_455, %mul3A_464 : i32
      %add3A_466 = arith.constant 2 : i32
      %add3A_467 = arith.addi %mul3A_465, %add3A_466 : i32
      %mul3A_468 = arith.constant 4 : i32
      %mul3A_469 = arith.muli %scan3A_455, %mul3A_468 : i32
      %add3A_470 = arith.constant 3 : i32
      %add3A_471 = arith.addi %mul3A_469, %add3A_470 : i32
      %mul3A_472 = arith.constant 16 : i32
      %mul3A_473 = arith.muli %add3A_459, %mul3A_472 : i32
      %get3A_474 = arith.index_cast %mul3A_473 : i32 to index
      %get3A_475 = tpu.vector_load %arg9[%get3A_474] {strides = array<i32>} : memref<2048xi32, #tpu.memory_space<vmem>>, vector<16xi32>,
      %mul3A_476 = arith.constant 16 : i32
      %mul3A_477 = arith.muli %add3A_463, %mul3A_476 : i32
      %get3A_478 = arith.index_cast %mul3A_477 : i32 to index
      %get3A_479 = tpu.vector_load %arg9[%get3A_478] {strides = array<i32>} : memref<2048xi32, #tpu.memory_space<vmem>>, vector<16xi32>,
      %mul3A_480 = arith.constant 16 : i32
      %mul3A_481 = arith.muli %add3A_467, %mul3A_480 : i32
      %get3A_482 = arith.index_cast %mul3A_481 : i32 to index
      %get3A_483 = tpu.vector_load %arg9[%get3A_482] {strides = array<i32>} : memref<2048xi32, #tpu.memory_space<vmem>>, vector<16xi32>,
      %mul3A_484 = arith.constant 16 : i32
      %mul3A_485 = arith.muli %add3A_471, %mul3A_484 : i32
      %get3A_486 = arith.index_cast %mul3A_485 : i32 to index
      %get3A_487 = tpu.vector_load %arg9[%get3A_486] {strides = array<i32>} : memref<2048xi32, #tpu.memory_space<vmem>>, vector<16xi32>,
      %mul3A_488 = arith.constant 16 : i32
      %mul3A_489 = arith.muli %add3A_459, %mul3A_488 : i32
      %get3A_490 = arith.index_cast %mul3A_489 : i32 to index
      %get3A_491 = tpu.vector_load %arg11[%get3A_490] {strides = array<i32>} : memref<2048xi32, #tpu.memory_space<vmem>>, vector<16xi32>,
      %mul3A_492 = arith.constant 16 : i32
      %mul3A_493 = arith.muli %add3A_463, %mul3A_492 : i32
      %get3A_494 = arith.index_cast %mul3A_493 : i32 to index
      %get3A_495 = tpu.vector_load %arg11[%get3A_494] {strides = array<i32>} : memref<2048xi32, #tpu.memory_space<vmem>>, vector<16xi32>,
      %mul3A_496 = arith.constant 16 : i32
      %mul3A_497 = arith.muli %add3A_467, %mul3A_496 : i32
      %get3A_498 = arith.index_cast %mul3A_497 : i32 to index
      %get3A_499 = tpu.vector_load %arg11[%get3A_498] {strides = array<i32>} : memref<2048xi32, #tpu.memory_space<vmem>>, vector<16xi32>,
      %mul3A_500 = arith.constant 16 : i32
      %mul3A_501 = arith.muli %add3A_471, %mul3A_500 : i32
      %get3A_502 = arith.index_cast %mul3A_501 : i32 to index
      %get3A_503 = tpu.vector_load %arg11[%get3A_502] {strides = array<i32>} : memref<2048xi32, #tpu.memory_space<vmem>>, vector<16xi32>,
      %gather3A_504 = tpu.vector_load_idx %arg7[%get3A_475] : memref<100000xf32, #tpu.memory_space<vmem>>[vector<16xi32>], vector<16xf32>,
      %gather3A_505 = tpu.vector_load_idx %arg7[%get3A_479] : memref<100000xf32, #tpu.memory_space<vmem>>[vector<16xi32>], vector<16xf32>,
      %gather3A_506 = tpu.vector_load_idx %arg7[%get3A_483] : memref<100000xf32, #tpu.memory_space<vmem>>[vector<16xi32>], vector<16xf32>,
      %gather3A_507 = tpu.vector_load_idx %arg7[%get3A_487] : memref<100000xf32, #tpu.memory_space<vmem>>[vector<16xi32>], vector<16xf32>,
      %gather3A_508 = tpu.vector_load_idx %arg7[%get3A_491] : memref<100000xf32, #tpu.memory_space<vmem>>[vector<16xi32>], vector<16xf32>,
      %gather3A_509 = tpu.vector_load_idx %arg7[%get3A_495] : memref<100000xf32, #tpu.memory_space<vmem>>[vector<16xi32>], vector<16xf32>,
      %gather3A_510 = tpu.vector_load_idx %arg7[%get3A_499] : memref<100000xf32, #tpu.memory_space<vmem>>[vector<16xi32>], vector<16xf32>,
      %gather3A_511 = tpu.vector_load_idx %arg7[%get3A_503] : memref<100000xf32, #tpu.memory_space<vmem>>[vector<16xi32>], vector<16xf32>,
      %mul3A_512 = arith.mulf %gather3A_504, %gather3A_508 : vector<16xf32>
      %mul3A_513 = arith.mulf %gather3A_505, %gather3A_509 : vector<16xf32>
      %pack3A = tpu.pack_subelements %mul3A_512, %mul3A_513 {pack_format = #tpu.pack_format<interleaved>, positions = array<i32: 0, 1>} : vector<16xf32>, vector<16xf32> -> vector<32xbf16>
      %mul3A_514 = arith.constant 16 : i32
      %mul3A_515 = arith.muli %add3A_459, %mul3A_514 : i32
      %add3A_516 = arith.constant 0 : i32
      %add3A_517 = arith.addi %add3A_516, %mul3A_515 : i32
      %swap3A = arith.index_cast %add3A_517 : i32 to index
      %swap3A_518 = tpu.vector_load %arg14[%swap3A] {strides = array<i32>} : memref<8192xbf16, #tpu.memory_space<vmem>>, vector<32xbf16>,
      tpu.vector_store %arg14[%swap3A], %pack3A {strides = array<i32>} : memref<8192xbf16, #tpu.memory_space<vmem>>, vector<32xbf16>,
      %mul3A_519 = arith.mulf %gather3A_504, %broadcast_in_dim3A : vector<16xf32>
      %mul3A_520 = arith.mulf %gather3A_505, %broadcast_in_dim3A : vector<16xf32>
      %pack3A_521 = tpu.pack_subelements %mul3A_519, %mul3A_520 {pack_format = #tpu.pack_format<interleaved>, positions = array<i32: 0, 1>} : vector<16xf32>, vector<16xf32> -> vector<32xbf16>
      %mul3A_522 = arith.constant 16 : i32
      %mul3A_523 = arith.muli %add3A_459, %mul3A_522 : i32
      %add3A_524 = arith.constant 2048 : i32
      %add3A_525 = arith.addi %add3A_524, %mul3A_523 : i32
      %swap3A_526 = arith.index_cast %add3A_525 : i32 to index
      %swap3A_527 = tpu.vector_load %arg14[%swap3A_526] {strides = array<i32>} : memref<8192xbf16, #tpu.memory_space<vmem>>, vector<32xbf16>,
      tpu.vector_store %arg14[%swap3A_526], %pack3A_521 {strides = array<i32>} : memref<8192xbf16, #tpu.memory_space<vmem>>, vector<32xbf16>,
      %mul3A_528 = arith.mulf %gather3A_504, %broadcast_in_dim3A_13 : vector<16xf32>
      %mul3A_529 = arith.mulf %gather3A_505, %broadcast_in_dim3A_13 : vector<16xf32>
      %pack3A_530 = tpu.pack_subelements %mul3A_528, %mul3A_529 {pack_format = #tpu.pack_format<interleaved>, positions = array<i32: 0, 1>} : vector<16xf32>, vector<16xf32> -> vector<32xbf16>
      %mul3A_531 = arith.constant 16 : i32
      %mul3A_532 = arith.muli %add3A_459, %mul3A_531 : i32
      %add3A_533 = arith.constant 4096 : i32
      %add3A_534 = arith.addi %add3A_533, %mul3A_532 : i32
      %swap3A_535 = arith.index_cast %add3A_534 : i32 to index
      %swap3A_536 = tpu.vector_load %arg14[%swap3A_535] {strides = array<i32>} : memref<8192xbf16, #tpu.memory_space<vmem>>, vector<32xbf16>,
      tpu.vector_store %arg14[%swap3A_535], %pack3A_530 {strides = array<i32>} : memref<8192xbf16, #tpu.memory_space<vmem>>, vector<32xbf16>,
      %mul3A_537 = arith.mulf %gather3A_504, %broadcast_in_dim3A_16 : vector<16xf32>
      %mul3A_538 = arith.mulf %gather3A_505, %broadcast_in_dim3A_16 : vector<16xf32>
      %pack3A_539 = tpu.pack_subelements %mul3A_537, %mul3A_538 {pack_format = #tpu.pack_format<interleaved>, positions = array<i32: 0, 1>} : vector<16xf32>, vector<16xf32> -> vector<32xbf16>
      %mul3A_540 = arith.constant 16 : i32
      %mul3A_541 = arith.muli %add3A_459, %mul3A_540 : i32
      %add3A_542 = arith.constant 6144 : i32
      %add3A_543 = arith.addi %add3A_542, %mul3A_541 : i32
      %swap3A_544 = arith.index_cast %add3A_543 : i32 to index
      %swap3A_545 = tpu.vector_load %arg14[%swap3A_544] {strides = array<i32>} : memref<8192xbf16, #tpu.memory_space<vmem>>, vector<32xbf16>,
      tpu.vector_store %arg14[%swap3A_544], %pack3A_539 {strides = array<i32>} : memref<8192xbf16, #tpu.memory_space<vmem>>, vector<32xbf16>,
      %mul3A_546 = arith.mulf %gather3A_506, %gather3A_510 : vector<16xf32>
      %mul3A_547 = arith.mulf %gather3A_507, %gather3A_511 : vector<16xf32>
      %pack3A_548 = tpu.pack_subelements %mul3A_546, %mul3A_547 {pack_format = #tpu.pack_format<interleaved>, positions = array<i32: 0, 1>} : vector<16xf32>, vector<16xf32> -> vector<32xbf16>
      %mul3A_549 = arith.constant 16 : i32
      %mul3A_550 = arith.muli %add3A_467, %mul3A_549 : i32
      %add3A_551 = arith.constant 0 : i32
      %add3A_552 = arith.addi %add3A_551, %mul3A_550 : i32
      %swap3A_553 = arith.index_cast %add3A_552 : i32 to index
      %swap3A_554 = tpu.vector_load %arg14[%swap3A_553] {strides = array<i32>} : memref<8192xbf16, #tpu.memory_space<vmem>>, vector<32xbf16>,
      tpu.vector_store %arg14[%swap3A_553], %pack3A_548 {strides = array<i32>} : memref<8192xbf16, #tpu.memory_space<vmem>>, vector<32xbf16>,
      %mul3A_555 = arith.mulf %gather3A_506, %broadcast_in_dim3A : vector<16xf32>
      %mul3A_556 = arith.mulf %gather3A_507, %broadcast_in_dim3A : vector<16xf32>
      %pack3A_557 = tpu.pack_subelements %mul3A_555, %mul3A_556 {pack_format = #tpu.pack_format<interleaved>, positions = array<i32: 0, 1>} : vector<16xf32>, vector<16xf32> -> vector<32xbf16>
      %mul3A_558 = arith.constant 16 : i32
      %mul3A_559 = arith.muli %add3A_467, %mul3A_558 : i32
      %add3A_560 = arith.constant 2048 : i32
      %add3A_561 = arith.addi %add3A_560, %mul3A_559 : i32
      %swap3A_562 = arith.index_cast %add3A_561 : i32 to index
      %swap3A_563 = tpu.vector_load %arg14[%swap3A_562] {strides = array<i32>} : memref<8192xbf16, #tpu.memory_space<vmem>>, vector<32xbf16>,
      tpu.vector_store %arg14[%swap3A_562], %pack3A_557 {strides = array<i32>} : memref<8192xbf16, #tpu.memory_space<vmem>>, vector<32xbf16>,
      %mul3A_564 = arith.mulf %gather3A_506, %broadcast_in_dim3A_13 : vector<16xf32>
      %mul3A_565 = arith.mulf %gather3A_507, %broadcast_in_dim3A_13 : vector<16xf32>
      %pack3A_566 = tpu.pack_subelements %mul3A_564, %mul3A_565 {pack_format = #tpu.pack_format<interleaved>, positions = array<i32: 0, 1>} : vector<16xf32>, vector<16xf32> -> vector<32xbf16>
      %mul3A_567 = arith.constant 16 : i32
      %mul3A_568 = arith.muli %add3A_467, %mul3A_567 : i32
      %add3A_569 = arith.constant 4096 : i32
      %add3A_570 = arith.addi %add3A_569, %mul3A_568 : i32
      %swap3A_571 = arith.index_cast %add3A_570 : i32 to index
      %swap3A_572 = tpu.vector_load %arg14[%swap3A_571] {strides = array<i32>} : memref<8192xbf16, #tpu.memory_space<vmem>>, vector<32xbf16>,
      tpu.vector_store %arg14[%swap3A_571], %pack3A_566 {strides = array<i32>} : memref<8192xbf16, #tpu.memory_space<vmem>>, vector<32xbf16>,
      %mul3A_573 = arith.mulf %gather3A_506, %broadcast_in_dim3A_16 : vector<16xf32>
      %mul3A_574 = arith.mulf %gather3A_507, %broadcast_in_dim3A_16 : vector<16xf32>
      %pack3A_575 = tpu.pack_subelements %mul3A_573, %mul3A_574 {pack_format = #tpu.pack_format<interleaved>, positions = array<i32: 0, 1>} : vector<16xf32>, vector<16xf32> -> vector<32xbf16>
      %mul3A_576 = arith.constant 16 : i32
      %mul3A_577 = arith.muli %add3A_467, %mul3A_576 : i32
      %add3A_578 = arith.constant 6144 : i32
      %add3A_579 = arith.addi %add3A_578, %mul3A_577 : i32
      %swap3A_580 = arith.index_cast %add3A_579 : i32 to index
      %swap3A_581 = tpu.vector_load %arg14[%swap3A_580] {strides = array<i32>} : memref<8192xbf16, #tpu.memory_space<vmem>>, vector<32xbf16>,
      tpu.vector_store %arg14[%swap3A_580], %pack3A_575 {strides = array<i32>} : memref<8192xbf16, #tpu.memory_space<vmem>>, vector<32xbf16>,
    }
    %scan3A_170 = arith.constant 32 : i32
    %add3A_171 = arith.constant 40960 : i32
    %add3A_172 = arith.addi %mul3A_18, %add3A_171 : i32
    %dma_start3A_173 = tpu.memref_slice %arg6[%add3A_172] : memref<4194304xbf16, #tpu.memory_space<hbm>> -> memref<8192xbf16, #tpu.memory_space<hbm>>
    %dma_start3A_174 = tpu.memref_slice %arg6[%add3A_172] : memref<4194304xbf16, #tpu.memory_space<hbm>> -> memref<8192xbf16, #tpu.memory_space<hbm>>
    tpu.enqueue_dma source(%arg14 : memref<8192xbf16, #tpu.memory_space<vmem>>) target(%dma_start3A_174 : memref<8192xbf16, #tpu.memory_space<hbm>>) target_semaphore(%arg21 : memref<!tpu.dma_semaphore, #tpu.memory_space<semaphore_mem>>)
    %dma_start3A_175 = arith.constant 14336 : i32
    %dma_start3A_176 = tpu.memref_slice %arg3[%dma_start3A_175] : memref<16384xi32, #tpu.memory_space<hbm>> -> memref<2048xi32, #tpu.memory_space<hbm>>
    %dma_start3A_177 = arith.constant 14336 : i32
    %dma_start3A_178 = tpu.memref_slice %arg3[%dma_start3A_177] : memref<16384xi32, #tpu.memory_space<hbm>> -> memref<2048xi32, #tpu.memory_space<hbm>>
    tpu.enqueue_dma source(%dma_start3A_178 : memref<2048xi32, #tpu.memory_space<hbm>>) target(%arg9 : memref<2048xi32, #tpu.memory_space<vmem>>) target_semaphore(%arg17 : memref<!tpu.dma_semaphore, #tpu.memory_space<semaphore_mem>>)
    %dma_start3A_179 = arith.constant 14336 : i32
    %dma_start3A_180 = tpu.memref_slice %arg4[%dma_start3A_179] : memref<16384xi32, #tpu.memory_space<hbm>> -> memref<2048xi32, #tpu.memory_space<hbm>>
    %dma_start3A_181 = arith.constant 14336 : i32
    %dma_start3A_182 = tpu.memref_slice %arg4[%dma_start3A_181] : memref<16384xi32, #tpu.memory_space<hbm>> -> memref<2048xi32, #tpu.memory_space<hbm>>
    tpu.enqueue_dma source(%dma_start3A_182 : memref<2048xi32, #tpu.memory_space<hbm>>) target(%arg11 : memref<2048xi32, #tpu.memory_space<vmem>>) target_semaphore(%arg19 : memref<!tpu.dma_semaphore, #tpu.memory_space<semaphore_mem>>)
    %dma_wait3A_183 = arith.constant 12288 : i32
    %dma_wait3A_184 = tpu.memref_slice %arg3[%dma_wait3A_183] : memref<16384xi32, #tpu.memory_space<hbm>> -> memref<2048xi32, #tpu.memory_space<hbm>>
    %dma_wait3A_185 = arith.constant 12288 : i32
    %dma_wait3A_186 = tpu.memref_slice %arg3[%dma_wait3A_185] : memref<16384xi32, #tpu.memory_space<hbm>> -> memref<2048xi32, #tpu.memory_space<hbm>>
    tpu.wait_dma2 semaphore(%arg16 : memref<!tpu.dma_semaphore, #tpu.memory_space<semaphore_mem>>) src(%dma_wait3A_186 : memref<2048xi32, #tpu.memory_space<hbm>>) dst(%arg8 : memref<2048xi32, #tpu.memory_space<vmem>>)
    %dma_wait3A_187 = arith.constant 12288 : i32
    %dma_wait3A_188 = tpu.memref_slice %arg4[%dma_wait3A_187] : memref<16384xi32, #tpu.memory_space<hbm>> -> memref<2048xi32, #tpu.memory_space<hbm>>
    %dma_wait3A_189 = arith.constant 12288 : i32
    %dma_wait3A_190 = tpu.memref_slice %arg4[%dma_wait3A_189] : memref<16384xi32, #tpu.memory_space<hbm>> -> memref<2048xi32, #tpu.memory_space<hbm>>
    tpu.wait_dma2 semaphore(%arg18 : memref<!tpu.dma_semaphore, #tpu.memory_space<semaphore_mem>>) src(%dma_wait3A_190 : memref<2048xi32, #tpu.memory_space<hbm>>) dst(%arg10 : memref<2048xi32, #tpu.memory_space<vmem>>)
    %dma_wait3A_191 = tpu.memref_slice %arg6[%add3A_145] : memref<4194304xbf16, #tpu.memory_space<hbm>> -> memref<8192xbf16, #tpu.memory_space<hbm>>
    %dma_wait3A_192 = tpu.memref_slice %arg6[%add3A_145] : memref<4194304xbf16, #tpu.memory_space<hbm>> -> memref<8192xbf16, #tpu.memory_space<hbm>>
    tpu.wait_dma2 semaphore(%arg20 : memref<!tpu.dma_semaphore, #tpu.memory_space<semaphore_mem>>) src(%arg13 : memref<8192xbf16, #tpu.memory_space<vmem>>) dst(%dma_wait3A_192 : memref<8192xbf16, #tpu.memory_space<hbm>>)
    %scan3A_193 = arith.constant 0 : i32
    %scan3A_194 = arith.constant 32 : i32
    %scan3A_195 = arith.addi %scan3A_193, %scan3A_194 : i32
    %scan3A_196 = arith.constant 1 : i32
    scf.for %scan3A_455 = %scan3A_193 to %scan3A_195 step %scan3A_196  : i32 {
      %mul3A_456 = arith.constant 4 : i32
      %mul3A_457 = arith.muli %scan3A_455, %mul3A_456 : i32
      %add3A_458 = arith.constant 0 : i32
      %add3A_459 = arith.addi %mul3A_457, %add3A_458 : i32
      %mul3A_460 = arith.constant 4 : i32
      %mul3A_461 = arith.muli %scan3A_455, %mul3A_460 : i32
      %add3A_462 = arith.constant 1 : i32
      %add3A_463 = arith.addi %mul3A_461, %add3A_462 : i32
      %mul3A_464 = arith.constant 4 : i32
      %mul3A_465 = arith.muli %scan3A_455, %mul3A_464 : i32
      %add3A_466 = arith.constant 2 : i32
      %add3A_467 = arith.addi %mul3A_465, %add3A_466 : i32
      %mul3A_468 = arith.constant 4 : i32
      %mul3A_469 = arith.muli %scan3A_455, %mul3A_468 : i32
      %add3A_470 = arith.constant 3 : i32
      %add3A_471 = arith.addi %mul3A_469, %add3A_470 : i32
      %mul3A_472 = arith.constant 16 : i32
      %mul3A_473 = arith.muli %add3A_459, %mul3A_472 : i32
      %get3A_474 = arith.index_cast %mul3A_473 : i32 to index
      %get3A_475 = tpu.vector_load %arg8[%get3A_474] {strides = array<i32>} : memref<2048xi32, #tpu.memory_space<vmem>>, vector<16xi32>,
      %mul3A_476 = arith.constant 16 : i32
      %mul3A_477 = arith.muli %add3A_463, %mul3A_476 : i32
      %get3A_478 = arith.index_cast %mul3A_477 : i32 to index
      %get3A_479 = tpu.vector_load %arg8[%get3A_478] {strides = array<i32>} : memref<2048xi32, #tpu.memory_space<vmem>>, vector<16xi32>,
      %mul3A_480 = arith.constant 16 : i32
      %mul3A_481 = arith.muli %add3A_467, %mul3A_480 : i32
      %get3A_482 = arith.index_cast %mul3A_481 : i32 to index
      %get3A_483 = tpu.vector_load %arg8[%get3A_482] {strides = array<i32>} : memref<2048xi32, #tpu.memory_space<vmem>>, vector<16xi32>,
      %mul3A_484 = arith.constant 16 : i32
      %mul3A_485 = arith.muli %add3A_471, %mul3A_484 : i32
      %get3A_486 = arith.index_cast %mul3A_485 : i32 to index
      %get3A_487 = tpu.vector_load %arg8[%get3A_486] {strides = array<i32>} : memref<2048xi32, #tpu.memory_space<vmem>>, vector<16xi32>,
      %mul3A_488 = arith.constant 16 : i32
      %mul3A_489 = arith.muli %add3A_459, %mul3A_488 : i32
      %get3A_490 = arith.index_cast %mul3A_489 : i32 to index
      %get3A_491 = tpu.vector_load %arg10[%get3A_490] {strides = array<i32>} : memref<2048xi32, #tpu.memory_space<vmem>>, vector<16xi32>,
      %mul3A_492 = arith.constant 16 : i32
      %mul3A_493 = arith.muli %add3A_463, %mul3A_492 : i32
      %get3A_494 = arith.index_cast %mul3A_493 : i32 to index
      %get3A_495 = tpu.vector_load %arg10[%get3A_494] {strides = array<i32>} : memref<2048xi32, #tpu.memory_space<vmem>>, vector<16xi32>,
      %mul3A_496 = arith.constant 16 : i32
      %mul3A_497 = arith.muli %add3A_467, %mul3A_496 : i32
      %get3A_498 = arith.index_cast %mul3A_497 : i32 to index
      %get3A_499 = tpu.vector_load %arg10[%get3A_498] {strides = array<i32>} : memref<2048xi32, #tpu.memory_space<vmem>>, vector<16xi32>,
      %mul3A_500 = arith.constant 16 : i32
      %mul3A_501 = arith.muli %add3A_471, %mul3A_500 : i32
      %get3A_502 = arith.index_cast %mul3A_501 : i32 to index
      %get3A_503 = tpu.vector_load %arg10[%get3A_502] {strides = array<i32>} : memref<2048xi32, #tpu.memory_space<vmem>>, vector<16xi32>,
      %gather3A_504 = tpu.vector_load_idx %arg7[%get3A_475] : memref<100000xf32, #tpu.memory_space<vmem>>[vector<16xi32>], vector<16xf32>,
      %gather3A_505 = tpu.vector_load_idx %arg7[%get3A_479] : memref<100000xf32, #tpu.memory_space<vmem>>[vector<16xi32>], vector<16xf32>,
      %gather3A_506 = tpu.vector_load_idx %arg7[%get3A_483] : memref<100000xf32, #tpu.memory_space<vmem>>[vector<16xi32>], vector<16xf32>,
      %gather3A_507 = tpu.vector_load_idx %arg7[%get3A_487] : memref<100000xf32, #tpu.memory_space<vmem>>[vector<16xi32>], vector<16xf32>,
      %gather3A_508 = tpu.vector_load_idx %arg7[%get3A_491] : memref<100000xf32, #tpu.memory_space<vmem>>[vector<16xi32>], vector<16xf32>,
      %gather3A_509 = tpu.vector_load_idx %arg7[%get3A_495] : memref<100000xf32, #tpu.memory_space<vmem>>[vector<16xi32>], vector<16xf32>,
      %gather3A_510 = tpu.vector_load_idx %arg7[%get3A_499] : memref<100000xf32, #tpu.memory_space<vmem>>[vector<16xi32>], vector<16xf32>,
      %gather3A_511 = tpu.vector_load_idx %arg7[%get3A_503] : memref<100000xf32, #tpu.memory_space<vmem>>[vector<16xi32>], vector<16xf32>,
      %mul3A_512 = arith.mulf %gather3A_504, %gather3A_508 : vector<16xf32>
      %mul3A_513 = arith.mulf %gather3A_505, %gather3A_509 : vector<16xf32>
      %pack3A = tpu.pack_subelements %mul3A_512, %mul3A_513 {pack_format = #tpu.pack_format<interleaved>, positions = array<i32: 0, 1>} : vector<16xf32>, vector<16xf32> -> vector<32xbf16>
      %mul3A_514 = arith.constant 16 : i32
      %mul3A_515 = arith.muli %add3A_459, %mul3A_514 : i32
      %add3A_516 = arith.constant 0 : i32
      %add3A_517 = arith.addi %add3A_516, %mul3A_515 : i32
      %swap3A = arith.index_cast %add3A_517 : i32 to index
      %swap3A_518 = tpu.vector_load %arg13[%swap3A] {strides = array<i32>} : memref<8192xbf16, #tpu.memory_space<vmem>>, vector<32xbf16>,
      tpu.vector_store %arg13[%swap3A], %pack3A {strides = array<i32>} : memref<8192xbf16, #tpu.memory_space<vmem>>, vector<32xbf16>,
      %mul3A_519 = arith.mulf %gather3A_504, %broadcast_in_dim3A : vector<16xf32>
      %mul3A_520 = arith.mulf %gather3A_505, %broadcast_in_dim3A : vector<16xf32>
      %pack3A_521 = tpu.pack_subelements %mul3A_519, %mul3A_520 {pack_format = #tpu.pack_format<interleaved>, positions = array<i32: 0, 1>} : vector<16xf32>, vector<16xf32> -> vector<32xbf16>
      %mul3A_522 = arith.constant 16 : i32
      %mul3A_523 = arith.muli %add3A_459, %mul3A_522 : i32
      %add3A_524 = arith.constant 2048 : i32
      %add3A_525 = arith.addi %add3A_524, %mul3A_523 : i32
      %swap3A_526 = arith.index_cast %add3A_525 : i32 to index
      %swap3A_527 = tpu.vector_load %arg13[%swap3A_526] {strides = array<i32>} : memref<8192xbf16, #tpu.memory_space<vmem>>, vector<32xbf16>,
      tpu.vector_store %arg13[%swap3A_526], %pack3A_521 {strides = array<i32>} : memref<8192xbf16, #tpu.memory_space<vmem>>, vector<32xbf16>,
      %mul3A_528 = arith.mulf %gather3A_504, %broadcast_in_dim3A_13 : vector<16xf32>
      %mul3A_529 = arith.mulf %gather3A_505, %broadcast_in_dim3A_13 : vector<16xf32>
      %pack3A_530 = tpu.pack_subelements %mul3A_528, %mul3A_529 {pack_format = #tpu.pack_format<interleaved>, positions = array<i32: 0, 1>} : vector<16xf32>, vector<16xf32> -> vector<32xbf16>
      %mul3A_531 = arith.constant 16 : i32
      %mul3A_532 = arith.muli %add3A_459, %mul3A_531 : i32
      %add3A_533 = arith.constant 4096 : i32
      %add3A_534 = arith.addi %add3A_533, %mul3A_532 : i32
      %swap3A_535 = arith.index_cast %add3A_534 : i32 to index
      %swap3A_536 = tpu.vector_load %arg13[%swap3A_535] {strides = array<i32>} : memref<8192xbf16, #tpu.memory_space<vmem>>, vector<32xbf16>,
      tpu.vector_store %arg13[%swap3A_535], %pack3A_530 {strides = array<i32>} : memref<8192xbf16, #tpu.memory_space<vmem>>, vector<32xbf16>,
      %mul3A_537 = arith.mulf %gather3A_504, %broadcast_in_dim3A_16 : vector<16xf32>
      %mul3A_538 = arith.mulf %gather3A_505, %broadcast_in_dim3A_16 : vector<16xf32>
      %pack3A_539 = tpu.pack_subelements %mul3A_537, %mul3A_538 {pack_format = #tpu.pack_format<interleaved>, positions = array<i32: 0, 1>} : vector<16xf32>, vector<16xf32> -> vector<32xbf16>
      %mul3A_540 = arith.constant 16 : i32
      %mul3A_541 = arith.muli %add3A_459, %mul3A_540 : i32
      %add3A_542 = arith.constant 6144 : i32
      %add3A_543 = arith.addi %add3A_542, %mul3A_541 : i32
      %swap3A_544 = arith.index_cast %add3A_543 : i32 to index
      %swap3A_545 = tpu.vector_load %arg13[%swap3A_544] {strides = array<i32>} : memref<8192xbf16, #tpu.memory_space<vmem>>, vector<32xbf16>,
      tpu.vector_store %arg13[%swap3A_544], %pack3A_539 {strides = array<i32>} : memref<8192xbf16, #tpu.memory_space<vmem>>, vector<32xbf16>,
      %mul3A_546 = arith.mulf %gather3A_506, %gather3A_510 : vector<16xf32>
      %mul3A_547 = arith.mulf %gather3A_507, %gather3A_511 : vector<16xf32>
      %pack3A_548 = tpu.pack_subelements %mul3A_546, %mul3A_547 {pack_format = #tpu.pack_format<interleaved>, positions = array<i32: 0, 1>} : vector<16xf32>, vector<16xf32> -> vector<32xbf16>
      %mul3A_549 = arith.constant 16 : i32
      %mul3A_550 = arith.muli %add3A_467, %mul3A_549 : i32
      %add3A_551 = arith.constant 0 : i32
      %add3A_552 = arith.addi %add3A_551, %mul3A_550 : i32
      %swap3A_553 = arith.index_cast %add3A_552 : i32 to index
      %swap3A_554 = tpu.vector_load %arg13[%swap3A_553] {strides = array<i32>} : memref<8192xbf16, #tpu.memory_space<vmem>>, vector<32xbf16>,
      tpu.vector_store %arg13[%swap3A_553], %pack3A_548 {strides = array<i32>} : memref<8192xbf16, #tpu.memory_space<vmem>>, vector<32xbf16>,
      %mul3A_555 = arith.mulf %gather3A_506, %broadcast_in_dim3A : vector<16xf32>
      %mul3A_556 = arith.mulf %gather3A_507, %broadcast_in_dim3A : vector<16xf32>
      %pack3A_557 = tpu.pack_subelements %mul3A_555, %mul3A_556 {pack_format = #tpu.pack_format<interleaved>, positions = array<i32: 0, 1>} : vector<16xf32>, vector<16xf32> -> vector<32xbf16>
      %mul3A_558 = arith.constant 16 : i32
      %mul3A_559 = arith.muli %add3A_467, %mul3A_558 : i32
      %add3A_560 = arith.constant 2048 : i32
      %add3A_561 = arith.addi %add3A_560, %mul3A_559 : i32
      %swap3A_562 = arith.index_cast %add3A_561 : i32 to index
      %swap3A_563 = tpu.vector_load %arg13[%swap3A_562] {strides = array<i32>} : memref<8192xbf16, #tpu.memory_space<vmem>>, vector<32xbf16>,
      tpu.vector_store %arg13[%swap3A_562], %pack3A_557 {strides = array<i32>} : memref<8192xbf16, #tpu.memory_space<vmem>>, vector<32xbf16>,
      %mul3A_564 = arith.mulf %gather3A_506, %broadcast_in_dim3A_13 : vector<16xf32>
      %mul3A_565 = arith.mulf %gather3A_507, %broadcast_in_dim3A_13 : vector<16xf32>
      %pack3A_566 = tpu.pack_subelements %mul3A_564, %mul3A_565 {pack_format = #tpu.pack_format<interleaved>, positions = array<i32: 0, 1>} : vector<16xf32>, vector<16xf32> -> vector<32xbf16>
      %mul3A_567 = arith.constant 16 : i32
      %mul3A_568 = arith.muli %add3A_467, %mul3A_567 : i32
      %add3A_569 = arith.constant 4096 : i32
      %add3A_570 = arith.addi %add3A_569, %mul3A_568 : i32
      %swap3A_571 = arith.index_cast %add3A_570 : i32 to index
      %swap3A_572 = tpu.vector_load %arg13[%swap3A_571] {strides = array<i32>} : memref<8192xbf16, #tpu.memory_space<vmem>>, vector<32xbf16>,
      tpu.vector_store %arg13[%swap3A_571], %pack3A_566 {strides = array<i32>} : memref<8192xbf16, #tpu.memory_space<vmem>>, vector<32xbf16>,
      %mul3A_573 = arith.mulf %gather3A_506, %broadcast_in_dim3A_16 : vector<16xf32>
      %mul3A_574 = arith.mulf %gather3A_507, %broadcast_in_dim3A_16 : vector<16xf32>
      %pack3A_575 = tpu.pack_subelements %mul3A_573, %mul3A_574 {pack_format = #tpu.pack_format<interleaved>, positions = array<i32: 0, 1>} : vector<16xf32>, vector<16xf32> -> vector<32xbf16>
      %mul3A_576 = arith.constant 16 : i32
      %mul3A_577 = arith.muli %add3A_467, %mul3A_576 : i32
      %add3A_578 = arith.constant 6144 : i32
      %add3A_579 = arith.addi %add3A_578, %mul3A_577 : i32
      %swap3A_580 = arith.index_cast %add3A_579 : i32 to index
      %swap3A_581 = tpu.vector_load %arg13[%swap3A_580] {strides = array<i32>} : memref<8192xbf16, #tpu.memory_space<vmem>>, vector<32xbf16>,
      tpu.vector_store %arg13[%swap3A_580], %pack3A_575 {strides = array<i32>} : memref<8192xbf16, #tpu.memory_space<vmem>>, vector<32xbf16>,
    }
    %scan3A_197 = arith.constant 32 : i32
    %add3A_198 = arith.constant 49152 : i32
    %add3A_199 = arith.addi %mul3A_18, %add3A_198 : i32
    %dma_start3A_200 = tpu.memref_slice %arg6[%add3A_199] : memref<4194304xbf16, #tpu.memory_space<hbm>> -> memref<8192xbf16, #tpu.memory_space<hbm>>
    %dma_start3A_201 = tpu.memref_slice %arg6[%add3A_199] : memref<4194304xbf16, #tpu.memory_space<hbm>> -> memref<8192xbf16, #tpu.memory_space<hbm>>
    tpu.enqueue_dma source(%arg13 : memref<8192xbf16, #tpu.memory_space<vmem>>) target(%dma_start3A_201 : memref<8192xbf16, #tpu.memory_space<hbm>>) target_semaphore(%arg20 : memref<!tpu.dma_semaphore, #tpu.memory_space<semaphore_mem>>)
    %dma_wait3A_202 = arith.constant 14336 : i32
    %dma_wait3A_203 = tpu.memref_slice %arg3[%dma_wait3A_202] : memref<16384xi32, #tpu.memory_space<hbm>> -> memref<2048xi32, #tpu.memory_space<hbm>>
    %dma_wait3A_204 = arith.constant 14336 : i32
    %dma_wait3A_205 = tpu.memref_slice %arg3[%dma_wait3A_204] : memref<16384xi32, #tpu.memory_space<hbm>> -> memref<2048xi32, #tpu.memory_space<hbm>>
    tpu.wait_dma2 semaphore(%arg17 : memref<!tpu.dma_semaphore, #tpu.memory_space<semaphore_mem>>) src(%dma_wait3A_205 : memref<2048xi32, #tpu.memory_space<hbm>>) dst(%arg9 : memref<2048xi32, #tpu.memory_space<vmem>>)
    %dma_wait3A_206 = arith.constant 14336 : i32
    %dma_wait3A_207 = tpu.memref_slice %arg4[%dma_wait3A_206] : memref<16384xi32, #tpu.memory_space<hbm>> -> memref<2048xi32, #tpu.memory_space<hbm>>
    %dma_wait3A_208 = arith.constant 14336 : i32
    %dma_wait3A_209 = tpu.memref_slice %arg4[%dma_wait3A_208] : memref<16384xi32, #tpu.memory_space<hbm>> -> memref<2048xi32, #tpu.memory_space<hbm>>
    tpu.wait_dma2 semaphore(%arg19 : memref<!tpu.dma_semaphore, #tpu.memory_space<semaphore_mem>>) src(%dma_wait3A_209 : memref<2048xi32, #tpu.memory_space<hbm>>) dst(%arg11 : memref<2048xi32, #tpu.memory_space<vmem>>)
    %dma_wait3A_210 = tpu.memref_slice %arg6[%add3A_172] : memref<4194304xbf16, #tpu.memory_space<hbm>> -> memref<8192xbf16, #tpu.memory_space<hbm>>
    %dma_wait3A_211 = tpu.memref_slice %arg6[%add3A_172] : memref<4194304xbf16, #tpu.memory_space<hbm>> -> memref<8192xbf16, #tpu.memory_space<hbm>>
    tpu.wait_dma2 semaphore(%arg21 : memref<!tpu.dma_semaphore, #tpu.memory_space<semaphore_mem>>) src(%arg14 : memref<8192xbf16, #tpu.memory_space<vmem>>) dst(%dma_wait3A_211 : memref<8192xbf16, #tpu.memory_space<hbm>>)
    %scan3A_212 = arith.constant 0 : i32
    %scan3A_213 = arith.constant 32 : i32
    %scan3A_214 = arith.addi %scan3A_212, %scan3A_213 : i32
    %scan3A_215 = arith.constant 1 : i32
    scf.for %scan3A_455 = %scan3A_212 to %scan3A_214 step %scan3A_215  : i32 {
      %mul3A_456 = arith.constant 4 : i32
      %mul3A_457 = arith.muli %scan3A_455, %mul3A_456 : i32
      %add3A_458 = arith.constant 0 : i32
      %add3A_459 = arith.addi %mul3A_457, %add3A_458 : i32
      %mul3A_460 = arith.constant 4 : i32
      %mul3A_461 = arith.muli %scan3A_455, %mul3A_460 : i32
      %add3A_462 = arith.constant 1 : i32
      %add3A_463 = arith.addi %mul3A_461, %add3A_462 : i32
      %mul3A_464 = arith.constant 4 : i32
      %mul3A_465 = arith.muli %scan3A_455, %mul3A_464 : i32
      %add3A_466 = arith.constant 2 : i32
      %add3A_467 = arith.addi %mul3A_465, %add3A_466 : i32
      %mul3A_468 = arith.constant 4 : i32
      %mul3A_469 = arith.muli %scan3A_455, %mul3A_468 : i32
      %add3A_470 = arith.constant 3 : i32
      %add3A_471 = arith.addi %mul3A_469, %add3A_470 : i32
      %mul3A_472 = arith.constant 16 : i32
      %mul3A_473 = arith.muli %add3A_459, %mul3A_472 : i32
      %get3A_474 = arith.index_cast %mul3A_473 : i32 to index
      %get3A_475 = tpu.vector_load %arg9[%get3A_474] {strides = array<i32>} : memref<2048xi32, #tpu.memory_space<vmem>>, vector<16xi32>,
      %mul3A_476 = arith.constant 16 : i32
      %mul3A_477 = arith.muli %add3A_463, %mul3A_476 : i32
      %get3A_478 = arith.index_cast %mul3A_477 : i32 to index
      %get3A_479 = tpu.vector_load %arg9[%get3A_478] {strides = array<i32>} : memref<2048xi32, #tpu.memory_space<vmem>>, vector<16xi32>,
      %mul3A_480 = arith.constant 16 : i32
      %mul3A_481 = arith.muli %add3A_467, %mul3A_480 : i32
      %get3A_482 = arith.index_cast %mul3A_481 : i32 to index
      %get3A_483 = tpu.vector_load %arg9[%get3A_482] {strides = array<i32>} : memref<2048xi32, #tpu.memory_space<vmem>>, vector<16xi32>,
      %mul3A_484 = arith.constant 16 : i32
      %mul3A_485 = arith.muli %add3A_471, %mul3A_484 : i32
      %get3A_486 = arith.index_cast %mul3A_485 : i32 to index
      %get3A_487 = tpu.vector_load %arg9[%get3A_486] {strides = array<i32>} : memref<2048xi32, #tpu.memory_space<vmem>>, vector<16xi32>,
      %mul3A_488 = arith.constant 16 : i32
      %mul3A_489 = arith.muli %add3A_459, %mul3A_488 : i32
      %get3A_490 = arith.index_cast %mul3A_489 : i32 to index
      %get3A_491 = tpu.vector_load %arg11[%get3A_490] {strides = array<i32>} : memref<2048xi32, #tpu.memory_space<vmem>>, vector<16xi32>,
      %mul3A_492 = arith.constant 16 : i32
      %mul3A_493 = arith.muli %add3A_463, %mul3A_492 : i32
      %get3A_494 = arith.index_cast %mul3A_493 : i32 to index
      %get3A_495 = tpu.vector_load %arg11[%get3A_494] {strides = array<i32>} : memref<2048xi32, #tpu.memory_space<vmem>>, vector<16xi32>,
      %mul3A_496 = arith.constant 16 : i32
      %mul3A_497 = arith.muli %add3A_467, %mul3A_496 : i32
      %get3A_498 = arith.index_cast %mul3A_497 : i32 to index
      %get3A_499 = tpu.vector_load %arg11[%get3A_498] {strides = array<i32>} : memref<2048xi32, #tpu.memory_space<vmem>>, vector<16xi32>,
      %mul3A_500 = arith.constant 16 : i32
      %mul3A_501 = arith.muli %add3A_471, %mul3A_500 : i32
      %get3A_502 = arith.index_cast %mul3A_501 : i32 to index
      %get3A_503 = tpu.vector_load %arg11[%get3A_502] {strides = array<i32>} : memref<2048xi32, #tpu.memory_space<vmem>>, vector<16xi32>,
      %gather3A_504 = tpu.vector_load_idx %arg7[%get3A_475] : memref<100000xf32, #tpu.memory_space<vmem>>[vector<16xi32>], vector<16xf32>,
      %gather3A_505 = tpu.vector_load_idx %arg7[%get3A_479] : memref<100000xf32, #tpu.memory_space<vmem>>[vector<16xi32>], vector<16xf32>,
      %gather3A_506 = tpu.vector_load_idx %arg7[%get3A_483] : memref<100000xf32, #tpu.memory_space<vmem>>[vector<16xi32>], vector<16xf32>,
      %gather3A_507 = tpu.vector_load_idx %arg7[%get3A_487] : memref<100000xf32, #tpu.memory_space<vmem>>[vector<16xi32>], vector<16xf32>,
      %gather3A_508 = tpu.vector_load_idx %arg7[%get3A_491] : memref<100000xf32, #tpu.memory_space<vmem>>[vector<16xi32>], vector<16xf32>,
      %gather3A_509 = tpu.vector_load_idx %arg7[%get3A_495] : memref<100000xf32, #tpu.memory_space<vmem>>[vector<16xi32>], vector<16xf32>,
      %gather3A_510 = tpu.vector_load_idx %arg7[%get3A_499] : memref<100000xf32, #tpu.memory_space<vmem>>[vector<16xi32>], vector<16xf32>,
      %gather3A_511 = tpu.vector_load_idx %arg7[%get3A_503] : memref<100000xf32, #tpu.memory_space<vmem>>[vector<16xi32>], vector<16xf32>,
      %mul3A_512 = arith.mulf %gather3A_504, %gather3A_508 : vector<16xf32>
      %mul3A_513 = arith.mulf %gather3A_505, %gather3A_509 : vector<16xf32>
      %pack3A = tpu.pack_subelements %mul3A_512, %mul3A_513 {pack_format = #tpu.pack_format<interleaved>, positions = array<i32: 0, 1>} : vector<16xf32>, vector<16xf32> -> vector<32xbf16>
      %mul3A_514 = arith.constant 16 : i32
      %mul3A_515 = arith.muli %add3A_459, %mul3A_514 : i32
      %add3A_516 = arith.constant 0 : i32
      %add3A_517 = arith.addi %add3A_516, %mul3A_515 : i32
      %swap3A = arith.index_cast %add3A_517 : i32 to index
      %swap3A_518 = tpu.vector_load %arg14[%swap3A] {strides = array<i32>} : memref<8192xbf16, #tpu.memory_space<vmem>>, vector<32xbf16>,
      tpu.vector_store %arg14[%swap3A], %pack3A {strides = array<i32>} : memref<8192xbf16, #tpu.memory_space<vmem>>, vector<32xbf16>,
      %mul3A_519 = arith.mulf %gather3A_504, %broadcast_in_dim3A : vector<16xf32>
      %mul3A_520 = arith.mulf %gather3A_505, %broadcast_in_dim3A : vector<16xf32>
      %pack3A_521 = tpu.pack_subelements %mul3A_519, %mul3A_520 {pack_format = #tpu.pack_format<interleaved>, positions = array<i32: 0, 1>} : vector<16xf32>, vector<16xf32> -> vector<32xbf16>
      %mul3A_522 = arith.constant 16 : i32
      %mul3A_523 = arith.muli %add3A_459, %mul3A_522 : i32
      %add3A_524 = arith.constant 2048 : i32
      %add3A_525 = arith.addi %add3A_524, %mul3A_523 : i32
      %swap3A_526 = arith.index_cast %add3A_525 : i32 to index
      %swap3A_527 = tpu.vector_load %arg14[%swap3A_526] {strides = array<i32>} : memref<8192xbf16, #tpu.memory_space<vmem>>, vector<32xbf16>,
      tpu.vector_store %arg14[%swap3A_526], %pack3A_521 {strides = array<i32>} : memref<8192xbf16, #tpu.memory_space<vmem>>, vector<32xbf16>,
      %mul3A_528 = arith.mulf %gather3A_504, %broadcast_in_dim3A_13 : vector<16xf32>
      %mul3A_529 = arith.mulf %gather3A_505, %broadcast_in_dim3A_13 : vector<16xf32>
      %pack3A_530 = tpu.pack_subelements %mul3A_528, %mul3A_529 {pack_format = #tpu.pack_format<interleaved>, positions = array<i32: 0, 1>} : vector<16xf32>, vector<16xf32> -> vector<32xbf16>
      %mul3A_531 = arith.constant 16 : i32
      %mul3A_532 = arith.muli %add3A_459, %mul3A_531 : i32
      %add3A_533 = arith.constant 4096 : i32
      %add3A_534 = arith.addi %add3A_533, %mul3A_532 : i32
      %swap3A_535 = arith.index_cast %add3A_534 : i32 to index
      %swap3A_536 = tpu.vector_load %arg14[%swap3A_535] {strides = array<i32>} : memref<8192xbf16, #tpu.memory_space<vmem>>, vector<32xbf16>,
      tpu.vector_store %arg14[%swap3A_535], %pack3A_530 {strides = array<i32>} : memref<8192xbf16, #tpu.memory_space<vmem>>, vector<32xbf16>,
      %mul3A_537 = arith.mulf %gather3A_504, %broadcast_in_dim3A_16 : vector<16xf32>
      %mul3A_538 = arith.mulf %gather3A_505, %broadcast_in_dim3A_16 : vector<16xf32>
      %pack3A_539 = tpu.pack_subelements %mul3A_537, %mul3A_538 {pack_format = #tpu.pack_format<interleaved>, positions = array<i32: 0, 1>} : vector<16xf32>, vector<16xf32> -> vector<32xbf16>
      %mul3A_540 = arith.constant 16 : i32
      %mul3A_541 = arith.muli %add3A_459, %mul3A_540 : i32
      %add3A_542 = arith.constant 6144 : i32
      %add3A_543 = arith.addi %add3A_542, %mul3A_541 : i32
      %swap3A_544 = arith.index_cast %add3A_543 : i32 to index
      %swap3A_545 = tpu.vector_load %arg14[%swap3A_544] {strides = array<i32>} : memref<8192xbf16, #tpu.memory_space<vmem>>, vector<32xbf16>,
      tpu.vector_store %arg14[%swap3A_544], %pack3A_539 {strides = array<i32>} : memref<8192xbf16, #tpu.memory_space<vmem>>, vector<32xbf16>,
      %mul3A_546 = arith.mulf %gather3A_506, %gather3A_510 : vector<16xf32>
      %mul3A_547 = arith.mulf %gather3A_507, %gather3A_511 : vector<16xf32>
      %pack3A_548 = tpu.pack_subelements %mul3A_546, %mul3A_547 {pack_format = #tpu.pack_format<interleaved>, positions = array<i32: 0, 1>} : vector<16xf32>, vector<16xf32> -> vector<32xbf16>
      %mul3A_549 = arith.constant 16 : i32
      %mul3A_550 = arith.muli %add3A_467, %mul3A_549 : i32
      %add3A_551 = arith.constant 0 : i32
      %add3A_552 = arith.addi %add3A_551, %mul3A_550 : i32
      %swap3A_553 = arith.index_cast %add3A_552 : i32 to index
      %swap3A_554 = tpu.vector_load %arg14[%swap3A_553] {strides = array<i32>} : memref<8192xbf16, #tpu.memory_space<vmem>>, vector<32xbf16>,
      tpu.vector_store %arg14[%swap3A_553], %pack3A_548 {strides = array<i32>} : memref<8192xbf16, #tpu.memory_space<vmem>>, vector<32xbf16>,
      %mul3A_555 = arith.mulf %gather3A_506, %broadcast_in_dim3A : vector<16xf32>
      %mul3A_556 = arith.mulf %gather3A_507, %broadcast_in_dim3A : vector<16xf32>
      %pack3A_557 = tpu.pack_subelements %mul3A_555, %mul3A_556 {pack_format = #tpu.pack_format<interleaved>, positions = array<i32: 0, 1>} : vector<16xf32>, vector<16xf32> -> vector<32xbf16>
      %mul3A_558 = arith.constant 16 : i32
      %mul3A_559 = arith.muli %add3A_467, %mul3A_558 : i32
      %add3A_560 = arith.constant 2048 : i32
      %add3A_561 = arith.addi %add3A_560, %mul3A_559 : i32
      %swap3A_562 = arith.index_cast %add3A_561 : i32 to index
      %swap3A_563 = tpu.vector_load %arg14[%swap3A_562] {strides = array<i32>} : memref<8192xbf16, #tpu.memory_space<vmem>>, vector<32xbf16>,
      tpu.vector_store %arg14[%swap3A_562], %pack3A_557 {strides = array<i32>} : memref<8192xbf16, #tpu.memory_space<vmem>>, vector<32xbf16>,
      %mul3A_564 = arith.mulf %gather3A_506, %broadcast_in_dim3A_13 : vector<16xf32>
      %mul3A_565 = arith.mulf %gather3A_507, %broadcast_in_dim3A_13 : vector<16xf32>
      %pack3A_566 = tpu.pack_subelements %mul3A_564, %mul3A_565 {pack_format = #tpu.pack_format<interleaved>, positions = array<i32: 0, 1>} : vector<16xf32>, vector<16xf32> -> vector<32xbf16>
      %mul3A_567 = arith.constant 16 : i32
      %mul3A_568 = arith.muli %add3A_467, %mul3A_567 : i32
      %add3A_569 = arith.constant 4096 : i32
      %add3A_570 = arith.addi %add3A_569, %mul3A_568 : i32
      %swap3A_571 = arith.index_cast %add3A_570 : i32 to index
      %swap3A_572 = tpu.vector_load %arg14[%swap3A_571] {strides = array<i32>} : memref<8192xbf16, #tpu.memory_space<vmem>>, vector<32xbf16>,
      tpu.vector_store %arg14[%swap3A_571], %pack3A_566 {strides = array<i32>} : memref<8192xbf16, #tpu.memory_space<vmem>>, vector<32xbf16>,
      %mul3A_573 = arith.mulf %gather3A_506, %broadcast_in_dim3A_16 : vector<16xf32>
      %mul3A_574 = arith.mulf %gather3A_507, %broadcast_in_dim3A_16 : vector<16xf32>
      %pack3A_575 = tpu.pack_subelements %mul3A_573, %mul3A_574 {pack_format = #tpu.pack_format<interleaved>, positions = array<i32: 0, 1>} : vector<16xf32>, vector<16xf32> -> vector<32xbf16>
      %mul3A_576 = arith.constant 16 : i32
      %mul3A_577 = arith.muli %add3A_467, %mul3A_576 : i32
      %add3A_578 = arith.constant 6144 : i32
      %add3A_579 = arith.addi %add3A_578, %mul3A_577 : i32
      %swap3A_580 = arith.index_cast %add3A_579 : i32 to index
      %swap3A_581 = tpu.vector_load %arg14[%swap3A_580] {strides = array<i32>} : memref<8192xbf16, #tpu.memory_space<vmem>>, vector<32xbf16>,
      tpu.vector_store %arg14[%swap3A_580], %pack3A_575 {strides = array<i32>} : memref<8192xbf16, #tpu.memory_space<vmem>>, vector<32xbf16>,
    }
    %scan3A_216 = arith.constant 32 : i32
    %add3A_217 = arith.constant 57344 : i32
    %add3A_218 = arith.addi %mul3A_18, %add3A_217 : i32
    %dma_start3A_219 = tpu.memref_slice %arg6[%add3A_218] : memref<4194304xbf16, #tpu.memory_space<hbm>> -> memref<8192xbf16, #tpu.memory_space<hbm>>
    %dma_start3A_220 = tpu.memref_slice %arg6[%add3A_218] : memref<4194304xbf16, #tpu.memory_space<hbm>> -> memref<8192xbf16, #tpu.memory_space<hbm>>
    tpu.enqueue_dma source(%arg14 : memref<8192xbf16, #tpu.memory_space<vmem>>) target(%dma_start3A_220 : memref<8192xbf16, #tpu.memory_space<hbm>>) target_semaphore(%arg21 : memref<!tpu.dma_semaphore, #tpu.memory_space<semaphore_mem>>)
    %dma_wait3A_221 = tpu.memref_slice %arg6[%add3A_199] : memref<4194304xbf16, #tpu.memory_space<hbm>> -> memref<8192xbf16, #tpu.memory_space<hbm>>
    %dma_wait3A_222 = tpu.memref_slice %arg6[%add3A_199] : memref<4194304xbf16, #tpu.memory_space<hbm>> -> memref<8192xbf16, #tpu.memory_space<hbm>>
    tpu.wait_dma2 semaphore(%arg20 : memref<!tpu.dma_semaphore, #tpu.memory_space<semaphore_mem>>) src(%arg13 : memref<8192xbf16, #tpu.memory_space<vmem>>) dst(%dma_wait3A_222 : memref<8192xbf16, #tpu.memory_space<hbm>>)
    %dma_wait3A_223 = tpu.memref_slice %arg6[%add3A_218] : memref<4194304xbf16, #tpu.memory_space<hbm>> -> memref<8192xbf16, #tpu.memory_space<hbm>>
    %dma_wait3A_224 = tpu.memref_slice %arg6[%add3A_218] : memref<4194304xbf16, #tpu.memory_space<hbm>> -> memref<8192xbf16, #tpu.memory_space<hbm>>
    tpu.wait_dma2 semaphore(%arg21 : memref<!tpu.dma_semaphore, #tpu.memory_space<semaphore_mem>>) src(%arg14 : memref<8192xbf16, #tpu.memory_space<vmem>>) dst(%dma_wait3A_224 : memref<8192xbf16, #tpu.memory_space<hbm>>)
    %add3A_225 = arith.constant 32 : i32
    %add3A_226 = arith.addi %add3A_225, %add3A : i32
    %dma_start3A_227 = arith.constant 0 : i32
    %dma_start3A_228 = tpu.memref_slice %arg3[%dma_start3A_227] : memref<16384xi32, #tpu.memory_space<hbm>> -> memref<2048xi32, #tpu.memory_space<hbm>>
    %dma_start3A_229 = arith.constant 0 : i32
    %dma_start3A_230 = tpu.memref_slice %arg3[%dma_start3A_229] : memref<16384xi32, #tpu.memory_space<hbm>> -> memref<2048xi32, #tpu.memory_space<hbm>>
    tpu.enqueue_dma source(%dma_start3A_230 : memref<2048xi32, #tpu.memory_space<hbm>>) target(%arg8 : memref<2048xi32, #tpu.memory_space<vmem>>) target_semaphore(%arg16 : memref<!tpu.dma_semaphore, #tpu.memory_space<semaphore_mem>>)
    %dma_start3A_231 = arith.constant 0 : i32
    %dma_start3A_232 = tpu.memref_slice %arg4[%dma_start3A_231] : memref<16384xi32, #tpu.memory_space<hbm>> -> memref<2048xi32, #tpu.memory_space<hbm>>
    %dma_start3A_233 = arith.constant 0 : i32
    %dma_start3A_234 = tpu.memref_slice %arg4[%dma_start3A_233] : memref<16384xi32, #tpu.memory_space<hbm>> -> memref<2048xi32, #tpu.memory_space<hbm>>
    tpu.enqueue_dma source(%dma_start3A_234 : memref<2048xi32, #tpu.memory_space<hbm>>) target(%arg10 : memref<2048xi32, #tpu.memory_space<vmem>>) target_semaphore(%arg18 : memref<!tpu.dma_semaphore, #tpu.memory_space<semaphore_mem>>)
    "tpu.region"() ({
      %run_scoped3A = tpu.sem_alloc : memref<!tpu.dma_semaphore, #tpu.memory_space<semaphore_mem>>
      %dma_start3A_455 = arith.constant 0 : i32
      %dma_start3A_456 = tpu.memref_slice %arg2[%add3A_226, %dma_start3A_455] : memref<64x100000xf32, #tpu.memory_space<hbm>> -> memref<1x100000xf32, #tpu.memory_space<hbm>>
      %dma_start3A_457 = tpu.memref_squeeze %dma_start3A_456 : memref<1x100000xf32, #tpu.memory_space<hbm>> -> memref<100000xf32, #tpu.memory_space<hbm>>
      %dma_start3A_458 = arith.constant 0 : i32
      %dma_start3A_459 = tpu.memref_slice %arg2[%add3A_226, %dma_start3A_458] : memref<64x100000xf32, #tpu.memory_space<hbm>> -> memref<1x100000xf32, #tpu.memory_space<hbm>>
      %dma_start3A_460 = tpu.memref_squeeze %dma_start3A_459 : memref<1x100000xf32, #tpu.memory_space<hbm>> -> memref<100000xf32, #tpu.memory_space<hbm>>
      tpu.enqueue_dma source(%dma_start3A_460 : memref<100000xf32, #tpu.memory_space<hbm>>) target(%arg7 : memref<100000xf32, #tpu.memory_space<vmem>>) target_semaphore(%run_scoped3A : memref<!tpu.dma_semaphore, #tpu.memory_space<semaphore_mem>>)
      %dma_wait3A_461 = arith.constant 0 : i32
      %dma_wait3A_462 = tpu.memref_slice %arg2[%add3A_226, %dma_wait3A_461] : memref<64x100000xf32, #tpu.memory_space<hbm>> -> memref<1x100000xf32, #tpu.memory_space<hbm>>
      %dma_wait3A_463 = tpu.memref_squeeze %dma_wait3A_462 : memref<1x100000xf32, #tpu.memory_space<hbm>> -> memref<100000xf32, #tpu.memory_space<hbm>>
      %dma_wait3A_464 = arith.constant 0 : i32
      %dma_wait3A_465 = tpu.memref_slice %arg2[%add3A_226, %dma_wait3A_464] : memref<64x100000xf32, #tpu.memory_space<hbm>> -> memref<1x100000xf32, #tpu.memory_space<hbm>>
      %dma_wait3A_466 = tpu.memref_squeeze %dma_wait3A_465 : memref<1x100000xf32, #tpu.memory_space<hbm>> -> memref<100000xf32, #tpu.memory_space<hbm>>
      tpu.wait_dma2 semaphore(%run_scoped3A : memref<!tpu.dma_semaphore, #tpu.memory_space<semaphore_mem>>) src(%dma_wait3A_466 : memref<100000xf32, #tpu.memory_space<hbm>>) dst(%arg7 : memref<100000xf32, #tpu.memory_space<vmem>>)
      tpu.yield
    }) : () -> ()
    %gather3A_235 = tpu.vector_load_idx %arg7[%get3A_1] : memref<100000xf32, #tpu.memory_space<vmem>>[vector<16xi32>], vector<16xf32>,
    %slice3A_236 = vector.extract_strided_slice %gather3A_235 {offsets = [0], sizes = [1], strides = [1]} : vector<16xf32> to vector<1xf32>
    %squeeze3A_237 = vector.extract %slice3A_236[0] : f32 from vector<1xf32>
    %broadcast_in_dim3A_238 = vector.broadcast %squeeze3A_237 : f32 to vector<16xf32>
    %slice3A_239 = vector.extract_strided_slice %gather3A_235 {offsets = [1], sizes = [1], strides = [1]} : vector<16xf32> to vector<1xf32>
    %squeeze3A_240 = vector.extract %slice3A_239[0] : f32 from vector<1xf32>
    %broadcast_in_dim3A_241 = vector.broadcast %squeeze3A_240 : f32 to vector<16xf32>
    %slice3A_242 = vector.extract_strided_slice %gather3A_235 {offsets = [2], sizes = [1], strides = [1]} : vector<16xf32> to vector<1xf32>
    %squeeze3A_243 = vector.extract %slice3A_242[0] : f32 from vector<1xf32>
    %broadcast_in_dim3A_244 = vector.broadcast %squeeze3A_243 : f32 to vector<16xf32>
    %mul3A_245 = arith.constant 65536 : i32
    %mul3A_246 = arith.muli %add3A_226, %mul3A_245 : i32
    %dma_start3A_247 = arith.constant 2048 : i32
    %dma_start3A_248 = tpu.memref_slice %arg3[%dma_start3A_247] : memref<16384xi32, #tpu.memory_space<hbm>> -> memref<2048xi32, #tpu.memory_space<hbm>>
    %dma_start3A_249 = arith.constant 2048 : i32
    %dma_start3A_250 = tpu.memref_slice %arg3[%dma_start3A_249] : memref<16384xi32, #tpu.memory_space<hbm>> -> memref<2048xi32, #tpu.memory_space<hbm>>
    tpu.enqueue_dma source(%dma_start3A_250 : memref<2048xi32, #tpu.memory_space<hbm>>) target(%arg9 : memref<2048xi32, #tpu.memory_space<vmem>>) target_semaphore(%arg17 : memref<!tpu.dma_semaphore, #tpu.memory_space<semaphore_mem>>)
    %dma_start3A_251 = arith.constant 2048 : i32
    %dma_start3A_252 = tpu.memref_slice %arg4[%dma_start3A_251] : memref<16384xi32, #tpu.memory_space<hbm>> -> memref<2048xi32, #tpu.memory_space<hbm>>
    %dma_start3A_253 = arith.constant 2048 : i32
    %dma_start3A_254 = tpu.memref_slice %arg4[%dma_start3A_253] : memref<16384xi32, #tpu.memory_space<hbm>> -> memref<2048xi32, #tpu.memory_space<hbm>>
    tpu.enqueue_dma source(%dma_start3A_254 : memref<2048xi32, #tpu.memory_space<hbm>>) target(%arg11 : memref<2048xi32, #tpu.memory_space<vmem>>) target_semaphore(%arg19 : memref<!tpu.dma_semaphore, #tpu.memory_space<semaphore_mem>>)
    %dma_wait3A_255 = arith.constant 0 : i32
    %dma_wait3A_256 = tpu.memref_slice %arg3[%dma_wait3A_255] : memref<16384xi32, #tpu.memory_space<hbm>> -> memref<2048xi32, #tpu.memory_space<hbm>>
    %dma_wait3A_257 = arith.constant 0 : i32
    %dma_wait3A_258 = tpu.memref_slice %arg3[%dma_wait3A_257] : memref<16384xi32, #tpu.memory_space<hbm>> -> memref<2048xi32, #tpu.memory_space<hbm>>
    tpu.wait_dma2 semaphore(%arg16 : memref<!tpu.dma_semaphore, #tpu.memory_space<semaphore_mem>>) src(%dma_wait3A_258 : memref<2048xi32, #tpu.memory_space<hbm>>) dst(%arg8 : memref<2048xi32, #tpu.memory_space<vmem>>)
    %dma_wait3A_259 = arith.constant 0 : i32
    %dma_wait3A_260 = tpu.memref_slice %arg4[%dma_wait3A_259] : memref<16384xi32, #tpu.memory_space<hbm>> -> memref<2048xi32, #tpu.memory_space<hbm>>
    %dma_wait3A_261 = arith.constant 0 : i32
    %dma_wait3A_262 = tpu.memref_slice %arg4[%dma_wait3A_261] : memref<16384xi32, #tpu.memory_space<hbm>> -> memref<2048xi32, #tpu.memory_space<hbm>>
    tpu.wait_dma2 semaphore(%arg18 : memref<!tpu.dma_semaphore, #tpu.memory_space<semaphore_mem>>) src(%dma_wait3A_262 : memref<2048xi32, #tpu.memory_space<hbm>>) dst(%arg10 : memref<2048xi32, #tpu.memory_space<vmem>>)
    %scan3A_263 = arith.constant 0 : i32
    %scan3A_264 = arith.constant 32 : i32
    %scan3A_265 = arith.addi %scan3A_263, %scan3A_264 : i32
    %scan3A_266 = arith.constant 1 : i32
    scf.for %scan3A_455 = %scan3A_263 to %scan3A_265 step %scan3A_266  : i32 {
      %mul3A_456 = arith.constant 4 : i32
      %mul3A_457 = arith.muli %scan3A_455, %mul3A_456 : i32
      %add3A_458 = arith.constant 0 : i32
      %add3A_459 = arith.addi %mul3A_457, %add3A_458 : i32
      %mul3A_460 = arith.constant 4 : i32
      %mul3A_461 = arith.muli %scan3A_455, %mul3A_460 : i32
      %add3A_462 = arith.constant 1 : i32
      %add3A_463 = arith.addi %mul3A_461, %add3A_462 : i32
      %mul3A_464 = arith.constant 4 : i32
      %mul3A_465 = arith.muli %scan3A_455, %mul3A_464 : i32
      %add3A_466 = arith.constant 2 : i32
      %add3A_467 = arith.addi %mul3A_465, %add3A_466 : i32
      %mul3A_468 = arith.constant 4 : i32
      %mul3A_469 = arith.muli %scan3A_455, %mul3A_468 : i32
      %add3A_470 = arith.constant 3 : i32
      %add3A_471 = arith.addi %mul3A_469, %add3A_470 : i32
      %mul3A_472 = arith.constant 16 : i32
      %mul3A_473 = arith.muli %add3A_459, %mul3A_472 : i32
      %get3A_474 = arith.index_cast %mul3A_473 : i32 to index
      %get3A_475 = tpu.vector_load %arg8[%get3A_474] {strides = array<i32>} : memref<2048xi32, #tpu.memory_space<vmem>>, vector<16xi32>,
      %mul3A_476 = arith.constant 16 : i32
      %mul3A_477 = arith.muli %add3A_463, %mul3A_476 : i32
      %get3A_478 = arith.index_cast %mul3A_477 : i32 to index
      %get3A_479 = tpu.vector_load %arg8[%get3A_478] {strides = array<i32>} : memref<2048xi32, #tpu.memory_space<vmem>>, vector<16xi32>,
      %mul3A_480 = arith.constant 16 : i32
      %mul3A_481 = arith.muli %add3A_467, %mul3A_480 : i32
      %get3A_482 = arith.index_cast %mul3A_481 : i32 to index
      %get3A_483 = tpu.vector_load %arg8[%get3A_482] {strides = array<i32>} : memref<2048xi32, #tpu.memory_space<vmem>>, vector<16xi32>,
      %mul3A_484 = arith.constant 16 : i32
      %mul3A_485 = arith.muli %add3A_471, %mul3A_484 : i32
      %get3A_486 = arith.index_cast %mul3A_485 : i32 to index
      %get3A_487 = tpu.vector_load %arg8[%get3A_486] {strides = array<i32>} : memref<2048xi32, #tpu.memory_space<vmem>>, vector<16xi32>,
      %mul3A_488 = arith.constant 16 : i32
      %mul3A_489 = arith.muli %add3A_459, %mul3A_488 : i32
      %get3A_490 = arith.index_cast %mul3A_489 : i32 to index
      %get3A_491 = tpu.vector_load %arg10[%get3A_490] {strides = array<i32>} : memref<2048xi32, #tpu.memory_space<vmem>>, vector<16xi32>,
      %mul3A_492 = arith.constant 16 : i32
      %mul3A_493 = arith.muli %add3A_463, %mul3A_492 : i32
      %get3A_494 = arith.index_cast %mul3A_493 : i32 to index
      %get3A_495 = tpu.vector_load %arg10[%get3A_494] {strides = array<i32>} : memref<2048xi32, #tpu.memory_space<vmem>>, vector<16xi32>,
      %mul3A_496 = arith.constant 16 : i32
      %mul3A_497 = arith.muli %add3A_467, %mul3A_496 : i32
      %get3A_498 = arith.index_cast %mul3A_497 : i32 to index
      %get3A_499 = tpu.vector_load %arg10[%get3A_498] {strides = array<i32>} : memref<2048xi32, #tpu.memory_space<vmem>>, vector<16xi32>,
      %mul3A_500 = arith.constant 16 : i32
      %mul3A_501 = arith.muli %add3A_471, %mul3A_500 : i32
      %get3A_502 = arith.index_cast %mul3A_501 : i32 to index
      %get3A_503 = tpu.vector_load %arg10[%get3A_502] {strides = array<i32>} : memref<2048xi32, #tpu.memory_space<vmem>>, vector<16xi32>,
      %gather3A_504 = tpu.vector_load_idx %arg7[%get3A_475] : memref<100000xf32, #tpu.memory_space<vmem>>[vector<16xi32>], vector<16xf32>,
      %gather3A_505 = tpu.vector_load_idx %arg7[%get3A_479] : memref<100000xf32, #tpu.memory_space<vmem>>[vector<16xi32>], vector<16xf32>,
      %gather3A_506 = tpu.vector_load_idx %arg7[%get3A_483] : memref<100000xf32, #tpu.memory_space<vmem>>[vector<16xi32>], vector<16xf32>,
      %gather3A_507 = tpu.vector_load_idx %arg7[%get3A_487] : memref<100000xf32, #tpu.memory_space<vmem>>[vector<16xi32>], vector<16xf32>,
      %gather3A_508 = tpu.vector_load_idx %arg7[%get3A_491] : memref<100000xf32, #tpu.memory_space<vmem>>[vector<16xi32>], vector<16xf32>,
      %gather3A_509 = tpu.vector_load_idx %arg7[%get3A_495] : memref<100000xf32, #tpu.memory_space<vmem>>[vector<16xi32>], vector<16xf32>,
      %gather3A_510 = tpu.vector_load_idx %arg7[%get3A_499] : memref<100000xf32, #tpu.memory_space<vmem>>[vector<16xi32>], vector<16xf32>,
      %gather3A_511 = tpu.vector_load_idx %arg7[%get3A_503] : memref<100000xf32, #tpu.memory_space<vmem>>[vector<16xi32>], vector<16xf32>,
      %mul3A_512 = arith.mulf %gather3A_504, %gather3A_508 : vector<16xf32>
      %mul3A_513 = arith.mulf %gather3A_505, %gather3A_509 : vector<16xf32>
      %pack3A = tpu.pack_subelements %mul3A_512, %mul3A_513 {pack_format = #tpu.pack_format<interleaved>, positions = array<i32: 0, 1>} : vector<16xf32>, vector<16xf32> -> vector<32xbf16>
      %mul3A_514 = arith.constant 16 : i32
      %mul3A_515 = arith.muli %add3A_459, %mul3A_514 : i32
      %add3A_516 = arith.constant 0 : i32
      %add3A_517 = arith.addi %add3A_516, %mul3A_515 : i32
      %swap3A = arith.index_cast %add3A_517 : i32 to index
      %swap3A_518 = tpu.vector_load %arg13[%swap3A] {strides = array<i32>} : memref<8192xbf16, #tpu.memory_space<vmem>>, vector<32xbf16>,
      tpu.vector_store %arg13[%swap3A], %pack3A {strides = array<i32>} : memref<8192xbf16, #tpu.memory_space<vmem>>, vector<32xbf16>,
      %mul3A_519 = arith.mulf %gather3A_504, %broadcast_in_dim3A_238 : vector<16xf32>
      %mul3A_520 = arith.mulf %gather3A_505, %broadcast_in_dim3A_238 : vector<16xf32>
      %pack3A_521 = tpu.pack_subelements %mul3A_519, %mul3A_520 {pack_format = #tpu.pack_format<interleaved>, positions = array<i32: 0, 1>} : vector<16xf32>, vector<16xf32> -> vector<32xbf16>
      %mul3A_522 = arith.constant 16 : i32
      %mul3A_523 = arith.muli %add3A_459, %mul3A_522 : i32
      %add3A_524 = arith.constant 2048 : i32
      %add3A_525 = arith.addi %add3A_524, %mul3A_523 : i32
      %swap3A_526 = arith.index_cast %add3A_525 : i32 to index
      %swap3A_527 = tpu.vector_load %arg13[%swap3A_526] {strides = array<i32>} : memref<8192xbf16, #tpu.memory_space<vmem>>, vector<32xbf16>,
      tpu.vector_store %arg13[%swap3A_526], %pack3A_521 {strides = array<i32>} : memref<8192xbf16, #tpu.memory_space<vmem>>, vector<32xbf16>,
      %mul3A_528 = arith.mulf %gather3A_504, %broadcast_in_dim3A_241 : vector<16xf32>
      %mul3A_529 = arith.mulf %gather3A_505, %broadcast_in_dim3A_241 : vector<16xf32>
      %pack3A_530 = tpu.pack_subelements %mul3A_528, %mul3A_529 {pack_format = #tpu.pack_format<interleaved>, positions = array<i32: 0, 1>} : vector<16xf32>, vector<16xf32> -> vector<32xbf16>
      %mul3A_531 = arith.constant 16 : i32
      %mul3A_532 = arith.muli %add3A_459, %mul3A_531 : i32
      %add3A_533 = arith.constant 4096 : i32
      %add3A_534 = arith.addi %add3A_533, %mul3A_532 : i32
      %swap3A_535 = arith.index_cast %add3A_534 : i32 to index
      %swap3A_536 = tpu.vector_load %arg13[%swap3A_535] {strides = array<i32>} : memref<8192xbf16, #tpu.memory_space<vmem>>, vector<32xbf16>,
      tpu.vector_store %arg13[%swap3A_535], %pack3A_530 {strides = array<i32>} : memref<8192xbf16, #tpu.memory_space<vmem>>, vector<32xbf16>,
      %mul3A_537 = arith.mulf %gather3A_504, %broadcast_in_dim3A_244 : vector<16xf32>
      %mul3A_538 = arith.mulf %gather3A_505, %broadcast_in_dim3A_244 : vector<16xf32>
      %pack3A_539 = tpu.pack_subelements %mul3A_537, %mul3A_538 {pack_format = #tpu.pack_format<interleaved>, positions = array<i32: 0, 1>} : vector<16xf32>, vector<16xf32> -> vector<32xbf16>
      %mul3A_540 = arith.constant 16 : i32
      %mul3A_541 = arith.muli %add3A_459, %mul3A_540 : i32
      %add3A_542 = arith.constant 6144 : i32
      %add3A_543 = arith.addi %add3A_542, %mul3A_541 : i32
      %swap3A_544 = arith.index_cast %add3A_543 : i32 to index
      %swap3A_545 = tpu.vector_load %arg13[%swap3A_544] {strides = array<i32>} : memref<8192xbf16, #tpu.memory_space<vmem>>, vector<32xbf16>,
      tpu.vector_store %arg13[%swap3A_544], %pack3A_539 {strides = array<i32>} : memref<8192xbf16, #tpu.memory_space<vmem>>, vector<32xbf16>,
      %mul3A_546 = arith.mulf %gather3A_506, %gather3A_510 : vector<16xf32>
      %mul3A_547 = arith.mulf %gather3A_507, %gather3A_511 : vector<16xf32>
      %pack3A_548 = tpu.pack_subelements %mul3A_546, %mul3A_547 {pack_format = #tpu.pack_format<interleaved>, positions = array<i32: 0, 1>} : vector<16xf32>, vector<16xf32> -> vector<32xbf16>
      %mul3A_549 = arith.constant 16 : i32
      %mul3A_550 = arith.muli %add3A_467, %mul3A_549 : i32
      %add3A_551 = arith.constant 0 : i32
      %add3A_552 = arith.addi %add3A_551, %mul3A_550 : i32
      %swap3A_553 = arith.index_cast %add3A_552 : i32 to index
      %swap3A_554 = tpu.vector_load %arg13[%swap3A_553] {strides = array<i32>} : memref<8192xbf16, #tpu.memory_space<vmem>>, vector<32xbf16>,
      tpu.vector_store %arg13[%swap3A_553], %pack3A_548 {strides = array<i32>} : memref<8192xbf16, #tpu.memory_space<vmem>>, vector<32xbf16>,
      %mul3A_555 = arith.mulf %gather3A_506, %broadcast_in_dim3A_238 : vector<16xf32>
      %mul3A_556 = arith.mulf %gather3A_507, %broadcast_in_dim3A_238 : vector<16xf32>
      %pack3A_557 = tpu.pack_subelements %mul3A_555, %mul3A_556 {pack_format = #tpu.pack_format<interleaved>, positions = array<i32: 0, 1>} : vector<16xf32>, vector<16xf32> -> vector<32xbf16>
      %mul3A_558 = arith.constant 16 : i32
      %mul3A_559 = arith.muli %add3A_467, %mul3A_558 : i32
      %add3A_560 = arith.constant 2048 : i32
      %add3A_561 = arith.addi %add3A_560, %mul3A_559 : i32
      %swap3A_562 = arith.index_cast %add3A_561 : i32 to index
      %swap3A_563 = tpu.vector_load %arg13[%swap3A_562] {strides = array<i32>} : memref<8192xbf16, #tpu.memory_space<vmem>>, vector<32xbf16>,
      tpu.vector_store %arg13[%swap3A_562], %pack3A_557 {strides = array<i32>} : memref<8192xbf16, #tpu.memory_space<vmem>>, vector<32xbf16>,
      %mul3A_564 = arith.mulf %gather3A_506, %broadcast_in_dim3A_241 : vector<16xf32>
      %mul3A_565 = arith.mulf %gather3A_507, %broadcast_in_dim3A_241 : vector<16xf32>
      %pack3A_566 = tpu.pack_subelements %mul3A_564, %mul3A_565 {pack_format = #tpu.pack_format<interleaved>, positions = array<i32: 0, 1>} : vector<16xf32>, vector<16xf32> -> vector<32xbf16>
      %mul3A_567 = arith.constant 16 : i32
      %mul3A_568 = arith.muli %add3A_467, %mul3A_567 : i32
      %add3A_569 = arith.constant 4096 : i32
      %add3A_570 = arith.addi %add3A_569, %mul3A_568 : i32
      %swap3A_571 = arith.index_cast %add3A_570 : i32 to index
      %swap3A_572 = tpu.vector_load %arg13[%swap3A_571] {strides = array<i32>} : memref<8192xbf16, #tpu.memory_space<vmem>>, vector<32xbf16>,
      tpu.vector_store %arg13[%swap3A_571], %pack3A_566 {strides = array<i32>} : memref<8192xbf16, #tpu.memory_space<vmem>>, vector<32xbf16>,
      %mul3A_573 = arith.mulf %gather3A_506, %broadcast_in_dim3A_244 : vector<16xf32>
      %mul3A_574 = arith.mulf %gather3A_507, %broadcast_in_dim3A_244 : vector<16xf32>
      %pack3A_575 = tpu.pack_subelements %mul3A_573, %mul3A_574 {pack_format = #tpu.pack_format<interleaved>, positions = array<i32: 0, 1>} : vector<16xf32>, vector<16xf32> -> vector<32xbf16>
      %mul3A_576 = arith.constant 16 : i32
      %mul3A_577 = arith.muli %add3A_467, %mul3A_576 : i32
      %add3A_578 = arith.constant 6144 : i32
      %add3A_579 = arith.addi %add3A_578, %mul3A_577 : i32
      %swap3A_580 = arith.index_cast %add3A_579 : i32 to index
      %swap3A_581 = tpu.vector_load %arg13[%swap3A_580] {strides = array<i32>} : memref<8192xbf16, #tpu.memory_space<vmem>>, vector<32xbf16>,
      tpu.vector_store %arg13[%swap3A_580], %pack3A_575 {strides = array<i32>} : memref<8192xbf16, #tpu.memory_space<vmem>>, vector<32xbf16>,
    }
    %scan3A_267 = arith.constant 32 : i32
    %add3A_268 = arith.constant 0 : i32
    %add3A_269 = arith.addi %mul3A_246, %add3A_268 : i32
    %dma_start3A_270 = tpu.memref_slice %arg6[%add3A_269] : memref<4194304xbf16, #tpu.memory_space<hbm>> -> memref<8192xbf16, #tpu.memory_space<hbm>>
    %dma_start3A_271 = tpu.memref_slice %arg6[%add3A_269] : memref<4194304xbf16, #tpu.memory_space<hbm>> -> memref<8192xbf16, #tpu.memory_space<hbm>>
    tpu.enqueue_dma source(%arg13 : memref<8192xbf16, #tpu.memory_space<vmem>>) target(%dma_start3A_271 : memref<8192xbf16, #tpu.memory_space<hbm>>) target_semaphore(%arg20 : memref<!tpu.dma_semaphore, #tpu.memory_space<semaphore_mem>>)
    %dma_start3A_272 = arith.constant 4096 : i32
    %dma_start3A_273 = tpu.memref_slice %arg3[%dma_start3A_272] : memref<16384xi32, #tpu.memory_space<hbm>> -> memref<2048xi32, #tpu.memory_space<hbm>>
    %dma_start3A_274 = arith.constant 4096 : i32
    %dma_start3A_275 = tpu.memref_slice %arg3[%dma_start3A_274] : memref<16384xi32, #tpu.memory_space<hbm>> -> memref<2048xi32, #tpu.memory_space<hbm>>
    tpu.enqueue_dma source(%dma_start3A_275 : memref<2048xi32, #tpu.memory_space<hbm>>) target(%arg8 : memref<2048xi32, #tpu.memory_space<vmem>>) target_semaphore(%arg16 : memref<!tpu.dma_semaphore, #tpu.memory_space<semaphore_mem>>)
    %dma_start3A_276 = arith.constant 4096 : i32
    %dma_start3A_277 = tpu.memref_slice %arg4[%dma_start3A_276] : memref<16384xi32, #tpu.memory_space<hbm>> -> memref<2048xi32, #tpu.memory_space<hbm>>
    %dma_start3A_278 = arith.constant 4096 : i32
    %dma_start3A_279 = tpu.memref_slice %arg4[%dma_start3A_278] : memref<16384xi32, #tpu.memory_space<hbm>> -> memref<2048xi32, #tpu.memory_space<hbm>>
    tpu.enqueue_dma source(%dma_start3A_279 : memref<2048xi32, #tpu.memory_space<hbm>>) target(%arg10 : memref<2048xi32, #tpu.memory_space<vmem>>) target_semaphore(%arg18 : memref<!tpu.dma_semaphore, #tpu.memory_space<semaphore_mem>>)
    %dma_wait3A_280 = arith.constant 2048 : i32
    %dma_wait3A_281 = tpu.memref_slice %arg3[%dma_wait3A_280] : memref<16384xi32, #tpu.memory_space<hbm>> -> memref<2048xi32, #tpu.memory_space<hbm>>
    %dma_wait3A_282 = arith.constant 2048 : i32
    %dma_wait3A_283 = tpu.memref_slice %arg3[%dma_wait3A_282] : memref<16384xi32, #tpu.memory_space<hbm>> -> memref<2048xi32, #tpu.memory_space<hbm>>
    tpu.wait_dma2 semaphore(%arg17 : memref<!tpu.dma_semaphore, #tpu.memory_space<semaphore_mem>>) src(%dma_wait3A_283 : memref<2048xi32, #tpu.memory_space<hbm>>) dst(%arg9 : memref<2048xi32, #tpu.memory_space<vmem>>)
    %dma_wait3A_284 = arith.constant 2048 : i32
    %dma_wait3A_285 = tpu.memref_slice %arg4[%dma_wait3A_284] : memref<16384xi32, #tpu.memory_space<hbm>> -> memref<2048xi32, #tpu.memory_space<hbm>>
    %dma_wait3A_286 = arith.constant 2048 : i32
    %dma_wait3A_287 = tpu.memref_slice %arg4[%dma_wait3A_286] : memref<16384xi32, #tpu.memory_space<hbm>> -> memref<2048xi32, #tpu.memory_space<hbm>>
    tpu.wait_dma2 semaphore(%arg19 : memref<!tpu.dma_semaphore, #tpu.memory_space<semaphore_mem>>) src(%dma_wait3A_287 : memref<2048xi32, #tpu.memory_space<hbm>>) dst(%arg11 : memref<2048xi32, #tpu.memory_space<vmem>>)
    %scan3A_288 = arith.constant 0 : i32
    %scan3A_289 = arith.constant 32 : i32
    %scan3A_290 = arith.addi %scan3A_288, %scan3A_289 : i32
    %scan3A_291 = arith.constant 1 : i32
    scf.for %scan3A_455 = %scan3A_288 to %scan3A_290 step %scan3A_291  : i32 {
      %mul3A_456 = arith.constant 4 : i32
      %mul3A_457 = arith.muli %scan3A_455, %mul3A_456 : i32
      %add3A_458 = arith.constant 0 : i32
      %add3A_459 = arith.addi %mul3A_457, %add3A_458 : i32
      %mul3A_460 = arith.constant 4 : i32
      %mul3A_461 = arith.muli %scan3A_455, %mul3A_460 : i32
      %add3A_462 = arith.constant 1 : i32
      %add3A_463 = arith.addi %mul3A_461, %add3A_462 : i32
      %mul3A_464 = arith.constant 4 : i32
      %mul3A_465 = arith.muli %scan3A_455, %mul3A_464 : i32
      %add3A_466 = arith.constant 2 : i32
      %add3A_467 = arith.addi %mul3A_465, %add3A_466 : i32
      %mul3A_468 = arith.constant 4 : i32
      %mul3A_469 = arith.muli %scan3A_455, %mul3A_468 : i32
      %add3A_470 = arith.constant 3 : i32
      %add3A_471 = arith.addi %mul3A_469, %add3A_470 : i32
      %mul3A_472 = arith.constant 16 : i32
      %mul3A_473 = arith.muli %add3A_459, %mul3A_472 : i32
      %get3A_474 = arith.index_cast %mul3A_473 : i32 to index
      %get3A_475 = tpu.vector_load %arg9[%get3A_474] {strides = array<i32>} : memref<2048xi32, #tpu.memory_space<vmem>>, vector<16xi32>,
      %mul3A_476 = arith.constant 16 : i32
      %mul3A_477 = arith.muli %add3A_463, %mul3A_476 : i32
      %get3A_478 = arith.index_cast %mul3A_477 : i32 to index
      %get3A_479 = tpu.vector_load %arg9[%get3A_478] {strides = array<i32>} : memref<2048xi32, #tpu.memory_space<vmem>>, vector<16xi32>,
      %mul3A_480 = arith.constant 16 : i32
      %mul3A_481 = arith.muli %add3A_467, %mul3A_480 : i32
      %get3A_482 = arith.index_cast %mul3A_481 : i32 to index
      %get3A_483 = tpu.vector_load %arg9[%get3A_482] {strides = array<i32>} : memref<2048xi32, #tpu.memory_space<vmem>>, vector<16xi32>,
      %mul3A_484 = arith.constant 16 : i32
      %mul3A_485 = arith.muli %add3A_471, %mul3A_484 : i32
      %get3A_486 = arith.index_cast %mul3A_485 : i32 to index
      %get3A_487 = tpu.vector_load %arg9[%get3A_486] {strides = array<i32>} : memref<2048xi32, #tpu.memory_space<vmem>>, vector<16xi32>,
      %mul3A_488 = arith.constant 16 : i32
      %mul3A_489 = arith.muli %add3A_459, %mul3A_488 : i32
      %get3A_490 = arith.index_cast %mul3A_489 : i32 to index
      %get3A_491 = tpu.vector_load %arg11[%get3A_490] {strides = array<i32>} : memref<2048xi32, #tpu.memory_space<vmem>>, vector<16xi32>,
      %mul3A_492 = arith.constant 16 : i32
      %mul3A_493 = arith.muli %add3A_463, %mul3A_492 : i32
      %get3A_494 = arith.index_cast %mul3A_493 : i32 to index
      %get3A_495 = tpu.vector_load %arg11[%get3A_494] {strides = array<i32>} : memref<2048xi32, #tpu.memory_space<vmem>>, vector<16xi32>,
      %mul3A_496 = arith.constant 16 : i32
      %mul3A_497 = arith.muli %add3A_467, %mul3A_496 : i32
      %get3A_498 = arith.index_cast %mul3A_497 : i32 to index
      %get3A_499 = tpu.vector_load %arg11[%get3A_498] {strides = array<i32>} : memref<2048xi32, #tpu.memory_space<vmem>>, vector<16xi32>,
      %mul3A_500 = arith.constant 16 : i32
      %mul3A_501 = arith.muli %add3A_471, %mul3A_500 : i32
      %get3A_502 = arith.index_cast %mul3A_501 : i32 to index
      %get3A_503 = tpu.vector_load %arg11[%get3A_502] {strides = array<i32>} : memref<2048xi32, #tpu.memory_space<vmem>>, vector<16xi32>,
      %gather3A_504 = tpu.vector_load_idx %arg7[%get3A_475] : memref<100000xf32, #tpu.memory_space<vmem>>[vector<16xi32>], vector<16xf32>,
      %gather3A_505 = tpu.vector_load_idx %arg7[%get3A_479] : memref<100000xf32, #tpu.memory_space<vmem>>[vector<16xi32>], vector<16xf32>,
      %gather3A_506 = tpu.vector_load_idx %arg7[%get3A_483] : memref<100000xf32, #tpu.memory_space<vmem>>[vector<16xi32>], vector<16xf32>,
      %gather3A_507 = tpu.vector_load_idx %arg7[%get3A_487] : memref<100000xf32, #tpu.memory_space<vmem>>[vector<16xi32>], vector<16xf32>,
      %gather3A_508 = tpu.vector_load_idx %arg7[%get3A_491] : memref<100000xf32, #tpu.memory_space<vmem>>[vector<16xi32>], vector<16xf32>,
      %gather3A_509 = tpu.vector_load_idx %arg7[%get3A_495] : memref<100000xf32, #tpu.memory_space<vmem>>[vector<16xi32>], vector<16xf32>,
      %gather3A_510 = tpu.vector_load_idx %arg7[%get3A_499] : memref<100000xf32, #tpu.memory_space<vmem>>[vector<16xi32>], vector<16xf32>,
      %gather3A_511 = tpu.vector_load_idx %arg7[%get3A_503] : memref<100000xf32, #tpu.memory_space<vmem>>[vector<16xi32>], vector<16xf32>,
      %mul3A_512 = arith.mulf %gather3A_504, %gather3A_508 : vector<16xf32>
      %mul3A_513 = arith.mulf %gather3A_505, %gather3A_509 : vector<16xf32>
      %pack3A = tpu.pack_subelements %mul3A_512, %mul3A_513 {pack_format = #tpu.pack_format<interleaved>, positions = array<i32: 0, 1>} : vector<16xf32>, vector<16xf32> -> vector<32xbf16>
      %mul3A_514 = arith.constant 16 : i32
      %mul3A_515 = arith.muli %add3A_459, %mul3A_514 : i32
      %add3A_516 = arith.constant 0 : i32
      %add3A_517 = arith.addi %add3A_516, %mul3A_515 : i32
      %swap3A = arith.index_cast %add3A_517 : i32 to index
      %swap3A_518 = tpu.vector_load %arg14[%swap3A] {strides = array<i32>} : memref<8192xbf16, #tpu.memory_space<vmem>>, vector<32xbf16>,
      tpu.vector_store %arg14[%swap3A], %pack3A {strides = array<i32>} : memref<8192xbf16, #tpu.memory_space<vmem>>, vector<32xbf16>,
      %mul3A_519 = arith.mulf %gather3A_504, %broadcast_in_dim3A_238 : vector<16xf32>
      %mul3A_520 = arith.mulf %gather3A_505, %broadcast_in_dim3A_238 : vector<16xf32>
      %pack3A_521 = tpu.pack_subelements %mul3A_519, %mul3A_520 {pack_format = #tpu.pack_format<interleaved>, positions = array<i32: 0, 1>} : vector<16xf32>, vector<16xf32> -> vector<32xbf16>
      %mul3A_522 = arith.constant 16 : i32
      %mul3A_523 = arith.muli %add3A_459, %mul3A_522 : i32
      %add3A_524 = arith.constant 2048 : i32
      %add3A_525 = arith.addi %add3A_524, %mul3A_523 : i32
      %swap3A_526 = arith.index_cast %add3A_525 : i32 to index
      %swap3A_527 = tpu.vector_load %arg14[%swap3A_526] {strides = array<i32>} : memref<8192xbf16, #tpu.memory_space<vmem>>, vector<32xbf16>,
      tpu.vector_store %arg14[%swap3A_526], %pack3A_521 {strides = array<i32>} : memref<8192xbf16, #tpu.memory_space<vmem>>, vector<32xbf16>,
      %mul3A_528 = arith.mulf %gather3A_504, %broadcast_in_dim3A_241 : vector<16xf32>
      %mul3A_529 = arith.mulf %gather3A_505, %broadcast_in_dim3A_241 : vector<16xf32>
      %pack3A_530 = tpu.pack_subelements %mul3A_528, %mul3A_529 {pack_format = #tpu.pack_format<interleaved>, positions = array<i32: 0, 1>} : vector<16xf32>, vector<16xf32> -> vector<32xbf16>
      %mul3A_531 = arith.constant 16 : i32
      %mul3A_532 = arith.muli %add3A_459, %mul3A_531 : i32
      %add3A_533 = arith.constant 4096 : i32
      %add3A_534 = arith.addi %add3A_533, %mul3A_532 : i32
      %swap3A_535 = arith.index_cast %add3A_534 : i32 to index
      %swap3A_536 = tpu.vector_load %arg14[%swap3A_535] {strides = array<i32>} : memref<8192xbf16, #tpu.memory_space<vmem>>, vector<32xbf16>,
      tpu.vector_store %arg14[%swap3A_535], %pack3A_530 {strides = array<i32>} : memref<8192xbf16, #tpu.memory_space<vmem>>, vector<32xbf16>,
      %mul3A_537 = arith.mulf %gather3A_504, %broadcast_in_dim3A_244 : vector<16xf32>
      %mul3A_538 = arith.mulf %gather3A_505, %broadcast_in_dim3A_244 : vector<16xf32>
      %pack3A_539 = tpu.pack_subelements %mul3A_537, %mul3A_538 {pack_format = #tpu.pack_format<interleaved>, positions = array<i32: 0, 1>} : vector<16xf32>, vector<16xf32> -> vector<32xbf16>
      %mul3A_540 = arith.constant 16 : i32
      %mul3A_541 = arith.muli %add3A_459, %mul3A_540 : i32
      %add3A_542 = arith.constant 6144 : i32
      %add3A_543 = arith.addi %add3A_542, %mul3A_541 : i32
      %swap3A_544 = arith.index_cast %add3A_543 : i32 to index
      %swap3A_545 = tpu.vector_load %arg14[%swap3A_544] {strides = array<i32>} : memref<8192xbf16, #tpu.memory_space<vmem>>, vector<32xbf16>,
      tpu.vector_store %arg14[%swap3A_544], %pack3A_539 {strides = array<i32>} : memref<8192xbf16, #tpu.memory_space<vmem>>, vector<32xbf16>,
      %mul3A_546 = arith.mulf %gather3A_506, %gather3A_510 : vector<16xf32>
      %mul3A_547 = arith.mulf %gather3A_507, %gather3A_511 : vector<16xf32>
      %pack3A_548 = tpu.pack_subelements %mul3A_546, %mul3A_547 {pack_format = #tpu.pack_format<interleaved>, positions = array<i32: 0, 1>} : vector<16xf32>, vector<16xf32> -> vector<32xbf16>
      %mul3A_549 = arith.constant 16 : i32
      %mul3A_550 = arith.muli %add3A_467, %mul3A_549 : i32
      %add3A_551 = arith.constant 0 : i32
      %add3A_552 = arith.addi %add3A_551, %mul3A_550 : i32
      %swap3A_553 = arith.index_cast %add3A_552 : i32 to index
      %swap3A_554 = tpu.vector_load %arg14[%swap3A_553] {strides = array<i32>} : memref<8192xbf16, #tpu.memory_space<vmem>>, vector<32xbf16>,
      tpu.vector_store %arg14[%swap3A_553], %pack3A_548 {strides = array<i32>} : memref<8192xbf16, #tpu.memory_space<vmem>>, vector<32xbf16>,
      %mul3A_555 = arith.mulf %gather3A_506, %broadcast_in_dim3A_238 : vector<16xf32>
      %mul3A_556 = arith.mulf %gather3A_507, %broadcast_in_dim3A_238 : vector<16xf32>
      %pack3A_557 = tpu.pack_subelements %mul3A_555, %mul3A_556 {pack_format = #tpu.pack_format<interleaved>, positions = array<i32: 0, 1>} : vector<16xf32>, vector<16xf32> -> vector<32xbf16>
      %mul3A_558 = arith.constant 16 : i32
      %mul3A_559 = arith.muli %add3A_467, %mul3A_558 : i32
      %add3A_560 = arith.constant 2048 : i32
      %add3A_561 = arith.addi %add3A_560, %mul3A_559 : i32
      %swap3A_562 = arith.index_cast %add3A_561 : i32 to index
      %swap3A_563 = tpu.vector_load %arg14[%swap3A_562] {strides = array<i32>} : memref<8192xbf16, #tpu.memory_space<vmem>>, vector<32xbf16>,
      tpu.vector_store %arg14[%swap3A_562], %pack3A_557 {strides = array<i32>} : memref<8192xbf16, #tpu.memory_space<vmem>>, vector<32xbf16>,
      %mul3A_564 = arith.mulf %gather3A_506, %broadcast_in_dim3A_241 : vector<16xf32>
      %mul3A_565 = arith.mulf %gather3A_507, %broadcast_in_dim3A_241 : vector<16xf32>
      %pack3A_566 = tpu.pack_subelements %mul3A_564, %mul3A_565 {pack_format = #tpu.pack_format<interleaved>, positions = array<i32: 0, 1>} : vector<16xf32>, vector<16xf32> -> vector<32xbf16>
      %mul3A_567 = arith.constant 16 : i32
      %mul3A_568 = arith.muli %add3A_467, %mul3A_567 : i32
      %add3A_569 = arith.constant 4096 : i32
      %add3A_570 = arith.addi %add3A_569, %mul3A_568 : i32
      %swap3A_571 = arith.index_cast %add3A_570 : i32 to index
      %swap3A_572 = tpu.vector_load %arg14[%swap3A_571] {strides = array<i32>} : memref<8192xbf16, #tpu.memory_space<vmem>>, vector<32xbf16>,
      tpu.vector_store %arg14[%swap3A_571], %pack3A_566 {strides = array<i32>} : memref<8192xbf16, #tpu.memory_space<vmem>>, vector<32xbf16>,
      %mul3A_573 = arith.mulf %gather3A_506, %broadcast_in_dim3A_244 : vector<16xf32>
      %mul3A_574 = arith.mulf %gather3A_507, %broadcast_in_dim3A_244 : vector<16xf32>
      %pack3A_575 = tpu.pack_subelements %mul3A_573, %mul3A_574 {pack_format = #tpu.pack_format<interleaved>, positions = array<i32: 0, 1>} : vector<16xf32>, vector<16xf32> -> vector<32xbf16>
      %mul3A_576 = arith.constant 16 : i32
      %mul3A_577 = arith.muli %add3A_467, %mul3A_576 : i32
      %add3A_578 = arith.constant 6144 : i32
      %add3A_579 = arith.addi %add3A_578, %mul3A_577 : i32
      %swap3A_580 = arith.index_cast %add3A_579 : i32 to index
      %swap3A_581 = tpu.vector_load %arg14[%swap3A_580] {strides = array<i32>} : memref<8192xbf16, #tpu.memory_space<vmem>>, vector<32xbf16>,
      tpu.vector_store %arg14[%swap3A_580], %pack3A_575 {strides = array<i32>} : memref<8192xbf16, #tpu.memory_space<vmem>>, vector<32xbf16>,
    }
    %scan3A_292 = arith.constant 32 : i32
    %add3A_293 = arith.constant 8192 : i32
    %add3A_294 = arith.addi %mul3A_246, %add3A_293 : i32
    %dma_start3A_295 = tpu.memref_slice %arg6[%add3A_294] : memref<4194304xbf16, #tpu.memory_space<hbm>> -> memref<8192xbf16, #tpu.memory_space<hbm>>
    %dma_start3A_296 = tpu.memref_slice %arg6[%add3A_294] : memref<4194304xbf16, #tpu.memory_space<hbm>> -> memref<8192xbf16, #tpu.memory_space<hbm>>
    tpu.enqueue_dma source(%arg14 : memref<8192xbf16, #tpu.memory_space<vmem>>) target(%dma_start3A_296 : memref<8192xbf16, #tpu.memory_space<hbm>>) target_semaphore(%arg21 : memref<!tpu.dma_semaphore, #tpu.memory_space<semaphore_mem>>)
    %dma_start3A_297 = arith.constant 6144 : i32
    %dma_start3A_298 = tpu.memref_slice %arg3[%dma_start3A_297] : memref<16384xi32, #tpu.memory_space<hbm>> -> memref<2048xi32, #tpu.memory_space<hbm>>
    %dma_start3A_299 = arith.constant 6144 : i32
    %dma_start3A_300 = tpu.memref_slice %arg3[%dma_start3A_299] : memref<16384xi32, #tpu.memory_space<hbm>> -> memref<2048xi32, #tpu.memory_space<hbm>>
    tpu.enqueue_dma source(%dma_start3A_300 : memref<2048xi32, #tpu.memory_space<hbm>>) target(%arg9 : memref<2048xi32, #tpu.memory_space<vmem>>) target_semaphore(%arg17 : memref<!tpu.dma_semaphore, #tpu.memory_space<semaphore_mem>>)
    %dma_start3A_301 = arith.constant 6144 : i32
    %dma_start3A_302 = tpu.memref_slice %arg4[%dma_start3A_301] : memref<16384xi32, #tpu.memory_space<hbm>> -> memref<2048xi32, #tpu.memory_space<hbm>>
    %dma_start3A_303 = arith.constant 6144 : i32
    %dma_start3A_304 = tpu.memref_slice %arg4[%dma_start3A_303] : memref<16384xi32, #tpu.memory_space<hbm>> -> memref<2048xi32, #tpu.memory_space<hbm>>
    tpu.enqueue_dma source(%dma_start3A_304 : memref<2048xi32, #tpu.memory_space<hbm>>) target(%arg11 : memref<2048xi32, #tpu.memory_space<vmem>>) target_semaphore(%arg19 : memref<!tpu.dma_semaphore, #tpu.memory_space<semaphore_mem>>)
    %dma_wait3A_305 = arith.constant 4096 : i32
    %dma_wait3A_306 = tpu.memref_slice %arg3[%dma_wait3A_305] : memref<16384xi32, #tpu.memory_space<hbm>> -> memref<2048xi32, #tpu.memory_space<hbm>>
    %dma_wait3A_307 = arith.constant 4096 : i32
    %dma_wait3A_308 = tpu.memref_slice %arg3[%dma_wait3A_307] : memref<16384xi32, #tpu.memory_space<hbm>> -> memref<2048xi32, #tpu.memory_space<hbm>>
    tpu.wait_dma2 semaphore(%arg16 : memref<!tpu.dma_semaphore, #tpu.memory_space<semaphore_mem>>) src(%dma_wait3A_308 : memref<2048xi32, #tpu.memory_space<hbm>>) dst(%arg8 : memref<2048xi32, #tpu.memory_space<vmem>>)
    %dma_wait3A_309 = arith.constant 4096 : i32
    %dma_wait3A_310 = tpu.memref_slice %arg4[%dma_wait3A_309] : memref<16384xi32, #tpu.memory_space<hbm>> -> memref<2048xi32, #tpu.memory_space<hbm>>
    %dma_wait3A_311 = arith.constant 4096 : i32
    %dma_wait3A_312 = tpu.memref_slice %arg4[%dma_wait3A_311] : memref<16384xi32, #tpu.memory_space<hbm>> -> memref<2048xi32, #tpu.memory_space<hbm>>
    tpu.wait_dma2 semaphore(%arg18 : memref<!tpu.dma_semaphore, #tpu.memory_space<semaphore_mem>>) src(%dma_wait3A_312 : memref<2048xi32, #tpu.memory_space<hbm>>) dst(%arg10 : memref<2048xi32, #tpu.memory_space<vmem>>)
    %dma_wait3A_313 = tpu.memref_slice %arg6[%add3A_269] : memref<4194304xbf16, #tpu.memory_space<hbm>> -> memref<8192xbf16, #tpu.memory_space<hbm>>
    %dma_wait3A_314 = tpu.memref_slice %arg6[%add3A_269] : memref<4194304xbf16, #tpu.memory_space<hbm>> -> memref<8192xbf16, #tpu.memory_space<hbm>>
    tpu.wait_dma2 semaphore(%arg20 : memref<!tpu.dma_semaphore, #tpu.memory_space<semaphore_mem>>) src(%arg13 : memref<8192xbf16, #tpu.memory_space<vmem>>) dst(%dma_wait3A_314 : memref<8192xbf16, #tpu.memory_space<hbm>>)
    %scan3A_315 = arith.constant 0 : i32
    %scan3A_316 = arith.constant 32 : i32
    %scan3A_317 = arith.addi %scan3A_315, %scan3A_316 : i32
    %scan3A_318 = arith.constant 1 : i32
    scf.for %scan3A_455 = %scan3A_315 to %scan3A_317 step %scan3A_318  : i32 {
      %mul3A_456 = arith.constant 4 : i32
      %mul3A_457 = arith.muli %scan3A_455, %mul3A_456 : i32
      %add3A_458 = arith.constant 0 : i32
      %add3A_459 = arith.addi %mul3A_457, %add3A_458 : i32
      %mul3A_460 = arith.constant 4 : i32
      %mul3A_461 = arith.muli %scan3A_455, %mul3A_460 : i32
      %add3A_462 = arith.constant 1 : i32
      %add3A_463 = arith.addi %mul3A_461, %add3A_462 : i32
      %mul3A_464 = arith.constant 4 : i32
      %mul3A_465 = arith.muli %scan3A_455, %mul3A_464 : i32
      %add3A_466 = arith.constant 2 : i32
      %add3A_467 = arith.addi %mul3A_465, %add3A_466 : i32
      %mul3A_468 = arith.constant 4 : i32
      %mul3A_469 = arith.muli %scan3A_455, %mul3A_468 : i32
      %add3A_470 = arith.constant 3 : i32
      %add3A_471 = arith.addi %mul3A_469, %add3A_470 : i32
      %mul3A_472 = arith.constant 16 : i32
      %mul3A_473 = arith.muli %add3A_459, %mul3A_472 : i32
      %get3A_474 = arith.index_cast %mul3A_473 : i32 to index
      %get3A_475 = tpu.vector_load %arg8[%get3A_474] {strides = array<i32>} : memref<2048xi32, #tpu.memory_space<vmem>>, vector<16xi32>,
      %mul3A_476 = arith.constant 16 : i32
      %mul3A_477 = arith.muli %add3A_463, %mul3A_476 : i32
      %get3A_478 = arith.index_cast %mul3A_477 : i32 to index
      %get3A_479 = tpu.vector_load %arg8[%get3A_478] {strides = array<i32>} : memref<2048xi32, #tpu.memory_space<vmem>>, vector<16xi32>,
      %mul3A_480 = arith.constant 16 : i32
      %mul3A_481 = arith.muli %add3A_467, %mul3A_480 : i32
      %get3A_482 = arith.index_cast %mul3A_481 : i32 to index
      %get3A_483 = tpu.vector_load %arg8[%get3A_482] {strides = array<i32>} : memref<2048xi32, #tpu.memory_space<vmem>>, vector<16xi32>,
      %mul3A_484 = arith.constant 16 : i32
      %mul3A_485 = arith.muli %add3A_471, %mul3A_484 : i32
      %get3A_486 = arith.index_cast %mul3A_485 : i32 to index
      %get3A_487 = tpu.vector_load %arg8[%get3A_486] {strides = array<i32>} : memref<2048xi32, #tpu.memory_space<vmem>>, vector<16xi32>,
      %mul3A_488 = arith.constant 16 : i32
      %mul3A_489 = arith.muli %add3A_459, %mul3A_488 : i32
      %get3A_490 = arith.index_cast %mul3A_489 : i32 to index
      %get3A_491 = tpu.vector_load %arg10[%get3A_490] {strides = array<i32>} : memref<2048xi32, #tpu.memory_space<vmem>>, vector<16xi32>,
      %mul3A_492 = arith.constant 16 : i32
      %mul3A_493 = arith.muli %add3A_463, %mul3A_492 : i32
      %get3A_494 = arith.index_cast %mul3A_493 : i32 to index
      %get3A_495 = tpu.vector_load %arg10[%get3A_494] {strides = array<i32>} : memref<2048xi32, #tpu.memory_space<vmem>>, vector<16xi32>,
      %mul3A_496 = arith.constant 16 : i32
      %mul3A_497 = arith.muli %add3A_467, %mul3A_496 : i32
      %get3A_498 = arith.index_cast %mul3A_497 : i32 to index
      %get3A_499 = tpu.vector_load %arg10[%get3A_498] {strides = array<i32>} : memref<2048xi32, #tpu.memory_space<vmem>>, vector<16xi32>,
      %mul3A_500 = arith.constant 16 : i32
      %mul3A_501 = arith.muli %add3A_471, %mul3A_500 : i32
      %get3A_502 = arith.index_cast %mul3A_501 : i32 to index
      %get3A_503 = tpu.vector_load %arg10[%get3A_502] {strides = array<i32>} : memref<2048xi32, #tpu.memory_space<vmem>>, vector<16xi32>,
      %gather3A_504 = tpu.vector_load_idx %arg7[%get3A_475] : memref<100000xf32, #tpu.memory_space<vmem>>[vector<16xi32>], vector<16xf32>,
      %gather3A_505 = tpu.vector_load_idx %arg7[%get3A_479] : memref<100000xf32, #tpu.memory_space<vmem>>[vector<16xi32>], vector<16xf32>,
      %gather3A_506 = tpu.vector_load_idx %arg7[%get3A_483] : memref<100000xf32, #tpu.memory_space<vmem>>[vector<16xi32>], vector<16xf32>,
      %gather3A_507 = tpu.vector_load_idx %arg7[%get3A_487] : memref<100000xf32, #tpu.memory_space<vmem>>[vector<16xi32>], vector<16xf32>,
      %gather3A_508 = tpu.vector_load_idx %arg7[%get3A_491] : memref<100000xf32, #tpu.memory_space<vmem>>[vector<16xi32>], vector<16xf32>,
      %gather3A_509 = tpu.vector_load_idx %arg7[%get3A_495] : memref<100000xf32, #tpu.memory_space<vmem>>[vector<16xi32>], vector<16xf32>,
      %gather3A_510 = tpu.vector_load_idx %arg7[%get3A_499] : memref<100000xf32, #tpu.memory_space<vmem>>[vector<16xi32>], vector<16xf32>,
      %gather3A_511 = tpu.vector_load_idx %arg7[%get3A_503] : memref<100000xf32, #tpu.memory_space<vmem>>[vector<16xi32>], vector<16xf32>,
      %mul3A_512 = arith.mulf %gather3A_504, %gather3A_508 : vector<16xf32>
      %mul3A_513 = arith.mulf %gather3A_505, %gather3A_509 : vector<16xf32>
      %pack3A = tpu.pack_subelements %mul3A_512, %mul3A_513 {pack_format = #tpu.pack_format<interleaved>, positions = array<i32: 0, 1>} : vector<16xf32>, vector<16xf32> -> vector<32xbf16>
      %mul3A_514 = arith.constant 16 : i32
      %mul3A_515 = arith.muli %add3A_459, %mul3A_514 : i32
      %add3A_516 = arith.constant 0 : i32
      %add3A_517 = arith.addi %add3A_516, %mul3A_515 : i32
      %swap3A = arith.index_cast %add3A_517 : i32 to index
      %swap3A_518 = tpu.vector_load %arg13[%swap3A] {strides = array<i32>} : memref<8192xbf16, #tpu.memory_space<vmem>>, vector<32xbf16>,
      tpu.vector_store %arg13[%swap3A], %pack3A {strides = array<i32>} : memref<8192xbf16, #tpu.memory_space<vmem>>, vector<32xbf16>,
      %mul3A_519 = arith.mulf %gather3A_504, %broadcast_in_dim3A_238 : vector<16xf32>
      %mul3A_520 = arith.mulf %gather3A_505, %broadcast_in_dim3A_238 : vector<16xf32>
      %pack3A_521 = tpu.pack_subelements %mul3A_519, %mul3A_520 {pack_format = #tpu.pack_format<interleaved>, positions = array<i32: 0, 1>} : vector<16xf32>, vector<16xf32> -> vector<32xbf16>
      %mul3A_522 = arith.constant 16 : i32
      %mul3A_523 = arith.muli %add3A_459, %mul3A_522 : i32
      %add3A_524 = arith.constant 2048 : i32
      %add3A_525 = arith.addi %add3A_524, %mul3A_523 : i32
      %swap3A_526 = arith.index_cast %add3A_525 : i32 to index
      %swap3A_527 = tpu.vector_load %arg13[%swap3A_526] {strides = array<i32>} : memref<8192xbf16, #tpu.memory_space<vmem>>, vector<32xbf16>,
      tpu.vector_store %arg13[%swap3A_526], %pack3A_521 {strides = array<i32>} : memref<8192xbf16, #tpu.memory_space<vmem>>, vector<32xbf16>,
      %mul3A_528 = arith.mulf %gather3A_504, %broadcast_in_dim3A_241 : vector<16xf32>
      %mul3A_529 = arith.mulf %gather3A_505, %broadcast_in_dim3A_241 : vector<16xf32>
      %pack3A_530 = tpu.pack_subelements %mul3A_528, %mul3A_529 {pack_format = #tpu.pack_format<interleaved>, positions = array<i32: 0, 1>} : vector<16xf32>, vector<16xf32> -> vector<32xbf16>
      %mul3A_531 = arith.constant 16 : i32
      %mul3A_532 = arith.muli %add3A_459, %mul3A_531 : i32
      %add3A_533 = arith.constant 4096 : i32
      %add3A_534 = arith.addi %add3A_533, %mul3A_532 : i32
      %swap3A_535 = arith.index_cast %add3A_534 : i32 to index
      %swap3A_536 = tpu.vector_load %arg13[%swap3A_535] {strides = array<i32>} : memref<8192xbf16, #tpu.memory_space<vmem>>, vector<32xbf16>,
      tpu.vector_store %arg13[%swap3A_535], %pack3A_530 {strides = array<i32>} : memref<8192xbf16, #tpu.memory_space<vmem>>, vector<32xbf16>,
      %mul3A_537 = arith.mulf %gather3A_504, %broadcast_in_dim3A_244 : vector<16xf32>
      %mul3A_538 = arith.mulf %gather3A_505, %broadcast_in_dim3A_244 : vector<16xf32>
      %pack3A_539 = tpu.pack_subelements %mul3A_537, %mul3A_538 {pack_format = #tpu.pack_format<interleaved>, positions = array<i32: 0, 1>} : vector<16xf32>, vector<16xf32> -> vector<32xbf16>
      %mul3A_540 = arith.constant 16 : i32
      %mul3A_541 = arith.muli %add3A_459, %mul3A_540 : i32
      %add3A_542 = arith.constant 6144 : i32
      %add3A_543 = arith.addi %add3A_542, %mul3A_541 : i32
      %swap3A_544 = arith.index_cast %add3A_543 : i32 to index
      %swap3A_545 = tpu.vector_load %arg13[%swap3A_544] {strides = array<i32>} : memref<8192xbf16, #tpu.memory_space<vmem>>, vector<32xbf16>,
      tpu.vector_store %arg13[%swap3A_544], %pack3A_539 {strides = array<i32>} : memref<8192xbf16, #tpu.memory_space<vmem>>, vector<32xbf16>,
      %mul3A_546 = arith.mulf %gather3A_506, %gather3A_510 : vector<16xf32>
      %mul3A_547 = arith.mulf %gather3A_507, %gather3A_511 : vector<16xf32>
      %pack3A_548 = tpu.pack_subelements %mul3A_546, %mul3A_547 {pack_format = #tpu.pack_format<interleaved>, positions = array<i32: 0, 1>} : vector<16xf32>, vector<16xf32> -> vector<32xbf16>
      %mul3A_549 = arith.constant 16 : i32
      %mul3A_550 = arith.muli %add3A_467, %mul3A_549 : i32
      %add3A_551 = arith.constant 0 : i32
      %add3A_552 = arith.addi %add3A_551, %mul3A_550 : i32
      %swap3A_553 = arith.index_cast %add3A_552 : i32 to index
      %swap3A_554 = tpu.vector_load %arg13[%swap3A_553] {strides = array<i32>} : memref<8192xbf16, #tpu.memory_space<vmem>>, vector<32xbf16>,
      tpu.vector_store %arg13[%swap3A_553], %pack3A_548 {strides = array<i32>} : memref<8192xbf16, #tpu.memory_space<vmem>>, vector<32xbf16>,
      %mul3A_555 = arith.mulf %gather3A_506, %broadcast_in_dim3A_238 : vector<16xf32>
      %mul3A_556 = arith.mulf %gather3A_507, %broadcast_in_dim3A_238 : vector<16xf32>
      %pack3A_557 = tpu.pack_subelements %mul3A_555, %mul3A_556 {pack_format = #tpu.pack_format<interleaved>, positions = array<i32: 0, 1>} : vector<16xf32>, vector<16xf32> -> vector<32xbf16>
      %mul3A_558 = arith.constant 16 : i32
      %mul3A_559 = arith.muli %add3A_467, %mul3A_558 : i32
      %add3A_560 = arith.constant 2048 : i32
      %add3A_561 = arith.addi %add3A_560, %mul3A_559 : i32
      %swap3A_562 = arith.index_cast %add3A_561 : i32 to index
      %swap3A_563 = tpu.vector_load %arg13[%swap3A_562] {strides = array<i32>} : memref<8192xbf16, #tpu.memory_space<vmem>>, vector<32xbf16>,
      tpu.vector_store %arg13[%swap3A_562], %pack3A_557 {strides = array<i32>} : memref<8192xbf16, #tpu.memory_space<vmem>>, vector<32xbf16>,
      %mul3A_564 = arith.mulf %gather3A_506, %broadcast_in_dim3A_241 : vector<16xf32>
      %mul3A_565 = arith.mulf %gather3A_507, %broadcast_in_dim3A_241 : vector<16xf32>
      %pack3A_566 = tpu.pack_subelements %mul3A_564, %mul3A_565 {pack_format = #tpu.pack_format<interleaved>, positions = array<i32: 0, 1>} : vector<16xf32>, vector<16xf32> -> vector<32xbf16>
      %mul3A_567 = arith.constant 16 : i32
      %mul3A_568 = arith.muli %add3A_467, %mul3A_567 : i32
      %add3A_569 = arith.constant 4096 : i32
      %add3A_570 = arith.addi %add3A_569, %mul3A_568 : i32
      %swap3A_571 = arith.index_cast %add3A_570 : i32 to index
      %swap3A_572 = tpu.vector_load %arg13[%swap3A_571] {strides = array<i32>} : memref<8192xbf16, #tpu.memory_space<vmem>>, vector<32xbf16>,
      tpu.vector_store %arg13[%swap3A_571], %pack3A_566 {strides = array<i32>} : memref<8192xbf16, #tpu.memory_space<vmem>>, vector<32xbf16>,
      %mul3A_573 = arith.mulf %gather3A_506, %broadcast_in_dim3A_244 : vector<16xf32>
      %mul3A_574 = arith.mulf %gather3A_507, %broadcast_in_dim3A_244 : vector<16xf32>
      %pack3A_575 = tpu.pack_subelements %mul3A_573, %mul3A_574 {pack_format = #tpu.pack_format<interleaved>, positions = array<i32: 0, 1>} : vector<16xf32>, vector<16xf32> -> vector<32xbf16>
      %mul3A_576 = arith.constant 16 : i32
      %mul3A_577 = arith.muli %add3A_467, %mul3A_576 : i32
      %add3A_578 = arith.constant 6144 : i32
      %add3A_579 = arith.addi %add3A_578, %mul3A_577 : i32
      %swap3A_580 = arith.index_cast %add3A_579 : i32 to index
      %swap3A_581 = tpu.vector_load %arg13[%swap3A_580] {strides = array<i32>} : memref<8192xbf16, #tpu.memory_space<vmem>>, vector<32xbf16>,
      tpu.vector_store %arg13[%swap3A_580], %pack3A_575 {strides = array<i32>} : memref<8192xbf16, #tpu.memory_space<vmem>>, vector<32xbf16>,
    }
    %scan3A_319 = arith.constant 32 : i32
    %add3A_320 = arith.constant 16384 : i32
    %add3A_321 = arith.addi %mul3A_246, %add3A_320 : i32
    %dma_start3A_322 = tpu.memref_slice %arg6[%add3A_321] : memref<4194304xbf16, #tpu.memory_space<hbm>> -> memref<8192xbf16, #tpu.memory_space<hbm>>
    %dma_start3A_323 = tpu.memref_slice %arg6[%add3A_321] : memref<4194304xbf16, #tpu.memory_space<hbm>> -> memref<8192xbf16, #tpu.memory_space<hbm>>
    tpu.enqueue_dma source(%arg13 : memref<8192xbf16, #tpu.memory_space<vmem>>) target(%dma_start3A_323 : memref<8192xbf16, #tpu.memory_space<hbm>>) target_semaphore(%arg20 : memref<!tpu.dma_semaphore, #tpu.memory_space<semaphore_mem>>)
    %dma_start3A_324 = arith.constant 8192 : i32
    %dma_start3A_325 = tpu.memref_slice %arg3[%dma_start3A_324] : memref<16384xi32, #tpu.memory_space<hbm>> -> memref<2048xi32, #tpu.memory_space<hbm>>
    %dma_start3A_326 = arith.constant 8192 : i32
    %dma_start3A_327 = tpu.memref_slice %arg3[%dma_start3A_326] : memref<16384xi32, #tpu.memory_space<hbm>> -> memref<2048xi32, #tpu.memory_space<hbm>>
    tpu.enqueue_dma source(%dma_start3A_327 : memref<2048xi32, #tpu.memory_space<hbm>>) target(%arg8 : memref<2048xi32, #tpu.memory_space<vmem>>) target_semaphore(%arg16 : memref<!tpu.dma_semaphore, #tpu.memory_space<semaphore_mem>>)
    %dma_start3A_328 = arith.constant 8192 : i32
    %dma_start3A_329 = tpu.memref_slice %arg4[%dma_start3A_328] : memref<16384xi32, #tpu.memory_space<hbm>> -> memref<2048xi32, #tpu.memory_space<hbm>>
    %dma_start3A_330 = arith.constant 8192 : i32
    %dma_start3A_331 = tpu.memref_slice %arg4[%dma_start3A_330] : memref<16384xi32, #tpu.memory_space<hbm>> -> memref<2048xi32, #tpu.memory_space<hbm>>
    tpu.enqueue_dma source(%dma_start3A_331 : memref<2048xi32, #tpu.memory_space<hbm>>) target(%arg10 : memref<2048xi32, #tpu.memory_space<vmem>>) target_semaphore(%arg18 : memref<!tpu.dma_semaphore, #tpu.memory_space<semaphore_mem>>)
    %dma_wait3A_332 = arith.constant 6144 : i32
    %dma_wait3A_333 = tpu.memref_slice %arg3[%dma_wait3A_332] : memref<16384xi32, #tpu.memory_space<hbm>> -> memref<2048xi32, #tpu.memory_space<hbm>>
    %dma_wait3A_334 = arith.constant 6144 : i32
    %dma_wait3A_335 = tpu.memref_slice %arg3[%dma_wait3A_334] : memref<16384xi32, #tpu.memory_space<hbm>> -> memref<2048xi32, #tpu.memory_space<hbm>>
    tpu.wait_dma2 semaphore(%arg17 : memref<!tpu.dma_semaphore, #tpu.memory_space<semaphore_mem>>) src(%dma_wait3A_335 : memref<2048xi32, #tpu.memory_space<hbm>>) dst(%arg9 : memref<2048xi32, #tpu.memory_space<vmem>>)
    %dma_wait3A_336 = arith.constant 6144 : i32
    %dma_wait3A_337 = tpu.memref_slice %arg4[%dma_wait3A_336] : memref<16384xi32, #tpu.memory_space<hbm>> -> memref<2048xi32, #tpu.memory_space<hbm>>
    %dma_wait3A_338 = arith.constant 6144 : i32
    %dma_wait3A_339 = tpu.memref_slice %arg4[%dma_wait3A_338] : memref<16384xi32, #tpu.memory_space<hbm>> -> memref<2048xi32, #tpu.memory_space<hbm>>
    tpu.wait_dma2 semaphore(%arg19 : memref<!tpu.dma_semaphore, #tpu.memory_space<semaphore_mem>>) src(%dma_wait3A_339 : memref<2048xi32, #tpu.memory_space<hbm>>) dst(%arg11 : memref<2048xi32, #tpu.memory_space<vmem>>)
    %dma_wait3A_340 = tpu.memref_slice %arg6[%add3A_294] : memref<4194304xbf16, #tpu.memory_space<hbm>> -> memref<8192xbf16, #tpu.memory_space<hbm>>
    %dma_wait3A_341 = tpu.memref_slice %arg6[%add3A_294] : memref<4194304xbf16, #tpu.memory_space<hbm>> -> memref<8192xbf16, #tpu.memory_space<hbm>>
    tpu.wait_dma2 semaphore(%arg21 : memref<!tpu.dma_semaphore, #tpu.memory_space<semaphore_mem>>) src(%arg14 : memref<8192xbf16, #tpu.memory_space<vmem>>) dst(%dma_wait3A_341 : memref<8192xbf16, #tpu.memory_space<hbm>>)
    %scan3A_342 = arith.constant 0 : i32
    %scan3A_343 = arith.constant 32 : i32
    %scan3A_344 = arith.addi %scan3A_342, %scan3A_343 : i32
    %scan3A_345 = arith.constant 1 : i32
    scf.for %scan3A_455 = %scan3A_342 to %scan3A_344 step %scan3A_345  : i32 {
      %mul3A_456 = arith.constant 4 : i32
      %mul3A_457 = arith.muli %scan3A_455, %mul3A_456 : i32
      %add3A_458 = arith.constant 0 : i32
      %add3A_459 = arith.addi %mul3A_457, %add3A_458 : i32
      %mul3A_460 = arith.constant 4 : i32
      %mul3A_461 = arith.muli %scan3A_455, %mul3A_460 : i32
      %add3A_462 = arith.constant 1 : i32
      %add3A_463 = arith.addi %mul3A_461, %add3A_462 : i32
      %mul3A_464 = arith.constant 4 : i32
      %mul3A_465 = arith.muli %scan3A_455, %mul3A_464 : i32
      %add3A_466 = arith.constant 2 : i32
      %add3A_467 = arith.addi %mul3A_465, %add3A_466 : i32
      %mul3A_468 = arith.constant 4 : i32
      %mul3A_469 = arith.muli %scan3A_455, %mul3A_468 : i32
      %add3A_470 = arith.constant 3 : i32
      %add3A_471 = arith.addi %mul3A_469, %add3A_470 : i32
      %mul3A_472 = arith.constant 16 : i32
      %mul3A_473 = arith.muli %add3A_459, %mul3A_472 : i32
      %get3A_474 = arith.index_cast %mul3A_473 : i32 to index
      %get3A_475 = tpu.vector_load %arg9[%get3A_474] {strides = array<i32>} : memref<2048xi32, #tpu.memory_space<vmem>>, vector<16xi32>,
      %mul3A_476 = arith.constant 16 : i32
      %mul3A_477 = arith.muli %add3A_463, %mul3A_476 : i32
      %get3A_478 = arith.index_cast %mul3A_477 : i32 to index
      %get3A_479 = tpu.vector_load %arg9[%get3A_478] {strides = array<i32>} : memref<2048xi32, #tpu.memory_space<vmem>>, vector<16xi32>,
      %mul3A_480 = arith.constant 16 : i32
      %mul3A_481 = arith.muli %add3A_467, %mul3A_480 : i32
      %get3A_482 = arith.index_cast %mul3A_481 : i32 to index
      %get3A_483 = tpu.vector_load %arg9[%get3A_482] {strides = array<i32>} : memref<2048xi32, #tpu.memory_space<vmem>>, vector<16xi32>,
      %mul3A_484 = arith.constant 16 : i32
      %mul3A_485 = arith.muli %add3A_471, %mul3A_484 : i32
      %get3A_486 = arith.index_cast %mul3A_485 : i32 to index
      %get3A_487 = tpu.vector_load %arg9[%get3A_486] {strides = array<i32>} : memref<2048xi32, #tpu.memory_space<vmem>>, vector<16xi32>,
      %mul3A_488 = arith.constant 16 : i32
      %mul3A_489 = arith.muli %add3A_459, %mul3A_488 : i32
      %get3A_490 = arith.index_cast %mul3A_489 : i32 to index
      %get3A_491 = tpu.vector_load %arg11[%get3A_490] {strides = array<i32>} : memref<2048xi32, #tpu.memory_space<vmem>>, vector<16xi32>,
      %mul3A_492 = arith.constant 16 : i32
      %mul3A_493 = arith.muli %add3A_463, %mul3A_492 : i32
      %get3A_494 = arith.index_cast %mul3A_493 : i32 to index
      %get3A_495 = tpu.vector_load %arg11[%get3A_494] {strides = array<i32>} : memref<2048xi32, #tpu.memory_space<vmem>>, vector<16xi32>,
      %mul3A_496 = arith.constant 16 : i32
      %mul3A_497 = arith.muli %add3A_467, %mul3A_496 : i32
      %get3A_498 = arith.index_cast %mul3A_497 : i32 to index
      %get3A_499 = tpu.vector_load %arg11[%get3A_498] {strides = array<i32>} : memref<2048xi32, #tpu.memory_space<vmem>>, vector<16xi32>,
      %mul3A_500 = arith.constant 16 : i32
      %mul3A_501 = arith.muli %add3A_471, %mul3A_500 : i32
      %get3A_502 = arith.index_cast %mul3A_501 : i32 to index
      %get3A_503 = tpu.vector_load %arg11[%get3A_502] {strides = array<i32>} : memref<2048xi32, #tpu.memory_space<vmem>>, vector<16xi32>,
      %gather3A_504 = tpu.vector_load_idx %arg7[%get3A_475] : memref<100000xf32, #tpu.memory_space<vmem>>[vector<16xi32>], vector<16xf32>,
      %gather3A_505 = tpu.vector_load_idx %arg7[%get3A_479] : memref<100000xf32, #tpu.memory_space<vmem>>[vector<16xi32>], vector<16xf32>,
      %gather3A_506 = tpu.vector_load_idx %arg7[%get3A_483] : memref<100000xf32, #tpu.memory_space<vmem>>[vector<16xi32>], vector<16xf32>,
      %gather3A_507 = tpu.vector_load_idx %arg7[%get3A_487] : memref<100000xf32, #tpu.memory_space<vmem>>[vector<16xi32>], vector<16xf32>,
      %gather3A_508 = tpu.vector_load_idx %arg7[%get3A_491] : memref<100000xf32, #tpu.memory_space<vmem>>[vector<16xi32>], vector<16xf32>,
      %gather3A_509 = tpu.vector_load_idx %arg7[%get3A_495] : memref<100000xf32, #tpu.memory_space<vmem>>[vector<16xi32>], vector<16xf32>,
      %gather3A_510 = tpu.vector_load_idx %arg7[%get3A_499] : memref<100000xf32, #tpu.memory_space<vmem>>[vector<16xi32>], vector<16xf32>,
      %gather3A_511 = tpu.vector_load_idx %arg7[%get3A_503] : memref<100000xf32, #tpu.memory_space<vmem>>[vector<16xi32>], vector<16xf32>,
      %mul3A_512 = arith.mulf %gather3A_504, %gather3A_508 : vector<16xf32>
      %mul3A_513 = arith.mulf %gather3A_505, %gather3A_509 : vector<16xf32>
      %pack3A = tpu.pack_subelements %mul3A_512, %mul3A_513 {pack_format = #tpu.pack_format<interleaved>, positions = array<i32: 0, 1>} : vector<16xf32>, vector<16xf32> -> vector<32xbf16>
      %mul3A_514 = arith.constant 16 : i32
      %mul3A_515 = arith.muli %add3A_459, %mul3A_514 : i32
      %add3A_516 = arith.constant 0 : i32
      %add3A_517 = arith.addi %add3A_516, %mul3A_515 : i32
      %swap3A = arith.index_cast %add3A_517 : i32 to index
      %swap3A_518 = tpu.vector_load %arg14[%swap3A] {strides = array<i32>} : memref<8192xbf16, #tpu.memory_space<vmem>>, vector<32xbf16>,
      tpu.vector_store %arg14[%swap3A], %pack3A {strides = array<i32>} : memref<8192xbf16, #tpu.memory_space<vmem>>, vector<32xbf16>,
      %mul3A_519 = arith.mulf %gather3A_504, %broadcast_in_dim3A_238 : vector<16xf32>
      %mul3A_520 = arith.mulf %gather3A_505, %broadcast_in_dim3A_238 : vector<16xf32>
      %pack3A_521 = tpu.pack_subelements %mul3A_519, %mul3A_520 {pack_format = #tpu.pack_format<interleaved>, positions = array<i32: 0, 1>} : vector<16xf32>, vector<16xf32> -> vector<32xbf16>
      %mul3A_522 = arith.constant 16 : i32
      %mul3A_523 = arith.muli %add3A_459, %mul3A_522 : i32
      %add3A_524 = arith.constant 2048 : i32
      %add3A_525 = arith.addi %add3A_524, %mul3A_523 : i32
      %swap3A_526 = arith.index_cast %add3A_525 : i32 to index
      %swap3A_527 = tpu.vector_load %arg14[%swap3A_526] {strides = array<i32>} : memref<8192xbf16, #tpu.memory_space<vmem>>, vector<32xbf16>,
      tpu.vector_store %arg14[%swap3A_526], %pack3A_521 {strides = array<i32>} : memref<8192xbf16, #tpu.memory_space<vmem>>, vector<32xbf16>,
      %mul3A_528 = arith.mulf %gather3A_504, %broadcast_in_dim3A_241 : vector<16xf32>
      %mul3A_529 = arith.mulf %gather3A_505, %broadcast_in_dim3A_241 : vector<16xf32>
      %pack3A_530 = tpu.pack_subelements %mul3A_528, %mul3A_529 {pack_format = #tpu.pack_format<interleaved>, positions = array<i32: 0, 1>} : vector<16xf32>, vector<16xf32> -> vector<32xbf16>
      %mul3A_531 = arith.constant 16 : i32
      %mul3A_532 = arith.muli %add3A_459, %mul3A_531 : i32
      %add3A_533 = arith.constant 4096 : i32
      %add3A_534 = arith.addi %add3A_533, %mul3A_532 : i32
      %swap3A_535 = arith.index_cast %add3A_534 : i32 to index
      %swap3A_536 = tpu.vector_load %arg14[%swap3A_535] {strides = array<i32>} : memref<8192xbf16, #tpu.memory_space<vmem>>, vector<32xbf16>,
      tpu.vector_store %arg14[%swap3A_535], %pack3A_530 {strides = array<i32>} : memref<8192xbf16, #tpu.memory_space<vmem>>, vector<32xbf16>,
      %mul3A_537 = arith.mulf %gather3A_504, %broadcast_in_dim3A_244 : vector<16xf32>
      %mul3A_538 = arith.mulf %gather3A_505, %broadcast_in_dim3A_244 : vector<16xf32>
      %pack3A_539 = tpu.pack_subelements %mul3A_537, %mul3A_538 {pack_format = #tpu.pack_format<interleaved>, positions = array<i32: 0, 1>} : vector<16xf32>, vector<16xf32> -> vector<32xbf16>
      %mul3A_540 = arith.constant 16 : i32
      %mul3A_541 = arith.muli %add3A_459, %mul3A_540 : i32
      %add3A_542 = arith.constant 6144 : i32
      %add3A_543 = arith.addi %add3A_542, %mul3A_541 : i32
      %swap3A_544 = arith.index_cast %add3A_543 : i32 to index
      %swap3A_545 = tpu.vector_load %arg14[%swap3A_544] {strides = array<i32>} : memref<8192xbf16, #tpu.memory_space<vmem>>, vector<32xbf16>,
      tpu.vector_store %arg14[%swap3A_544], %pack3A_539 {strides = array<i32>} : memref<8192xbf16, #tpu.memory_space<vmem>>, vector<32xbf16>,
      %mul3A_546 = arith.mulf %gather3A_506, %gather3A_510 : vector<16xf32>
      %mul3A_547 = arith.mulf %gather3A_507, %gather3A_511 : vector<16xf32>
      %pack3A_548 = tpu.pack_subelements %mul3A_546, %mul3A_547 {pack_format = #tpu.pack_format<interleaved>, positions = array<i32: 0, 1>} : vector<16xf32>, vector<16xf32> -> vector<32xbf16>
      %mul3A_549 = arith.constant 16 : i32
      %mul3A_550 = arith.muli %add3A_467, %mul3A_549 : i32
      %add3A_551 = arith.constant 0 : i32
      %add3A_552 = arith.addi %add3A_551, %mul3A_550 : i32
      %swap3A_553 = arith.index_cast %add3A_552 : i32 to index
      %swap3A_554 = tpu.vector_load %arg14[%swap3A_553] {strides = array<i32>} : memref<8192xbf16, #tpu.memory_space<vmem>>, vector<32xbf16>,
      tpu.vector_store %arg14[%swap3A_553], %pack3A_548 {strides = array<i32>} : memref<8192xbf16, #tpu.memory_space<vmem>>, vector<32xbf16>,
      %mul3A_555 = arith.mulf %gather3A_506, %broadcast_in_dim3A_238 : vector<16xf32>
      %mul3A_556 = arith.mulf %gather3A_507, %broadcast_in_dim3A_238 : vector<16xf32>
      %pack3A_557 = tpu.pack_subelements %mul3A_555, %mul3A_556 {pack_format = #tpu.pack_format<interleaved>, positions = array<i32: 0, 1>} : vector<16xf32>, vector<16xf32> -> vector<32xbf16>
      %mul3A_558 = arith.constant 16 : i32
      %mul3A_559 = arith.muli %add3A_467, %mul3A_558 : i32
      %add3A_560 = arith.constant 2048 : i32
      %add3A_561 = arith.addi %add3A_560, %mul3A_559 : i32
      %swap3A_562 = arith.index_cast %add3A_561 : i32 to index
      %swap3A_563 = tpu.vector_load %arg14[%swap3A_562] {strides = array<i32>} : memref<8192xbf16, #tpu.memory_space<vmem>>, vector<32xbf16>,
      tpu.vector_store %arg14[%swap3A_562], %pack3A_557 {strides = array<i32>} : memref<8192xbf16, #tpu.memory_space<vmem>>, vector<32xbf16>,
      %mul3A_564 = arith.mulf %gather3A_506, %broadcast_in_dim3A_241 : vector<16xf32>
      %mul3A_565 = arith.mulf %gather3A_507, %broadcast_in_dim3A_241 : vector<16xf32>
      %pack3A_566 = tpu.pack_subelements %mul3A_564, %mul3A_565 {pack_format = #tpu.pack_format<interleaved>, positions = array<i32: 0, 1>} : vector<16xf32>, vector<16xf32> -> vector<32xbf16>
      %mul3A_567 = arith.constant 16 : i32
      %mul3A_568 = arith.muli %add3A_467, %mul3A_567 : i32
      %add3A_569 = arith.constant 4096 : i32
      %add3A_570 = arith.addi %add3A_569, %mul3A_568 : i32
      %swap3A_571 = arith.index_cast %add3A_570 : i32 to index
      %swap3A_572 = tpu.vector_load %arg14[%swap3A_571] {strides = array<i32>} : memref<8192xbf16, #tpu.memory_space<vmem>>, vector<32xbf16>,
      tpu.vector_store %arg14[%swap3A_571], %pack3A_566 {strides = array<i32>} : memref<8192xbf16, #tpu.memory_space<vmem>>, vector<32xbf16>,
      %mul3A_573 = arith.mulf %gather3A_506, %broadcast_in_dim3A_244 : vector<16xf32>
      %mul3A_574 = arith.mulf %gather3A_507, %broadcast_in_dim3A_244 : vector<16xf32>
      %pack3A_575 = tpu.pack_subelements %mul3A_573, %mul3A_574 {pack_format = #tpu.pack_format<interleaved>, positions = array<i32: 0, 1>} : vector<16xf32>, vector<16xf32> -> vector<32xbf16>
      %mul3A_576 = arith.constant 16 : i32
      %mul3A_577 = arith.muli %add3A_467, %mul3A_576 : i32
      %add3A_578 = arith.constant 6144 : i32
      %add3A_579 = arith.addi %add3A_578, %mul3A_577 : i32
      %swap3A_580 = arith.index_cast %add3A_579 : i32 to index
      %swap3A_581 = tpu.vector_load %arg14[%swap3A_580] {strides = array<i32>} : memref<8192xbf16, #tpu.memory_space<vmem>>, vector<32xbf16>,
      tpu.vector_store %arg14[%swap3A_580], %pack3A_575 {strides = array<i32>} : memref<8192xbf16, #tpu.memory_space<vmem>>, vector<32xbf16>,
    }
    %scan3A_346 = arith.constant 32 : i32
    %add3A_347 = arith.constant 24576 : i32
    %add3A_348 = arith.addi %mul3A_246, %add3A_347 : i32
    %dma_start3A_349 = tpu.memref_slice %arg6[%add3A_348] : memref<4194304xbf16, #tpu.memory_space<hbm>> -> memref<8192xbf16, #tpu.memory_space<hbm>>
    %dma_start3A_350 = tpu.memref_slice %arg6[%add3A_348] : memref<4194304xbf16, #tpu.memory_space<hbm>> -> memref<8192xbf16, #tpu.memory_space<hbm>>
    tpu.enqueue_dma source(%arg14 : memref<8192xbf16, #tpu.memory_space<vmem>>) target(%dma_start3A_350 : memref<8192xbf16, #tpu.memory_space<hbm>>) target_semaphore(%arg21 : memref<!tpu.dma_semaphore, #tpu.memory_space<semaphore_mem>>)
    %dma_start3A_351 = arith.constant 10240 : i32
    %dma_start3A_352 = tpu.memref_slice %arg3[%dma_start3A_351] : memref<16384xi32, #tpu.memory_space<hbm>> -> memref<2048xi32, #tpu.memory_space<hbm>>
    %dma_start3A_353 = arith.constant 10240 : i32
    %dma_start3A_354 = tpu.memref_slice %arg3[%dma_start3A_353] : memref<16384xi32, #tpu.memory_space<hbm>> -> memref<2048xi32, #tpu.memory_space<hbm>>
    tpu.enqueue_dma source(%dma_start3A_354 : memref<2048xi32, #tpu.memory_space<hbm>>) target(%arg9 : memref<2048xi32, #tpu.memory_space<vmem>>) target_semaphore(%arg17 : memref<!tpu.dma_semaphore, #tpu.memory_space<semaphore_mem>>)
    %dma_start3A_355 = arith.constant 10240 : i32
    %dma_start3A_356 = tpu.memref_slice %arg4[%dma_start3A_355] : memref<16384xi32, #tpu.memory_space<hbm>> -> memref<2048xi32, #tpu.memory_space<hbm>>
    %dma_start3A_357 = arith.constant 10240 : i32
    %dma_start3A_358 = tpu.memref_slice %arg4[%dma_start3A_357] : memref<16384xi32, #tpu.memory_space<hbm>> -> memref<2048xi32, #tpu.memory_space<hbm>>
    tpu.enqueue_dma source(%dma_start3A_358 : memref<2048xi32, #tpu.memory_space<hbm>>) target(%arg11 : memref<2048xi32, #tpu.memory_space<vmem>>) target_semaphore(%arg19 : memref<!tpu.dma_semaphore, #tpu.memory_space<semaphore_mem>>)
    %dma_wait3A_359 = arith.constant 8192 : i32
    %dma_wait3A_360 = tpu.memref_slice %arg3[%dma_wait3A_359] : memref<16384xi32, #tpu.memory_space<hbm>> -> memref<2048xi32, #tpu.memory_space<hbm>>
    %dma_wait3A_361 = arith.constant 8192 : i32
    %dma_wait3A_362 = tpu.memref_slice %arg3[%dma_wait3A_361] : memref<16384xi32, #tpu.memory_space<hbm>> -> memref<2048xi32, #tpu.memory_space<hbm>>
    tpu.wait_dma2 semaphore(%arg16 : memref<!tpu.dma_semaphore, #tpu.memory_space<semaphore_mem>>) src(%dma_wait3A_362 : memref<2048xi32, #tpu.memory_space<hbm>>) dst(%arg8 : memref<2048xi32, #tpu.memory_space<vmem>>)
    %dma_wait3A_363 = arith.constant 8192 : i32
    %dma_wait3A_364 = tpu.memref_slice %arg4[%dma_wait3A_363] : memref<16384xi32, #tpu.memory_space<hbm>> -> memref<2048xi32, #tpu.memory_space<hbm>>
    %dma_wait3A_365 = arith.constant 8192 : i32
    %dma_wait3A_366 = tpu.memref_slice %arg4[%dma_wait3A_365] : memref<16384xi32, #tpu.memory_space<hbm>> -> memref<2048xi32, #tpu.memory_space<hbm>>
    tpu.wait_dma2 semaphore(%arg18 : memref<!tpu.dma_semaphore, #tpu.memory_space<semaphore_mem>>) src(%dma_wait3A_366 : memref<2048xi32, #tpu.memory_space<hbm>>) dst(%arg10 : memref<2048xi32, #tpu.memory_space<vmem>>)
    %dma_wait3A_367 = tpu.memref_slice %arg6[%add3A_321] : memref<4194304xbf16, #tpu.memory_space<hbm>> -> memref<8192xbf16, #tpu.memory_space<hbm>>
    %dma_wait3A_368 = tpu.memref_slice %arg6[%add3A_321] : memref<4194304xbf16, #tpu.memory_space<hbm>> -> memref<8192xbf16, #tpu.memory_space<hbm>>
    tpu.wait_dma2 semaphore(%arg20 : memref<!tpu.dma_semaphore, #tpu.memory_space<semaphore_mem>>) src(%arg13 : memref<8192xbf16, #tpu.memory_space<vmem>>) dst(%dma_wait3A_368 : memref<8192xbf16, #tpu.memory_space<hbm>>)
    %scan3A_369 = arith.constant 0 : i32
    %scan3A_370 = arith.constant 32 : i32
    %scan3A_371 = arith.addi %scan3A_369, %scan3A_370 : i32
    %scan3A_372 = arith.constant 1 : i32
    scf.for %scan3A_455 = %scan3A_369 to %scan3A_371 step %scan3A_372  : i32 {
      %mul3A_456 = arith.constant 4 : i32
      %mul3A_457 = arith.muli %scan3A_455, %mul3A_456 : i32
      %add3A_458 = arith.constant 0 : i32
      %add3A_459 = arith.addi %mul3A_457, %add3A_458 : i32
      %mul3A_460 = arith.constant 4 : i32
      %mul3A_461 = arith.muli %scan3A_455, %mul3A_460 : i32
      %add3A_462 = arith.constant 1 : i32
      %add3A_463 = arith.addi %mul3A_461, %add3A_462 : i32
      %mul3A_464 = arith.constant 4 : i32
      %mul3A_465 = arith.muli %scan3A_455, %mul3A_464 : i32
      %add3A_466 = arith.constant 2 : i32
      %add3A_467 = arith.addi %mul3A_465, %add3A_466 : i32
      %mul3A_468 = arith.constant 4 : i32
      %mul3A_469 = arith.muli %scan3A_455, %mul3A_468 : i32
      %add3A_470 = arith.constant 3 : i32
      %add3A_471 = arith.addi %mul3A_469, %add3A_470 : i32
      %mul3A_472 = arith.constant 16 : i32
      %mul3A_473 = arith.muli %add3A_459, %mul3A_472 : i32
      %get3A_474 = arith.index_cast %mul3A_473 : i32 to index
      %get3A_475 = tpu.vector_load %arg8[%get3A_474] {strides = array<i32>} : memref<2048xi32, #tpu.memory_space<vmem>>, vector<16xi32>,
      %mul3A_476 = arith.constant 16 : i32
      %mul3A_477 = arith.muli %add3A_463, %mul3A_476 : i32
      %get3A_478 = arith.index_cast %mul3A_477 : i32 to index
      %get3A_479 = tpu.vector_load %arg8[%get3A_478] {strides = array<i32>} : memref<2048xi32, #tpu.memory_space<vmem>>, vector<16xi32>,
      %mul3A_480 = arith.constant 16 : i32
      %mul3A_481 = arith.muli %add3A_467, %mul3A_480 : i32
      %get3A_482 = arith.index_cast %mul3A_481 : i32 to index
      %get3A_483 = tpu.vector_load %arg8[%get3A_482] {strides = array<i32>} : memref<2048xi32, #tpu.memory_space<vmem>>, vector<16xi32>,
      %mul3A_484 = arith.constant 16 : i32
      %mul3A_485 = arith.muli %add3A_471, %mul3A_484 : i32
      %get3A_486 = arith.index_cast %mul3A_485 : i32 to index
      %get3A_487 = tpu.vector_load %arg8[%get3A_486] {strides = array<i32>} : memref<2048xi32, #tpu.memory_space<vmem>>, vector<16xi32>,
      %mul3A_488 = arith.constant 16 : i32
      %mul3A_489 = arith.muli %add3A_459, %mul3A_488 : i32
      %get3A_490 = arith.index_cast %mul3A_489 : i32 to index
      %get3A_491 = tpu.vector_load %arg10[%get3A_490] {strides = array<i32>} : memref<2048xi32, #tpu.memory_space<vmem>>, vector<16xi32>,
      %mul3A_492 = arith.constant 16 : i32
      %mul3A_493 = arith.muli %add3A_463, %mul3A_492 : i32
      %get3A_494 = arith.index_cast %mul3A_493 : i32 to index
      %get3A_495 = tpu.vector_load %arg10[%get3A_494] {strides = array<i32>} : memref<2048xi32, #tpu.memory_space<vmem>>, vector<16xi32>,
      %mul3A_496 = arith.constant 16 : i32
      %mul3A_497 = arith.muli %add3A_467, %mul3A_496 : i32
      %get3A_498 = arith.index_cast %mul3A_497 : i32 to index
      %get3A_499 = tpu.vector_load %arg10[%get3A_498] {strides = array<i32>} : memref<2048xi32, #tpu.memory_space<vmem>>, vector<16xi32>,
      %mul3A_500 = arith.constant 16 : i32
      %mul3A_501 = arith.muli %add3A_471, %mul3A_500 : i32
      %get3A_502 = arith.index_cast %mul3A_501 : i32 to index
      %get3A_503 = tpu.vector_load %arg10[%get3A_502] {strides = array<i32>} : memref<2048xi32, #tpu.memory_space<vmem>>, vector<16xi32>,
      %gather3A_504 = tpu.vector_load_idx %arg7[%get3A_475] : memref<100000xf32, #tpu.memory_space<vmem>>[vector<16xi32>], vector<16xf32>,
      %gather3A_505 = tpu.vector_load_idx %arg7[%get3A_479] : memref<100000xf32, #tpu.memory_space<vmem>>[vector<16xi32>], vector<16xf32>,
      %gather3A_506 = tpu.vector_load_idx %arg7[%get3A_483] : memref<100000xf32, #tpu.memory_space<vmem>>[vector<16xi32>], vector<16xf32>,
      %gather3A_507 = tpu.vector_load_idx %arg7[%get3A_487] : memref<100000xf32, #tpu.memory_space<vmem>>[vector<16xi32>], vector<16xf32>,
      %gather3A_508 = tpu.vector_load_idx %arg7[%get3A_491] : memref<100000xf32, #tpu.memory_space<vmem>>[vector<16xi32>], vector<16xf32>,
      %gather3A_509 = tpu.vector_load_idx %arg7[%get3A_495] : memref<100000xf32, #tpu.memory_space<vmem>>[vector<16xi32>], vector<16xf32>,
      %gather3A_510 = tpu.vector_load_idx %arg7[%get3A_499] : memref<100000xf32, #tpu.memory_space<vmem>>[vector<16xi32>], vector<16xf32>,
      %gather3A_511 = tpu.vector_load_idx %arg7[%get3A_503] : memref<100000xf32, #tpu.memory_space<vmem>>[vector<16xi32>], vector<16xf32>,
      %mul3A_512 = arith.mulf %gather3A_504, %gather3A_508 : vector<16xf32>
      %mul3A_513 = arith.mulf %gather3A_505, %gather3A_509 : vector<16xf32>
      %pack3A = tpu.pack_subelements %mul3A_512, %mul3A_513 {pack_format = #tpu.pack_format<interleaved>, positions = array<i32: 0, 1>} : vector<16xf32>, vector<16xf32> -> vector<32xbf16>
      %mul3A_514 = arith.constant 16 : i32
      %mul3A_515 = arith.muli %add3A_459, %mul3A_514 : i32
      %add3A_516 = arith.constant 0 : i32
      %add3A_517 = arith.addi %add3A_516, %mul3A_515 : i32
      %swap3A = arith.index_cast %add3A_517 : i32 to index
      %swap3A_518 = tpu.vector_load %arg13[%swap3A] {strides = array<i32>} : memref<8192xbf16, #tpu.memory_space<vmem>>, vector<32xbf16>,
      tpu.vector_store %arg13[%swap3A], %pack3A {strides = array<i32>} : memref<8192xbf16, #tpu.memory_space<vmem>>, vector<32xbf16>,
      %mul3A_519 = arith.mulf %gather3A_504, %broadcast_in_dim3A_238 : vector<16xf32>
      %mul3A_520 = arith.mulf %gather3A_505, %broadcast_in_dim3A_238 : vector<16xf32>
      %pack3A_521 = tpu.pack_subelements %mul3A_519, %mul3A_520 {pack_format = #tpu.pack_format<interleaved>, positions = array<i32: 0, 1>} : vector<16xf32>, vector<16xf32> -> vector<32xbf16>
      %mul3A_522 = arith.constant 16 : i32
      %mul3A_523 = arith.muli %add3A_459, %mul3A_522 : i32
      %add3A_524 = arith.constant 2048 : i32
      %add3A_525 = arith.addi %add3A_524, %mul3A_523 : i32
      %swap3A_526 = arith.index_cast %add3A_525 : i32 to index
      %swap3A_527 = tpu.vector_load %arg13[%swap3A_526] {strides = array<i32>} : memref<8192xbf16, #tpu.memory_space<vmem>>, vector<32xbf16>,
      tpu.vector_store %arg13[%swap3A_526], %pack3A_521 {strides = array<i32>} : memref<8192xbf16, #tpu.memory_space<vmem>>, vector<32xbf16>,
      %mul3A_528 = arith.mulf %gather3A_504, %broadcast_in_dim3A_241 : vector<16xf32>
      %mul3A_529 = arith.mulf %gather3A_505, %broadcast_in_dim3A_241 : vector<16xf32>
      %pack3A_530 = tpu.pack_subelements %mul3A_528, %mul3A_529 {pack_format = #tpu.pack_format<interleaved>, positions = array<i32: 0, 1>} : vector<16xf32>, vector<16xf32> -> vector<32xbf16>
      %mul3A_531 = arith.constant 16 : i32
      %mul3A_532 = arith.muli %add3A_459, %mul3A_531 : i32
      %add3A_533 = arith.constant 4096 : i32
      %add3A_534 = arith.addi %add3A_533, %mul3A_532 : i32
      %swap3A_535 = arith.index_cast %add3A_534 : i32 to index
      %swap3A_536 = tpu.vector_load %arg13[%swap3A_535] {strides = array<i32>} : memref<8192xbf16, #tpu.memory_space<vmem>>, vector<32xbf16>,
      tpu.vector_store %arg13[%swap3A_535], %pack3A_530 {strides = array<i32>} : memref<8192xbf16, #tpu.memory_space<vmem>>, vector<32xbf16>,
      %mul3A_537 = arith.mulf %gather3A_504, %broadcast_in_dim3A_244 : vector<16xf32>
      %mul3A_538 = arith.mulf %gather3A_505, %broadcast_in_dim3A_244 : vector<16xf32>
      %pack3A_539 = tpu.pack_subelements %mul3A_537, %mul3A_538 {pack_format = #tpu.pack_format<interleaved>, positions = array<i32: 0, 1>} : vector<16xf32>, vector<16xf32> -> vector<32xbf16>
      %mul3A_540 = arith.constant 16 : i32
      %mul3A_541 = arith.muli %add3A_459, %mul3A_540 : i32
      %add3A_542 = arith.constant 6144 : i32
      %add3A_543 = arith.addi %add3A_542, %mul3A_541 : i32
      %swap3A_544 = arith.index_cast %add3A_543 : i32 to index
      %swap3A_545 = tpu.vector_load %arg13[%swap3A_544] {strides = array<i32>} : memref<8192xbf16, #tpu.memory_space<vmem>>, vector<32xbf16>,
      tpu.vector_store %arg13[%swap3A_544], %pack3A_539 {strides = array<i32>} : memref<8192xbf16, #tpu.memory_space<vmem>>, vector<32xbf16>,
      %mul3A_546 = arith.mulf %gather3A_506, %gather3A_510 : vector<16xf32>
      %mul3A_547 = arith.mulf %gather3A_507, %gather3A_511 : vector<16xf32>
      %pack3A_548 = tpu.pack_subelements %mul3A_546, %mul3A_547 {pack_format = #tpu.pack_format<interleaved>, positions = array<i32: 0, 1>} : vector<16xf32>, vector<16xf32> -> vector<32xbf16>
      %mul3A_549 = arith.constant 16 : i32
      %mul3A_550 = arith.muli %add3A_467, %mul3A_549 : i32
      %add3A_551 = arith.constant 0 : i32
      %add3A_552 = arith.addi %add3A_551, %mul3A_550 : i32
      %swap3A_553 = arith.index_cast %add3A_552 : i32 to index
      %swap3A_554 = tpu.vector_load %arg13[%swap3A_553] {strides = array<i32>} : memref<8192xbf16, #tpu.memory_space<vmem>>, vector<32xbf16>,
      tpu.vector_store %arg13[%swap3A_553], %pack3A_548 {strides = array<i32>} : memref<8192xbf16, #tpu.memory_space<vmem>>, vector<32xbf16>,
      %mul3A_555 = arith.mulf %gather3A_506, %broadcast_in_dim3A_238 : vector<16xf32>
      %mul3A_556 = arith.mulf %gather3A_507, %broadcast_in_dim3A_238 : vector<16xf32>
      %pack3A_557 = tpu.pack_subelements %mul3A_555, %mul3A_556 {pack_format = #tpu.pack_format<interleaved>, positions = array<i32: 0, 1>} : vector<16xf32>, vector<16xf32> -> vector<32xbf16>
      %mul3A_558 = arith.constant 16 : i32
      %mul3A_559 = arith.muli %add3A_467, %mul3A_558 : i32
      %add3A_560 = arith.constant 2048 : i32
      %add3A_561 = arith.addi %add3A_560, %mul3A_559 : i32
      %swap3A_562 = arith.index_cast %add3A_561 : i32 to index
      %swap3A_563 = tpu.vector_load %arg13[%swap3A_562] {strides = array<i32>} : memref<8192xbf16, #tpu.memory_space<vmem>>, vector<32xbf16>,
      tpu.vector_store %arg13[%swap3A_562], %pack3A_557 {strides = array<i32>} : memref<8192xbf16, #tpu.memory_space<vmem>>, vector<32xbf16>,
      %mul3A_564 = arith.mulf %gather3A_506, %broadcast_in_dim3A_241 : vector<16xf32>
      %mul3A_565 = arith.mulf %gather3A_507, %broadcast_in_dim3A_241 : vector<16xf32>
      %pack3A_566 = tpu.pack_subelements %mul3A_564, %mul3A_565 {pack_format = #tpu.pack_format<interleaved>, positions = array<i32: 0, 1>} : vector<16xf32>, vector<16xf32> -> vector<32xbf16>
      %mul3A_567 = arith.constant 16 : i32
      %mul3A_568 = arith.muli %add3A_467, %mul3A_567 : i32
      %add3A_569 = arith.constant 4096 : i32
      %add3A_570 = arith.addi %add3A_569, %mul3A_568 : i32
      %swap3A_571 = arith.index_cast %add3A_570 : i32 to index
      %swap3A_572 = tpu.vector_load %arg13[%swap3A_571] {strides = array<i32>} : memref<8192xbf16, #tpu.memory_space<vmem>>, vector<32xbf16>,
      tpu.vector_store %arg13[%swap3A_571], %pack3A_566 {strides = array<i32>} : memref<8192xbf16, #tpu.memory_space<vmem>>, vector<32xbf16>,
      %mul3A_573 = arith.mulf %gather3A_506, %broadcast_in_dim3A_244 : vector<16xf32>
      %mul3A_574 = arith.mulf %gather3A_507, %broadcast_in_dim3A_244 : vector<16xf32>
      %pack3A_575 = tpu.pack_subelements %mul3A_573, %mul3A_574 {pack_format = #tpu.pack_format<interleaved>, positions = array<i32: 0, 1>} : vector<16xf32>, vector<16xf32> -> vector<32xbf16>
      %mul3A_576 = arith.constant 16 : i32
      %mul3A_577 = arith.muli %add3A_467, %mul3A_576 : i32
      %add3A_578 = arith.constant 6144 : i32
      %add3A_579 = arith.addi %add3A_578, %mul3A_577 : i32
      %swap3A_580 = arith.index_cast %add3A_579 : i32 to index
      %swap3A_581 = tpu.vector_load %arg13[%swap3A_580] {strides = array<i32>} : memref<8192xbf16, #tpu.memory_space<vmem>>, vector<32xbf16>,
      tpu.vector_store %arg13[%swap3A_580], %pack3A_575 {strides = array<i32>} : memref<8192xbf16, #tpu.memory_space<vmem>>, vector<32xbf16>,
    }
    %scan3A_373 = arith.constant 32 : i32
    %add3A_374 = arith.constant 32768 : i32
    %add3A_375 = arith.addi %mul3A_246, %add3A_374 : i32
    %dma_start3A_376 = tpu.memref_slice %arg6[%add3A_375] : memref<4194304xbf16, #tpu.memory_space<hbm>> -> memref<8192xbf16, #tpu.memory_space<hbm>>
    %dma_start3A_377 = tpu.memref_slice %arg6[%add3A_375] : memref<4194304xbf16, #tpu.memory_space<hbm>> -> memref<8192xbf16, #tpu.memory_space<hbm>>
    tpu.enqueue_dma source(%arg13 : memref<8192xbf16, #tpu.memory_space<vmem>>) target(%dma_start3A_377 : memref<8192xbf16, #tpu.memory_space<hbm>>) target_semaphore(%arg20 : memref<!tpu.dma_semaphore, #tpu.memory_space<semaphore_mem>>)
    %dma_start3A_378 = arith.constant 12288 : i32
    %dma_start3A_379 = tpu.memref_slice %arg3[%dma_start3A_378] : memref<16384xi32, #tpu.memory_space<hbm>> -> memref<2048xi32, #tpu.memory_space<hbm>>
    %dma_start3A_380 = arith.constant 12288 : i32
    %dma_start3A_381 = tpu.memref_slice %arg3[%dma_start3A_380] : memref<16384xi32, #tpu.memory_space<hbm>> -> memref<2048xi32, #tpu.memory_space<hbm>>
    tpu.enqueue_dma source(%dma_start3A_381 : memref<2048xi32, #tpu.memory_space<hbm>>) target(%arg8 : memref<2048xi32, #tpu.memory_space<vmem>>) target_semaphore(%arg16 : memref<!tpu.dma_semaphore, #tpu.memory_space<semaphore_mem>>)
    %dma_start3A_382 = arith.constant 12288 : i32
    %dma_start3A_383 = tpu.memref_slice %arg4[%dma_start3A_382] : memref<16384xi32, #tpu.memory_space<hbm>> -> memref<2048xi32, #tpu.memory_space<hbm>>
    %dma_start3A_384 = arith.constant 12288 : i32
    %dma_start3A_385 = tpu.memref_slice %arg4[%dma_start3A_384] : memref<16384xi32, #tpu.memory_space<hbm>> -> memref<2048xi32, #tpu.memory_space<hbm>>
    tpu.enqueue_dma source(%dma_start3A_385 : memref<2048xi32, #tpu.memory_space<hbm>>) target(%arg10 : memref<2048xi32, #tpu.memory_space<vmem>>) target_semaphore(%arg18 : memref<!tpu.dma_semaphore, #tpu.memory_space<semaphore_mem>>)
    %dma_wait3A_386 = arith.constant 10240 : i32
    %dma_wait3A_387 = tpu.memref_slice %arg3[%dma_wait3A_386] : memref<16384xi32, #tpu.memory_space<hbm>> -> memref<2048xi32, #tpu.memory_space<hbm>>
    %dma_wait3A_388 = arith.constant 10240 : i32
    %dma_wait3A_389 = tpu.memref_slice %arg3[%dma_wait3A_388] : memref<16384xi32, #tpu.memory_space<hbm>> -> memref<2048xi32, #tpu.memory_space<hbm>>
    tpu.wait_dma2 semaphore(%arg17 : memref<!tpu.dma_semaphore, #tpu.memory_space<semaphore_mem>>) src(%dma_wait3A_389 : memref<2048xi32, #tpu.memory_space<hbm>>) dst(%arg9 : memref<2048xi32, #tpu.memory_space<vmem>>)
    %dma_wait3A_390 = arith.constant 10240 : i32
    %dma_wait3A_391 = tpu.memref_slice %arg4[%dma_wait3A_390] : memref<16384xi32, #tpu.memory_space<hbm>> -> memref<2048xi32, #tpu.memory_space<hbm>>
    %dma_wait3A_392 = arith.constant 10240 : i32
    %dma_wait3A_393 = tpu.memref_slice %arg4[%dma_wait3A_392] : memref<16384xi32, #tpu.memory_space<hbm>> -> memref<2048xi32, #tpu.memory_space<hbm>>
    tpu.wait_dma2 semaphore(%arg19 : memref<!tpu.dma_semaphore, #tpu.memory_space<semaphore_mem>>) src(%dma_wait3A_393 : memref<2048xi32, #tpu.memory_space<hbm>>) dst(%arg11 : memref<2048xi32, #tpu.memory_space<vmem>>)
    %dma_wait3A_394 = tpu.memref_slice %arg6[%add3A_348] : memref<4194304xbf16, #tpu.memory_space<hbm>> -> memref<8192xbf16, #tpu.memory_space<hbm>>
    %dma_wait3A_395 = tpu.memref_slice %arg6[%add3A_348] : memref<4194304xbf16, #tpu.memory_space<hbm>> -> memref<8192xbf16, #tpu.memory_space<hbm>>
    tpu.wait_dma2 semaphore(%arg21 : memref<!tpu.dma_semaphore, #tpu.memory_space<semaphore_mem>>) src(%arg14 : memref<8192xbf16, #tpu.memory_space<vmem>>) dst(%dma_wait3A_395 : memref<8192xbf16, #tpu.memory_space<hbm>>)
    %scan3A_396 = arith.constant 0 : i32
    %scan3A_397 = arith.constant 32 : i32
    %scan3A_398 = arith.addi %scan3A_396, %scan3A_397 : i32
    %scan3A_399 = arith.constant 1 : i32
    scf.for %scan3A_455 = %scan3A_396 to %scan3A_398 step %scan3A_399  : i32 {
      %mul3A_456 = arith.constant 4 : i32
      %mul3A_457 = arith.muli %scan3A_455, %mul3A_456 : i32
      %add3A_458 = arith.constant 0 : i32
      %add3A_459 = arith.addi %mul3A_457, %add3A_458 : i32
      %mul3A_460 = arith.constant 4 : i32
      %mul3A_461 = arith.muli %scan3A_455, %mul3A_460 : i32
      %add3A_462 = arith.constant 1 : i32
      %add3A_463 = arith.addi %mul3A_461, %add3A_462 : i32
      %mul3A_464 = arith.constant 4 : i32
      %mul3A_465 = arith.muli %scan3A_455, %mul3A_464 : i32
      %add3A_466 = arith.constant 2 : i32
      %add3A_467 = arith.addi %mul3A_465, %add3A_466 : i32
      %mul3A_468 = arith.constant 4 : i32
      %mul3A_469 = arith.muli %scan3A_455, %mul3A_468 : i32
      %add3A_470 = arith.constant 3 : i32
      %add3A_471 = arith.addi %mul3A_469, %add3A_470 : i32
      %mul3A_472 = arith.constant 16 : i32
      %mul3A_473 = arith.muli %add3A_459, %mul3A_472 : i32
      %get3A_474 = arith.index_cast %mul3A_473 : i32 to index
      %get3A_475 = tpu.vector_load %arg9[%get3A_474] {strides = array<i32>} : memref<2048xi32, #tpu.memory_space<vmem>>, vector<16xi32>,
      %mul3A_476 = arith.constant 16 : i32
      %mul3A_477 = arith.muli %add3A_463, %mul3A_476 : i32
      %get3A_478 = arith.index_cast %mul3A_477 : i32 to index
      %get3A_479 = tpu.vector_load %arg9[%get3A_478] {strides = array<i32>} : memref<2048xi32, #tpu.memory_space<vmem>>, vector<16xi32>,
      %mul3A_480 = arith.constant 16 : i32
      %mul3A_481 = arith.muli %add3A_467, %mul3A_480 : i32
      %get3A_482 = arith.index_cast %mul3A_481 : i32 to index
      %get3A_483 = tpu.vector_load %arg9[%get3A_482] {strides = array<i32>} : memref<2048xi32, #tpu.memory_space<vmem>>, vector<16xi32>,
      %mul3A_484 = arith.constant 16 : i32
      %mul3A_485 = arith.muli %add3A_471, %mul3A_484 : i32
      %get3A_486 = arith.index_cast %mul3A_485 : i32 to index
      %get3A_487 = tpu.vector_load %arg9[%get3A_486] {strides = array<i32>} : memref<2048xi32, #tpu.memory_space<vmem>>, vector<16xi32>,
      %mul3A_488 = arith.constant 16 : i32
      %mul3A_489 = arith.muli %add3A_459, %mul3A_488 : i32
      %get3A_490 = arith.index_cast %mul3A_489 : i32 to index
      %get3A_491 = tpu.vector_load %arg11[%get3A_490] {strides = array<i32>} : memref<2048xi32, #tpu.memory_space<vmem>>, vector<16xi32>,
      %mul3A_492 = arith.constant 16 : i32
      %mul3A_493 = arith.muli %add3A_463, %mul3A_492 : i32
      %get3A_494 = arith.index_cast %mul3A_493 : i32 to index
      %get3A_495 = tpu.vector_load %arg11[%get3A_494] {strides = array<i32>} : memref<2048xi32, #tpu.memory_space<vmem>>, vector<16xi32>,
      %mul3A_496 = arith.constant 16 : i32
      %mul3A_497 = arith.muli %add3A_467, %mul3A_496 : i32
      %get3A_498 = arith.index_cast %mul3A_497 : i32 to index
      %get3A_499 = tpu.vector_load %arg11[%get3A_498] {strides = array<i32>} : memref<2048xi32, #tpu.memory_space<vmem>>, vector<16xi32>,
      %mul3A_500 = arith.constant 16 : i32
      %mul3A_501 = arith.muli %add3A_471, %mul3A_500 : i32
      %get3A_502 = arith.index_cast %mul3A_501 : i32 to index
      %get3A_503 = tpu.vector_load %arg11[%get3A_502] {strides = array<i32>} : memref<2048xi32, #tpu.memory_space<vmem>>, vector<16xi32>,
      %gather3A_504 = tpu.vector_load_idx %arg7[%get3A_475] : memref<100000xf32, #tpu.memory_space<vmem>>[vector<16xi32>], vector<16xf32>,
      %gather3A_505 = tpu.vector_load_idx %arg7[%get3A_479] : memref<100000xf32, #tpu.memory_space<vmem>>[vector<16xi32>], vector<16xf32>,
      %gather3A_506 = tpu.vector_load_idx %arg7[%get3A_483] : memref<100000xf32, #tpu.memory_space<vmem>>[vector<16xi32>], vector<16xf32>,
      %gather3A_507 = tpu.vector_load_idx %arg7[%get3A_487] : memref<100000xf32, #tpu.memory_space<vmem>>[vector<16xi32>], vector<16xf32>,
      %gather3A_508 = tpu.vector_load_idx %arg7[%get3A_491] : memref<100000xf32, #tpu.memory_space<vmem>>[vector<16xi32>], vector<16xf32>,
      %gather3A_509 = tpu.vector_load_idx %arg7[%get3A_495] : memref<100000xf32, #tpu.memory_space<vmem>>[vector<16xi32>], vector<16xf32>,
      %gather3A_510 = tpu.vector_load_idx %arg7[%get3A_499] : memref<100000xf32, #tpu.memory_space<vmem>>[vector<16xi32>], vector<16xf32>,
      %gather3A_511 = tpu.vector_load_idx %arg7[%get3A_503] : memref<100000xf32, #tpu.memory_space<vmem>>[vector<16xi32>], vector<16xf32>,
      %mul3A_512 = arith.mulf %gather3A_504, %gather3A_508 : vector<16xf32>
      %mul3A_513 = arith.mulf %gather3A_505, %gather3A_509 : vector<16xf32>
      %pack3A = tpu.pack_subelements %mul3A_512, %mul3A_513 {pack_format = #tpu.pack_format<interleaved>, positions = array<i32: 0, 1>} : vector<16xf32>, vector<16xf32> -> vector<32xbf16>
      %mul3A_514 = arith.constant 16 : i32
      %mul3A_515 = arith.muli %add3A_459, %mul3A_514 : i32
      %add3A_516 = arith.constant 0 : i32
      %add3A_517 = arith.addi %add3A_516, %mul3A_515 : i32
      %swap3A = arith.index_cast %add3A_517 : i32 to index
      %swap3A_518 = tpu.vector_load %arg14[%swap3A] {strides = array<i32>} : memref<8192xbf16, #tpu.memory_space<vmem>>, vector<32xbf16>,
      tpu.vector_store %arg14[%swap3A], %pack3A {strides = array<i32>} : memref<8192xbf16, #tpu.memory_space<vmem>>, vector<32xbf16>,
      %mul3A_519 = arith.mulf %gather3A_504, %broadcast_in_dim3A_238 : vector<16xf32>
      %mul3A_520 = arith.mulf %gather3A_505, %broadcast_in_dim3A_238 : vector<16xf32>
      %pack3A_521 = tpu.pack_subelements %mul3A_519, %mul3A_520 {pack_format = #tpu.pack_format<interleaved>, positions = array<i32: 0, 1>} : vector<16xf32>, vector<16xf32> -> vector<32xbf16>
      %mul3A_522 = arith.constant 16 : i32
      %mul3A_523 = arith.muli %add3A_459, %mul3A_522 : i32
      %add3A_524 = arith.constant 2048 : i32
      %add3A_525 = arith.addi %add3A_524, %mul3A_523 : i32
      %swap3A_526 = arith.index_cast %add3A_525 : i32 to index
      %swap3A_527 = tpu.vector_load %arg14[%swap3A_526] {strides = array<i32>} : memref<8192xbf16, #tpu.memory_space<vmem>>, vector<32xbf16>,
      tpu.vector_store %arg14[%swap3A_526], %pack3A_521 {strides = array<i32>} : memref<8192xbf16, #tpu.memory_space<vmem>>, vector<32xbf16>,
      %mul3A_528 = arith.mulf %gather3A_504, %broadcast_in_dim3A_241 : vector<16xf32>
      %mul3A_529 = arith.mulf %gather3A_505, %broadcast_in_dim3A_241 : vector<16xf32>
      %pack3A_530 = tpu.pack_subelements %mul3A_528, %mul3A_529 {pack_format = #tpu.pack_format<interleaved>, positions = array<i32: 0, 1>} : vector<16xf32>, vector<16xf32> -> vector<32xbf16>
      %mul3A_531 = arith.constant 16 : i32
      %mul3A_532 = arith.muli %add3A_459, %mul3A_531 : i32
      %add3A_533 = arith.constant 4096 : i32
      %add3A_534 = arith.addi %add3A_533, %mul3A_532 : i32
      %swap3A_535 = arith.index_cast %add3A_534 : i32 to index
      %swap3A_536 = tpu.vector_load %arg14[%swap3A_535] {strides = array<i32>} : memref<8192xbf16, #tpu.memory_space<vmem>>, vector<32xbf16>,
      tpu.vector_store %arg14[%swap3A_535], %pack3A_530 {strides = array<i32>} : memref<8192xbf16, #tpu.memory_space<vmem>>, vector<32xbf16>,
      %mul3A_537 = arith.mulf %gather3A_504, %broadcast_in_dim3A_244 : vector<16xf32>
      %mul3A_538 = arith.mulf %gather3A_505, %broadcast_in_dim3A_244 : vector<16xf32>
      %pack3A_539 = tpu.pack_subelements %mul3A_537, %mul3A_538 {pack_format = #tpu.pack_format<interleaved>, positions = array<i32: 0, 1>} : vector<16xf32>, vector<16xf32> -> vector<32xbf16>
      %mul3A_540 = arith.constant 16 : i32
      %mul3A_541 = arith.muli %add3A_459, %mul3A_540 : i32
      %add3A_542 = arith.constant 6144 : i32
      %add3A_543 = arith.addi %add3A_542, %mul3A_541 : i32
      %swap3A_544 = arith.index_cast %add3A_543 : i32 to index
      %swap3A_545 = tpu.vector_load %arg14[%swap3A_544] {strides = array<i32>} : memref<8192xbf16, #tpu.memory_space<vmem>>, vector<32xbf16>,
      tpu.vector_store %arg14[%swap3A_544], %pack3A_539 {strides = array<i32>} : memref<8192xbf16, #tpu.memory_space<vmem>>, vector<32xbf16>,
      %mul3A_546 = arith.mulf %gather3A_506, %gather3A_510 : vector<16xf32>
      %mul3A_547 = arith.mulf %gather3A_507, %gather3A_511 : vector<16xf32>
      %pack3A_548 = tpu.pack_subelements %mul3A_546, %mul3A_547 {pack_format = #tpu.pack_format<interleaved>, positions = array<i32: 0, 1>} : vector<16xf32>, vector<16xf32> -> vector<32xbf16>
      %mul3A_549 = arith.constant 16 : i32
      %mul3A_550 = arith.muli %add3A_467, %mul3A_549 : i32
      %add3A_551 = arith.constant 0 : i32
      %add3A_552 = arith.addi %add3A_551, %mul3A_550 : i32
      %swap3A_553 = arith.index_cast %add3A_552 : i32 to index
      %swap3A_554 = tpu.vector_load %arg14[%swap3A_553] {strides = array<i32>} : memref<8192xbf16, #tpu.memory_space<vmem>>, vector<32xbf16>,
      tpu.vector_store %arg14[%swap3A_553], %pack3A_548 {strides = array<i32>} : memref<8192xbf16, #tpu.memory_space<vmem>>, vector<32xbf16>,
      %mul3A_555 = arith.mulf %gather3A_506, %broadcast_in_dim3A_238 : vector<16xf32>
      %mul3A_556 = arith.mulf %gather3A_507, %broadcast_in_dim3A_238 : vector<16xf32>
      %pack3A_557 = tpu.pack_subelements %mul3A_555, %mul3A_556 {pack_format = #tpu.pack_format<interleaved>, positions = array<i32: 0, 1>} : vector<16xf32>, vector<16xf32> -> vector<32xbf16>
      %mul3A_558 = arith.constant 16 : i32
      %mul3A_559 = arith.muli %add3A_467, %mul3A_558 : i32
      %add3A_560 = arith.constant 2048 : i32
      %add3A_561 = arith.addi %add3A_560, %mul3A_559 : i32
      %swap3A_562 = arith.index_cast %add3A_561 : i32 to index
      %swap3A_563 = tpu.vector_load %arg14[%swap3A_562] {strides = array<i32>} : memref<8192xbf16, #tpu.memory_space<vmem>>, vector<32xbf16>,
      tpu.vector_store %arg14[%swap3A_562], %pack3A_557 {strides = array<i32>} : memref<8192xbf16, #tpu.memory_space<vmem>>, vector<32xbf16>,
      %mul3A_564 = arith.mulf %gather3A_506, %broadcast_in_dim3A_241 : vector<16xf32>
      %mul3A_565 = arith.mulf %gather3A_507, %broadcast_in_dim3A_241 : vector<16xf32>
      %pack3A_566 = tpu.pack_subelements %mul3A_564, %mul3A_565 {pack_format = #tpu.pack_format<interleaved>, positions = array<i32: 0, 1>} : vector<16xf32>, vector<16xf32> -> vector<32xbf16>
      %mul3A_567 = arith.constant 16 : i32
      %mul3A_568 = arith.muli %add3A_467, %mul3A_567 : i32
      %add3A_569 = arith.constant 4096 : i32
      %add3A_570 = arith.addi %add3A_569, %mul3A_568 : i32
      %swap3A_571 = arith.index_cast %add3A_570 : i32 to index
      %swap3A_572 = tpu.vector_load %arg14[%swap3A_571] {strides = array<i32>} : memref<8192xbf16, #tpu.memory_space<vmem>>, vector<32xbf16>,
      tpu.vector_store %arg14[%swap3A_571], %pack3A_566 {strides = array<i32>} : memref<8192xbf16, #tpu.memory_space<vmem>>, vector<32xbf16>,
      %mul3A_573 = arith.mulf %gather3A_506, %broadcast_in_dim3A_244 : vector<16xf32>
      %mul3A_574 = arith.mulf %gather3A_507, %broadcast_in_dim3A_244 : vector<16xf32>
      %pack3A_575 = tpu.pack_subelements %mul3A_573, %mul3A_574 {pack_format = #tpu.pack_format<interleaved>, positions = array<i32: 0, 1>} : vector<16xf32>, vector<16xf32> -> vector<32xbf16>
      %mul3A_576 = arith.constant 16 : i32
      %mul3A_577 = arith.muli %add3A_467, %mul3A_576 : i32
      %add3A_578 = arith.constant 6144 : i32
      %add3A_579 = arith.addi %add3A_578, %mul3A_577 : i32
      %swap3A_580 = arith.index_cast %add3A_579 : i32 to index
      %swap3A_581 = tpu.vector_load %arg14[%swap3A_580] {strides = array<i32>} : memref<8192xbf16, #tpu.memory_space<vmem>>, vector<32xbf16>,
      tpu.vector_store %arg14[%swap3A_580], %pack3A_575 {strides = array<i32>} : memref<8192xbf16, #tpu.memory_space<vmem>>, vector<32xbf16>,
    }
    %scan3A_400 = arith.constant 32 : i32
    %add3A_401 = arith.constant 40960 : i32
    %add3A_402 = arith.addi %mul3A_246, %add3A_401 : i32
    %dma_start3A_403 = tpu.memref_slice %arg6[%add3A_402] : memref<4194304xbf16, #tpu.memory_space<hbm>> -> memref<8192xbf16, #tpu.memory_space<hbm>>
    %dma_start3A_404 = tpu.memref_slice %arg6[%add3A_402] : memref<4194304xbf16, #tpu.memory_space<hbm>> -> memref<8192xbf16, #tpu.memory_space<hbm>>
    tpu.enqueue_dma source(%arg14 : memref<8192xbf16, #tpu.memory_space<vmem>>) target(%dma_start3A_404 : memref<8192xbf16, #tpu.memory_space<hbm>>) target_semaphore(%arg21 : memref<!tpu.dma_semaphore, #tpu.memory_space<semaphore_mem>>)
    %dma_start3A_405 = arith.constant 14336 : i32
    %dma_start3A_406 = tpu.memref_slice %arg3[%dma_start3A_405] : memref<16384xi32, #tpu.memory_space<hbm>> -> memref<2048xi32, #tpu.memory_space<hbm>>
    %dma_start3A_407 = arith.constant 14336 : i32
    %dma_start3A_408 = tpu.memref_slice %arg3[%dma_start3A_407] : memref<16384xi32, #tpu.memory_space<hbm>> -> memref<2048xi32, #tpu.memory_space<hbm>>
    tpu.enqueue_dma source(%dma_start3A_408 : memref<2048xi32, #tpu.memory_space<hbm>>) target(%arg9 : memref<2048xi32, #tpu.memory_space<vmem>>) target_semaphore(%arg17 : memref<!tpu.dma_semaphore, #tpu.memory_space<semaphore_mem>>)
    %dma_start3A_409 = arith.constant 14336 : i32
    %dma_start3A_410 = tpu.memref_slice %arg4[%dma_start3A_409] : memref<16384xi32, #tpu.memory_space<hbm>> -> memref<2048xi32, #tpu.memory_space<hbm>>
    %dma_start3A_411 = arith.constant 14336 : i32
    %dma_start3A_412 = tpu.memref_slice %arg4[%dma_start3A_411] : memref<16384xi32, #tpu.memory_space<hbm>> -> memref<2048xi32, #tpu.memory_space<hbm>>
    tpu.enqueue_dma source(%dma_start3A_412 : memref<2048xi32, #tpu.memory_space<hbm>>) target(%arg11 : memref<2048xi32, #tpu.memory_space<vmem>>) target_semaphore(%arg19 : memref<!tpu.dma_semaphore, #tpu.memory_space<semaphore_mem>>)
    %dma_wait3A_413 = arith.constant 12288 : i32
    %dma_wait3A_414 = tpu.memref_slice %arg3[%dma_wait3A_413] : memref<16384xi32, #tpu.memory_space<hbm>> -> memref<2048xi32, #tpu.memory_space<hbm>>
    %dma_wait3A_415 = arith.constant 12288 : i32
    %dma_wait3A_416 = tpu.memref_slice %arg3[%dma_wait3A_415] : memref<16384xi32, #tpu.memory_space<hbm>> -> memref<2048xi32, #tpu.memory_space<hbm>>
    tpu.wait_dma2 semaphore(%arg16 : memref<!tpu.dma_semaphore, #tpu.memory_space<semaphore_mem>>) src(%dma_wait3A_416 : memref<2048xi32, #tpu.memory_space<hbm>>) dst(%arg8 : memref<2048xi32, #tpu.memory_space<vmem>>)
    %dma_wait3A_417 = arith.constant 12288 : i32
    %dma_wait3A_418 = tpu.memref_slice %arg4[%dma_wait3A_417] : memref<16384xi32, #tpu.memory_space<hbm>> -> memref<2048xi32, #tpu.memory_space<hbm>>
    %dma_wait3A_419 = arith.constant 12288 : i32
    %dma_wait3A_420 = tpu.memref_slice %arg4[%dma_wait3A_419] : memref<16384xi32, #tpu.memory_space<hbm>> -> memref<2048xi32, #tpu.memory_space<hbm>>
    tpu.wait_dma2 semaphore(%arg18 : memref<!tpu.dma_semaphore, #tpu.memory_space<semaphore_mem>>) src(%dma_wait3A_420 : memref<2048xi32, #tpu.memory_space<hbm>>) dst(%arg10 : memref<2048xi32, #tpu.memory_space<vmem>>)
    %dma_wait3A_421 = tpu.memref_slice %arg6[%add3A_375] : memref<4194304xbf16, #tpu.memory_space<hbm>> -> memref<8192xbf16, #tpu.memory_space<hbm>>
    %dma_wait3A_422 = tpu.memref_slice %arg6[%add3A_375] : memref<4194304xbf16, #tpu.memory_space<hbm>> -> memref<8192xbf16, #tpu.memory_space<hbm>>
    tpu.wait_dma2 semaphore(%arg20 : memref<!tpu.dma_semaphore, #tpu.memory_space<semaphore_mem>>) src(%arg13 : memref<8192xbf16, #tpu.memory_space<vmem>>) dst(%dma_wait3A_422 : memref<8192xbf16, #tpu.memory_space<hbm>>)
    %scan3A_423 = arith.constant 0 : i32
    %scan3A_424 = arith.constant 32 : i32
    %scan3A_425 = arith.addi %scan3A_423, %scan3A_424 : i32
    %scan3A_426 = arith.constant 1 : i32
    scf.for %scan3A_455 = %scan3A_423 to %scan3A_425 step %scan3A_426  : i32 {
      %mul3A_456 = arith.constant 4 : i32
      %mul3A_457 = arith.muli %scan3A_455, %mul3A_456 : i32
      %add3A_458 = arith.constant 0 : i32
      %add3A_459 = arith.addi %mul3A_457, %add3A_458 : i32
      %mul3A_460 = arith.constant 4 : i32
      %mul3A_461 = arith.muli %scan3A_455, %mul3A_460 : i32
      %add3A_462 = arith.constant 1 : i32
      %add3A_463 = arith.addi %mul3A_461, %add3A_462 : i32
      %mul3A_464 = arith.constant 4 : i32
      %mul3A_465 = arith.muli %scan3A_455, %mul3A_464 : i32
      %add3A_466 = arith.constant 2 : i32
      %add3A_467 = arith.addi %mul3A_465, %add3A_466 : i32
      %mul3A_468 = arith.constant 4 : i32
      %mul3A_469 = arith.muli %scan3A_455, %mul3A_468 : i32
      %add3A_470 = arith.constant 3 : i32
      %add3A_471 = arith.addi %mul3A_469, %add3A_470 : i32
      %mul3A_472 = arith.constant 16 : i32
      %mul3A_473 = arith.muli %add3A_459, %mul3A_472 : i32
      %get3A_474 = arith.index_cast %mul3A_473 : i32 to index
      %get3A_475 = tpu.vector_load %arg8[%get3A_474] {strides = array<i32>} : memref<2048xi32, #tpu.memory_space<vmem>>, vector<16xi32>,
      %mul3A_476 = arith.constant 16 : i32
      %mul3A_477 = arith.muli %add3A_463, %mul3A_476 : i32
      %get3A_478 = arith.index_cast %mul3A_477 : i32 to index
      %get3A_479 = tpu.vector_load %arg8[%get3A_478] {strides = array<i32>} : memref<2048xi32, #tpu.memory_space<vmem>>, vector<16xi32>,
      %mul3A_480 = arith.constant 16 : i32
      %mul3A_481 = arith.muli %add3A_467, %mul3A_480 : i32
      %get3A_482 = arith.index_cast %mul3A_481 : i32 to index
      %get3A_483 = tpu.vector_load %arg8[%get3A_482] {strides = array<i32>} : memref<2048xi32, #tpu.memory_space<vmem>>, vector<16xi32>,
      %mul3A_484 = arith.constant 16 : i32
      %mul3A_485 = arith.muli %add3A_471, %mul3A_484 : i32
      %get3A_486 = arith.index_cast %mul3A_485 : i32 to index
      %get3A_487 = tpu.vector_load %arg8[%get3A_486] {strides = array<i32>} : memref<2048xi32, #tpu.memory_space<vmem>>, vector<16xi32>,
      %mul3A_488 = arith.constant 16 : i32
      %mul3A_489 = arith.muli %add3A_459, %mul3A_488 : i32
      %get3A_490 = arith.index_cast %mul3A_489 : i32 to index
      %get3A_491 = tpu.vector_load %arg10[%get3A_490] {strides = array<i32>} : memref<2048xi32, #tpu.memory_space<vmem>>, vector<16xi32>,
      %mul3A_492 = arith.constant 16 : i32
      %mul3A_493 = arith.muli %add3A_463, %mul3A_492 : i32
      %get3A_494 = arith.index_cast %mul3A_493 : i32 to index
      %get3A_495 = tpu.vector_load %arg10[%get3A_494] {strides = array<i32>} : memref<2048xi32, #tpu.memory_space<vmem>>, vector<16xi32>,
      %mul3A_496 = arith.constant 16 : i32
      %mul3A_497 = arith.muli %add3A_467, %mul3A_496 : i32
      %get3A_498 = arith.index_cast %mul3A_497 : i32 to index
      %get3A_499 = tpu.vector_load %arg10[%get3A_498] {strides = array<i32>} : memref<2048xi32, #tpu.memory_space<vmem>>, vector<16xi32>,
      %mul3A_500 = arith.constant 16 : i32
      %mul3A_501 = arith.muli %add3A_471, %mul3A_500 : i32
      %get3A_502 = arith.index_cast %mul3A_501 : i32 to index
      %get3A_503 = tpu.vector_load %arg10[%get3A_502] {strides = array<i32>} : memref<2048xi32, #tpu.memory_space<vmem>>, vector<16xi32>,
      %gather3A_504 = tpu.vector_load_idx %arg7[%get3A_475] : memref<100000xf32, #tpu.memory_space<vmem>>[vector<16xi32>], vector<16xf32>,
      %gather3A_505 = tpu.vector_load_idx %arg7[%get3A_479] : memref<100000xf32, #tpu.memory_space<vmem>>[vector<16xi32>], vector<16xf32>,
      %gather3A_506 = tpu.vector_load_idx %arg7[%get3A_483] : memref<100000xf32, #tpu.memory_space<vmem>>[vector<16xi32>], vector<16xf32>,
      %gather3A_507 = tpu.vector_load_idx %arg7[%get3A_487] : memref<100000xf32, #tpu.memory_space<vmem>>[vector<16xi32>], vector<16xf32>,
      %gather3A_508 = tpu.vector_load_idx %arg7[%get3A_491] : memref<100000xf32, #tpu.memory_space<vmem>>[vector<16xi32>], vector<16xf32>,
      %gather3A_509 = tpu.vector_load_idx %arg7[%get3A_495] : memref<100000xf32, #tpu.memory_space<vmem>>[vector<16xi32>], vector<16xf32>,
      %gather3A_510 = tpu.vector_load_idx %arg7[%get3A_499] : memref<100000xf32, #tpu.memory_space<vmem>>[vector<16xi32>], vector<16xf32>,
      %gather3A_511 = tpu.vector_load_idx %arg7[%get3A_503] : memref<100000xf32, #tpu.memory_space<vmem>>[vector<16xi32>], vector<16xf32>,
      %mul3A_512 = arith.mulf %gather3A_504, %gather3A_508 : vector<16xf32>
      %mul3A_513 = arith.mulf %gather3A_505, %gather3A_509 : vector<16xf32>
      %pack3A = tpu.pack_subelements %mul3A_512, %mul3A_513 {pack_format = #tpu.pack_format<interleaved>, positions = array<i32: 0, 1>} : vector<16xf32>, vector<16xf32> -> vector<32xbf16>
      %mul3A_514 = arith.constant 16 : i32
      %mul3A_515 = arith.muli %add3A_459, %mul3A_514 : i32
      %add3A_516 = arith.constant 0 : i32
      %add3A_517 = arith.addi %add3A_516, %mul3A_515 : i32
      %swap3A = arith.index_cast %add3A_517 : i32 to index
      %swap3A_518 = tpu.vector_load %arg13[%swap3A] {strides = array<i32>} : memref<8192xbf16, #tpu.memory_space<vmem>>, vector<32xbf16>,
      tpu.vector_store %arg13[%swap3A], %pack3A {strides = array<i32>} : memref<8192xbf16, #tpu.memory_space<vmem>>, vector<32xbf16>,
      %mul3A_519 = arith.mulf %gather3A_504, %broadcast_in_dim3A_238 : vector<16xf32>
      %mul3A_520 = arith.mulf %gather3A_505, %broadcast_in_dim3A_238 : vector<16xf32>
      %pack3A_521 = tpu.pack_subelements %mul3A_519, %mul3A_520 {pack_format = #tpu.pack_format<interleaved>, positions = array<i32: 0, 1>} : vector<16xf32>, vector<16xf32> -> vector<32xbf16>
      %mul3A_522 = arith.constant 16 : i32
      %mul3A_523 = arith.muli %add3A_459, %mul3A_522 : i32
      %add3A_524 = arith.constant 2048 : i32
      %add3A_525 = arith.addi %add3A_524, %mul3A_523 : i32
      %swap3A_526 = arith.index_cast %add3A_525 : i32 to index
      %swap3A_527 = tpu.vector_load %arg13[%swap3A_526] {strides = array<i32>} : memref<8192xbf16, #tpu.memory_space<vmem>>, vector<32xbf16>,
      tpu.vector_store %arg13[%swap3A_526], %pack3A_521 {strides = array<i32>} : memref<8192xbf16, #tpu.memory_space<vmem>>, vector<32xbf16>,
      %mul3A_528 = arith.mulf %gather3A_504, %broadcast_in_dim3A_241 : vector<16xf32>
      %mul3A_529 = arith.mulf %gather3A_505, %broadcast_in_dim3A_241 : vector<16xf32>
      %pack3A_530 = tpu.pack_subelements %mul3A_528, %mul3A_529 {pack_format = #tpu.pack_format<interleaved>, positions = array<i32: 0, 1>} : vector<16xf32>, vector<16xf32> -> vector<32xbf16>
      %mul3A_531 = arith.constant 16 : i32
      %mul3A_532 = arith.muli %add3A_459, %mul3A_531 : i32
      %add3A_533 = arith.constant 4096 : i32
      %add3A_534 = arith.addi %add3A_533, %mul3A_532 : i32
      %swap3A_535 = arith.index_cast %add3A_534 : i32 to index
      %swap3A_536 = tpu.vector_load %arg13[%swap3A_535] {strides = array<i32>} : memref<8192xbf16, #tpu.memory_space<vmem>>, vector<32xbf16>,
      tpu.vector_store %arg13[%swap3A_535], %pack3A_530 {strides = array<i32>} : memref<8192xbf16, #tpu.memory_space<vmem>>, vector<32xbf16>,
      %mul3A_537 = arith.mulf %gather3A_504, %broadcast_in_dim3A_244 : vector<16xf32>
      %mul3A_538 = arith.mulf %gather3A_505, %broadcast_in_dim3A_244 : vector<16xf32>
      %pack3A_539 = tpu.pack_subelements %mul3A_537, %mul3A_538 {pack_format = #tpu.pack_format<interleaved>, positions = array<i32: 0, 1>} : vector<16xf32>, vector<16xf32> -> vector<32xbf16>
      %mul3A_540 = arith.constant 16 : i32
      %mul3A_541 = arith.muli %add3A_459, %mul3A_540 : i32
      %add3A_542 = arith.constant 6144 : i32
      %add3A_543 = arith.addi %add3A_542, %mul3A_541 : i32
      %swap3A_544 = arith.index_cast %add3A_543 : i32 to index
      %swap3A_545 = tpu.vector_load %arg13[%swap3A_544] {strides = array<i32>} : memref<8192xbf16, #tpu.memory_space<vmem>>, vector<32xbf16>,
      tpu.vector_store %arg13[%swap3A_544], %pack3A_539 {strides = array<i32>} : memref<8192xbf16, #tpu.memory_space<vmem>>, vector<32xbf16>,
      %mul3A_546 = arith.mulf %gather3A_506, %gather3A_510 : vector<16xf32>
      %mul3A_547 = arith.mulf %gather3A_507, %gather3A_511 : vector<16xf32>
      %pack3A_548 = tpu.pack_subelements %mul3A_546, %mul3A_547 {pack_format = #tpu.pack_format<interleaved>, positions = array<i32: 0, 1>} : vector<16xf32>, vector<16xf32> -> vector<32xbf16>
      %mul3A_549 = arith.constant 16 : i32
      %mul3A_550 = arith.muli %add3A_467, %mul3A_549 : i32
      %add3A_551 = arith.constant 0 : i32
      %add3A_552 = arith.addi %add3A_551, %mul3A_550 : i32
      %swap3A_553 = arith.index_cast %add3A_552 : i32 to index
      %swap3A_554 = tpu.vector_load %arg13[%swap3A_553] {strides = array<i32>} : memref<8192xbf16, #tpu.memory_space<vmem>>, vector<32xbf16>,
      tpu.vector_store %arg13[%swap3A_553], %pack3A_548 {strides = array<i32>} : memref<8192xbf16, #tpu.memory_space<vmem>>, vector<32xbf16>,
      %mul3A_555 = arith.mulf %gather3A_506, %broadcast_in_dim3A_238 : vector<16xf32>
      %mul3A_556 = arith.mulf %gather3A_507, %broadcast_in_dim3A_238 : vector<16xf32>
      %pack3A_557 = tpu.pack_subelements %mul3A_555, %mul3A_556 {pack_format = #tpu.pack_format<interleaved>, positions = array<i32: 0, 1>} : vector<16xf32>, vector<16xf32> -> vector<32xbf16>
      %mul3A_558 = arith.constant 16 : i32
      %mul3A_559 = arith.muli %add3A_467, %mul3A_558 : i32
      %add3A_560 = arith.constant 2048 : i32
      %add3A_561 = arith.addi %add3A_560, %mul3A_559 : i32
      %swap3A_562 = arith.index_cast %add3A_561 : i32 to index
      %swap3A_563 = tpu.vector_load %arg13[%swap3A_562] {strides = array<i32>} : memref<8192xbf16, #tpu.memory_space<vmem>>, vector<32xbf16>,
      tpu.vector_store %arg13[%swap3A_562], %pack3A_557 {strides = array<i32>} : memref<8192xbf16, #tpu.memory_space<vmem>>, vector<32xbf16>,
      %mul3A_564 = arith.mulf %gather3A_506, %broadcast_in_dim3A_241 : vector<16xf32>
      %mul3A_565 = arith.mulf %gather3A_507, %broadcast_in_dim3A_241 : vector<16xf32>
      %pack3A_566 = tpu.pack_subelements %mul3A_564, %mul3A_565 {pack_format = #tpu.pack_format<interleaved>, positions = array<i32: 0, 1>} : vector<16xf32>, vector<16xf32> -> vector<32xbf16>
      %mul3A_567 = arith.constant 16 : i32
      %mul3A_568 = arith.muli %add3A_467, %mul3A_567 : i32
      %add3A_569 = arith.constant 4096 : i32
      %add3A_570 = arith.addi %add3A_569, %mul3A_568 : i32
      %swap3A_571 = arith.index_cast %add3A_570 : i32 to index
      %swap3A_572 = tpu.vector_load %arg13[%swap3A_571] {strides = array<i32>} : memref<8192xbf16, #tpu.memory_space<vmem>>, vector<32xbf16>,
      tpu.vector_store %arg13[%swap3A_571], %pack3A_566 {strides = array<i32>} : memref<8192xbf16, #tpu.memory_space<vmem>>, vector<32xbf16>,
      %mul3A_573 = arith.mulf %gather3A_506, %broadcast_in_dim3A_244 : vector<16xf32>
      %mul3A_574 = arith.mulf %gather3A_507, %broadcast_in_dim3A_244 : vector<16xf32>
      %pack3A_575 = tpu.pack_subelements %mul3A_573, %mul3A_574 {pack_format = #tpu.pack_format<interleaved>, positions = array<i32: 0, 1>} : vector<16xf32>, vector<16xf32> -> vector<32xbf16>
      %mul3A_576 = arith.constant 16 : i32
      %mul3A_577 = arith.muli %add3A_467, %mul3A_576 : i32
      %add3A_578 = arith.constant 6144 : i32
      %add3A_579 = arith.addi %add3A_578, %mul3A_577 : i32
      %swap3A_580 = arith.index_cast %add3A_579 : i32 to index
      %swap3A_581 = tpu.vector_load %arg13[%swap3A_580] {strides = array<i32>} : memref<8192xbf16, #tpu.memory_space<vmem>>, vector<32xbf16>,
      tpu.vector_store %arg13[%swap3A_580], %pack3A_575 {strides = array<i32>} : memref<8192xbf16, #tpu.memory_space<vmem>>, vector<32xbf16>,
    }
    %scan3A_427 = arith.constant 32 : i32
    %add3A_428 = arith.constant 49152 : i32
    %add3A_429 = arith.addi %mul3A_246, %add3A_428 : i32
    %dma_start3A_430 = tpu.memref_slice %arg6[%add3A_429] : memref<4194304xbf16, #tpu.memory_space<hbm>> -> memref<8192xbf16, #tpu.memory_space<hbm>>
    %dma_start3A_431 = tpu.memref_slice %arg6[%add3A_429] : memref<4194304xbf16, #tpu.memory_space<hbm>> -> memref<8192xbf16, #tpu.memory_space<hbm>>
    tpu.enqueue_dma source(%arg13 : memref<8192xbf16, #tpu.memory_space<vmem>>) target(%dma_start3A_431 : memref<8192xbf16, #tpu.memory_space<hbm>>) target_semaphore(%arg20 : memref<!tpu.dma_semaphore, #tpu.memory_space<semaphore_mem>>)
    %dma_wait3A_432 = arith.constant 14336 : i32
    %dma_wait3A_433 = tpu.memref_slice %arg3[%dma_wait3A_432] : memref<16384xi32, #tpu.memory_space<hbm>> -> memref<2048xi32, #tpu.memory_space<hbm>>
    %dma_wait3A_434 = arith.constant 14336 : i32
    %dma_wait3A_435 = tpu.memref_slice %arg3[%dma_wait3A_434] : memref<16384xi32, #tpu.memory_space<hbm>> -> memref<2048xi32, #tpu.memory_space<hbm>>
    tpu.wait_dma2 semaphore(%arg17 : memref<!tpu.dma_semaphore, #tpu.memory_space<semaphore_mem>>) src(%dma_wait3A_435 : memref<2048xi32, #tpu.memory_space<hbm>>) dst(%arg9 : memref<2048xi32, #tpu.memory_space<vmem>>)
    %dma_wait3A_436 = arith.constant 14336 : i32
    %dma_wait3A_437 = tpu.memref_slice %arg4[%dma_wait3A_436] : memref<16384xi32, #tpu.memory_space<hbm>> -> memref<2048xi32, #tpu.memory_space<hbm>>
    %dma_wait3A_438 = arith.constant 14336 : i32
    %dma_wait3A_439 = tpu.memref_slice %arg4[%dma_wait3A_438] : memref<16384xi32, #tpu.memory_space<hbm>> -> memref<2048xi32, #tpu.memory_space<hbm>>
    tpu.wait_dma2 semaphore(%arg19 : memref<!tpu.dma_semaphore, #tpu.memory_space<semaphore_mem>>) src(%dma_wait3A_439 : memref<2048xi32, #tpu.memory_space<hbm>>) dst(%arg11 : memref<2048xi32, #tpu.memory_space<vmem>>)
    %dma_wait3A_440 = tpu.memref_slice %arg6[%add3A_402] : memref<4194304xbf16, #tpu.memory_space<hbm>> -> memref<8192xbf16, #tpu.memory_space<hbm>>
    %dma_wait3A_441 = tpu.memref_slice %arg6[%add3A_402] : memref<4194304xbf16, #tpu.memory_space<hbm>> -> memref<8192xbf16, #tpu.memory_space<hbm>>
    tpu.wait_dma2 semaphore(%arg21 : memref<!tpu.dma_semaphore, #tpu.memory_space<semaphore_mem>>) src(%arg14 : memref<8192xbf16, #tpu.memory_space<vmem>>) dst(%dma_wait3A_441 : memref<8192xbf16, #tpu.memory_space<hbm>>)
    %scan3A_442 = arith.constant 0 : i32
    %scan3A_443 = arith.constant 32 : i32
    %scan3A_444 = arith.addi %scan3A_442, %scan3A_443 : i32
    %scan3A_445 = arith.constant 1 : i32
    scf.for %scan3A_455 = %scan3A_442 to %scan3A_444 step %scan3A_445  : i32 {
      %mul3A_456 = arith.constant 4 : i32
      %mul3A_457 = arith.muli %scan3A_455, %mul3A_456 : i32
      %add3A_458 = arith.constant 0 : i32
      %add3A_459 = arith.addi %mul3A_457, %add3A_458 : i32
      %mul3A_460 = arith.constant 4 : i32
      %mul3A_461 = arith.muli %scan3A_455, %mul3A_460 : i32
      %add3A_462 = arith.constant 1 : i32
      %add3A_463 = arith.addi %mul3A_461, %add3A_462 : i32
      %mul3A_464 = arith.constant 4 : i32
      %mul3A_465 = arith.muli %scan3A_455, %mul3A_464 : i32
      %add3A_466 = arith.constant 2 : i32
      %add3A_467 = arith.addi %mul3A_465, %add3A_466 : i32
      %mul3A_468 = arith.constant 4 : i32
      %mul3A_469 = arith.muli %scan3A_455, %mul3A_468 : i32
      %add3A_470 = arith.constant 3 : i32
      %add3A_471 = arith.addi %mul3A_469, %add3A_470 : i32
      %mul3A_472 = arith.constant 16 : i32
      %mul3A_473 = arith.muli %add3A_459, %mul3A_472 : i32
      %get3A_474 = arith.index_cast %mul3A_473 : i32 to index
      %get3A_475 = tpu.vector_load %arg9[%get3A_474] {strides = array<i32>} : memref<2048xi32, #tpu.memory_space<vmem>>, vector<16xi32>,
      %mul3A_476 = arith.constant 16 : i32
      %mul3A_477 = arith.muli %add3A_463, %mul3A_476 : i32
      %get3A_478 = arith.index_cast %mul3A_477 : i32 to index
      %get3A_479 = tpu.vector_load %arg9[%get3A_478] {strides = array<i32>} : memref<2048xi32, #tpu.memory_space<vmem>>, vector<16xi32>,
      %mul3A_480 = arith.constant 16 : i32
      %mul3A_481 = arith.muli %add3A_467, %mul3A_480 : i32
      %get3A_482 = arith.index_cast %mul3A_481 : i32 to index
      %get3A_483 = tpu.vector_load %arg9[%get3A_482] {strides = array<i32>} : memref<2048xi32, #tpu.memory_space<vmem>>, vector<16xi32>,
      %mul3A_484 = arith.constant 16 : i32
      %mul3A_485 = arith.muli %add3A_471, %mul3A_484 : i32
      %get3A_486 = arith.index_cast %mul3A_485 : i32 to index
      %get3A_487 = tpu.vector_load %arg9[%get3A_486] {strides = array<i32>} : memref<2048xi32, #tpu.memory_space<vmem>>, vector<16xi32>,
      %mul3A_488 = arith.constant 16 : i32
      %mul3A_489 = arith.muli %add3A_459, %mul3A_488 : i32
      %get3A_490 = arith.index_cast %mul3A_489 : i32 to index
      %get3A_491 = tpu.vector_load %arg11[%get3A_490] {strides = array<i32>} : memref<2048xi32, #tpu.memory_space<vmem>>, vector<16xi32>,
      %mul3A_492 = arith.constant 16 : i32
      %mul3A_493 = arith.muli %add3A_463, %mul3A_492 : i32
      %get3A_494 = arith.index_cast %mul3A_493 : i32 to index
      %get3A_495 = tpu.vector_load %arg11[%get3A_494] {strides = array<i32>} : memref<2048xi32, #tpu.memory_space<vmem>>, vector<16xi32>,
      %mul3A_496 = arith.constant 16 : i32
      %mul3A_497 = arith.muli %add3A_467, %mul3A_496 : i32
      %get3A_498 = arith.index_cast %mul3A_497 : i32 to index
      %get3A_499 = tpu.vector_load %arg11[%get3A_498] {strides = array<i32>} : memref<2048xi32, #tpu.memory_space<vmem>>, vector<16xi32>,
      %mul3A_500 = arith.constant 16 : i32
      %mul3A_501 = arith.muli %add3A_471, %mul3A_500 : i32
      %get3A_502 = arith.index_cast %mul3A_501 : i32 to index
      %get3A_503 = tpu.vector_load %arg11[%get3A_502] {strides = array<i32>} : memref<2048xi32, #tpu.memory_space<vmem>>, vector<16xi32>,
      %gather3A_504 = tpu.vector_load_idx %arg7[%get3A_475] : memref<100000xf32, #tpu.memory_space<vmem>>[vector<16xi32>], vector<16xf32>,
      %gather3A_505 = tpu.vector_load_idx %arg7[%get3A_479] : memref<100000xf32, #tpu.memory_space<vmem>>[vector<16xi32>], vector<16xf32>,
      %gather3A_506 = tpu.vector_load_idx %arg7[%get3A_483] : memref<100000xf32, #tpu.memory_space<vmem>>[vector<16xi32>], vector<16xf32>,
      %gather3A_507 = tpu.vector_load_idx %arg7[%get3A_487] : memref<100000xf32, #tpu.memory_space<vmem>>[vector<16xi32>], vector<16xf32>,
      %gather3A_508 = tpu.vector_load_idx %arg7[%get3A_491] : memref<100000xf32, #tpu.memory_space<vmem>>[vector<16xi32>], vector<16xf32>,
      %gather3A_509 = tpu.vector_load_idx %arg7[%get3A_495] : memref<100000xf32, #tpu.memory_space<vmem>>[vector<16xi32>], vector<16xf32>,
      %gather3A_510 = tpu.vector_load_idx %arg7[%get3A_499] : memref<100000xf32, #tpu.memory_space<vmem>>[vector<16xi32>], vector<16xf32>,
      %gather3A_511 = tpu.vector_load_idx %arg7[%get3A_503] : memref<100000xf32, #tpu.memory_space<vmem>>[vector<16xi32>], vector<16xf32>,
      %mul3A_512 = arith.mulf %gather3A_504, %gather3A_508 : vector<16xf32>
      %mul3A_513 = arith.mulf %gather3A_505, %gather3A_509 : vector<16xf32>
      %pack3A = tpu.pack_subelements %mul3A_512, %mul3A_513 {pack_format = #tpu.pack_format<interleaved>, positions = array<i32: 0, 1>} : vector<16xf32>, vector<16xf32> -> vector<32xbf16>
      %mul3A_514 = arith.constant 16 : i32
      %mul3A_515 = arith.muli %add3A_459, %mul3A_514 : i32
      %add3A_516 = arith.constant 0 : i32
      %add3A_517 = arith.addi %add3A_516, %mul3A_515 : i32
      %swap3A = arith.index_cast %add3A_517 : i32 to index
      %swap3A_518 = tpu.vector_load %arg14[%swap3A] {strides = array<i32>} : memref<8192xbf16, #tpu.memory_space<vmem>>, vector<32xbf16>,
      tpu.vector_store %arg14[%swap3A], %pack3A {strides = array<i32>} : memref<8192xbf16, #tpu.memory_space<vmem>>, vector<32xbf16>,
      %mul3A_519 = arith.mulf %gather3A_504, %broadcast_in_dim3A_238 : vector<16xf32>
      %mul3A_520 = arith.mulf %gather3A_505, %broadcast_in_dim3A_238 : vector<16xf32>
      %pack3A_521 = tpu.pack_subelements %mul3A_519, %mul3A_520 {pack_format = #tpu.pack_format<interleaved>, positions = array<i32: 0, 1>} : vector<16xf32>, vector<16xf32> -> vector<32xbf16>
      %mul3A_522 = arith.constant 16 : i32
      %mul3A_523 = arith.muli %add3A_459, %mul3A_522 : i32
      %add3A_524 = arith.constant 2048 : i32
      %add3A_525 = arith.addi %add3A_524, %mul3A_523 : i32
      %swap3A_526 = arith.index_cast %add3A_525 : i32 to index
      %swap3A_527 = tpu.vector_load %arg14[%swap3A_526] {strides = array<i32>} : memref<8192xbf16, #tpu.memory_space<vmem>>, vector<32xbf16>,
      tpu.vector_store %arg14[%swap3A_526], %pack3A_521 {strides = array<i32>} : memref<8192xbf16, #tpu.memory_space<vmem>>, vector<32xbf16>,
      %mul3A_528 = arith.mulf %gather3A_504, %broadcast_in_dim3A_241 : vector<16xf32>
      %mul3A_529 = arith.mulf %gather3A_505, %broadcast_in_dim3A_241 : vector<16xf32>
      %pack3A_530 = tpu.pack_subelements %mul3A_528, %mul3A_529 {pack_format = #tpu.pack_format<interleaved>, positions = array<i32: 0, 1>} : vector<16xf32>, vector<16xf32> -> vector<32xbf16>
      %mul3A_531 = arith.constant 16 : i32
      %mul3A_532 = arith.muli %add3A_459, %mul3A_531 : i32
      %add3A_533 = arith.constant 4096 : i32
      %add3A_534 = arith.addi %add3A_533, %mul3A_532 : i32
      %swap3A_535 = arith.index_cast %add3A_534 : i32 to index
      %swap3A_536 = tpu.vector_load %arg14[%swap3A_535] {strides = array<i32>} : memref<8192xbf16, #tpu.memory_space<vmem>>, vector<32xbf16>,
      tpu.vector_store %arg14[%swap3A_535], %pack3A_530 {strides = array<i32>} : memref<8192xbf16, #tpu.memory_space<vmem>>, vector<32xbf16>,
      %mul3A_537 = arith.mulf %gather3A_504, %broadcast_in_dim3A_244 : vector<16xf32>
      %mul3A_538 = arith.mulf %gather3A_505, %broadcast_in_dim3A_244 : vector<16xf32>
      %pack3A_539 = tpu.pack_subelements %mul3A_537, %mul3A_538 {pack_format = #tpu.pack_format<interleaved>, positions = array<i32: 0, 1>} : vector<16xf32>, vector<16xf32> -> vector<32xbf16>
      %mul3A_540 = arith.constant 16 : i32
      %mul3A_541 = arith.muli %add3A_459, %mul3A_540 : i32
      %add3A_542 = arith.constant 6144 : i32
      %add3A_543 = arith.addi %add3A_542, %mul3A_541 : i32
      %swap3A_544 = arith.index_cast %add3A_543 : i32 to index
      %swap3A_545 = tpu.vector_load %arg14[%swap3A_544] {strides = array<i32>} : memref<8192xbf16, #tpu.memory_space<vmem>>, vector<32xbf16>,
      tpu.vector_store %arg14[%swap3A_544], %pack3A_539 {strides = array<i32>} : memref<8192xbf16, #tpu.memory_space<vmem>>, vector<32xbf16>,
      %mul3A_546 = arith.mulf %gather3A_506, %gather3A_510 : vector<16xf32>
      %mul3A_547 = arith.mulf %gather3A_507, %gather3A_511 : vector<16xf32>
      %pack3A_548 = tpu.pack_subelements %mul3A_546, %mul3A_547 {pack_format = #tpu.pack_format<interleaved>, positions = array<i32: 0, 1>} : vector<16xf32>, vector<16xf32> -> vector<32xbf16>
      %mul3A_549 = arith.constant 16 : i32
      %mul3A_550 = arith.muli %add3A_467, %mul3A_549 : i32
      %add3A_551 = arith.constant 0 : i32
      %add3A_552 = arith.addi %add3A_551, %mul3A_550 : i32
      %swap3A_553 = arith.index_cast %add3A_552 : i32 to index
      %swap3A_554 = tpu.vector_load %arg14[%swap3A_553] {strides = array<i32>} : memref<8192xbf16, #tpu.memory_space<vmem>>, vector<32xbf16>,
      tpu.vector_store %arg14[%swap3A_553], %pack3A_548 {strides = array<i32>} : memref<8192xbf16, #tpu.memory_space<vmem>>, vector<32xbf16>,
      %mul3A_555 = arith.mulf %gather3A_506, %broadcast_in_dim3A_238 : vector<16xf32>
      %mul3A_556 = arith.mulf %gather3A_507, %broadcast_in_dim3A_238 : vector<16xf32>
      %pack3A_557 = tpu.pack_subelements %mul3A_555, %mul3A_556 {pack_format = #tpu.pack_format<interleaved>, positions = array<i32: 0, 1>} : vector<16xf32>, vector<16xf32> -> vector<32xbf16>
      %mul3A_558 = arith.constant 16 : i32
      %mul3A_559 = arith.muli %add3A_467, %mul3A_558 : i32
      %add3A_560 = arith.constant 2048 : i32
      %add3A_561 = arith.addi %add3A_560, %mul3A_559 : i32
      %swap3A_562 = arith.index_cast %add3A_561 : i32 to index
      %swap3A_563 = tpu.vector_load %arg14[%swap3A_562] {strides = array<i32>} : memref<8192xbf16, #tpu.memory_space<vmem>>, vector<32xbf16>,
      tpu.vector_store %arg14[%swap3A_562], %pack3A_557 {strides = array<i32>} : memref<8192xbf16, #tpu.memory_space<vmem>>, vector<32xbf16>,
      %mul3A_564 = arith.mulf %gather3A_506, %broadcast_in_dim3A_241 : vector<16xf32>
      %mul3A_565 = arith.mulf %gather3A_507, %broadcast_in_dim3A_241 : vector<16xf32>
      %pack3A_566 = tpu.pack_subelements %mul3A_564, %mul3A_565 {pack_format = #tpu.pack_format<interleaved>, positions = array<i32: 0, 1>} : vector<16xf32>, vector<16xf32> -> vector<32xbf16>
      %mul3A_567 = arith.constant 16 : i32
      %mul3A_568 = arith.muli %add3A_467, %mul3A_567 : i32
      %add3A_569 = arith.constant 4096 : i32
      %add3A_570 = arith.addi %add3A_569, %mul3A_568 : i32
      %swap3A_571 = arith.index_cast %add3A_570 : i32 to index
      %swap3A_572 = tpu.vector_load %arg14[%swap3A_571] {strides = array<i32>} : memref<8192xbf16, #tpu.memory_space<vmem>>, vector<32xbf16>,
      tpu.vector_store %arg14[%swap3A_571], %pack3A_566 {strides = array<i32>} : memref<8192xbf16, #tpu.memory_space<vmem>>, vector<32xbf16>,
      %mul3A_573 = arith.mulf %gather3A_506, %broadcast_in_dim3A_244 : vector<16xf32>
      %mul3A_574 = arith.mulf %gather3A_507, %broadcast_in_dim3A_244 : vector<16xf32>
      %pack3A_575 = tpu.pack_subelements %mul3A_573, %mul3A_574 {pack_format = #tpu.pack_format<interleaved>, positions = array<i32: 0, 1>} : vector<16xf32>, vector<16xf32> -> vector<32xbf16>
      %mul3A_576 = arith.constant 16 : i32
      %mul3A_577 = arith.muli %add3A_467, %mul3A_576 : i32
      %add3A_578 = arith.constant 6144 : i32
      %add3A_579 = arith.addi %add3A_578, %mul3A_577 : i32
      %swap3A_580 = arith.index_cast %add3A_579 : i32 to index
      %swap3A_581 = tpu.vector_load %arg14[%swap3A_580] {strides = array<i32>} : memref<8192xbf16, #tpu.memory_space<vmem>>, vector<32xbf16>,
      tpu.vector_store %arg14[%swap3A_580], %pack3A_575 {strides = array<i32>} : memref<8192xbf16, #tpu.memory_space<vmem>>, vector<32xbf16>,
    }
    %scan3A_446 = arith.constant 32 : i32
    %add3A_447 = arith.constant 57344 : i32
    %add3A_448 = arith.addi %mul3A_246, %add3A_447 : i32
    %dma_start3A_449 = tpu.memref_slice %arg6[%add3A_448] : memref<4194304xbf16, #tpu.memory_space<hbm>> -> memref<8192xbf16, #tpu.memory_space<hbm>>
    %dma_start3A_450 = tpu.memref_slice %arg6[%add3A_448] : memref<4194304xbf16, #tpu.memory_space<hbm>> -> memref<8192xbf16, #tpu.memory_space<hbm>>
    tpu.enqueue_dma source(%arg14 : memref<8192xbf16, #tpu.memory_space<vmem>>) target(%dma_start3A_450 : memref<8192xbf16, #tpu.memory_space<hbm>>) target_semaphore(%arg21 : memref<!tpu.dma_semaphore, #tpu.memory_space<semaphore_mem>>)
    %dma_wait3A_451 = tpu.memref_slice %arg6[%add3A_429] : memref<4194304xbf16, #tpu.memory_space<hbm>> -> memref<8192xbf16, #tpu.memory_space<hbm>>
    %dma_wait3A_452 = tpu.memref_slice %arg6[%add3A_429] : memref<4194304xbf16, #tpu.memory_space<hbm>> -> memref<8192xbf16, #tpu.memory_space<hbm>>
    tpu.wait_dma2 semaphore(%arg20 : memref<!tpu.dma_semaphore, #tpu.memory_space<semaphore_mem>>) src(%arg13 : memref<8192xbf16, #tpu.memory_space<vmem>>) dst(%dma_wait3A_452 : memref<8192xbf16, #tpu.memory_space<hbm>>)
    %dma_wait3A_453 = tpu.memref_slice %arg6[%add3A_448] : memref<4194304xbf16, #tpu.memory_space<hbm>> -> memref<8192xbf16, #tpu.memory_space<hbm>>
    %dma_wait3A_454 = tpu.memref_slice %arg6[%add3A_448] : memref<4194304xbf16, #tpu.memory_space<hbm>> -> memref<8192xbf16, #tpu.memory_space<hbm>>
    tpu.wait_dma2 semaphore(%arg21 : memref<!tpu.dma_semaphore, #tpu.memory_space<semaphore_mem>>) src(%arg14 : memref<8192xbf16, #tpu.memory_space<vmem>>) dst(%dma_wait3A_454 : memref<8192xbf16, #tpu.memory_space<hbm>>)
    return
  }
}

module attributes {stable_mosaic.version = 14 : i64} {
  func.func @_tc_body(%arg0: i32, %arg1: memref<8192x128xbf16, #tpu.memory_space<vmem>>, %arg2: memref<1x1xf32, #tpu.memory_space<smem>>, %arg3: memref<512x128xf32, #tpu.memory_space<vmem>>) attributes {dimension_semantics = [#tpu.dimension_semantics<arbitrary>], iteration_bounds = array<i64: 4>, scalar_prefetch = 0 : i64, scratch_operands = 1 : i64, tpu.core_type = #tpu.core_type<tc>, window_params = [{transform_indices = @transform_0, window_bounds = array<i64: 8192, 128>}, {transform_indices = @transform_1, window_bounds = array<i64: 1, 1>}]} {
    %get3A = arith.constant 0 : index
    %get3A_0 = arith.constant 0 : index
    %get3A_1 = vector.load %arg1[%get3A, %get3A_0] : memref<8192x128xbf16, #tpu.memory_space<vmem>>, vector<8192x128xbf16>
    %slice3A = vector.extract_strided_slice %get3A_1 {offsets = [0, 0], sizes = [512, 128], strides = [1, 1]} : vector<8192x128xbf16> to vector<512x128xbf16>
    %convert_element_type3A = arith.extf %slice3A : vector<512x128xbf16> to vector<512x128xf32>
    %slice3A_2 = vector.extract_strided_slice %get3A_1 {offsets = [512, 0], sizes = [512, 128], strides = [1, 1]} : vector<8192x128xbf16> to vector<512x128xbf16>
    %convert_element_type3A_3 = arith.extf %slice3A_2 : vector<512x128xbf16> to vector<512x128xf32>
    %add3A = arith.addf %convert_element_type3A, %convert_element_type3A_3 : vector<512x128xf32>
    %slice3A_4 = vector.extract_strided_slice %get3A_1 {offsets = [1024, 0], sizes = [512, 128], strides = [1, 1]} : vector<8192x128xbf16> to vector<512x128xbf16>
    %convert_element_type3A_5 = arith.extf %slice3A_4 : vector<512x128xbf16> to vector<512x128xf32>
    %add3A_6 = arith.addf %add3A, %convert_element_type3A_5 : vector<512x128xf32>
    %slice3A_7 = vector.extract_strided_slice %get3A_1 {offsets = [1536, 0], sizes = [512, 128], strides = [1, 1]} : vector<8192x128xbf16> to vector<512x128xbf16>
    %convert_element_type3A_8 = arith.extf %slice3A_7 : vector<512x128xbf16> to vector<512x128xf32>
    %add3A_9 = arith.addf %add3A_6, %convert_element_type3A_8 : vector<512x128xf32>
    %slice3A_10 = vector.extract_strided_slice %get3A_1 {offsets = [2048, 0], sizes = [512, 128], strides = [1, 1]} : vector<8192x128xbf16> to vector<512x128xbf16>
    %convert_element_type3A_11 = arith.extf %slice3A_10 : vector<512x128xbf16> to vector<512x128xf32>
    %add3A_12 = arith.addf %add3A_9, %convert_element_type3A_11 : vector<512x128xf32>
    %slice3A_13 = vector.extract_strided_slice %get3A_1 {offsets = [2560, 0], sizes = [512, 128], strides = [1, 1]} : vector<8192x128xbf16> to vector<512x128xbf16>
    %convert_element_type3A_14 = arith.extf %slice3A_13 : vector<512x128xbf16> to vector<512x128xf32>
    %add3A_15 = arith.addf %add3A_12, %convert_element_type3A_14 : vector<512x128xf32>
    %slice3A_16 = vector.extract_strided_slice %get3A_1 {offsets = [3072, 0], sizes = [512, 128], strides = [1, 1]} : vector<8192x128xbf16> to vector<512x128xbf16>
    %convert_element_type3A_17 = arith.extf %slice3A_16 : vector<512x128xbf16> to vector<512x128xf32>
    %add3A_18 = arith.addf %add3A_15, %convert_element_type3A_17 : vector<512x128xf32>
    %slice3A_19 = vector.extract_strided_slice %get3A_1 {offsets = [3584, 0], sizes = [512, 128], strides = [1, 1]} : vector<8192x128xbf16> to vector<512x128xbf16>
    %convert_element_type3A_20 = arith.extf %slice3A_19 : vector<512x128xbf16> to vector<512x128xf32>
    %add3A_21 = arith.addf %add3A_18, %convert_element_type3A_20 : vector<512x128xf32>
    %slice3A_22 = vector.extract_strided_slice %get3A_1 {offsets = [4096, 0], sizes = [512, 128], strides = [1, 1]} : vector<8192x128xbf16> to vector<512x128xbf16>
    %convert_element_type3A_23 = arith.extf %slice3A_22 : vector<512x128xbf16> to vector<512x128xf32>
    %add3A_24 = arith.addf %add3A_21, %convert_element_type3A_23 : vector<512x128xf32>
    %slice3A_25 = vector.extract_strided_slice %get3A_1 {offsets = [4608, 0], sizes = [512, 128], strides = [1, 1]} : vector<8192x128xbf16> to vector<512x128xbf16>
    %convert_element_type3A_26 = arith.extf %slice3A_25 : vector<512x128xbf16> to vector<512x128xf32>
    %add3A_27 = arith.addf %add3A_24, %convert_element_type3A_26 : vector<512x128xf32>
    %slice3A_28 = vector.extract_strided_slice %get3A_1 {offsets = [5120, 0], sizes = [512, 128], strides = [1, 1]} : vector<8192x128xbf16> to vector<512x128xbf16>
    %convert_element_type3A_29 = arith.extf %slice3A_28 : vector<512x128xbf16> to vector<512x128xf32>
    %add3A_30 = arith.addf %add3A_27, %convert_element_type3A_29 : vector<512x128xf32>
    %slice3A_31 = vector.extract_strided_slice %get3A_1 {offsets = [5632, 0], sizes = [512, 128], strides = [1, 1]} : vector<8192x128xbf16> to vector<512x128xbf16>
    %convert_element_type3A_32 = arith.extf %slice3A_31 : vector<512x128xbf16> to vector<512x128xf32>
    %add3A_33 = arith.addf %add3A_30, %convert_element_type3A_32 : vector<512x128xf32>
    %slice3A_34 = vector.extract_strided_slice %get3A_1 {offsets = [6144, 0], sizes = [512, 128], strides = [1, 1]} : vector<8192x128xbf16> to vector<512x128xbf16>
    %convert_element_type3A_35 = arith.extf %slice3A_34 : vector<512x128xbf16> to vector<512x128xf32>
    %add3A_36 = arith.addf %add3A_33, %convert_element_type3A_35 : vector<512x128xf32>
    %slice3A_37 = vector.extract_strided_slice %get3A_1 {offsets = [6656, 0], sizes = [512, 128], strides = [1, 1]} : vector<8192x128xbf16> to vector<512x128xbf16>
    %convert_element_type3A_38 = arith.extf %slice3A_37 : vector<512x128xbf16> to vector<512x128xf32>
    %add3A_39 = arith.addf %add3A_36, %convert_element_type3A_38 : vector<512x128xf32>
    %slice3A_40 = vector.extract_strided_slice %get3A_1 {offsets = [7168, 0], sizes = [512, 128], strides = [1, 1]} : vector<8192x128xbf16> to vector<512x128xbf16>
    %convert_element_type3A_41 = arith.extf %slice3A_40 : vector<512x128xbf16> to vector<512x128xf32>
    %add3A_42 = arith.addf %add3A_39, %convert_element_type3A_41 : vector<512x128xf32>
    %slice3A_43 = vector.extract_strided_slice %get3A_1 {offsets = [7680, 0], sizes = [512, 128], strides = [1, 1]} : vector<8192x128xbf16> to vector<512x128xbf16>
    %convert_element_type3A_44 = arith.extf %slice3A_43 : vector<512x128xbf16> to vector<512x128xf32>
    %add3A_45 = arith.addf %add3A_42, %convert_element_type3A_44 : vector<512x128xf32>
    %eq3A = arith.constant 0 : i32
    %eq3A_46 = arith.cmpi eq, %arg0, %eq3A : i32
    %convert_element_type3A_47 = arith.extui %eq3A_46 : i1 to i32
    %cond3A = arith.constant 0 : i32
    %cond3A_48 = arith.cmpi ne, %convert_element_type3A_47, %cond3A : i32
    scf.if %cond3A_48 {
      %broadcast_in_dim3A = arith.constant 0.000000e+00 : f32
      %broadcast_in_dim3A_60 = vector.broadcast %broadcast_in_dim3A : f32 to vector<512x128xf32>
      %swap3A_61 = arith.constant 0 : index
      %swap3A_62 = arith.constant 0 : index
      %swap3A_63 = vector.load %arg3[%swap3A_61, %swap3A_62] : memref<512x128xf32, #tpu.memory_space<vmem>>, vector<512x128xf32>
      tpu.vector_store %arg3[%swap3A_61, %swap3A_62], %broadcast_in_dim3A_60 {strides = array<i32>} : memref<512x128xf32, #tpu.memory_space<vmem>>, vector<512x128xf32>,
    } else {
    }
    %get3A_49 = arith.constant 0 : index
    %get3A_50 = arith.constant 0 : index
    %get3A_51 = vector.load %arg3[%get3A_49, %get3A_50] : memref<512x128xf32, #tpu.memory_space<vmem>>, vector<512x128xf32>
    %add3A_52 = arith.addf %get3A_51, %add3A_45 : vector<512x128xf32>
    %swap3A = arith.constant 0 : index
    %swap3A_53 = arith.constant 0 : index
    %swap3A_54 = vector.load %arg3[%swap3A, %swap3A_53] : memref<512x128xf32, #tpu.memory_space<vmem>>, vector<512x128xf32>
    tpu.vector_store %arg3[%swap3A, %swap3A_53], %add3A_52 {strides = array<i32>} : memref<512x128xf32, #tpu.memory_space<vmem>>, vector<512x128xf32>,
    %eq3A_55 = arith.constant 3 : i32
    %eq3A_56 = arith.cmpi eq, %arg0, %eq3A_55 : i32
    %convert_element_type3A_57 = arith.extui %eq3A_56 : i1 to i32
    %cond3A_58 = arith.constant 0 : i32
    %cond3A_59 = arith.cmpi ne, %convert_element_type3A_57, %cond3A_58 : i32
    scf.if %cond3A_59 {
      %get3A_60 = arith.constant 0 : index
      %get3A_61 = arith.constant 0 : index
      %get3A_62 = vector.load %arg3[%get3A_60, %get3A_61] : memref<512x128xf32, #tpu.memory_space<vmem>>, vector<512x128xf32>
      %iota3A = tpu.iota {dimensions = array<i32: 0>} : vector<512x128xi32>
      %jit3A = arith.constant 16 : i32
      %div3A = vector.broadcast %jit3A : i32 to vector<512x128xi32>
      %div3A_63 = arith.divsi %iota3A, %div3A : vector<512x128xi32>
      %sign3A = arith.constant 0 : i32
      %sign3A_64 = vector.broadcast %sign3A : i32 to vector<512x128xi32>
      %sign3A_65 = arith.cmpi sgt, %iota3A, %sign3A_64 : vector<512x128xi32>
      %sign3A_66 = arith.extui %sign3A_65 : vector<512x128xi1> to vector<512x128xi32>
      %sign3A_67 = arith.constant 0 : i32
      %sign3A_68 = vector.broadcast %sign3A_67 : i32 to vector<512x128xi32>
      %sign3A_69 = arith.cmpi slt, %iota3A, %sign3A_68 : vector<512x128xi32>
      %sign3A_70 = arith.extui %sign3A_69 : vector<512x128xi1> to vector<512x128xi32>
      %sign3A_71 = arith.subi %sign3A_66, %sign3A_70 : vector<512x128xi32>
      %sign3A_72 = arith.constant 0 : i32
      %sign3A_73 = arith.cmpi sgt, %jit3A, %sign3A_72 : i32
      %sign3A_74 = arith.extui %sign3A_73 : i1 to i32
      %sign3A_75 = arith.constant 0 : i32
      %sign3A_76 = arith.cmpi slt, %jit3A, %sign3A_75 : i32
      %sign3A_77 = arith.extui %sign3A_76 : i1 to i32
      %sign3A_78 = arith.subi %sign3A_74, %sign3A_77 : i32
      %ne3A = vector.broadcast %sign3A_78 : i32 to vector<512x128xi32>
      %ne3A_79 = arith.cmpi ne, %sign3A_71, %ne3A : vector<512x128xi32>
      %rem3A = vector.broadcast %jit3A : i32 to vector<512x128xi32>
      %rem3A_80 = arith.remsi %iota3A, %rem3A : vector<512x128xi32>
      %ne3A_81 = arith.constant 0 : i32
      %ne3A_82 = vector.broadcast %ne3A_81 : i32 to vector<512x128xi32>
      %ne3A_83 = arith.cmpi ne, %rem3A_80, %ne3A_82 : vector<512x128xi32>
      %and3A = arith.andi %ne3A_79, %ne3A_83 : vector<512x128xi1>
      %sub3A = arith.constant 1 : i32
      %sub3A_84 = vector.broadcast %sub3A : i32 to vector<512x128xi32>
      %sub3A_85 = arith.subi %div3A_63, %sub3A_84 : vector<512x128xi32>
      %select_n3A = arith.select %and3A, %sub3A_85, %div3A_63 : vector<512x128xi1>, vector<512x128xi32>
      %jit3A_86 = arith.constant 4 : i32
      %eq3A_87 = arith.constant 0 : i32
      %eq3A_88 = arith.cmpi eq, %jit3A_86, %eq3A_87 : i32
      %jit3A_89 = arith.constant 1 : i32
      %select_n3A_90 = arith.select %eq3A_88, %jit3A_89, %jit3A_86 : i32
      %rem3A_91 = vector.broadcast %select_n3A_90 : i32 to vector<512x128xi32>
      %rem3A_92 = arith.remsi %select_n3A, %rem3A_91 : vector<512x128xi32>
      %ne3A_93 = arith.constant 0 : i32
      %ne3A_94 = vector.broadcast %ne3A_93 : i32 to vector<512x128xi32>
      %ne3A_95 = arith.cmpi ne, %rem3A_92, %ne3A_94 : vector<512x128xi32>
      %lt3A = arith.constant 0 : i32
      %lt3A_96 = vector.broadcast %lt3A : i32 to vector<512x128xi32>
      %lt3A_97 = arith.cmpi slt, %rem3A_92, %lt3A_96 : vector<512x128xi32>
      %lt3A_98 = arith.constant 0 : i32
      %lt3A_99 = arith.cmpi slt, %select_n3A_90, %lt3A_98 : i32
      %ne3A_100 = vector.broadcast %lt3A_99 : i1 to vector<512x128xi1>
      %ne3A_101 = vector.broadcast %ne3A_100 : vector<512x128xi1> to vector<512x128xi1>
      %ne3A_102 = arith.xori %lt3A_97, %ne3A_101 : vector<512x128xi1>
      %and3A_103 = arith.andi %ne3A_102, %ne3A_95 : vector<512x128xi1>
      %add3A_104 = vector.broadcast %select_n3A_90 : i32 to vector<512x128xi32>
      %add3A_105 = arith.addi %rem3A_92, %add3A_104 : vector<512x128xi32>
      %select_n3A_106 = arith.select %and3A_103, %add3A_105, %rem3A_92 : vector<512x128xi1>, vector<512x128xi32>
      %eq3A_107 = arith.constant 0 : i32
      %eq3A_108 = vector.broadcast %eq3A_107 : i32 to vector<512x128xi32>
      %eq3A_109 = arith.cmpi eq, %select_n3A_106, %eq3A_108 : vector<512x128xi32>
      %neg3A = arith.constant 0.000000e+00 : f32
      %neg3A_110 = vector.broadcast %neg3A : f32 to vector<512x128xf32>
      %neg3A_111 = arith.subf %neg3A_110, %get3A_62 : vector<512x128xf32>
      %select_n3A_112 = arith.select %eq3A_109, %get3A_62, %neg3A_111 : vector<512x128xi1>, vector<512x128xf32>
      %min3A = arith.constant 0.000000e+00 : f32
      %min3A_113 = vector.broadcast %min3A : f32 to vector<512x128xf32>
      %min3A_114 = arith.minimumf %select_n3A_112, %min3A_113 : vector<512x128xf32>
      %abs3A = math.absf %select_n3A_112 : vector<512x128xf32>
      %neg3A_115 = arith.constant 0.000000e+00 : f32
      %neg3A_116 = vector.broadcast %neg3A_115 : f32 to vector<512x128xf32>
      %neg3A_117 = arith.subf %neg3A_116, %abs3A : vector<512x128xf32>
      %exp3A = math.exp %neg3A_117 : vector<512x128xf32>
      %log1p3A = math.log1p %exp3A : vector<512x128xf32>
      %sub3A_118 = arith.subf %min3A_114, %log1p3A : vector<512x128xf32>
      %reduce_sum3A = vector.shape_cast %sub3A_118 : vector<512x128xf32> to vector<1x512x128xf32>
      %reduce_sum3A_119 = arith.constant dense<0.000000e+00> : vector<1xf32>
      %reduce_sum3A_120 = vector.multi_reduction <add>, %reduce_sum3A, %reduce_sum3A_119 [1, 2] : vector<1x512x128xf32> to vector<1xf32>
      %reduce_sum3A_121 = vector.shape_cast %reduce_sum3A_120 : vector<1xf32> to vector<1x1x1xf32>
      %reduce_sum3A_122 = vector.extract %reduce_sum3A_121[0, 0, 0] : f32 from vector<1x1x1xf32>
      %neg3A_123 = arith.constant 0.000000e+00 : f32
      %neg3A_124 = arith.subf %neg3A_123, %reduce_sum3A_122 : f32
      %div3A_125 = arith.constant 1.638400e+04 : f32
      %div3A_126 = arith.divf %neg3A_124, %div3A_125 : f32
      %swap3A_127 = arith.constant 0 : index
      %swap3A_128 = arith.constant 0 : index
      %swap3A_129 = memref.load %arg2[%swap3A_127, %swap3A_128] : memref<1x1xf32, #tpu.memory_space<smem>>
      memref.store %div3A_126, %arg2[%swap3A_127, %swap3A_128] : memref<1x1xf32, #tpu.memory_space<smem>>
    } else {
    }
    return
  }
  func.func @transform_0(%arg0: i32) -> (i32, i32) {
    %c0_i32 = arith.constant 0 : i32
    %c0_i32_0 = arith.constant 0 : i32
    return %arg0, %c0_i32 : i32, i32
  }
  func.func @transform_1(%arg0: i32) -> (i32, i32) {
    %c0_i32 = arith.constant 0 : i32
    %c0_i32_0 = arith.constant 0 : i32
    %c0_i32_1 = arith.constant 0 : i32
    return %c0_i32, %c0_i32_0 : i32, i32
  }
}

</mosaic_0001>

<sc_bundles>
// kernel: kernel.4.cloned.1.call-start
scs
__scs_entry_jumppad:
0x0: {  	(pc) =	sbr.rel $0x88, $3  }
0x1: {  	(tag) =	ssettag $0x0;
	lr =	simm.s32 $0x1  }
0x2: {  	[smem:$0x3F9D] =	sst lr;
	_ =	strace $0xD0000000  }
0x3: {  	_ = 	snop  }
0x4: {  	_ = 	snop  }
0x5: {  	_ = 	snop  }
0x6: {  	_ = 	snop  }
0x7: {  	_ = 	snop  }
__scs_overlays_trampoline_lowered:
0x8: {  	[smem:$0x3FAC] =	sst s0  }
0x9: {  	[smem:$0x3FAD] =	sst s1  }
0xa: {  	[smem:$0x3FAE] =	sst s2  }
0xb: {  	[smem:$0x3FAF] =	sst s3  }
0xc: {  	[smem:$0x3FB0] =	sst s4  }
0xd: {  	[smem:$0x3FB1] =	sst s5  }
0xe: {  	[smem:$0x3FB2] =	sst s6  }
0xf: {  	[smem:$0x3FB3] =	sst s7  }
0x10: {  	[smem:$0x3FB4] =	sst s8  }
0x11: {  	[smem:$0x3FB5] =	sst s9;
	s0 =	simm.s32 @!p0 $0x0  }
0x12: {  	s1 =	sld [smem:$0x3F9B];
	s0 =	simm.s32 @p0 $0x1  }
0x13: {  	[smem:$0x3FB6] =	sst s0;
	s0 =	simm.s32 @!p1 $0x0  }
0x14: {  	s2 =	sld [smem:$0x3F9A];
	s0 =	simm.s32 @p1 $0x1  }
0x15: {  	[smem:$0x3FB7] =	sst s0;
	s0 =	simm.s32 @!p2 $0x0  }
0x16: {  	s3 =	sld [smem:$0x3FDB];
	s0 =	simm.s32 @p2 $0x1  }
0x17: {  	s4 =	simm.s32 $0x1BF5;
	[smem:$0x3FB9] =	sst s0  }
0x18: {  	s0 =	sld [smem:$0x3F9C];
	_ =	swait.ge [sflag:s4], $0x0  }
0x19: {  	s7 =	sld [smem:$0x3F9D]  }
0x1a: {  	s8 =	sadd.s32 $0xFFFFE003, lr  }
0x1b: {  	s9 =	sadd.s32 $0xFFFFFEF7, lr;
	s5 =	simm.s32 $0xFFFFFFFF;
	p2 =	slt.u32 s8, $0xFFFFF086  }
0x1c: {  	p1 =	slt.u32 s9, $0xF7A;
	s5 =	simm.s32 @!p2 $0x0  }
0x1d: {  	s5 =	simm.s32 @p1 $0x1;
	p0 =	seq.s32 s7, s2  }
0x1e: {  	s7 =	smul.u32 @!p0 $0xF7A, s2;
	p2 =	seq.s32 @!p0 s5, $0x0  }
0x1f: {  	s9 =	smul.u32 $0xF7A, s1;
	s8 =	simm.s32 @!p0 $0x1BF5;
	p2 =	por !p2, p0  }
0x20: {  	[sflag:s8] =	ssyncset.s32 @!p0 $0xFFFFF086;
	s6 =	sadd.s32 @!p0 s3, s7;
	s7 =	simm.s32 @!p0 $0x108  }
0x21: {  	s3 =	sadd.s32 s3, s9;
	s6 =	sadd.s32 @!p0 $0x88, s6;
	s7 =	simm.s32 @p2 $0x1082  }
0x22: {  	[simem:s7], [sflag:s8] =	dma.local @!p0 [hbm:s6], $0xF7A  }
0x23: {  	s9 =	sor.u32 $0xD0000000, s2;
	s6 =	simm.s32 $0x108;
	_ =	swait.ge @!p0 [sflag:s8], $0x0  }
0x24: {  	s3 =	sadd.s32 $0x88, s3;
	s6 =	simm.s32 @!p1 $0x1082;
	[sflag:s4] =	ssyncset.s32 $0xFFFFF086  }
0x25: {  	[simem:s6], [sflag:s4] =	dma.local [hbm:s3], $0xF7A  }
0x26: {  	[smem:$0x3F9D] =	sst s1;
	(tag) =	ssettag s2;
	_ =	strace s9  }
0x27: {  	s1 =	sld [smem:$0x3FAD]  }
0x28: {  	s2 =	sld [smem:$0x3FAE]  }
0x29: {  	s4 =	sld [smem:$0x3FB0]  }
0x2a: {  	p0 =	seq.s32 s5, $0x0;
	s5 =	sld [smem:$0x3FB1]  }
0x2b: {  	s6 =	sld [smem:$0x3FB2]  }
0x2c: {  	s7 =	sld [smem:$0x3FB3]  }
0x2d: {  	s3 =	simm.s32 $0x108;
	s8 =	sld [smem:$0x3FB4]  }
0x2e: {  	s3 =	simm.s32 @!p0 $0x1082;
	s9 =	sld [smem:$0x3FB5]  }
0x2f: {  	lr =	sadd.s32 s0, s3;
	s0 =	sld [smem:$0x3FAC]  }
0x30: {  	s3 =	sld [smem:$0x3FAF]  }
0x31: {  	[smem:$0x3FB8] =	sst s10  }
0x32: {  	s10 =	sld [smem:$0x3FB6];
	_ =	sdelay $0x3  }
0x33: {  	p0 =	seq.s32 s10, $0x1;
	s10 =	sld [smem:$0x3FB8];
	_ =	sdelay $0x3  }
0x34: {  	[smem:$0x3FB8] =	sst s10  }
0x35: {  	s10 =	sld [smem:$0x3FB7];
	_ =	sdelay $0x3  }
0x36: {  	p1 =	seq.s32 s10, $0x1;
	s10 =	sld [smem:$0x3FB8];
	_ =	sdelay $0x3  }
0x37: {  	[smem:$0x3FB8] =	sst s10  }
0x38: {  	s10 =	sld [smem:$0x3FB9]  }
0x39: {  	_ = 	snop;
	(pc) =	sbr.ind lr, $3  }
0x3a: {  	_ = 	snop  }
0x3b: {  	_ = 	snop  }
0x3c: {  	p2 =	seq.s32 s10, $0x1;
	s10 =	sld [smem:$0x3FB8]  }
0x3d: {  	_ =	shalt  }
0x3e: {  	_ =	shalt  }
0x3f: {  	_ =	shalt  }
0x40: {  	_ =	shalt  }
0x41: {  	_ =	shalt  }
0x42: {  	_ =	shalt  }
0x43: {  	_ =	shalt  }
0x44: {  	_ =	shalt  }
0x45: {  	_ =	shalt  }
0x46: {  	_ =	shalt  }
0x47: {  	_ =	shalt  }
0x48: {  	_ =	shalt  }
0x49: {  	_ =	shalt  }
0x4a: {  	_ =	shalt  }
0x4b: {  	_ =	shalt  }
0x4c: {  	_ =	shalt  }
0x4d: {  	_ =	shalt  }
0x4e: {  	_ =	shalt  }
0x4f: {  	_ =	shalt  }
0x50: {  	_ =	shalt  }
0x51: {  	_ =	shalt  }
0x52: {  	_ =	shalt  }
0x53: {  	_ =	shalt  }
0x54: {  	_ =	shalt  }
0x55: {  	_ =	shalt  }
0x56: {  	_ =	shalt  }
0x57: {  	_ =	shalt  }
0x58: {  	_ =	shalt  }
0x59: {  	_ =	shalt  }
0x5a: {  	_ =	shalt  }
0x5b: {  	_ =	shalt  }
0x5c: {  	_ =	shalt  }
0x5d: {  	_ =	shalt  }
0x5e: {  	_ =	shalt  }
0x5f: {  	_ =	shalt  }
0x60: {  	_ =	shalt  }
0x61: {  	_ =	shalt  }
0x62: {  	_ =	shalt  }
0x63: {  	_ =	shalt  }
0x64: {  	_ =	shalt  }
0x65: {  	_ =	shalt  }
0x66: {  	_ =	shalt  }
0x67: {  	_ =	shalt  }
0x68: {  	_ =	shalt  }
0x69: {  	_ =	shalt  }
0x6a: {  	_ =	shalt  }
0x6b: {  	_ =	shalt  }
0x6c: {  	_ =	shalt  }
0x6d: {  	_ =	shalt  }
0x6e: {  	_ =	shalt  }
0x6f: {  	_ =	shalt  }
0x70: {  	_ =	shalt  }
0x71: {  	_ =	shalt  }
0x72: {  	_ =	shalt  }
0x73: {  	_ =	shalt  }
0x74: {  	_ =	shalt  }
0x75: {  	_ =	shalt  }
0x76: {  	_ =	shalt  }
0x77: {  	_ =	shalt  }
0x78: {  	_ =	shalt  }
0x79: {  	_ =	shalt  }
0x7a: {  	_ =	shalt  }
0x7b: {  	_ =	shalt  }
0x7c: {  	_ =	shalt  }
0x7d: {  	_ =	shalt  }
0x7e: {  	_ =	shalt  }
0x7f: {  	_ =	shalt  }
0x80: {  	_ =	shalt  }
0x81: {  	_ =	shalt  }
0x82: {  	_ =	shalt  }
0x83: {  	_ =	shalt  }
0x84: {  	_ =	shalt  }
0x85: {  	_ =	shalt  }
0x86: {  	_ =	shalt  }
0x87: {  	_ =	shalt  }
.Lfunc_end0:
.L_simem_size_0:
called_computation_lowered:
.L_overlay_start_0:
0x88: {  	s2 =	sld [smem:$0x3FD9]  }
0x89: {  	s3 =	sld [smem:$0x3FFE];
	_ =	sdelay $0x1  }
0x8a: {  	s1 =	srdreg.scid  }
0x8b: {  	s0 =	sand.u32 $0x1, s1  }
0x8c: {  	s17 =	sshll.u32 s0, $0xA;
	s2 =	sadd.s32 s3, s2  }
0x8d: {  	s2 =	sadd.s32 s2, s17  }
0x8e: {  	[smem:$0x3FC4] =	sst s2  }
0x8f: {  	_ = 	snop  }
0x90: {  	s2 =	sld [smem:$0x3FC9]  }
0x91: {  	s18 =	sld [smem:$0x3FC8]  }
0x92: {  	s4 =	sld [smem:$0x3FC7]  }
0x93: {  	s5 =	sld [smem:$0x3FD0];
	(tm) =	ssettm $0x1  }
0x94: {  	s6 =	sld [smem:$0x3FFB];
	_ =	sdelay $0x3  }
0x95: {  	_ =	strace s6  }
0x96: {  	s6 =	sld [smem:$0x3FFC];
	_ =	sdelay $0x3  }
0x97: {  	_ =	strace s6  }
0x98: {  	s6 =	sld [smem:$0x3FFD];
	_ =	sdelay $0x3  }
0x99: {  	_ =	strace s6  }
0x9a: {  	_ =	strace $0x8FFFFFFF  }
0x9b: {  	s19 =	sld [smem:$0x3FDB];
	_ =	sdelay $0x1  }
0x9c: {  	s7 =	simm.s32 $_scs_section_size  }
0x9d: {  	s8 =	simm.s32 $_size__tile_overlayer_lowered;
	s9 =	simm.s32 $_tile_overlayer_lowered  }
0x9e: {  	s22 =	simm.s32 $0x1BFF;
	s21 =	sshll.u32 s9, $0x1;
	s6 =	sadd.s32 s7, s19  }
0x9f: {  	s10 =	simm.s32 $0x0;
	s20 =	sshll.u32 s8, $0x1;
	s8 =	sadd.s32 s21, s6  }
0xa0: {  	[timem:s10], [sflag:s22] =	dma.local [hbm:s8], s20  }
0xa1: {  	_ =	swait.ge [sflag:s22], s20  }
0xa2: {  	s7 =	ssub.s32 $0x0, s20;
	[sflag:s22] =	ssyncset.done $0x0  }
0xa3: {  	[sflag:s22] =	ssyncadd.s32 s7;
	_ =	sdelay $0x1  }
0xa4: {  	s23 =	simm.s32 $0x1B8B  }
0xa5: {  	_ =	swait.ge [sflag:s23], $0x1  }
0xa6: {  	[sflag:s23] =	ssyncset.done $0x0  }
0xa7: {  	s25 =	simm.s32 $0x1B8E;
	s24 =	sld [smem:$0x3FFE];
	[sflag:s23] =	ssyncadd.s32 $0xFFFFFFFF  }
0xa8: {  	s26 =	simm.s32 $execute0_lowered;
	[smem:$0x3FD2] =	sst s25  }
0xa9: {  	s8 =	sshll.u32 s26, $0x1;
	_ =	strace $0x80000046;
	[dreg:$0x1] =	wrdreg $0xFFFFFFFF  }
0xaa: {  	s28 =	simm.s32 $_size_execute0_lowered;
	s6 =	sadd.s32 s6, s8;
	[dreg:$0x0] =	wrdreg $0x0  }
0xab: {  	s8 =	sshll.u32 s28, $0x1;
	[dreg:$0x2] =	wrdreg s6  }
0xac: {  	[dreg:$0x3] =	wrdreg s8  }
0xad: {  	[dreg:$0x4] =	wrdreg $0xC0  }
0xae: {  	_ =	task [dreg:s10], $0x5FFFF  }
0xaf: {  	[dreg:$0x1] =	wrdreg $0xFFFFFFFF  }
0xb0: {  	[dreg:$0x0] =	wrdreg $0x60  }
0xb1: {  	[dreg:$0x2] =	wrdreg s4  }
0xb2: {  	[dreg:$0x3] =	wrdreg s2  }
0xb3: {  	[dreg:$0x4] =	wrdreg s18  }
0xb4: {  	[dreg:$0x5] =	wrdreg s5  }
0xb5: {  	[dreg:$0x6] =	wrdreg s24  }
0xb6: {  	[dreg:$0x7] =	wrdreg $0x9  }
0xb7: {  	_ =	task.clear_ibuf [dreg:s10], $0x8FFFF;
	_ =	strace $0x90000046  }
0xb8: {  	s29 =	simm.s32 $0x9;
	_ =	strace $0x80000048  }
0xb9: {  	_ =	swait.ge [sflag:s29], $0x1  }
0xba: {  	[sflag:s29] =	ssyncadd.s32 $0xFFFFFFFF  }
0xbb: {  	_ =	strace $0x90000048  }
0xbc: {  	_ =	sfence  }
0xbd: {  	s30 =	sld [smem:$0x0];
	_ =	sdelay $0x2  }
0xbe: {  	s31 =	sshll.u32 s1, $0xD;
	s1 =	sshrl.u32 s1, $0x2  }
0xbf: {  	s3 =	sand.u32 $0x4000, s31;
	s1 =	sadd.s32 s1, s30  }
0xc0: {  	s0 =	sor.u32 s3, s0;
	s1 =	sshll.u32 s1, $0x11  }
0xc1: {  	s0 =	sor.u32 s1, s0  }
0xc2: {  	s0 =	sadd.s32 $0x8F2B, s0  }
0xc3: {  	[sflag:s0] =	ssyncadd.remote.s32 $0x1  }
0xc4: {  	_ =	sfence.sel $0xFFFF  }
0xc5: {  	[dreg:$0x0] =	wrdreg $0xFFFFFFFF;
	(pc) =	sbr.abs _section_cstart, $3  }
0xc6: {  	[dreg:$0x1] =	wrdreg $0xFFFFFFFF  }
0xc7: {  	_ =	task.clear_ibuf [dreg:s10], $0x2FFFF;
	_ =	strace $0x9FFFFFFF  }
0xc8: {  	(tm) =	ssettm $0x7FFFFFFF  }
0xc9: {  	_ =	shalt  }
tec
execute0_lowered:
.L_overlay_start_1:
0x0: {  	(tag) =	ssettag $0x1  }
0x1: {  	s0 =	rddreg [dreg:$0x0]  }
0x2: {  	s14 =	rddreg [dreg:$0x1]  }
0x3: {  	s1 =	srdreg.scid;
	s15 =	rddreg [dreg:$0x2]  }
0x4: {  	s3 =	stileid.u32;
	s4 =	rddreg [dreg:$0x4];
	s5 =	simm.s32 $0x0  }
0x5: {  	s1 =	sand.u32 $0x1, s1;
	s2 =	sshll.u32 s3, $0x1;
	[smem:$0x7FF] =	sst s5  }
0x6: {  	s8 =	sadd.s32 $0x600, s4;
	s21 =	sadd.s32 $0x800, s4;
	s10 =	sadd.s32 $0xA00, s4  }
0x7: {  	s17 =	sadd.s32 $0x100, s14;
	s19 =	sadd.s32 $0x100, s15;
	s2 =	sor.u32 s1, s2  }
0x8: {  	_ =	strace $0x80000047;
	[dreg:$0x18] =	wrdreg s17;
	s20 =	sshll.u32 s2, $0xC  }
0x9: {  	s11 =	sadd.s32 $0xC00, s4;
	[dreg:$0x1a] =	wrdreg s19;
	s9 =	sadd.s32 s8, s20  }
0xa: {  	s25 =	sadd.s32 $0xE00, s4;
	s22 =	sadd.s32 s20, s21;
	[dreg:$0x7] =	wrdreg s9  }
0xb: {  	s26 =	sadd.s32 $0x1000, s4;
	s12 =	sadd.s32 s20, s10;
	[dreg:$0x8] =	wrdreg s22  }
0xc: {  	s29 =	sadd.s32 $0x1200, s4;
	s24 =	sadd.s32 s20, s11;
	[dreg:$0x9] =	wrdreg s12  }
0xd: {  	s6 =	sshll.u32 s2, $0x7;
	s13 =	sadd.s32 s20, s25;
	[dreg:$0xa] =	wrdreg s24  }
0xe: {  	s2 =	sor.u32 $0x20, s2;
	s28 =	sadd.s32 s20, s26;
	[dreg:$0xb] =	wrdreg s13  }
0xf: {  	s30 =	sshll.u32 s2, $0xC;
	s31 =	sadd.s32 s20, s29;
	[dreg:$0xc] =	wrdreg s28  }
0x10: {  	[dreg:$0xe] =	wrdreg s31;
	s10 =	sadd.s32 s30, s10  }
0x11: {  	s11 =	sadd.s32 s30, s11;
	[dreg:$0x12] =	wrdreg s10  }
0x12: {  	s1 =	ssub.s32 $0x2, s1;
	s12 =	sadd.s32 s30, s25;
	[dreg:$0x13] =	wrdreg s11  }
0x13: {  	s7 =	sshrl.u32 s1, $0x1;
	s13 =	sadd.s32 s30, s26;
	[dreg:$0x14] =	wrdreg s12  }
0x14: {  	s1 =	ssub.s32 s1, s7;
	s16 =	sadd.s32 s30, s29;
	[dreg:$0x15] =	wrdreg s13  }
0x15: {  	s18 =	smax.u32 s1, $0x1;
	[dreg:$0x16] =	wrdreg s16  }
0x16: {  	s23 =	sshrl.u32 s2, $0x3;
	s22 =	sadd.s32 $0x300, s14;
	[dreg:$0x19] =	wrdreg s18  }
0x17: {  	s9 =	smul.u32 $0xC3800, s23;
	s23 =	sadd.s32 $0x300, s15;
	[dreg:$0x1d] =	wrdreg s22  }
0x18: {  	s3 =	sshrl.u32 s3, $0x2;
	s24 =	sadd.s32 $0x400, s14;
	[dreg:$0x1e] =	wrdreg s23  }
0x19: {  	s4 =	sadd.s32 $0x1400, s4;
	s25 =	sadd.s32 $0x400, s15;
	[dreg:$0x1f] =	wrdreg s24  }
0x1a: {  	s3 =	smul.u32 $0xC3800, s3;
	s26 =	sadd.s32 $0x500, s14;
	[smem:$0x7F8] =	sst s25  }
0x1b: {  	s17 =	simm.s32 $0x3;
	s28 =	sadd.s32 $0x500, s15;
	[smem:$0x7F9] =	sst s26  }
0x1c: {  	s6 =	sand.u32 $0x380, s6;
	s29 =	sadd.s32 $0x600, s14;
	[smem:$0x7FA] =	sst s28  }
0x1d: {  	s3 =	sor.u32 s3, s6;
	s31 =	sadd.s32 $0x700, s14;
	[smem:$0x7FB] =	sst s29  }
0x1e: {  	s19 =	simm.s32 $0x2;
	s3 =	sshrl.u32 s3, $0x3;
	[smem:$0x7FD] =	sst s31  }
0x1f: {  	s10 =	sadd.s32 $0x700, s15;
	s11 =	simm.s32 $0x7;
	s12 =	simm.s32 $0x18700  }
0x20: {  	s13 =	simm.s32 $0x19700;
	s16 =	simm.s32 $0x1;
	s3 =	sadd.s32 s0, s3  }
0x21: {  	s6 =	sor.u32 s6, s9;
	[dreg:$0x6] =	wrdreg s3;
	s3 =	sadd.s32 s20, s4  }
0x22: {  	s6 =	sshrl.u32 s6, $0x3;
	s20 =	sadd.s32 $0x200, s14;
	[dreg:$0xf] =	wrdreg s3  }
0x23: {  	s18 =	simm.s32 $0x1A780;
	s0 =	sadd.s32 s0, s6;
	[dreg:$0x1b] =	wrdreg s20  }
0x24: {  	s22 =	simm.s32 $0x5;
	s6 =	sadd.s32 s8, s30;
	[dreg:$0xd] =	wrdreg s0  }
0x25: {  	s23 =	simm.s32 $0x6;
	s8 =	sadd.s32 s30, s21;
	[dreg:$0x10] =	wrdreg s6  }
0x26: {  	s25 =	simm.s32 $0x0;
	s21 =	sadd.s32 $0x200, s15;
	[dreg:$0x11] =	wrdreg s8  }
0x27: {  	s14 =	simm.s32 $0x18F00;
	s0 =	sadd.s32 s30, s4;
	[dreg:$0x1c] =	wrdreg s21  }
0x28: {  	s20 =	simm.s32 $0x4;
	s30 =	sadd.s32 $0x600, s15;
	[dreg:$0x17] =	wrdreg s0  }
0x29: {  	s15 =	simm.s32 $0x19F00;
	s21 =	simm.s32 $0x1B780;
	[smem:$0x7FC] =	sst s30  }
.LBB2_1:
0x2a: {  	s0 =	rddreg [dreg:$0x3];
	s1 =	simm.s32 $0x1A700  }
0x2b: {  	[tilespmem:s1], [sflag:$0x7] =	stream.linear.gather [hbm4b:s0+s5], $0x80, $0x38;
	[tilespmem:$0x1C780] =	vst v63  }
0x2c: {  	_ =	swait.ge [sflag:s11], $0x80  }
0x2d: {  	[sflag:s11] =	ssyncset.done $0x0  }
0x2e: {  	[sflag:s11] =	ssyncadd.s32 $0xFFFFFF80  }
0x2f: {  	s8 =	rddreg [dreg:$0x1]  }
0x30: {  	v0 =	vld [tilespmem:$0x1A700];
	[tilespmem:s12], [sflag:$0x1] =	stream.linear.gather [hbm4b:s8+s5], $0x800, $0x38  }
0x31: {  	s9 =	rddreg [dreg:$0x2]  }
0x32: {  	[tilespmem:s13], [sflag:$0x3] =	stream.linear.gather [hbm4b:s9+s5], $0x800, $0x38;
	[tilespmem:$0x1C780] =	vst v63  }
0x33: {  	s26 =	simm.s32 $0x80;
	s2 =	simm.s32 $0x400;
	s24 =	rddreg [dreg:$0x6]  }
0x34: {  	[tilespmem:s5], [sflag:$0x7] =	stream.strided.gather [hbm4b:s24+s26], $0x18700, s2, s26, $0x38;
	[tilespmem:$0x1C780] =	vst v63  }
0x35: {  	_ =	swait.ge [sflag:s11], $0x18700  }
0x36: {  	[sflag:s11] =	ssyncset.done $0x0  }
0x37: {  	s2 =	rddreg [dreg:$0x18];
	[sflag:s11] =	ssyncadd.s32 $0xFFFE7900  }
0x38: {  	v3 =	vld.idx.msk [tilespmem:v0+s5+$0x0], $0xffff;
	[tilespmem:s14], [sflag:$0x2] =	stream.linear.gather [hbm4b:s2+s5], $0x800, $0x38  }
0x39: {  	s3 =	rddreg [dreg:$0x1a]  }
0x3a: {  	[tilespmem:s15], [sflag:$0x4] =	stream.linear.gather [hbm4b:s3+s5], $0x800, $0x38;
	[tilespmem:$0x1C780] =	vst v63  }
0x3b: {  	_ =	swait.ge [sflag:s16], $0x800  }
0x3c: {  	[sflag:s16] =	ssyncset.done $0x0  }
0x3d: {  	[sflag:s16] =	ssyncadd.s32 $0xFFFFF800  }
0x3e: {  	_ =	swait.ge [sflag:s17], $0x800  }
0x3f: {  	[sflag:s17] =	ssyncset.done $0x0  }
0x40: {  	s4 =	simm.s32 $0x18720;
	[sflag:s17] =	ssyncadd.s32 $0xFFFFF800  }
0x41: {  	s6 =	simm.s32 $0x19720;
	v1 =	vld [tilespmem:s4+$0xFFFFFFE0]  }
0x42: {  	v2 =	vld [tilespmem:s6+$0xFFFFFFF0]  }
0x43: {  	v4 =	vld [tilespmem:s6+$0xFFFFFFE0]  }
0x44: {  	v5 =	vld [tilespmem:s4+$0xFFFFFFF0]  }
0x45: {  	v6 =	vld [tilespmem:s6+$0x10]  }
0x46: {  	v7 =	vld [tilespmem:s4+$0x10]  }
0x47: {  	v8 =	vld [tilespmem:s4+$0x0]  }
0x48: {  	v9 =	vld [tilespmem:s6+$0x0]  }
0x49: {  	v10 =	vld.idx.msk [tilespmem:v1+s5+$0x0], $0xffff  }
0x4a: {  	v11 =	vld.idx.msk [tilespmem:v2+s5+$0x0], $0xffff  }
0x4b: {  	v4 =	vld.idx.msk [tilespmem:v4+s5+$0x0], $0xffff  }
0x4c: {  	v5 =	vld.idx.msk [tilespmem:v5+s5+$0x0], $0xffff  }
0x4d: {  	v6 =	vld.idx.msk [tilespmem:v6+s5+$0x0], $0xffff  }
0x4e: {  	s29 =	simm.s32 $0x1040;
	s31 =	simm.s32 $0x1020;
	v1 =	vbroadcast v3, $0x0;
	v2 =	vbroadcast v3, $0x1;
	v7 =	vld.idx.msk [tilespmem:v7+s5+$0x0], $0xffff  }
0x4f: {  	s7 =	simm.s32 $0x2040;
	s1 =	simm.s32 $0x80;
	s29 =	sand.u32 $0xC0, s29;
	v3 =	vbroadcast v3, $0x2;
	v8 =	vld.idx.msk [tilespmem:v8+s5+$0x0], $0xffff  }
0x50: {  	s0 =	sand.u32 $0xC0, s7;
	s26 =	simm.s32 $0x0;
	s3 =	simm.s32 $0x0;
	v9 =	vld.idx.msk [tilespmem:v9+s5+$0x0], $0xffff;
	v12 =	vmul.f32 v10, v1;
	v13 =	vmul.f32 v10, v2  }
0x51: {  	s8 =	simm.s32 $0x820;
	s26 =	sand.u32 $0x40, s26;
	s3 =	sand.u32 $0x380, s3;
	v4 =	vmul.f32 v4, v10;
	v11 =	vmul.f32 v11, v5  }
0x52: {  	s24 =	simm.s32 $0x19760;
	s28 =	sadd.s32 $0x1A780, s3;
	s3 =	sor.u32 s26, s3;
	v10 =	vmul.f32 v10, v3;
	v14 =	vmul.f32 v5, v3  }
0x53: {  	s30 =	sor.u32 s26, s28;
	s26 =	sand.u32 $0xF00, s8;
	s4 =	simm.s32 $0x40;
	v15 =	vmul.f32 v5, v2;
	v5 =	vmul.f32 v5, v1;
	v4 =	vpack.i.f32.bf16 v11, v4  }
0x54: {  	s26 =	sor.u32 s29, s26;
	s29 =	simm.s32 $0x3040;
	s4 =	sand.u32 $0xC0, s4;
	v59 =	vmul.f32 v8, v1;
	[tilespmem:s30+$0x0] =	vst v4;
	v4 =	vmul.f32 v6, v7;
	v6 =	vpack.i.f32.bf16 v14, v10  }
0x55: {  	s2 =	simm.s32 $0x18760;
	s29 =	sand.u32 $0xC0, s29;
	s4 =	sshrl.u32 s4, $0x1;
	v60 =	vmul.f32 v7, v1;
	v5 =	vpack.i.f32.bf16 v5, v12;
	[tilespmem:s3+$0x1B380] =	vst v6;
	v6 =	vmul.f32 v9, v8  }
0x56: {  	s6 =	simm.s32 $0x1820;
	s9 =	sor.u32 s4, s28;
	v62 =	vmul.f32 v8, v2;
	v63 =	vmul.f32 v7, v2;
	v61 =	vpack.i.f32.bf16 v15, v13;
	s30 =	sand.u32 $0x1700, s31;
	[tilespmem:s3+$0x1AB80] =	vst v5  }
0x57: {  	s28 =	simm.s32 $0x0;
	v7 =	vmul.f32 v7, v3;
	s0 =	sor.u32 s0, s30;
	[tilespmem:s3+$0x1AF80] =	vst v61;
	s30 =	sshrl.u32 s26, $0x1;
	v6 =	vpack.i.f32.bf16 v4, v6  }
0x58: {  	v5 =	vpack.i.f32.bf16 v60, v59;
	s3 =	sand.u32 $0x1F00, s6;
	s26 =	simm.s32 $0x0;
	s31 =	sshrl.u32 s0, $0x1;
	v4 =	vmul.f32 v8, v3;
	[tilespmem:s9+$0x0] =	vst v6;
	v6 =	vpack.i.f32.bf16 v63, v62  }
.LBB2_2:
0x59: {  	s0 =	sor.u32 s29, s3  }
0x5a: {  	[tilespmem:s30+$0x1A780] =	vst v5;
	s26 =	sadd.s32 $0x1, s26;
	s28 =	sadd.s32 $0x40, s28;
	s30 =	smov.u32 s1  }
0x5b: {  	p0 =	sne.s32 s1, $0xF80;
	s1 =	sadd.s32 $0x80, s1;
	[tilespmem:s31+$0x1A780] =	vst v6;
	v4 =	vpack.i.f32.bf16 v7, v4;
	s0 =	sshrl.u32 s0, $0x1  }
0x5c: {  	[tilespmem:s0+$0x1A780] =	vst v4  }
0x5d: {  	v4 =	vld [tilespmem:s2+$0xFFFFFFE0]  }
0x5e: {  	v5 =	vld [tilespmem:s24+$0x10]  }
0x5f: {  	v6 =	vld [tilespmem:s24+$0xFFFFFFF0]  }
0x60: {  	v7 =	vld [tilespmem:s24+$0xFFFFFFE0]  }
0x61: {  	v8 =	vld [tilespmem:s2+$0xFFFFFFF0]  }
0x62: {  	v9 =	vld [tilespmem:s24+$0x0]  }
0x63: {  	v10 =	vld [tilespmem:s2+$0x10]  }
0x64: {  	v11 =	vld [tilespmem:s2+$0x0]  }
0x65: {  	v4 =	vld.idx.msk [tilespmem:v4+s5+$0x0], $0xffff  }
0x66: {  	v5 =	vld.idx.msk [tilespmem:v5+s5+$0x0], $0xffff  }
0x67: {  	v6 =	vld.idx.msk [tilespmem:v6+s5+$0x0], $0xffff  }
0x68: {  	v7 =	vld.idx.msk [tilespmem:v7+s5+$0x0], $0xffff  }
0x69: {  	v8 =	vld.idx.msk [tilespmem:v8+s5+$0x0], $0xffff  }
0x6a: {  	v9 =	vld.idx.msk [tilespmem:v9+s5+$0x0], $0xffff  }
0x6b: {  	v10 =	vld.idx.msk [tilespmem:v10+s5+$0x0], $0xffff  }
0x6c: {  	v11 =	vld.idx.msk [tilespmem:v11+s5+$0x0], $0xffff  }
0x6d: {  	s3 =	sadd.s32 $0x1820, s28;
	s24 =	sadd.s32 $0x40, s24;
	s2 =	sadd.s32 $0x40, s2;
	v12 =	vmul.f32 v4, v1  }
0x6e: {  	s4 =	sadd.s32 $0x3040, s30;
	s6 =	sshrl.u32 s30, $0x1;
	s0 =	sshrl.u32 s28, $0x1;
	v13 =	vmul.f32 v4, v2;
	v14 =	vmul.f32 v4, v3  }
0x6f: {  	s31 =	sadd.s32 $0x1040, s30;
	s29 =	sand.u32 $0xC0, s4;
	s0 =	sand.u32 $0x380, s0;
	v4 =	vmul.f32 v7, v4;
	v6 =	vmul.f32 v6, v8  }
0x70: {  	s8 =	sadd.s32 $0x1020, s28;
	s6 =	sand.u32 $0x40, s6;
	s4 =	sadd.s32 $0x1A780, s0;
	v7 =	vmul.f32 v8, v2;
	v15 =	vmul.f32 v8, v3  }
0x71: {  	s9 =	sadd.s32 $0x2040, s30;
	s0 =	sor.u32 s6, s0;
	s7 =	sor.u32 s6, s4;
	v4 =	vpack.i.f32.bf16 v6, v4;
	v6 =	vmul.f32 v8, v1;
	v5 =	vmul.f32 v5, v10  }
.Ltmp0:
0x72: {  	s6 =	sadd.s32 $0x40, s30;
	v8 =	vmul.f32 v11, v1;
	[tilespmem:s7+$0x0] =	vst v4;
	v4 =	vpack.i.f32.bf16 v7, v13;
	v7 =	vpack.i.f32.bf16 v15, v14;
	s7 =	sand.u32 $0xC0, s9;
	(pc) =	sbr.rel @p0 .LBB2_2-.Ltmp0, $4  }
0x73: {  	s8 =	sand.u32 $0x1700, s8;
	s6 =	sand.u32 $0xC0, s6;
	v6 =	vpack.i.f32.bf16 v6, v12;
	s9 =	sadd.s32 $0x820, s28;
	[tilespmem:s0+$0x1B380] =	vst v7;
	v7 =	vmul.f32 v9, v11;
	v9 =	vmul.f32 v10, v1  }
0x74: {  	s30 =	sand.u32 $0xC0, s31;
	s6 =	sshrl.u32 s6, $0x1;
	v12 =	vmul.f32 v10, v2;
	s9 =	sand.u32 $0xF00, s9;
	[tilespmem:s0+$0x1AB80] =	vst v6;
	v6 =	vmul.f32 v11, v2  }
0x75: {  	[tilespmem:s0+$0x1AF80] =	vst v4;
	v7 =	vpack.i.f32.bf16 v5, v7;
	s0 =	sor.u32 s6, s4;
	v5 =	vpack.i.f32.bf16 v9, v8;
	s4 =	sor.u32 s30, s9;
	s6 =	sor.u32 s7, s8;
	v4 =	vmul.f32 v11, v3  }
0x76: {  	s3 =	sand.u32 $0x1F00, s3;
	[tilespmem:s0+$0x0] =	vst v7;
	s30 =	sshrl.u32 s4, $0x1;
	v6 =	vpack.i.f32.bf16 v12, v6;
	s31 =	sshrl.u32 s6, $0x1;
	v7 =	vmul.f32 v10, v3  }
0x77: {  	[tilespmem:s30+$0x1A780] =	vst v5;
	s0 =	sor.u32 s29, s3  }
0x78: {  	[tilespmem:s31+$0x1A780] =	vst v6;
	v4 =	vpack.i.f32.bf16 v7, v4;
	s0 =	sshrl.u32 s0, $0x1  }
0x79: {  	s1 =	simm.s32 $0x0;
	s26 =	rddreg [dreg:$0x7];
	[tilespmem:s0+$0x1A780] =	vst v4  }
0x7a: {  	[hbm4b:s26+s1] =	stream.linear.scatter [tilespmem:s18], [sflag:$0x5], $0x1000, $0x38;
	[tilespmem:$0x1C780] =	vst v63  }
0x7b: {  	s2 =	rddreg [dreg:$0x1b]  }
0x7c: {  	[tilespmem:s12], [sflag:$0x1] =	stream.linear.gather [hbm4b:s2+s1], $0x800, $0x38;
	[tilespmem:$0x1C780] =	vst v63  }
0x7d: {  	s3 =	rddreg [dreg:$0x1c]  }
0x7e: {  	[tilespmem:s13], [sflag:$0x3] =	stream.linear.gather [hbm4b:s3+s1], $0x800, $0x38;
	[tilespmem:$0x1C780] =	vst v63  }
0x7f: {  	_ =	swait.ge [sflag:s19], $0x800  }
0x80: {  	[sflag:s19] =	ssyncset.done $0x0  }
0x81: {  	[sflag:s19] =	ssyncadd.s32 $0xFFFFF800  }
0x82: {  	_ =	swait.ge [sflag:s20], $0x800  }
0x83: {  	[sflag:s20] =	ssyncset.done $0x0  }
0x84: {  	s4 =	simm.s32 $0x18F20;
	[sflag:s20] =	ssyncadd.s32 $0xFFFFF800  }
0x85: {  	s2 =	simm.s32 $0x19F20;
	v4 =	vld [tilespmem:s4+$0xFFFFFFE0]  }
0x86: {  	v5 =	vld [tilespmem:s2+$0xFFFFFFF0]  }
0x87: {  	v6 =	vld [tilespmem:s2+$0xFFFFFFE0]  }
0x88: {  	v7 =	vld [tilespmem:s4+$0xFFFFFFF0]  }
0x89: {  	v8 =	vld [tilespmem:s2+$0x10]  }
0x8a: {  	v9 =	vld [tilespmem:s4+$0x10]  }
0x8b: {  	v10 =	vld [tilespmem:s4+$0x0]  }
0x8c: {  	v11 =	vld [tilespmem:s2+$0x0]  }
0x8d: {  	v4 =	vld.idx.msk [tilespmem:v4+s5+$0x0], $0xffff  }
0x8e: {  	v5 =	vld.idx.msk [tilespmem:v5+s5+$0x0], $0xffff  }
0x8f: {  	v6 =	vld.idx.msk [tilespmem:v6+s5+$0x0], $0xffff  }
0x90: {  	v7 =	vld.idx.msk [tilespmem:v7+s5+$0x0], $0xffff  }
0x91: {  	v8 =	vld.idx.msk [tilespmem:v8+s5+$0x0], $0xffff  }
0x92: {  	s24 =	simm.s32 $0x18F60;
	v9 =	vld.idx.msk [tilespmem:v9+s5+$0x0], $0xffff  }
0x93: {  	s6 =	simm.s32 $0x0;
	s9 =	simm.s32 $0x1020;
	s28 =	simm.s32 $0x2040;
	v10 =	vld.idx.msk [tilespmem:v10+s5+$0x0], $0xffff  }
0x94: {  	s9 =	sand.u32 $0x1700, s9;
	s0 =	sand.u32 $0x380, s6;
	s6 =	simm.s32 $0x3040;
	v11 =	vld.idx.msk [tilespmem:v11+s5+$0x0], $0xffff;
	v12 =	vmul.f32 v4, v1;
	v13 =	vmul.f32 v4, v2  }
0x95: {  	s26 =	simm.s32 $0x19F60;
	s7 =	sadd.s32 $0x1B780, s0;
	s4 =	simm.s32 $0x0;
	v6 =	vmul.f32 v6, v4;
	v5 =	vmul.f32 v5, v7  }
0x96: {  	s29 =	sand.u32 $0xC0, s6;
	s6 =	simm.s32 $0x1040;
	s4 =	sand.u32 $0x40, s4;
	v4 =	vmul.f32 v4, v3;
	v14 =	vmul.f32 v7, v3  }
0x97: {  	s6 =	sand.u32 $0xC0, s6;
	s3 =	simm.s32 $0x1820;
	s8 =	sor.u32 s4, s7;
	v15 =	vmul.f32 v7, v2;
	v5 =	vpack.i.f32.bf16 v5, v6;
	v6 =	vmul.f32 v7, v1  }
0x98: {  	s3 =	sand.u32 $0x1F00, s3;
	s0 =	sor.u32 s4, s0;
	s4 =	simm.s32 $0x40;
	v7 =	vmul.f32 v8, v9;
	v4 =	vpack.i.f32.bf16 v14, v4;
	v8 =	vmul.f32 v9, v1;
	[tilespmem:s8+$0x0] =	vst v5  }
0x99: {  	s4 =	sand.u32 $0xC0, s4;
	v5 =	vmul.f32 v10, v1;
	s8 =	sand.u32 $0xC0, s28;
	s28 =	simm.s32 $0x820;
	v6 =	vpack.i.f32.bf16 v6, v12;
	[tilespmem:s0+$0x1C380] =	vst v4;
	v4 =	vmul.f32 v11, v10  }
0x9a: {  	s2 =	simm.s32 $0x80;
	s4 =	sshrl.u32 s4, $0x1;
	v63 =	vmul.f32 v9, v2;
	v62 =	vpack.i.f32.bf16 v15, v13;
	s28 =	sand.u32 $0xF00, s28;
	[tilespmem:s0+$0x1BB80] =	vst v6;
	v6 =	vmul.f32 v10, v2  }
0x9b: {  	s7 =	sor.u32 s4, s7;
	[tilespmem:s0+$0x1BF80] =	vst v62;
	s9 =	sor.u32 s8, s9;
	s6 =	sor.u32 s6, s28;
	v5 =	vpack.i.f32.bf16 v8, v5;
	v7 =	vpack.i.f32.bf16 v7, v4  }
0x9c: {  	s31 =	sshrl.u32 s9, $0x1;
	s28 =	simm.s32 $0x0;
	s30 =	sshrl.u32 s6, $0x1;
	v4 =	vmul.f32 v10, v3;
	[tilespmem:s7+$0x0] =	vst v7;
	v6 =	vpack.i.f32.bf16 v63, v6;
	v7 =	vmul.f32 v9, v3  }
.LBB2_4:
0x9d: {  	s0 =	sor.u32 s29, s3  }
0x9e: {  	[tilespmem:s30+$0x1B780] =	vst v5;
	s1 =	sadd.s32 $0x1, s1;
	s28 =	sadd.s32 $0x40, s28;
	s30 =	smov.u32 s2  }
0x9f: {  	p0 =	sne.s32 s2, $0xF80;
	s2 =	sadd.s32 $0x80, s2;
	[tilespmem:s31+$0x1B780] =	vst v6;
	v4 =	vpack.i.f32.bf16 v7, v4;
	s0 =	sshrl.u32 s0, $0x1  }
0xa0: {  	[tilespmem:s0+$0x1B780] =	vst v4  }
0xa1: {  	v4 =	vld [tilespmem:s24+$0xFFFFFFE0]  }
0xa2: {  	v5 =	vld [tilespmem:s26+$0x10]  }
0xa3: {  	v6 =	vld [tilespmem:s26+$0xFFFFFFF0]  }
0xa4: {  	v7 =	vld [tilespmem:s26+$0xFFFFFFE0]  }
0xa5: {  	v8 =	vld [tilespmem:s24+$0xFFFFFFF0]  }
0xa6: {  	v9 =	vld [tilespmem:s26+$0x0]  }
0xa7: {  	v10 =	vld [tilespmem:s24+$0x10]  }
0xa8: {  	v11 =	vld [tilespmem:s24+$0x0]  }
0xa9: {  	v4 =	vld.idx.msk [tilespmem:v4+s5+$0x0], $0xffff  }
0xaa: {  	v5 =	vld.idx.msk [tilespmem:v5+s5+$0x0], $0xffff  }
0xab: {  	v6 =	vld.idx.msk [tilespmem:v6+s5+$0x0], $0xffff  }
0xac: {  	v7 =	vld.idx.msk [tilespmem:v7+s5+$0x0], $0xffff  }
0xad: {  	v8 =	vld.idx.msk [tilespmem:v8+s5+$0x0], $0xffff  }
0xae: {  	v9 =	vld.idx.msk [tilespmem:v9+s5+$0x0], $0xffff  }
0xaf: {  	v10 =	vld.idx.msk [tilespmem:v10+s5+$0x0], $0xffff  }
0xb0: {  	v11 =	vld.idx.msk [tilespmem:v11+s5+$0x0], $0xffff  }
0xb1: {  	s3 =	sadd.s32 $0x1820, s28;
	s26 =	sadd.s32 $0x40, s26;
	s24 =	sadd.s32 $0x40, s24;
	v12 =	vmul.f32 v4, v1  }
0xb2: {  	s4 =	sadd.s32 $0x3040, s30;
	s6 =	sshrl.u32 s30, $0x1;
	s0 =	sshrl.u32 s28, $0x1;
	v13 =	vmul.f32 v4, v2;
	v14 =	vmul.f32 v4, v3  }
0xb3: {  	s7 =	sadd.s32 $0x1040, s30;
	s29 =	sand.u32 $0xC0, s4;
	s0 =	sand.u32 $0x380, s0;
	v4 =	vmul.f32 v7, v4;
	v6 =	vmul.f32 v6, v8  }
0xb4: {  	s9 =	sadd.s32 $0x1020, s28;
	s6 =	sand.u32 $0x40, s6;
	s4 =	sadd.s32 $0x1B780, s0;
	v7 =	vmul.f32 v8, v2;
	v15 =	vmul.f32 v8, v3  }
0xb5: {  	s31 =	sadd.s32 $0x2040, s30;
	s0 =	sor.u32 s6, s0;
	s8 =	sor.u32 s6, s4;
	v4 =	vpack.i.f32.bf16 v6, v4;
	v6 =	vmul.f32 v8, v1;
	v5 =	vmul.f32 v5, v10  }
.Ltmp1:
0xb6: {  	s6 =	sadd.s32 $0x40, s30;
	v8 =	vmul.f32 v11, v1;
	[tilespmem:s8+$0x0] =	vst v4;
	v4 =	vpack.i.f32.bf16 v7, v13;
	v7 =	vpack.i.f32.bf16 v15, v14;
	s8 =	sand.u32 $0xC0, s31;
	(pc) =	sbr.rel @p0 .LBB2_4-.Ltmp1, $4  }
0xb7: {  	s9 =	sand.u32 $0x1700, s9;
	s30 =	sadd.s32 $0x820, s28;
	s6 =	sand.u32 $0xC0, s6;
	v6 =	vpack.i.f32.bf16 v6, v12;
	[tilespmem:s0+$0x1C380] =	vst v7;
	v7 =	vmul.f32 v9, v11;
	v9 =	vmul.f32 v10, v1  }
0xb8: {  	s7 =	sand.u32 $0xC0, s7;
	s30 =	sand.u32 $0xF00, s30;
	s6 =	sshrl.u32 s6, $0x1;
	v12 =	vmul.f32 v10, v2;
	[tilespmem:s0+$0x1BB80] =	vst v6;
	v6 =	vmul.f32 v11, v2  }
0xb9: {  	[tilespmem:s0+$0x1BF80] =	vst v4;
	v7 =	vpack.i.f32.bf16 v5, v7;
	s0 =	sor.u32 s6, s4;
	v5 =	vpack.i.f32.bf16 v9, v8;
	s4 =	sor.u32 s7, s30;
	s6 =	sor.u32 s8, s9;
	v4 =	vmul.f32 v11, v3  }
0xba: {  	s3 =	sand.u32 $0x1F00, s3;
	[tilespmem:s0+$0x0] =	vst v7;
	s30 =	sshrl.u32 s4, $0x1;
	v6 =	vpack.i.f32.bf16 v12, v6;
	s31 =	sshrl.u32 s6, $0x1;
	v7 =	vmul.f32 v10, v3  }
0xbb: {  	[tilespmem:s30+$0x1B780] =	vst v5;
	s0 =	sor.u32 s29, s3  }
0xbc: {  	[tilespmem:s31+$0x1B780] =	vst v6;
	v4 =	vpack.i.f32.bf16 v7, v4;
	s0 =	sshrl.u32 s0, $0x1  }
0xbd: {  	s1 =	simm.s32 $0x0;
	s26 =	rddreg [dreg:$0x8];
	[tilespmem:s0+$0x1B780] =	vst v4  }
0xbe: {  	[hbm4b:s26+s1] =	stream.linear.scatter [tilespmem:s21], [sflag:$0x6], $0x1000, $0x38;
	[tilespmem:$0x1C780] =	vst v63  }
0xbf: {  	s2 =	rddreg [dreg:$0x1d]  }
0xc0: {  	[tilespmem:s14], [sflag:$0x2] =	stream.linear.gather [hbm4b:s2+s1], $0x800, $0x38;
	[tilespmem:$0x1C780] =	vst v63  }
0xc1: {  	s3 =	rddreg [dreg:$0x1e]  }
0xc2: {  	[tilespmem:s15], [sflag:$0x4] =	stream.linear.gather [hbm4b:s3+s1], $0x800, $0x38;
	[tilespmem:$0x1C780] =	vst v63  }
0xc3: {  	_ =	swait.ge [sflag:s16], $0x800  }
0xc4: {  	[sflag:s16] =	ssyncset.done $0x0  }
0xc5: {  	[sflag:s16] =	ssyncadd.s32 $0xFFFFF800  }
0xc6: {  	_ =	swait.ge [sflag:s17], $0x800  }
0xc7: {  	[sflag:s17] =	ssyncset.done $0x0  }
0xc8: {  	[sflag:s17] =	ssyncadd.s32 $0xFFFFF800  }
0xc9: {  	_ =	swait.ge [sflag:s22], $0x1000  }
0xca: {  	[sflag:s22] =	ssyncset.done $0x0  }
0xcb: {  	s4 =	simm.s32 $0x18720;
	[sflag:s22] =	ssyncadd.s32 $0xFFFFF000  }
0xcc: {  	s2 =	simm.s32 $0x19720;
	v4 =	vld [tilespmem:s4+$0xFFFFFFE0]  }
0xcd: {  	v5 =	vld [tilespmem:s2+$0xFFFFFFF0]  }
0xce: {  	v6 =	vld [tilespmem:s2+$0xFFFFFFE0]  }
0xcf: {  	v7 =	vld [tilespmem:s4+$0xFFFFFFF0]  }
0xd0: {  	v8 =	vld [tilespmem:s2+$0x10]  }
0xd1: {  	v9 =	vld [tilespmem:s4+$0x10]  }
0xd2: {  	v10 =	vld [tilespmem:s4+$0x0]  }
0xd3: {  	v11 =	vld [tilespmem:s2+$0x0]  }
0xd4: {  	v4 =	vld.idx.msk [tilespmem:v4+s5+$0x0], $0xffff  }
0xd5: {  	v5 =	vld.idx.msk [tilespmem:v5+s5+$0x0], $0xffff  }
0xd6: {  	v6 =	vld.idx.msk [tilespmem:v6+s5+$0x0], $0xffff  }
0xd7: {  	v7 =	vld.idx.msk [tilespmem:v7+s5+$0x0], $0xffff  }
0xd8: {  	v8 =	vld.idx.msk [tilespmem:v8+s5+$0x0], $0xffff  }
0xd9: {  	s24 =	simm.s32 $0x18760;
	v9 =	vld.idx.msk [tilespmem:v9+s5+$0x0], $0xffff  }
0xda: {  	s6 =	simm.s32 $0x0;
	s9 =	simm.s32 $0x1020;
	s28 =	simm.s32 $0x2040;
	v10 =	vld.idx.msk [tilespmem:v10+s5+$0x0], $0xffff  }
0xdb: {  	s9 =	sand.u32 $0x1700, s9;
	s0 =	sand.u32 $0x380, s6;
	s6 =	simm.s32 $0x3040;
	v11 =	vld.idx.msk [tilespmem:v11+s5+$0x0], $0xffff;
	v12 =	vmul.f32 v4, v1;
	v13 =	vmul.f32 v4, v2  }
0xdc: {  	s26 =	simm.s32 $0x19760;
	s7 =	sadd.s32 $0x1A780, s0;
	s4 =	simm.s32 $0x0;
	v6 =	vmul.f32 v6, v4;
	v5 =	vmul.f32 v5, v7  }
0xdd: {  	s29 =	sand.u32 $0xC0, s6;
	s6 =	simm.s32 $0x1040;
	s4 =	sand.u32 $0x40, s4;
	v4 =	vmul.f32 v4, v3;
	v14 =	vmul.f32 v7, v3  }
0xde: {  	s6 =	sand.u32 $0xC0, s6;
	s3 =	simm.s32 $0x1820;
	s8 =	sor.u32 s4, s7;
	v15 =	vmul.f32 v7, v2;
	v5 =	vpack.i.f32.bf16 v5, v6;
	v6 =	vmul.f32 v7, v1  }
0xdf: {  	s3 =	sand.u32 $0x1F00, s3;
	s0 =	sor.u32 s4, s0;
	s4 =	simm.s32 $0x40;
	v7 =	vmul.f32 v8, v9;
	v4 =	vpack.i.f32.bf16 v14, v4;
	v8 =	vmul.f32 v9, v1;
	[tilespmem:s8+$0x0] =	vst v5  }
0xe0: {  	s4 =	sand.u32 $0xC0, s4;
	v5 =	vmul.f32 v10, v1;
	s8 =	sand.u32 $0xC0, s28;
	s28 =	simm.s32 $0x820;
	v6 =	vpack.i.f32.bf16 v6, v12;
	[tilespmem:s0+$0x1B380] =	vst v4;
	v4 =	vmul.f32 v11, v10  }
0xe1: {  	s2 =	simm.s32 $0x80;
	s4 =	sshrl.u32 s4, $0x1;
	v63 =	vmul.f32 v9, v2;
	v62 =	vpack.i.f32.bf16 v15, v13;
	s28 =	sand.u32 $0xF00, s28;
	[tilespmem:s0+$0x1AB80] =	vst v6;
	v6 =	vmul.f32 v10, v2  }
0xe2: {  	s7 =	sor.u32 s4, s7;
	[tilespmem:s0+$0x1AF80] =	vst v62;
	s9 =	sor.u32 s8, s9;
	s6 =	sor.u32 s6, s28;
	v5 =	vpack.i.f32.bf16 v8, v5;
	v7 =	vpack.i.f32.bf16 v7, v4  }
0xe3: {  	s31 =	sshrl.u32 s9, $0x1;
	s28 =	simm.s32 $0x0;
	s30 =	sshrl.u32 s6, $0x1;
	v4 =	vmul.f32 v10, v3;
	[tilespmem:s7+$0x0] =	vst v7;
	v6 =	vpack.i.f32.bf16 v63, v6;
	v7 =	vmul.f32 v9, v3  }
.LBB2_6:
0xe4: {  	s0 =	sor.u32 s29, s3  }
0xe5: {  	[tilespmem:s30+$0x1A780] =	vst v5;
	s1 =	sadd.s32 $0x1, s1;
	s28 =	sadd.s32 $0x40, s28;
	s30 =	smov.u32 s2  }
0xe6: {  	p0 =	sne.s32 s2, $0xF80;
	s2 =	sadd.s32 $0x80, s2;
	[tilespmem:s31+$0x1A780] =	vst v6;
	v4 =	vpack.i.f32.bf16 v7, v4;
	s0 =	sshrl.u32 s0, $0x1  }
0xe7: {  	[tilespmem:s0+$0x1A780] =	vst v4  }
0xe8: {  	v4 =	vld [tilespmem:s24+$0xFFFFFFE0]  }
0xe9: {  	v5 =	vld [tilespmem:s26+$0x10]  }
0xea: {  	v6 =	vld [tilespmem:s26+$0xFFFFFFF0]  }
0xeb: {  	v7 =	vld [tilespmem:s26+$0xFFFFFFE0]  }
0xec: {  	v8 =	vld [tilespmem:s24+$0xFFFFFFF0]  }
0xed: {  	v9 =	vld [tilespmem:s26+$0x0]  }
0xee: {  	v10 =	vld [tilespmem:s24+$0x10]  }
0xef: {  	v11 =	vld [tilespmem:s24+$0x0]  }
0xf0: {  	v4 =	vld.idx.msk [tilespmem:v4+s5+$0x0], $0xffff  }
0xf1: {  	v5 =	vld.idx.msk [tilespmem:v5+s5+$0x0], $0xffff  }
0xf2: {  	v6 =	vld.idx.msk [tilespmem:v6+s5+$0x0], $0xffff  }
0xf3: {  	v7 =	vld.idx.msk [tilespmem:v7+s5+$0x0], $0xffff  }
0xf4: {  	v8 =	vld.idx.msk [tilespmem:v8+s5+$0x0], $0xffff  }
0xf5: {  	v9 =	vld.idx.msk [tilespmem:v9+s5+$0x0], $0xffff  }
0xf6: {  	v10 =	vld.idx.msk [tilespmem:v10+s5+$0x0], $0xffff  }
0xf7: {  	v11 =	vld.idx.msk [tilespmem:v11+s5+$0x0], $0xffff  }
0xf8: {  	s3 =	sadd.s32 $0x1820, s28;
	s26 =	sadd.s32 $0x40, s26;
	s24 =	sadd.s32 $0x40, s24;
	v12 =	vmul.f32 v4, v1  }
0xf9: {  	s4 =	sadd.s32 $0x3040, s30;
	s6 =	sshrl.u32 s30, $0x1;
	s0 =	sshrl.u32 s28, $0x1;
	v13 =	vmul.f32 v4, v2;
	v14 =	vmul.f32 v4, v3  }
0xfa: {  	s7 =	sadd.s32 $0x1040, s30;
	s29 =	sand.u32 $0xC0, s4;
	s0 =	sand.u32 $0x380, s0;
	v4 =	vmul.f32 v7, v4;
	v6 =	vmul.f32 v6, v8  }
0xfb: {  	s9 =	sadd.s32 $0x1020, s28;
	s6 =	sand.u32 $0x40, s6;
	s4 =	sadd.s32 $0x1A780, s0;
	v7 =	vmul.f32 v8, v2;
	v15 =	vmul.f32 v8, v3  }
0xfc: {  	s31 =	sadd.s32 $0x2040, s30;
	s0 =	sor.u32 s6, s0;
	s8 =	sor.u32 s6, s4;
	v4 =	vpack.i.f32.bf16 v6, v4;
	v6 =	vmul.f32 v8, v1;
	v5 =	vmul.f32 v5, v10  }
.Ltmp2:
0xfd: {  	s6 =	sadd.s32 $0x40, s30;
	v8 =	vmul.f32 v11, v1;
	[tilespmem:s8+$0x0] =	vst v4;
	v4 =	vpack.i.f32.bf16 v7, v13;
	v7 =	vpack.i.f32.bf16 v15, v14;
	s8 =	sand.u32 $0xC0, s31;
	(pc) =	sbr.rel @p0 .LBB2_6-.Ltmp2, $4  }
0xfe: {  	s9 =	sand.u32 $0x1700, s9;
	s30 =	sadd.s32 $0x820, s28;
	s6 =	sand.u32 $0xC0, s6;
	v6 =	vpack.i.f32.bf16 v6, v12;
	[tilespmem:s0+$0x1B380] =	vst v7;
	v7 =	vmul.f32 v9, v11;
	v9 =	vmul.f32 v10, v1  }
0xff: {  	s7 =	sand.u32 $0xC0, s7;
	s30 =	sand.u32 $0xF00, s30;
	s6 =	sshrl.u32 s6, $0x1;
	v12 =	vmul.f32 v10, v2;
	[tilespmem:s0+$0x1AB80] =	vst v6;
	v6 =	vmul.f32 v11, v2  }
0x100: {  	[tilespmem:s0+$0x1AF80] =	vst v4;
	v7 =	vpack.i.f32.bf16 v5, v7;
	s0 =	sor.u32 s6, s4;
	v5 =	vpack.i.f32.bf16 v9, v8;
	s4 =	sor.u32 s7, s30;
	s6 =	sor.u32 s8, s9;
	v4 =	vmul.f32 v11, v3  }
0x101: {  	s3 =	sand.u32 $0x1F00, s3;
	[tilespmem:s0+$0x0] =	vst v7;
	s30 =	sshrl.u32 s4, $0x1;
	v6 =	vpack.i.f32.bf16 v12, v6;
	s31 =	sshrl.u32 s6, $0x1;
	v7 =	vmul.f32 v10, v3  }
0x102: {  	[tilespmem:s30+$0x1A780] =	vst v5;
	s0 =	sor.u32 s29, s3  }
0x103: {  	s26 =	rddreg [dreg:$0x9];
	[tilespmem:s31+$0x1A780] =	vst v6;
	v4 =	vpack.i.f32.bf16 v7, v4;
	s0 =	sshrl.u32 s0, $0x1  }
0x104: {  	s1 =	simm.s32 $0x0;
	s2 =	rddreg [dreg:$0x1f];
	[tilespmem:s0+$0x1A780] =	vst v4  }
0x105: {  	[hbm4b:s26+s1] =	stream.linear.scatter [tilespmem:s18], [sflag:$0x5], $0x1000, $0x38;
	[tilespmem:$0x1C780] =	vst v63  }
0x106: {  	s3 =	sld [smem:$0x7F8]  }
0x107: {  	[tilespmem:s12], [sflag:$0x1] =	stream.linear.gather [hbm4b:s2+s1], $0x800, $0x38;
	[tilespmem:$0x1C780] =	vst v63  }
0x108: {  	_ = 	snop  }
0x109: {  	[tilespmem:s13], [sflag:$0x3] =	stream.linear.gather [hbm4b:s3+s1], $0x800, $0x38;
	[tilespmem:$0x1C780] =	vst v63  }
0x10a: {  	_ =	swait.ge [sflag:s19], $0x800  }
0x10b: {  	[sflag:s19] =	ssyncset.done $0x0  }
0x10c: {  	[sflag:s19] =	ssyncadd.s32 $0xFFFFF800  }
0x10d: {  	_ =	swait.ge [sflag:s20], $0x800  }
0x10e: {  	[sflag:s20] =	ssyncset.done $0x0  }
0x10f: {  	[sflag:s20] =	ssyncadd.s32 $0xFFFFF800  }
0x110: {  	_ =	swait.ge [sflag:s23], $0x1000  }
0x111: {  	[sflag:s23] =	ssyncset.done $0x0  }
0x112: {  	s4 =	simm.s32 $0x18F20;
	[sflag:s23] =	ssyncadd.s32 $0xFFFFF000  }
0x113: {  	s2 =	simm.s32 $0x19F20;
	v4 =	vld [tilespmem:s4+$0xFFFFFFE0]  }
0x114: {  	v5 =	vld [tilespmem:s2+$0xFFFFFFF0]  }
0x115: {  	v6 =	vld [tilespmem:s2+$0xFFFFFFE0]  }
0x116: {  	v7 =	vld [tilespmem:s4+$0xFFFFFFF0]  }
0x117: {  	v8 =	vld [tilespmem:s2+$0x10]  }
0x118: {  	v9 =	vld [tilespmem:s4+$0x10]  }
0x119: {  	v10 =	vld [tilespmem:s4+$0x0]  }
0x11a: {  	v11 =	vld [tilespmem:s2+$0x0]  }
0x11b: {  	v4 =	vld.idx.msk [tilespmem:v4+s5+$0x0], $0xffff  }
0x11c: {  	v5 =	vld.idx.msk [tilespmem:v5+s5+$0x0], $0xffff  }
0x11d: {  	v6 =	vld.idx.msk [tilespmem:v6+s5+$0x0], $0xffff  }
0x11e: {  	v7 =	vld.idx.msk [tilespmem:v7+s5+$0x0], $0xffff  }
0x11f: {  	v8 =	vld.idx.msk [tilespmem:v8+s5+$0x0], $0xffff  }
0x120: {  	s24 =	simm.s32 $0x18F60;
	v9 =	vld.idx.msk [tilespmem:v9+s5+$0x0], $0xffff  }
0x121: {  	s6 =	simm.s32 $0x0;
	s9 =	simm.s32 $0x1020;
	s28 =	simm.s32 $0x2040;
	v10 =	vld.idx.msk [tilespmem:v10+s5+$0x0], $0xffff  }
0x122: {  	s9 =	sand.u32 $0x1700, s9;
	s0 =	sand.u32 $0x380, s6;
	s6 =	simm.s32 $0x3040;
	v11 =	vld.idx.msk [tilespmem:v11+s5+$0x0], $0xffff;
	v12 =	vmul.f32 v4, v1;
	v13 =	vmul.f32 v4, v2  }
0x123: {  	s26 =	simm.s32 $0x19F60;
	s7 =	sadd.s32 $0x1B780, s0;
	s4 =	simm.s32 $0x0;
	v6 =	vmul.f32 v6, v4;
	v5 =	vmul.f32 v5, v7  }
0x124: {  	s29 =	sand.u32 $0xC0, s6;
	s6 =	simm.s32 $0x1040;
	s4 =	sand.u32 $0x40, s4;
	v4 =	vmul.f32 v4, v3;
	v14 =	vmul.f32 v7, v3  }
0x125: {  	s6 =	sand.u32 $0xC0, s6;
	s3 =	simm.s32 $0x1820;
	s8 =	sor.u32 s4, s7;
	v15 =	vmul.f32 v7, v2;
	v5 =	vpack.i.f32.bf16 v5, v6;
	v6 =	vmul.f32 v7, v1  }
0x126: {  	s3 =	sand.u32 $0x1F00, s3;
	s0 =	sor.u32 s4, s0;
	s4 =	simm.s32 $0x40;
	v7 =	vmul.f32 v8, v9;
	v4 =	vpack.i.f32.bf16 v14, v4;
	v8 =	vmul.f32 v9, v1;
	[tilespmem:s8+$0x0] =	vst v5  }
0x127: {  	s4 =	sand.u32 $0xC0, s4;
	v5 =	vmul.f32 v10, v1;
	s8 =	sand.u32 $0xC0, s28;
	s28 =	simm.s32 $0x820;
	v6 =	vpack.i.f32.bf16 v6, v12;
	[tilespmem:s0+$0x1C380] =	vst v4;
	v4 =	vmul.f32 v11, v10  }
0x128: {  	s2 =	simm.s32 $0x80;
	s4 =	sshrl.u32 s4, $0x1;
	v63 =	vmul.f32 v9, v2;
	v62 =	vpack.i.f32.bf16 v15, v13;
	s28 =	sand.u32 $0xF00, s28;
	[tilespmem:s0+$0x1BB80] =	vst v6;
	v6 =	vmul.f32 v10, v2  }
0x129: {  	s7 =	sor.u32 s4, s7;
	[tilespmem:s0+$0x1BF80] =	vst v62;
	s9 =	sor.u32 s8, s9;
	s6 =	sor.u32 s6, s28;
	v5 =	vpack.i.f32.bf16 v8, v5;
	v7 =	vpack.i.f32.bf16 v7, v4  }
0x12a: {  	s31 =	sshrl.u32 s9, $0x1;
	s28 =	simm.s32 $0x0;
	s30 =	sshrl.u32 s6, $0x1;
	v4 =	vmul.f32 v10, v3;
	[tilespmem:s7+$0x0] =	vst v7;
	v6 =	vpack.i.f32.bf16 v63, v6;
	v7 =	vmul.f32 v9, v3  }
.LBB2_8:
0x12b: {  	s0 =	sor.u32 s29, s3  }
0x12c: {  	[tilespmem:s30+$0x1B780] =	vst v5;
	s1 =	sadd.s32 $0x1, s1;
	s28 =	sadd.s32 $0x40, s28;
	s30 =	smov.u32 s2  }
0x12d: {  	p0 =	sne.s32 s2, $0xF80;
	s2 =	sadd.s32 $0x80, s2;
	[tilespmem:s31+$0x1B780] =	vst v6;
	v4 =	vpack.i.f32.bf16 v7, v4;
	s0 =	sshrl.u32 s0, $0x1  }
0x12e: {  	[tilespmem:s0+$0x1B780] =	vst v4  }
0x12f: {  	v4 =	vld [tilespmem:s24+$0xFFFFFFE0]  }
0x130: {  	v5 =	vld [tilespmem:s26+$0x10]  }
0x131: {  	v6 =	vld [tilespmem:s26+$0xFFFFFFF0]  }
0x132: {  	v7 =	vld [tilespmem:s26+$0xFFFFFFE0]  }
0x133: {  	v8 =	vld [tilespmem:s24+$0xFFFFFFF0]  }
0x134: {  	v9 =	vld [tilespmem:s26+$0x0]  }
0x135: {  	v10 =	vld [tilespmem:s24+$0x10]  }
0x136: {  	v11 =	vld [tilespmem:s24+$0x0]  }
0x137: {  	v4 =	vld.idx.msk [tilespmem:v4+s5+$0x0], $0xffff  }
0x138: {  	v5 =	vld.idx.msk [tilespmem:v5+s5+$0x0], $0xffff  }
0x139: {  	v6 =	vld.idx.msk [tilespmem:v6+s5+$0x0], $0xffff  }
0x13a: {  	v7 =	vld.idx.msk [tilespmem:v7+s5+$0x0], $0xffff  }
0x13b: {  	v8 =	vld.idx.msk [tilespmem:v8+s5+$0x0], $0xffff  }
0x13c: {  	v9 =	vld.idx.msk [tilespmem:v9+s5+$0x0], $0xffff  }
0x13d: {  	v10 =	vld.idx.msk [tilespmem:v10+s5+$0x0], $0xffff  }
0x13e: {  	v11 =	vld.idx.msk [tilespmem:v11+s5+$0x0], $0xffff  }
0x13f: {  	s3 =	sadd.s32 $0x1820, s28;
	s26 =	sadd.s32 $0x40, s26;
	s24 =	sadd.s32 $0x40, s24;
	v12 =	vmul.f32 v4, v1  }
0x140: {  	s4 =	sadd.s32 $0x3040, s30;
	s6 =	sshrl.u32 s30, $0x1;
	s0 =	sshrl.u32 s28, $0x1;
	v13 =	vmul.f32 v4, v2;
	v14 =	vmul.f32 v4, v3  }
0x141: {  	s7 =	sadd.s32 $0x1040, s30;
	s29 =	sand.u32 $0xC0, s4;
	s0 =	sand.u32 $0x380, s0;
	v4 =	vmul.f32 v7, v4;
	v6 =	vmul.f32 v6, v8  }
0x142: {  	s9 =	sadd.s32 $0x1020, s28;
	s6 =	sand.u32 $0x40, s6;
	s4 =	sadd.s32 $0x1B780, s0;
	v7 =	vmul.f32 v8, v2;
	v15 =	vmul.f32 v8, v3  }
0x143: {  	s31 =	sadd.s32 $0x2040, s30;
	s0 =	sor.u32 s6, s0;
	s8 =	sor.u32 s6, s4;
	v4 =	vpack.i.f32.bf16 v6, v4;
	v6 =	vmul.f32 v8, v1;
	v5 =	vmul.f32 v5, v10  }
.Ltmp3:
0x144: {  	s6 =	sadd.s32 $0x40, s30;
	v8 =	vmul.f32 v11, v1;
	[tilespmem:s8+$0x0] =	vst v4;
	v4 =	vpack.i.f32.bf16 v7, v13;
	v7 =	vpack.i.f32.bf16 v15, v14;
	s8 =	sand.u32 $0xC0, s31;
	(pc) =	sbr.rel @p0 .LBB2_8-.Ltmp3, $4  }
0x145: {  	s9 =	sand.u32 $0x1700, s9;
	s30 =	sadd.s32 $0x820, s28;
	s6 =	sand.u32 $0xC0, s6;
	v6 =	vpack.i.f32.bf16 v6, v12;
	[tilespmem:s0+$0x1C380] =	vst v7;
	v7 =	vmul.f32 v9, v11;
	v9 =	vmul.f32 v10, v1  }
0x146: {  	s7 =	sand.u32 $0xC0, s7;
	s30 =	sand.u32 $0xF00, s30;
	s6 =	sshrl.u32 s6, $0x1;
	v12 =	vmul.f32 v10, v2;
	[tilespmem:s0+$0x1BB80] =	vst v6;
	v6 =	vmul.f32 v11, v2  }
0x147: {  	[tilespmem:s0+$0x1BF80] =	vst v4;
	v7 =	vpack.i.f32.bf16 v5, v7;
	s0 =	sor.u32 s6, s4;
	v5 =	vpack.i.f32.bf16 v9, v8;
	s4 =	sor.u32 s7, s30;
	s6 =	sor.u32 s8, s9;
	v4 =	vmul.f32 v11, v3  }
0x148: {  	s3 =	sand.u32 $0x1F00, s3;
	[tilespmem:s0+$0x0] =	vst v7;
	s30 =	sshrl.u32 s4, $0x1;
	v6 =	vpack.i.f32.bf16 v12, v6;
	s31 =	sshrl.u32 s6, $0x1;
	v7 =	vmul.f32 v10, v3  }
0x149: {  	[tilespmem:s30+$0x1B780] =	vst v5;
	s0 =	sor.u32 s29, s3  }
0x14a: {  	s26 =	rddreg [dreg:$0xa];
	[tilespmem:s31+$0x1B780] =	vst v6;
	v4 =	vpack.i.f32.bf16 v7, v4;
	s0 =	sshrl.u32 s0, $0x1  }
0x14b: {  	s1 =	simm.s32 $0x0;
	s2 =	sld [smem:$0x7F9];
	[tilespmem:s0+$0x1B780] =	vst v4  }
0x14c: {  	[hbm4b:s26+s1] =	stream.linear.scatter [tilespmem:s21], [sflag:$0x6], $0x1000, $0x38;
	[tilespmem:$0x1C780] =	vst v63  }
0x14d: {  	s3 =	sld [smem:$0x7FA]  }
0x14e: {  	[tilespmem:s14], [sflag:$0x2] =	stream.linear.gather [hbm4b:s2+s1], $0x800, $0x38;
	[tilespmem:$0x1C780] =	vst v63  }
0x14f: {  	_ = 	snop  }
0x150: {  	[tilespmem:s15], [sflag:$0x4] =	stream.linear.gather [hbm4b:s3+s1], $0x800, $0x38;
	[tilespmem:$0x1C780] =	vst v63  }
0x151: {  	_ =	swait.ge [sflag:s16], $0x800  }
0x152: {  	[sflag:s16] =	ssyncset.done $0x0  }
0x153: {  	[sflag:s16] =	ssyncadd.s32 $0xFFFFF800  }
0x154: {  	_ =	swait.ge [sflag:s17], $0x800  }
0x155: {  	[sflag:s17] =	ssyncset.done $0x0  }
0x156: {  	[sflag:s17] =	ssyncadd.s32 $0xFFFFF800  }
0x157: {  	_ =	swait.ge [sflag:s22], $0x1000  }
0x158: {  	[sflag:s22] =	ssyncset.done $0x0  }
0x159: {  	s4 =	simm.s32 $0x18720;
	[sflag:s22] =	ssyncadd.s32 $0xFFFFF000  }
0x15a: {  	s2 =	simm.s32 $0x19720;
	v4 =	vld [tilespmem:s4+$0xFFFFFFE0]  }
0x15b: {  	v5 =	vld [tilespmem:s2+$0xFFFFFFF0]  }
0x15c: {  	v6 =	vld [tilespmem:s2+$0xFFFFFFE0]  }
0x15d: {  	v7 =	vld [tilespmem:s4+$0xFFFFFFF0]  }
0x15e: {  	v8 =	vld [tilespmem:s2+$0x10]  }
0x15f: {  	v9 =	vld [tilespmem:s4+$0x10]  }
0x160: {  	v10 =	vld [tilespmem:s4+$0x0]  }
0x161: {  	v11 =	vld [tilespmem:s2+$0x0]  }
0x162: {  	v4 =	vld.idx.msk [tilespmem:v4+s5+$0x0], $0xffff  }
0x163: {  	v5 =	vld.idx.msk [tilespmem:v5+s5+$0x0], $0xffff  }
0x164: {  	v6 =	vld.idx.msk [tilespmem:v6+s5+$0x0], $0xffff  }
0x165: {  	v7 =	vld.idx.msk [tilespmem:v7+s5+$0x0], $0xffff  }
0x166: {  	v8 =	vld.idx.msk [tilespmem:v8+s5+$0x0], $0xffff  }
0x167: {  	s24 =	simm.s32 $0x18760;
	v9 =	vld.idx.msk [tilespmem:v9+s5+$0x0], $0xffff  }
0x168: {  	s6 =	simm.s32 $0x0;
	s9 =	simm.s32 $0x1020;
	s28 =	simm.s32 $0x2040;
	v10 =	vld.idx.msk [tilespmem:v10+s5+$0x0], $0xffff  }
0x169: {  	s9 =	sand.u32 $0x1700, s9;
	s0 =	sand.u32 $0x380, s6;
	s6 =	simm.s32 $0x3040;
	v11 =	vld.idx.msk [tilespmem:v11+s5+$0x0], $0xffff;
	v12 =	vmul.f32 v4, v1;
	v13 =	vmul.f32 v4, v2  }
0x16a: {  	s26 =	simm.s32 $0x19760;
	s7 =	sadd.s32 $0x1A780, s0;
	s4 =	simm.s32 $0x0;
	v6 =	vmul.f32 v6, v4;
	v5 =	vmul.f32 v5, v7  }
0x16b: {  	s29 =	sand.u32 $0xC0, s6;
	s6 =	simm.s32 $0x1040;
	s4 =	sand.u32 $0x40, s4;
	v4 =	vmul.f32 v4, v3;
	v14 =	vmul.f32 v7, v3  }
0x16c: {  	s6 =	sand.u32 $0xC0, s6;
	s3 =	simm.s32 $0x1820;
	s8 =	sor.u32 s4, s7;
	v15 =	vmul.f32 v7, v2;
	v5 =	vpack.i.f32.bf16 v5, v6;
	v6 =	vmul.f32 v7, v1  }
0x16d: {  	s3 =	sand.u32 $0x1F00, s3;
	s0 =	sor.u32 s4, s0;
	s4 =	simm.s32 $0x40;
	v7 =	vmul.f32 v8, v9;
	v4 =	vpack.i.f32.bf16 v14, v4;
	v8 =	vmul.f32 v9, v1;
	[tilespmem:s8+$0x0] =	vst v5  }
0x16e: {  	s4 =	sand.u32 $0xC0, s4;
	v5 =	vmul.f32 v10, v1;
	s8 =	sand.u32 $0xC0, s28;
	s28 =	simm.s32 $0x820;
	v6 =	vpack.i.f32.bf16 v6, v12;
	[tilespmem:s0+$0x1B380] =	vst v4;
	v4 =	vmul.f32 v11, v10  }
0x16f: {  	s2 =	simm.s32 $0x80;
	s4 =	sshrl.u32 s4, $0x1;
	v63 =	vmul.f32 v9, v2;
	v62 =	vpack.i.f32.bf16 v15, v13;
	s28 =	sand.u32 $0xF00, s28;
	[tilespmem:s0+$0x1AB80] =	vst v6;
	v6 =	vmul.f32 v10, v2  }
0x170: {  	s7 =	sor.u32 s4, s7;
	[tilespmem:s0+$0x1AF80] =	vst v62;
	s9 =	sor.u32 s8, s9;
	s6 =	sor.u32 s6, s28;
	v5 =	vpack.i.f32.bf16 v8, v5;
	v7 =	vpack.i.f32.bf16 v7, v4  }
0x171: {  	s31 =	sshrl.u32 s9, $0x1;
	s28 =	simm.s32 $0x0;
	s30 =	sshrl.u32 s6, $0x1;
	v4 =	vmul.f32 v10, v3;
	[tilespmem:s7+$0x0] =	vst v7;
	v6 =	vpack.i.f32.bf16 v63, v6;
	v7 =	vmul.f32 v9, v3  }
.LBB2_10:
0x172: {  	s0 =	sor.u32 s29, s3  }
0x173: {  	[tilespmem:s30+$0x1A780] =	vst v5;
	s1 =	sadd.s32 $0x1, s1;
	s28 =	sadd.s32 $0x40, s28;
	s30 =	smov.u32 s2  }
0x174: {  	p0 =	sne.s32 s2, $0xF80;
	s2 =	sadd.s32 $0x80, s2;
	[tilespmem:s31+$0x1A780] =	vst v6;
	v4 =	vpack.i.f32.bf16 v7, v4;
	s0 =	sshrl.u32 s0, $0x1  }
0x175: {  	[tilespmem:s0+$0x1A780] =	vst v4  }
0x176: {  	v4 =	vld [tilespmem:s24+$0xFFFFFFE0]  }
0x177: {  	v5 =	vld [tilespmem:s26+$0x10]  }
0x178: {  	v6 =	vld [tilespmem:s26+$0xFFFFFFF0]  }
0x179: {  	v7 =	vld [tilespmem:s26+$0xFFFFFFE0]  }
0x17a: {  	v8 =	vld [tilespmem:s24+$0xFFFFFFF0]  }
0x17b: {  	v9 =	vld [tilespmem:s26+$0x0]  }
0x17c: {  	v10 =	vld [tilespmem:s24+$0x10]  }
0x17d: {  	v11 =	vld [tilespmem:s24+$0x0]  }
0x17e: {  	v4 =	vld.idx.msk [tilespmem:v4+s5+$0x0], $0xffff  }
0x17f: {  	v5 =	vld.idx.msk [tilespmem:v5+s5+$0x0], $0xffff  }
0x180: {  	v6 =	vld.idx.msk [tilespmem:v6+s5+$0x0], $0xffff  }
0x181: {  	v7 =	vld.idx.msk [tilespmem:v7+s5+$0x0], $0xffff  }
0x182: {  	v8 =	vld.idx.msk [tilespmem:v8+s5+$0x0], $0xffff  }
0x183: {  	v9 =	vld.idx.msk [tilespmem:v9+s5+$0x0], $0xffff  }
0x184: {  	v10 =	vld.idx.msk [tilespmem:v10+s5+$0x0], $0xffff  }
0x185: {  	v11 =	vld.idx.msk [tilespmem:v11+s5+$0x0], $0xffff  }
0x186: {  	s3 =	sadd.s32 $0x1820, s28;
	s26 =	sadd.s32 $0x40, s26;
	s24 =	sadd.s32 $0x40, s24;
	v12 =	vmul.f32 v4, v1  }
0x187: {  	s4 =	sadd.s32 $0x3040, s30;
	s6 =	sshrl.u32 s30, $0x1;
	s0 =	sshrl.u32 s28, $0x1;
	v13 =	vmul.f32 v4, v2;
	v14 =	vmul.f32 v4, v3  }
0x188: {  	s7 =	sadd.s32 $0x1040, s30;
	s29 =	sand.u32 $0xC0, s4;
	s0 =	sand.u32 $0x380, s0;
	v4 =	vmul.f32 v7, v4;
	v6 =	vmul.f32 v6, v8  }
0x189: {  	s9 =	sadd.s32 $0x1020, s28;
	s6 =	sand.u32 $0x40, s6;
	s4 =	sadd.s32 $0x1A780, s0;
	v7 =	vmul.f32 v8, v2;
	v15 =	vmul.f32 v8, v3  }
0x18a: {  	s31 =	sadd.s32 $0x2040, s30;
	s0 =	sor.u32 s6, s0;
	s8 =	sor.u32 s6, s4;
	v4 =	vpack.i.f32.bf16 v6, v4;
	v6 =	vmul.f32 v8, v1;
	v5 =	vmul.f32 v5, v10  }
.Ltmp4:
0x18b: {  	s6 =	sadd.s32 $0x40, s30;
	v8 =	vmul.f32 v11, v1;
	[tilespmem:s8+$0x0] =	vst v4;
	v4 =	vpack.i.f32.bf16 v7, v13;
	v7 =	vpack.i.f32.bf16 v15, v14;
	s8 =	sand.u32 $0xC0, s31;
	(pc) =	sbr.rel @p0 .LBB2_10-.Ltmp4, $4  }
0x18c: {  	s9 =	sand.u32 $0x1700, s9;
	s30 =	sadd.s32 $0x820, s28;
	s6 =	sand.u32 $0xC0, s6;
	v6 =	vpack.i.f32.bf16 v6, v12;
	[tilespmem:s0+$0x1B380] =	vst v7;
	v7 =	vmul.f32 v9, v11;
	v9 =	vmul.f32 v10, v1  }
0x18d: {  	s7 =	sand.u32 $0xC0, s7;
	s30 =	sand.u32 $0xF00, s30;
	s6 =	sshrl.u32 s6, $0x1;
	v12 =	vmul.f32 v10, v2;
	[tilespmem:s0+$0x1AB80] =	vst v6;
	v6 =	vmul.f32 v11, v2  }
0x18e: {  	[tilespmem:s0+$0x1AF80] =	vst v4;
	v7 =	vpack.i.f32.bf16 v5, v7;
	s0 =	sor.u32 s6, s4;
	v5 =	vpack.i.f32.bf16 v9, v8;
	s4 =	sor.u32 s7, s30;
	s6 =	sor.u32 s8, s9;
	v4 =	vmul.f32 v11, v3  }
0x18f: {  	s3 =	sand.u32 $0x1F00, s3;
	[tilespmem:s0+$0x0] =	vst v7;
	s30 =	sshrl.u32 s4, $0x1;
	v6 =	vpack.i.f32.bf16 v12, v6;
	s31 =	sshrl.u32 s6, $0x1;
	v7 =	vmul.f32 v10, v3  }
0x190: {  	[tilespmem:s30+$0x1A780] =	vst v5;
	s0 =	sor.u32 s29, s3  }
0x191: {  	s26 =	rddreg [dreg:$0xb];
	[tilespmem:s31+$0x1A780] =	vst v6;
	v4 =	vpack.i.f32.bf16 v7, v4;
	s0 =	sshrl.u32 s0, $0x1  }
0x192: {  	s1 =	simm.s32 $0x0;
	s2 =	sld [smem:$0x7FB];
	[tilespmem:s0+$0x1A780] =	vst v4  }
0x193: {  	[hbm4b:s26+s1] =	stream.linear.scatter [tilespmem:s18], [sflag:$0x5], $0x1000, $0x38;
	[tilespmem:$0x1C780] =	vst v63  }
0x194: {  	s3 =	sld [smem:$0x7FC]  }
0x195: {  	[tilespmem:s12], [sflag:$0x1] =	stream.linear.gather [hbm4b:s2+s1], $0x800, $0x38;
	[tilespmem:$0x1C780] =	vst v63  }
0x196: {  	_ = 	snop  }
0x197: {  	[tilespmem:s13], [sflag:$0x3] =	stream.linear.gather [hbm4b:s3+s1], $0x800, $0x38;
	[tilespmem:$0x1C780] =	vst v63  }
0x198: {  	_ =	swait.ge [sflag:s19], $0x800  }
0x199: {  	[sflag:s19] =	ssyncset.done $0x0  }
0x19a: {  	[sflag:s19] =	ssyncadd.s32 $0xFFFFF800  }
0x19b: {  	_ =	swait.ge [sflag:s20], $0x800  }
0x19c: {  	[sflag:s20] =	ssyncset.done $0x0  }
0x19d: {  	[sflag:s20] =	ssyncadd.s32 $0xFFFFF800  }
0x19e: {  	_ =	swait.ge [sflag:s23], $0x1000  }
0x19f: {  	[sflag:s23] =	ssyncset.done $0x0  }
0x1a0: {  	s4 =	simm.s32 $0x18F20;
	[sflag:s23] =	ssyncadd.s32 $0xFFFFF000  }
0x1a1: {  	s2 =	simm.s32 $0x19F20;
	v4 =	vld [tilespmem:s4+$0xFFFFFFE0]  }
0x1a2: {  	v5 =	vld [tilespmem:s2+$0xFFFFFFF0]  }
0x1a3: {  	v6 =	vld [tilespmem:s2+$0xFFFFFFE0]  }
0x1a4: {  	v7 =	vld [tilespmem:s4+$0xFFFFFFF0]  }
0x1a5: {  	v8 =	vld [tilespmem:s2+$0x10]  }
0x1a6: {  	v9 =	vld [tilespmem:s4+$0x10]  }
0x1a7: {  	v10 =	vld [tilespmem:s4+$0x0]  }
0x1a8: {  	v11 =	vld [tilespmem:s2+$0x0]  }
0x1a9: {  	v4 =	vld.idx.msk [tilespmem:v4+s5+$0x0], $0xffff  }
0x1aa: {  	v5 =	vld.idx.msk [tilespmem:v5+s5+$0x0], $0xffff  }
0x1ab: {  	v6 =	vld.idx.msk [tilespmem:v6+s5+$0x0], $0xffff  }
0x1ac: {  	v7 =	vld.idx.msk [tilespmem:v7+s5+$0x0], $0xffff  }
0x1ad: {  	v8 =	vld.idx.msk [tilespmem:v8+s5+$0x0], $0xffff  }
0x1ae: {  	s24 =	simm.s32 $0x18F60;
	v9 =	vld.idx.msk [tilespmem:v9+s5+$0x0], $0xffff  }
0x1af: {  	s6 =	simm.s32 $0x0;
	s9 =	simm.s32 $0x1020;
	s28 =	simm.s32 $0x2040;
	v10 =	vld.idx.msk [tilespmem:v10+s5+$0x0], $0xffff  }
0x1b0: {  	s9 =	sand.u32 $0x1700, s9;
	s0 =	sand.u32 $0x380, s6;
	s6 =	simm.s32 $0x3040;
	v11 =	vld.idx.msk [tilespmem:v11+s5+$0x0], $0xffff;
	v12 =	vmul.f32 v4, v1;
	v13 =	vmul.f32 v4, v2  }
0x1b1: {  	s26 =	simm.s32 $0x19F60;
	s7 =	sadd.s32 $0x1B780, s0;
	s4 =	simm.s32 $0x0;
	v6 =	vmul.f32 v6, v4;
	v5 =	vmul.f32 v5, v7  }
0x1b2: {  	s29 =	sand.u32 $0xC0, s6;
	s6 =	simm.s32 $0x1040;
	s4 =	sand.u32 $0x40, s4;
	v4 =	vmul.f32 v4, v3;
	v14 =	vmul.f32 v7, v3  }
0x1b3: {  	s6 =	sand.u32 $0xC0, s6;
	s3 =	simm.s32 $0x1820;
	s8 =	sor.u32 s4, s7;
	v15 =	vmul.f32 v7, v2;
	v5 =	vpack.i.f32.bf16 v5, v6;
	v6 =	vmul.f32 v7, v1  }
0x1b4: {  	s3 =	sand.u32 $0x1F00, s3;
	s0 =	sor.u32 s4, s0;
	s4 =	simm.s32 $0x40;
	v7 =	vmul.f32 v8, v9;
	v4 =	vpack.i.f32.bf16 v14, v4;
	v8 =	vmul.f32 v9, v1;
	[tilespmem:s8+$0x0] =	vst v5  }
0x1b5: {  	s4 =	sand.u32 $0xC0, s4;
	v5 =	vmul.f32 v10, v1;
	s8 =	sand.u32 $0xC0, s28;
	s28 =	simm.s32 $0x820;
	v6 =	vpack.i.f32.bf16 v6, v12;
	[tilespmem:s0+$0x1C380] =	vst v4;
	v4 =	vmul.f32 v11, v10  }
0x1b6: {  	s2 =	simm.s32 $0x80;
	s4 =	sshrl.u32 s4, $0x1;
	v63 =	vmul.f32 v9, v2;
	v62 =	vpack.i.f32.bf16 v15, v13;
	s28 =	sand.u32 $0xF00, s28;
	[tilespmem:s0+$0x1BB80] =	vst v6;
	v6 =	vmul.f32 v10, v2  }
0x1b7: {  	s7 =	sor.u32 s4, s7;
	[tilespmem:s0+$0x1BF80] =	vst v62;
	s9 =	sor.u32 s8, s9;
	s6 =	sor.u32 s6, s28;
	v5 =	vpack.i.f32.bf16 v8, v5;
	v7 =	vpack.i.f32.bf16 v7, v4  }
0x1b8: {  	s31 =	sshrl.u32 s9, $0x1;
	s28 =	simm.s32 $0x0;
	s30 =	sshrl.u32 s6, $0x1;
	v4 =	vmul.f32 v10, v3;
	[tilespmem:s7+$0x0] =	vst v7;
	v6 =	vpack.i.f32.bf16 v63, v6;
	v7 =	vmul.f32 v9, v3  }
.LBB2_12:
0x1b9: {  	s0 =	sor.u32 s29, s3  }
0x1ba: {  	[tilespmem:s30+$0x1B780] =	vst v5;
	s1 =	sadd.s32 $0x1, s1;
	s28 =	sadd.s32 $0x40, s28;
	s30 =	smov.u32 s2  }
0x1bb: {  	p0 =	sne.s32 s2, $0xF80;
	s2 =	sadd.s32 $0x80, s2;
	[tilespmem:s31+$0x1B780] =	vst v6;
	v4 =	vpack.i.f32.bf16 v7, v4;
	s0 =	sshrl.u32 s0, $0x1  }
0x1bc: {  	[tilespmem:s0+$0x1B780] =	vst v4  }
0x1bd: {  	v4 =	vld [tilespmem:s24+$0xFFFFFFE0]  }
0x1be: {  	v5 =	vld [tilespmem:s26+$0x10]  }
0x1bf: {  	v6 =	vld [tilespmem:s26+$0xFFFFFFF0]  }
0x1c0: {  	v7 =	vld [tilespmem:s26+$0xFFFFFFE0]  }
0x1c1: {  	v8 =	vld [tilespmem:s24+$0xFFFFFFF0]  }
0x1c2: {  	v9 =	vld [tilespmem:s26+$0x0]  }
0x1c3: {  	v10 =	vld [tilespmem:s24+$0x10]  }
0x1c4: {  	v11 =	vld [tilespmem:s24+$0x0]  }
0x1c5: {  	v4 =	vld.idx.msk [tilespmem:v4+s5+$0x0], $0xffff  }
0x1c6: {  	v5 =	vld.idx.msk [tilespmem:v5+s5+$0x0], $0xffff  }
0x1c7: {  	v6 =	vld.idx.msk [tilespmem:v6+s5+$0x0], $0xffff  }
0x1c8: {  	v7 =	vld.idx.msk [tilespmem:v7+s5+$0x0], $0xffff  }
0x1c9: {  	v8 =	vld.idx.msk [tilespmem:v8+s5+$0x0], $0xffff  }
0x1ca: {  	v9 =	vld.idx.msk [tilespmem:v9+s5+$0x0], $0xffff  }
0x1cb: {  	v10 =	vld.idx.msk [tilespmem:v10+s5+$0x0], $0xffff  }
0x1cc: {  	v11 =	vld.idx.msk [tilespmem:v11+s5+$0x0], $0xffff  }
0x1cd: {  	s3 =	sadd.s32 $0x1820, s28;
	s26 =	sadd.s32 $0x40, s26;
	s24 =	sadd.s32 $0x40, s24;
	v12 =	vmul.f32 v4, v1  }
0x1ce: {  	s4 =	sadd.s32 $0x3040, s30;
	s6 =	sshrl.u32 s30, $0x1;
	s0 =	sshrl.u32 s28, $0x1;
	v13 =	vmul.f32 v4, v2;
	v14 =	vmul.f32 v4, v3  }
0x1cf: {  	s7 =	sadd.s32 $0x1040, s30;
	s29 =	sand.u32 $0xC0, s4;
	s0 =	sand.u32 $0x380, s0;
	v4 =	vmul.f32 v7, v4;
	v6 =	vmul.f32 v6, v8  }
0x1d0: {  	s9 =	sadd.s32 $0x1020, s28;
	s6 =	sand.u32 $0x40, s6;
	s4 =	sadd.s32 $0x1B780, s0;
	v7 =	vmul.f32 v8, v2;
	v15 =	vmul.f32 v8, v3  }
0x1d1: {  	s31 =	sadd.s32 $0x2040, s30;
	s0 =	sor.u32 s6, s0;
	s8 =	sor.u32 s6, s4;
	v4 =	vpack.i.f32.bf16 v6, v4;
	v6 =	vmul.f32 v8, v1;
	v5 =	vmul.f32 v5, v10  }
.Ltmp5:
0x1d2: {  	s6 =	sadd.s32 $0x40, s30;
	v8 =	vmul.f32 v11, v1;
	[tilespmem:s8+$0x0] =	vst v4;
	v4 =	vpack.i.f32.bf16 v7, v13;
	v7 =	vpack.i.f32.bf16 v15, v14;
	s8 =	sand.u32 $0xC0, s31;
	(pc) =	sbr.rel @p0 .LBB2_12-.Ltmp5, $4  }
0x1d3: {  	s9 =	sand.u32 $0x1700, s9;
	s30 =	sadd.s32 $0x820, s28;
	s6 =	sand.u32 $0xC0, s6;
	v6 =	vpack.i.f32.bf16 v6, v12;
	[tilespmem:s0+$0x1C380] =	vst v7;
	v7 =	vmul.f32 v9, v11;
	v9 =	vmul.f32 v10, v1  }
0x1d4: {  	s7 =	sand.u32 $0xC0, s7;
	s30 =	sand.u32 $0xF00, s30;
	s6 =	sshrl.u32 s6, $0x1;
	v12 =	vmul.f32 v10, v2;
	[tilespmem:s0+$0x1BB80] =	vst v6;
	v6 =	vmul.f32 v11, v2  }
0x1d5: {  	[tilespmem:s0+$0x1BF80] =	vst v4;
	v7 =	vpack.i.f32.bf16 v5, v7;
	s0 =	sor.u32 s6, s4;
	v5 =	vpack.i.f32.bf16 v9, v8;
	s4 =	sor.u32 s7, s30;
	s6 =	sor.u32 s8, s9;
	v4 =	vmul.f32 v11, v3  }
0x1d6: {  	s3 =	sand.u32 $0x1F00, s3;
	[tilespmem:s0+$0x0] =	vst v7;
	s30 =	sshrl.u32 s4, $0x1;
	v6 =	vpack.i.f32.bf16 v12, v6;
	s31 =	sshrl.u32 s6, $0x1;
	v7 =	vmul.f32 v10, v3  }
0x1d7: {  	[tilespmem:s30+$0x1B780] =	vst v5;
	s0 =	sor.u32 s29, s3  }
0x1d8: {  	s2 =	rddreg [dreg:$0xc];
	[tilespmem:s31+$0x1B780] =	vst v6;
	v4 =	vpack.i.f32.bf16 v7, v4;
	s0 =	sshrl.u32 s0, $0x1  }
0x1d9: {  	s1 =	simm.s32 $0x0;
	s3 =	sld [smem:$0x7FD];
	[tilespmem:s0+$0x1B780] =	vst v4  }
0x1da: {  	[hbm4b:s2+s1] =	stream.linear.scatter [tilespmem:s21], [sflag:$0x6], $0x1000, $0x38;
	[tilespmem:$0x1C780] =	vst v63  }
0x1db: {  	_ = 	snop  }
0x1dc: {  	[tilespmem:s14], [sflag:$0x2] =	stream.linear.gather [hbm4b:s3+s1], $0x800, $0x38;
	[tilespmem:$0x1C780] =	vst v63  }
0x1dd: {  	_ = 	snop  }
0x1de: {  	[tilespmem:s15], [sflag:$0x4] =	stream.linear.gather [hbm4b:s10+s1], $0x800, $0x38;
	[tilespmem:$0x1C780] =	vst v63  }
0x1df: {  	_ =	swait.ge [sflag:s16], $0x800  }
0x1e0: {  	[sflag:s16] =	ssyncset.done $0x0  }
0x1e1: {  	[sflag:s16] =	ssyncadd.s32 $0xFFFFF800  }
0x1e2: {  	_ =	swait.ge [sflag:s17], $0x800  }
0x1e3: {  	[sflag:s17] =	ssyncset.done $0x0  }
0x1e4: {  	[sflag:s17] =	ssyncadd.s32 $0xFFFFF800  }
0x1e5: {  	_ =	swait.ge [sflag:s22], $0x1000  }
0x1e6: {  	[sflag:s22] =	ssyncset.done $0x0  }
0x1e7: {  	s4 =	simm.s32 $0x18720;
	[sflag:s22] =	ssyncadd.s32 $0xFFFFF000  }
0x1e8: {  	s2 =	simm.s32 $0x19720;
	v4 =	vld [tilespmem:s4+$0xFFFFFFE0]  }
0x1e9: {  	v5 =	vld [tilespmem:s2+$0xFFFFFFF0]  }
0x1ea: {  	v6 =	vld [tilespmem:s2+$0xFFFFFFE0]  }
0x1eb: {  	v7 =	vld [tilespmem:s4+$0xFFFFFFF0]  }
0x1ec: {  	v8 =	vld [tilespmem:s2+$0x10]  }
0x1ed: {  	v9 =	vld [tilespmem:s4+$0x10]  }
0x1ee: {  	v10 =	vld [tilespmem:s4+$0x0]  }
0x1ef: {  	v11 =	vld [tilespmem:s2+$0x0]  }
0x1f0: {  	v4 =	vld.idx.msk [tilespmem:v4+s5+$0x0], $0xffff  }
0x1f1: {  	v5 =	vld.idx.msk [tilespmem:v5+s5+$0x0], $0xffff  }
0x1f2: {  	v6 =	vld.idx.msk [tilespmem:v6+s5+$0x0], $0xffff  }
0x1f3: {  	v7 =	vld.idx.msk [tilespmem:v7+s5+$0x0], $0xffff  }
0x1f4: {  	v8 =	vld.idx.msk [tilespmem:v8+s5+$0x0], $0xffff  }
0x1f5: {  	s24 =	simm.s32 $0x18760;
	v9 =	vld.idx.msk [tilespmem:v9+s5+$0x0], $0xffff  }
0x1f6: {  	s26 =	simm.s32 $0x19760;
	s6 =	simm.s32 $0x0;
	s9 =	simm.s32 $0x1020;
	v10 =	vld.idx.msk [tilespmem:v10+s5+$0x0], $0xffff  }
0x1f7: {  	s28 =	simm.s32 $0x2040;
	s9 =	sand.u32 $0x1700, s9;
	s0 =	sand.u32 $0x380, s6;
	v11 =	vld.idx.msk [tilespmem:v11+s5+$0x0], $0xffff;
	v12 =	vmul.f32 v4, v1;
	v13 =	vmul.f32 v4, v2  }
0x1f8: {  	s6 =	simm.s32 $0x3040;
	s7 =	sadd.s32 $0x1A780, s0;
	s4 =	simm.s32 $0x0;
	v6 =	vmul.f32 v6, v4;
	v5 =	vmul.f32 v5, v7  }
0x1f9: {  	s29 =	sand.u32 $0xC0, s6;
	s6 =	simm.s32 $0x1040;
	s4 =	sand.u32 $0x40, s4;
	v4 =	vmul.f32 v4, v3;
	v14 =	vmul.f32 v7, v3  }
0x1fa: {  	s6 =	sand.u32 $0xC0, s6;
	s3 =	simm.s32 $0x1820;
	s8 =	sor.u32 s4, s7;
	v15 =	vmul.f32 v7, v2;
	v5 =	vpack.i.f32.bf16 v5, v6;
	v6 =	vmul.f32 v7, v1  }
0x1fb: {  	s3 =	sand.u32 $0x1F00, s3;
	s0 =	sor.u32 s4, s0;
	s4 =	simm.s32 $0x40;
	v7 =	vmul.f32 v8, v9;
	v4 =	vpack.i.f32.bf16 v14, v4;
	v8 =	vmul.f32 v9, v1;
	[tilespmem:s8+$0x0] =	vst v5  }
0x1fc: {  	s4 =	sand.u32 $0xC0, s4;
	v5 =	vmul.f32 v10, v1;
	s8 =	sand.u32 $0xC0, s28;
	s28 =	simm.s32 $0x820;
	v6 =	vpack.i.f32.bf16 v6, v12;
	[tilespmem:s0+$0x1B380] =	vst v4;
	v4 =	vmul.f32 v11, v10  }
0x1fd: {  	s2 =	simm.s32 $0x80;
	s4 =	sshrl.u32 s4, $0x1;
	v63 =	vmul.f32 v9, v2;
	v62 =	vpack.i.f32.bf16 v15, v13;
	s28 =	sand.u32 $0xF00, s28;
	[tilespmem:s0+$0x1AB80] =	vst v6;
	v6 =	vmul.f32 v10, v2  }
0x1fe: {  	s7 =	sor.u32 s4, s7;
	[tilespmem:s0+$0x1AF80] =	vst v62;
	s9 =	sor.u32 s8, s9;
	s6 =	sor.u32 s6, s28;
	v5 =	vpack.i.f32.bf16 v8, v5;
	v7 =	vpack.i.f32.bf16 v7, v4  }
0x1ff: {  	s31 =	sshrl.u32 s9, $0x1;
	s28 =	simm.s32 $0x0;
	s30 =	sshrl.u32 s6, $0x1;
	v4 =	vmul.f32 v10, v3;
	[tilespmem:s7+$0x0] =	vst v7;
	v6 =	vpack.i.f32.bf16 v63, v6;
	v7 =	vmul.f32 v9, v3  }
.LBB2_14:
0x200: {  	s0 =	sor.u32 s29, s3  }
0x201: {  	[tilespmem:s30+$0x1A780] =	vst v5;
	s1 =	sadd.s32 $0x1, s1;
	s28 =	sadd.s32 $0x40, s28;
	s30 =	smov.u32 s2  }
0x202: {  	p0 =	sne.s32 s2, $0xF80;
	s2 =	sadd.s32 $0x80, s2;
	[tilespmem:s31+$0x1A780] =	vst v6;
	v4 =	vpack.i.f32.bf16 v7, v4;
	s0 =	sshrl.u32 s0, $0x1  }
0x203: {  	[tilespmem:s0+$0x1A780] =	vst v4  }
0x204: {  	v4 =	vld [tilespmem:s24+$0xFFFFFFE0]  }
0x205: {  	v5 =	vld [tilespmem:s26+$0x10]  }
0x206: {  	v6 =	vld [tilespmem:s26+$0xFFFFFFF0]  }
0x207: {  	v7 =	vld [tilespmem:s26+$0xFFFFFFE0]  }
0x208: {  	v8 =	vld [tilespmem:s24+$0xFFFFFFF0]  }
0x209: {  	v9 =	vld [tilespmem:s26+$0x0]  }
0x20a: {  	v10 =	vld [tilespmem:s24+$0x10]  }
0x20b: {  	v11 =	vld [tilespmem:s24+$0x0]  }
0x20c: {  	v4 =	vld.idx.msk [tilespmem:v4+s5+$0x0], $0xffff  }
0x20d: {  	v5 =	vld.idx.msk [tilespmem:v5+s5+$0x0], $0xffff  }
0x20e: {  	v6 =	vld.idx.msk [tilespmem:v6+s5+$0x0], $0xffff  }
0x20f: {  	v7 =	vld.idx.msk [tilespmem:v7+s5+$0x0], $0xffff  }
0x210: {  	v8 =	vld.idx.msk [tilespmem:v8+s5+$0x0], $0xffff  }
0x211: {  	v9 =	vld.idx.msk [tilespmem:v9+s5+$0x0], $0xffff  }
0x212: {  	v10 =	vld.idx.msk [tilespmem:v10+s5+$0x0], $0xffff  }
0x213: {  	v11 =	vld.idx.msk [tilespmem:v11+s5+$0x0], $0xffff  }
0x214: {  	s3 =	sadd.s32 $0x1820, s28;
	s26 =	sadd.s32 $0x40, s26;
	s24 =	sadd.s32 $0x40, s24;
	v12 =	vmul.f32 v4, v1  }
0x215: {  	s4 =	sadd.s32 $0x3040, s30;
	s6 =	sshrl.u32 s30, $0x1;
	s0 =	sshrl.u32 s28, $0x1;
	v13 =	vmul.f32 v4, v2;
	v14 =	vmul.f32 v4, v3  }
0x216: {  	s7 =	sadd.s32 $0x1040, s30;
	s29 =	sand.u32 $0xC0, s4;
	s0 =	sand.u32 $0x380, s0;
	v4 =	vmul.f32 v7, v4;
	v6 =	vmul.f32 v6, v8  }
0x217: {  	s9 =	sadd.s32 $0x1020, s28;
	s6 =	sand.u32 $0x40, s6;
	s4 =	sadd.s32 $0x1A780, s0;
	v7 =	vmul.f32 v8, v2;
	v15 =	vmul.f32 v8, v3  }
0x218: {  	s31 =	sadd.s32 $0x2040, s30;
	s0 =	sor.u32 s6, s0;
	s8 =	sor.u32 s6, s4;
	v4 =	vpack.i.f32.bf16 v6, v4;
	v6 =	vmul.f32 v8, v1;
	v5 =	vmul.f32 v5, v10  }
.Ltmp6:
0x219: {  	s6 =	sadd.s32 $0x40, s30;
	v8 =	vmul.f32 v11, v1;
	[tilespmem:s8+$0x0] =	vst v4;
	v4 =	vpack.i.f32.bf16 v7, v13;
	v7 =	vpack.i.f32.bf16 v15, v14;
	s8 =	sand.u32 $0xC0, s31;
	(pc) =	sbr.rel @p0 .LBB2_14-.Ltmp6, $4  }
0x21a: {  	s9 =	sand.u32 $0x1700, s9;
	s30 =	sadd.s32 $0x820, s28;
	s6 =	sand.u32 $0xC0, s6;
	v6 =	vpack.i.f32.bf16 v6, v12;
	[tilespmem:s0+$0x1B380] =	vst v7;
	v7 =	vmul.f32 v9, v11;
	v9 =	vmul.f32 v10, v1  }
0x21b: {  	s7 =	sand.u32 $0xC0, s7;
	s30 =	sand.u32 $0xF00, s30;
	s6 =	sshrl.u32 s6, $0x1;
	v12 =	vmul.f32 v10, v2;
	[tilespmem:s0+$0x1AB80] =	vst v6;
	v6 =	vmul.f32 v11, v2  }
0x21c: {  	[tilespmem:s0+$0x1AF80] =	vst v4;
	v7 =	vpack.i.f32.bf16 v5, v7;
	s0 =	sor.u32 s6, s4;
	v5 =	vpack.i.f32.bf16 v9, v8;
	s4 =	sor.u32 s7, s30;
	s6 =	sor.u32 s8, s9;
	v4 =	vmul.f32 v11, v3  }
0x21d: {  	s3 =	sand.u32 $0x1F00, s3;
	[tilespmem:s0+$0x0] =	vst v7;
	s30 =	sshrl.u32 s4, $0x1;
	v6 =	vpack.i.f32.bf16 v12, v6;
	s31 =	sshrl.u32 s6, $0x1;
	v7 =	vmul.f32 v10, v3  }
0x21e: {  	[tilespmem:s30+$0x1A780] =	vst v5;
	s0 =	sor.u32 s29, s3  }
0x21f: {  	[tilespmem:s31+$0x1A780] =	vst v6;
	v4 =	vpack.i.f32.bf16 v7, v4;
	s0 =	sshrl.u32 s0, $0x1  }
0x220: {  	s1 =	simm.s32 $0x0;
	s3 =	rddreg [dreg:$0xe];
	[tilespmem:s0+$0x1A780] =	vst v4  }
0x221: {  	[hbm4b:s3+s1] =	stream.linear.scatter [tilespmem:s18], [sflag:$0x5], $0x1000, $0x38;
	[tilespmem:$0x1C780] =	vst v63  }
0x222: {  	_ =	swait.ge [sflag:s19], $0x800  }
0x223: {  	[sflag:s19] =	ssyncset.done $0x0  }
0x224: {  	[sflag:s19] =	ssyncadd.s32 $0xFFFFF800  }
0x225: {  	_ =	swait.ge [sflag:s20], $0x800  }
0x226: {  	[sflag:s20] =	ssyncset.done $0x0  }
0x227: {  	[sflag:s20] =	ssyncadd.s32 $0xFFFFF800  }
0x228: {  	_ =	swait.ge [sflag:s23], $0x1000  }
0x229: {  	[sflag:s23] =	ssyncset.done $0x0  }
0x22a: {  	s4 =	simm.s32 $0x18F20;
	[sflag:s23] =	ssyncadd.s32 $0xFFFFF000  }
0x22b: {  	s2 =	simm.s32 $0x19F20;
	v4 =	vld [tilespmem:s4+$0xFFFFFFE0]  }
0x22c: {  	v5 =	vld [tilespmem:s2+$0xFFFFFFF0]  }
0x22d: {  	v6 =	vld [tilespmem:s2+$0xFFFFFFE0]  }
0x22e: {  	v7 =	vld [tilespmem:s4+$0xFFFFFFF0]  }
0x22f: {  	v8 =	vld [tilespmem:s2+$0x10]  }
0x230: {  	v9 =	vld [tilespmem:s4+$0x10]  }
0x231: {  	v10 =	vld [tilespmem:s4+$0x0]  }
0x232: {  	v11 =	vld [tilespmem:s2+$0x0]  }
0x233: {  	v4 =	vld.idx.msk [tilespmem:v4+s5+$0x0], $0xffff  }
0x234: {  	v5 =	vld.idx.msk [tilespmem:v5+s5+$0x0], $0xffff  }
0x235: {  	v6 =	vld.idx.msk [tilespmem:v6+s5+$0x0], $0xffff  }
0x236: {  	v7 =	vld.idx.msk [tilespmem:v7+s5+$0x0], $0xffff  }
0x237: {  	v8 =	vld.idx.msk [tilespmem:v8+s5+$0x0], $0xffff  }
0x238: {  	s24 =	simm.s32 $0x18F60;
	v9 =	vld.idx.msk [tilespmem:v9+s5+$0x0], $0xffff  }
0x239: {  	s26 =	simm.s32 $0x19F60;
	s6 =	simm.s32 $0x0;
	s9 =	simm.s32 $0x1020;
	v10 =	vld.idx.msk [tilespmem:v10+s5+$0x0], $0xffff  }
0x23a: {  	s28 =	simm.s32 $0x2040;
	s9 =	sand.u32 $0x1700, s9;
	s0 =	sand.u32 $0x380, s6;
	v11 =	vld.idx.msk [tilespmem:v11+s5+$0x0], $0xffff;
	v12 =	vmul.f32 v4, v1;
	v13 =	vmul.f32 v4, v2  }
0x23b: {  	s6 =	simm.s32 $0x3040;
	s7 =	sadd.s32 $0x1B780, s0;
	s4 =	simm.s32 $0x0;
	v6 =	vmul.f32 v6, v4;
	v5 =	vmul.f32 v5, v7  }
0x23c: {  	s29 =	sand.u32 $0xC0, s6;
	s6 =	simm.s32 $0x1040;
	s4 =	sand.u32 $0x40, s4;
	v4 =	vmul.f32 v4, v3;
	v14 =	vmul.f32 v7, v3  }
0x23d: {  	s3 =	simm.s32 $0x1820;
	s6 =	sand.u32 $0xC0, s6;
	s8 =	sor.u32 s4, s7;
	v15 =	vmul.f32 v7, v2;
	v5 =	vpack.i.f32.bf16 v5, v6;
	v6 =	vmul.f32 v7, v1  }
0x23e: {  	s3 =	sand.u32 $0x1F00, s3;
	s0 =	sor.u32 s4, s0;
	s4 =	simm.s32 $0x40;
	v7 =	vmul.f32 v8, v9;
	v4 =	vpack.i.f32.bf16 v14, v4;
	v8 =	vmul.f32 v9, v1;
	[tilespmem:s8+$0x0] =	vst v5  }
0x23f: {  	s4 =	sand.u32 $0xC0, s4;
	v5 =	vmul.f32 v10, v1;
	s8 =	sand.u32 $0xC0, s28;
	s28 =	simm.s32 $0x820;
	v6 =	vpack.i.f32.bf16 v6, v12;
	[tilespmem:s0+$0x1C380] =	vst v4;
	v4 =	vmul.f32 v11, v10  }
0x240: {  	s2 =	simm.s32 $0x80;
	s4 =	sshrl.u32 s4, $0x1;
	v63 =	vmul.f32 v9, v2;
	v62 =	vpack.i.f32.bf16 v15, v13;
	s28 =	sand.u32 $0xF00, s28;
	[tilespmem:s0+$0x1BB80] =	vst v6;
	v6 =	vmul.f32 v10, v2  }
0x241: {  	s7 =	sor.u32 s4, s7;
	[tilespmem:s0+$0x1BF80] =	vst v62;
	s9 =	sor.u32 s8, s9;
	s6 =	sor.u32 s6, s28;
	v5 =	vpack.i.f32.bf16 v8, v5;
	v7 =	vpack.i.f32.bf16 v7, v4  }
0x242: {  	s31 =	sshrl.u32 s9, $0x1;
	s28 =	simm.s32 $0x0;
	s30 =	sshrl.u32 s6, $0x1;
	v4 =	vmul.f32 v10, v3;
	[tilespmem:s7+$0x0] =	vst v7;
	v6 =	vpack.i.f32.bf16 v63, v6;
	v7 =	vmul.f32 v9, v3  }
.LBB2_16:
0x243: {  	s0 =	sor.u32 s29, s3  }
0x244: {  	[tilespmem:s30+$0x1B780] =	vst v5;
	s1 =	sadd.s32 $0x1, s1;
	s28 =	sadd.s32 $0x40, s28;
	s30 =	smov.u32 s2  }
0x245: {  	p0 =	sne.s32 s2, $0xF80;
	s2 =	sadd.s32 $0x80, s2;
	[tilespmem:s31+$0x1B780] =	vst v6;
	v4 =	vpack.i.f32.bf16 v7, v4;
	s0 =	sshrl.u32 s0, $0x1  }
0x246: {  	[tilespmem:s0+$0x1B780] =	vst v4  }
0x247: {  	v4 =	vld [tilespmem:s24+$0xFFFFFFE0]  }
0x248: {  	v5 =	vld [tilespmem:s26+$0x10]  }
0x249: {  	v6 =	vld [tilespmem:s26+$0xFFFFFFF0]  }
0x24a: {  	v7 =	vld [tilespmem:s26+$0xFFFFFFE0]  }
0x24b: {  	v8 =	vld [tilespmem:s24+$0xFFFFFFF0]  }
0x24c: {  	v9 =	vld [tilespmem:s26+$0x0]  }
0x24d: {  	v10 =	vld [tilespmem:s24+$0x10]  }
0x24e: {  	v11 =	vld [tilespmem:s24+$0x0]  }
0x24f: {  	v4 =	vld.idx.msk [tilespmem:v4+s5+$0x0], $0xffff  }
0x250: {  	v5 =	vld.idx.msk [tilespmem:v5+s5+$0x0], $0xffff  }
0x251: {  	v6 =	vld.idx.msk [tilespmem:v6+s5+$0x0], $0xffff  }
0x252: {  	v7 =	vld.idx.msk [tilespmem:v7+s5+$0x0], $0xffff  }
0x253: {  	v8 =	vld.idx.msk [tilespmem:v8+s5+$0x0], $0xffff  }
0x254: {  	v9 =	vld.idx.msk [tilespmem:v9+s5+$0x0], $0xffff  }
0x255: {  	v10 =	vld.idx.msk [tilespmem:v10+s5+$0x0], $0xffff  }
0x256: {  	v11 =	vld.idx.msk [tilespmem:v11+s5+$0x0], $0xffff  }
0x257: {  	s3 =	sadd.s32 $0x1820, s28;
	s26 =	sadd.s32 $0x40, s26;
	s24 =	sadd.s32 $0x40, s24;
	v12 =	vmul.f32 v4, v1  }
0x258: {  	s4 =	sadd.s32 $0x3040, s30;
	s6 =	sshrl.u32 s30, $0x1;
	s0 =	sshrl.u32 s28, $0x1;
	v13 =	vmul.f32 v4, v2;
	v14 =	vmul.f32 v4, v3  }
0x259: {  	s7 =	sadd.s32 $0x1040, s30;
	s29 =	sand.u32 $0xC0, s4;
	s0 =	sand.u32 $0x380, s0;
	v4 =	vmul.f32 v7, v4;
	v6 =	vmul.f32 v6, v8  }
0x25a: {  	s9 =	sadd.s32 $0x1020, s28;
	s6 =	sand.u32 $0x40, s6;
	s4 =	sadd.s32 $0x1B780, s0;
	v7 =	vmul.f32 v8, v2;
	v15 =	vmul.f32 v8, v3  }
0x25b: {  	s31 =	sadd.s32 $0x2040, s30;
	s0 =	sor.u32 s6, s0;
	s8 =	sor.u32 s6, s4;
	v4 =	vpack.i.f32.bf16 v6, v4;
	v6 =	vmul.f32 v8, v1;
	v5 =	vmul.f32 v5, v10  }
.Ltmp7:
0x25c: {  	s6 =	sadd.s32 $0x40, s30;
	v8 =	vmul.f32 v11, v1;
	[tilespmem:s8+$0x0] =	vst v4;
	v4 =	vpack.i.f32.bf16 v7, v13;
	v7 =	vpack.i.f32.bf16 v15, v14;
	s8 =	sand.u32 $0xC0, s31;
	(pc) =	sbr.rel @p0 .LBB2_16-.Ltmp7, $4  }
0x25d: {  	s9 =	sand.u32 $0x1700, s9;
	s30 =	sadd.s32 $0x820, s28;
	s6 =	sand.u32 $0xC0, s6;
	v6 =	vpack.i.f32.bf16 v6, v12;
	[tilespmem:s0+$0x1C380] =	vst v7;
	v7 =	vmul.f32 v9, v11;
	v9 =	vmul.f32 v10, v1  }
0x25e: {  	s7 =	sand.u32 $0xC0, s7;
	s30 =	sand.u32 $0xF00, s30;
	s6 =	sshrl.u32 s6, $0x1;
	v12 =	vmul.f32 v10, v2;
	[tilespmem:s0+$0x1BB80] =	vst v6;
	v6 =	vmul.f32 v11, v2  }
0x25f: {  	[tilespmem:s0+$0x1BF80] =	vst v4;
	v7 =	vpack.i.f32.bf16 v5, v7;
	s0 =	sor.u32 s6, s4;
	v5 =	vpack.i.f32.bf16 v9, v8;
	s4 =	sor.u32 s7, s30;
	s6 =	sor.u32 s8, s9;
	v4 =	vmul.f32 v11, v3  }
0x260: {  	s3 =	sand.u32 $0x1F00, s3;
	[tilespmem:s0+$0x0] =	vst v7;
	s30 =	sshrl.u32 s4, $0x1;
	v6 =	vpack.i.f32.bf16 v12, v6;
	s31 =	sshrl.u32 s6, $0x1;
	v7 =	vmul.f32 v10, v3  }
0x261: {  	[tilespmem:s30+$0x1B780] =	vst v5;
	s0 =	sor.u32 s29, s3  }
0x262: {  	[tilespmem:s31+$0x1B780] =	vst v6;
	v1 =	vpack.i.f32.bf16 v7, v4;
	s0 =	sshrl.u32 s0, $0x1  }
0x263: {  	s1 =	simm.s32 $0x0;
	s7 =	rddreg [dreg:$0xf];
	[tilespmem:s0+$0x1B780] =	vst v1  }
0x264: {  	[hbm4b:s7+s1] =	stream.linear.scatter [tilespmem:s21], [sflag:$0x6], $0x1000, $0x38;
	[tilespmem:$0x1C780] =	vst v63  }
0x265: {  	_ =	swait.ge [sflag:s22], $0x1000  }
0x266: {  	[sflag:s22] =	ssyncset.done $0x0  }
0x267: {  	[sflag:s22] =	ssyncadd.s32 $0xFFFFF000  }
0x268: {  	_ =	swait.ge [sflag:s23], $0x1000  }
0x269: {  	[sflag:s23] =	ssyncset.done $0x0  }
0x26a: {  	[sflag:s23] =	ssyncadd.s32 $0xFFFFF000  }
0x26b: {  	s8 =	rddreg [dreg:$0x1]  }
0x26c: {  	[tilespmem:s12], [sflag:$0x1] =	stream.linear.gather [hbm4b:s8+s1], $0x800, $0x38;
	[tilespmem:$0x1C780] =	vst v63  }
0x26d: {  	s9 =	rddreg [dreg:$0x2]  }
0x26e: {  	[tilespmem:s13], [sflag:$0x3] =	stream.linear.gather [hbm4b:s9+s1], $0x800, $0x38;
	[tilespmem:$0x1C780] =	vst v63  }
0x26f: {  	s2 =	simm.s32 $0x80;
	s26 =	simm.s32 $0x400;
	s24 =	rddreg [dreg:$0xd]  }
0x270: {  	[tilespmem:s1], [sflag:$0x7] =	stream.strided.gather [hbm4b:s24+s2], $0x18700, s26, s2, $0x38;
	[tilespmem:$0x1C780] =	vst v63  }
0x271: {  	_ =	swait.ge [sflag:s11], $0x18700  }
0x272: {  	[sflag:s11] =	ssyncset.done $0x0  }
0x273: {  	s3 =	rddreg [dreg:$0x18];
	[sflag:s11] =	ssyncadd.s32 $0xFFFE7900  }
0x274: {  	v2 =	vld.idx.msk [tilespmem:v0+s1+$0x0], $0xffff;
	[tilespmem:s14], [sflag:$0x2] =	stream.linear.gather [hbm4b:s3+s1], $0x800, $0x38  }
0x275: {  	s4 =	rddreg [dreg:$0x1a]  }
0x276: {  	[tilespmem:s15], [sflag:$0x4] =	stream.linear.gather [hbm4b:s4+s1], $0x800, $0x38;
	[tilespmem:$0x1C780] =	vst v63  }
0x277: {  	_ =	swait.ge [sflag:s16], $0x800  }
0x278: {  	[sflag:s16] =	ssyncset.done $0x0  }
0x279: {  	[sflag:s16] =	ssyncadd.s32 $0xFFFFF800  }
0x27a: {  	_ =	swait.ge [sflag:s17], $0x800  }
0x27b: {  	[sflag:s17] =	ssyncset.done $0x0  }
0x27c: {  	s6 =	simm.s32 $0x18720;
	[sflag:s17] =	ssyncadd.s32 $0xFFFFF800  }
0x27d: {  	s7 =	simm.s32 $0x19720;
	v0 =	vld [tilespmem:s6+$0xFFFFFFE0]  }
0x27e: {  	v1 =	vld [tilespmem:s7+$0xFFFFFFF0]  }
0x27f: {  	v3 =	vld [tilespmem:s7+$0xFFFFFFE0]  }
0x280: {  	v4 =	vld [tilespmem:s6+$0xFFFFFFF0]  }
0x281: {  	v5 =	vld [tilespmem:s7+$0x10]  }
0x282: {  	v6 =	vld [tilespmem:s6+$0x10]  }
0x283: {  	v7 =	vld [tilespmem:s6+$0x0]  }
0x284: {  	v8 =	vld [tilespmem:s7+$0x0]  }
0x285: {  	v9 =	vld.idx.msk [tilespmem:v0+s5+$0x0], $0xffff  }
0x286: {  	v10 =	vld.idx.msk [tilespmem:v1+s5+$0x0], $0xffff  }
0x287: {  	v3 =	vld.idx.msk [tilespmem:v3+s5+$0x0], $0xffff  }
0x288: {  	v4 =	vld.idx.msk [tilespmem:v4+s5+$0x0], $0xffff  }
0x289: {  	v5 =	vld.idx.msk [tilespmem:v5+s5+$0x0], $0xffff  }
0x28a: {  	s8 =	simm.s32 $0x0;
	v0 =	vbroadcast v2, $0x0;
	v1 =	vbroadcast v2, $0x1;
	v6 =	vld.idx.msk [tilespmem:v6+s5+$0x0], $0xffff  }
0x28b: {  	s28 =	simm.s32 $0x0;
	s0 =	sand.u32 $0x380, s8;
	s9 =	simm.s32 $0x0;
	v2 =	vbroadcast v2, $0x2;
	v7 =	vld.idx.msk [tilespmem:v7+s5+$0x0], $0xffff  }
0x28c: {  	s2 =	simm.s32 $0x80;
	s24 =	simm.s32 $0x18760;
	s3 =	sand.u32 $0x40, s9;
	v8 =	vld.idx.msk [tilespmem:v8+s5+$0x0], $0xffff;
	v11 =	vmul.f32 v9, v0;
	v12 =	vmul.f32 v9, v1  }
0x28d: {  	s9 =	simm.s32 $0x820;
	s4 =	sadd.s32 $0x1A780, s0;
	s6 =	simm.s32 $0x40;
	v3 =	vmul.f32 v3, v9;
	v10 =	vmul.f32 v10, v4  }
0x28e: {  	s0 =	sor.u32 s3, s0;
	s7 =	simm.s32 $0x1040;
	s6 =	sand.u32 $0xC0, s6;
	v9 =	vmul.f32 v9, v2;
	v13 =	vmul.f32 v4, v2  }
0x28f: {  	s8 =	sor.u32 s3, s4;
	s7 =	sand.u32 $0xC0, s7;
	s26 =	sshrl.u32 s6, $0x1;
	v14 =	vmul.f32 v4, v1;
	v4 =	vmul.f32 v4, v0;
	v3 =	vpack.i.f32.bf16 v10, v3  }
0x290: {  	s6 =	simm.s32 $0x1020;
	s3 =	sor.u32 s26, s4;
	s4 =	sand.u32 $0xF00, s9;
	v5 =	vmul.f32 v5, v6;
	v60 =	vmul.f32 v7, v0;
	[tilespmem:s8+$0x0] =	vst v3;
	v3 =	vpack.i.f32.bf16 v13, v9  }
0x291: {  	s26 =	simm.s32 $0x2040;
	s6 =	sand.u32 $0x1700, s6;
	s4 =	sor.u32 s7, s4;
	v62 =	vmul.f32 v7, v1;
	v4 =	vpack.i.f32.bf16 v4, v11;
	[tilespmem:s0+$0x1B380] =	vst v3;
	v3 =	vmul.f32 v8, v7  }
0x292: {  	s9 =	simm.s32 $0x1820;
	s29 =	sshrl.u32 s4, $0x1;
	v63 =	vmul.f32 v6, v1;
	v61 =	vpack.i.f32.bf16 v14, v12;
	s8 =	sand.u32 $0xC0, s26;
	v8 =	vmul.f32 v6, v0;
	[tilespmem:s0+$0x1AB80] =	vst v4  }
0x293: {  	s26 =	simm.s32 $0x19760;
	s6 =	sor.u32 s8, s6;
	s8 =	simm.s32 $0x3040;
	[tilespmem:s0+$0x1AF80] =	vst v61;
	v6 =	vmul.f32 v6, v2;
	v5 =	vpack.i.f32.bf16 v5, v3  }
0x294: {  	s30 =	sand.u32 $0xC0, s8;
	s31 =	sshrl.u32 s6, $0x1;
	v4 =	vpack.i.f32.bf16 v8, v60;
	v3 =	vmul.f32 v7, v2;
	[tilespmem:s3+$0x0] =	vst v5;
	v5 =	vpack.i.f32.bf16 v63, v62;
	s3 =	sand.u32 $0x1F00, s9  }
.LBB2_18:
0x295: {  	s0 =	sor.u32 s30, s3  }
0x296: {  	[tilespmem:s29+$0x1A780] =	vst v4;
	s1 =	sadd.s32 $0x1, s1;
	s28 =	sadd.s32 $0x40, s28;
	s29 =	smov.u32 s2  }
0x297: {  	p0 =	sne.s32 s2, $0xF80;
	s2 =	sadd.s32 $0x80, s2;
	[tilespmem:s31+$0x1A780] =	vst v5;
	v3 =	vpack.i.f32.bf16 v6, v3;
	s0 =	sshrl.u32 s0, $0x1  }
0x298: {  	[tilespmem:s0+$0x1A780] =	vst v3  }
0x299: {  	v3 =	vld [tilespmem:s24+$0xFFFFFFE0]  }
0x29a: {  	v4 =	vld [tilespmem:s26+$0x10]  }
0x29b: {  	v5 =	vld [tilespmem:s26+$0xFFFFFFF0]  }
0x29c: {  	v6 =	vld [tilespmem:s26+$0xFFFFFFE0]  }
0x29d: {  	v7 =	vld [tilespmem:s24+$0xFFFFFFF0]  }
0x29e: {  	v8 =	vld [tilespmem:s26+$0x0]  }
0x29f: {  	v9 =	vld [tilespmem:s24+$0x10]  }
0x2a0: {  	v10 =	vld [tilespmem:s24+$0x0]  }
0x2a1: {  	v3 =	vld.idx.msk [tilespmem:v3+s5+$0x0], $0xffff  }
0x2a2: {  	v4 =	vld.idx.msk [tilespmem:v4+s5+$0x0], $0xffff  }
0x2a3: {  	v5 =	vld.idx.msk [tilespmem:v5+s5+$0x0], $0xffff  }
0x2a4: {  	v6 =	vld.idx.msk [tilespmem:v6+s5+$0x0], $0xffff  }
0x2a5: {  	v7 =	vld.idx.msk [tilespmem:v7+s5+$0x0], $0xffff  }
0x2a6: {  	v8 =	vld.idx.msk [tilespmem:v8+s5+$0x0], $0xffff  }
0x2a7: {  	v9 =	vld.idx.msk [tilespmem:v9+s5+$0x0], $0xffff  }
0x2a8: {  	v10 =	vld.idx.msk [tilespmem:v10+s5+$0x0], $0xffff  }
0x2a9: {  	s3 =	sadd.s32 $0x1820, s28;
	s26 =	sadd.s32 $0x40, s26;
	s24 =	sadd.s32 $0x40, s24;
	v11 =	vmul.f32 v3, v0  }
0x2aa: {  	s4 =	sadd.s32 $0x3040, s29;
	s6 =	sshrl.u32 s29, $0x1;
	s0 =	sshrl.u32 s28, $0x1;
	v12 =	vmul.f32 v3, v1;
	v13 =	vmul.f32 v3, v2  }
0x2ab: {  	s7 =	sadd.s32 $0x1040, s29;
	s30 =	sand.u32 $0xC0, s4;
	s0 =	sand.u32 $0x380, s0;
	v3 =	vmul.f32 v6, v3;
	v5 =	vmul.f32 v5, v7  }
0x2ac: {  	s9 =	sadd.s32 $0x1020, s28;
	s6 =	sand.u32 $0x40, s6;
	s4 =	sadd.s32 $0x1A780, s0;
	v6 =	vmul.f32 v7, v1;
	v14 =	vmul.f32 v7, v2  }
0x2ad: {  	s31 =	sadd.s32 $0x2040, s29;
	s0 =	sor.u32 s6, s0;
	s8 =	sor.u32 s6, s4;
	v3 =	vpack.i.f32.bf16 v5, v3;
	v5 =	vmul.f32 v7, v0;
	v4 =	vmul.f32 v4, v9  }
.Ltmp8:
0x2ae: {  	s6 =	sadd.s32 $0x40, s29;
	v7 =	vmul.f32 v10, v0;
	[tilespmem:s8+$0x0] =	vst v3;
	v3 =	vpack.i.f32.bf16 v6, v12;
	v6 =	vpack.i.f32.bf16 v14, v13;
	s8 =	sand.u32 $0xC0, s31;
	(pc) =	sbr.rel @p0 .LBB2_18-.Ltmp8, $4  }
0x2af: {  	s9 =	sand.u32 $0x1700, s9;
	s29 =	sadd.s32 $0x820, s28;
	s6 =	sand.u32 $0xC0, s6;
	v5 =	vpack.i.f32.bf16 v5, v11;
	[tilespmem:s0+$0x1B380] =	vst v6;
	v6 =	vmul.f32 v8, v10;
	v8 =	vmul.f32 v9, v0  }
0x2b0: {  	s7 =	sand.u32 $0xC0, s7;
	s29 =	sand.u32 $0xF00, s29;
	s6 =	sshrl.u32 s6, $0x1;
	v11 =	vmul.f32 v9, v1;
	[tilespmem:s0+$0x1AB80] =	vst v5;
	v5 =	vmul.f32 v10, v1  }
0x2b1: {  	[tilespmem:s0+$0x1AF80] =	vst v3;
	v6 =	vpack.i.f32.bf16 v4, v6;
	s0 =	sor.u32 s6, s4;
	v4 =	vpack.i.f32.bf16 v8, v7;
	s4 =	sor.u32 s7, s29;
	s6 =	sor.u32 s8, s9;
	v3 =	vmul.f32 v10, v2  }
0x2b2: {  	s3 =	sand.u32 $0x1F00, s3;
	[tilespmem:s0+$0x0] =	vst v6;
	s29 =	sshrl.u32 s4, $0x1;
	v5 =	vpack.i.f32.bf16 v11, v5;
	s31 =	sshrl.u32 s6, $0x1;
	v6 =	vmul.f32 v9, v2  }
0x2b3: {  	[tilespmem:s29+$0x1A780] =	vst v4;
	s0 =	sor.u32 s30, s3  }
0x2b4: {  	[tilespmem:s31+$0x1A780] =	vst v5;
	v3 =	vpack.i.f32.bf16 v6, v3;
	s0 =	sshrl.u32 s0, $0x1  }
0x2b5: {  	s1 =	simm.s32 $0x0;
	s26 =	rddreg [dreg:$0x10];
	[tilespmem:s0+$0x1A780] =	vst v3  }
0x2b6: {  	[hbm4b:s26+s1] =	stream.linear.scatter [tilespmem:s18], [sflag:$0x5], $0x1000, $0x38;
	[tilespmem:$0x1C780] =	vst v63  }
0x2b7: {  	s2 =	rddreg [dreg:$0x1b]  }
0x2b8: {  	[tilespmem:s12], [sflag:$0x1] =	stream.linear.gather [hbm4b:s2+s1], $0x800, $0x38;
	[tilespmem:$0x1C780] =	vst v63  }
0x2b9: {  	s3 =	rddreg [dreg:$0x1c]  }
0x2ba: {  	[tilespmem:s13], [sflag:$0x3] =	stream.linear.gather [hbm4b:s3+s1], $0x800, $0x38;
	[tilespmem:$0x1C780] =	vst v63  }
0x2bb: {  	_ =	swait.ge [sflag:s19], $0x800  }
0x2bc: {  	[sflag:s19] =	ssyncset.done $0x0  }
0x2bd: {  	[sflag:s19] =	ssyncadd.s32 $0xFFFFF800  }
0x2be: {  	_ =	swait.ge [sflag:s20], $0x800  }
0x2bf: {  	[sflag:s20] =	ssyncset.done $0x0  }
0x2c0: {  	s4 =	simm.s32 $0x18F20;
	[sflag:s20] =	ssyncadd.s32 $0xFFFFF800  }
0x2c1: {  	s2 =	simm.s32 $0x19F20;
	v3 =	vld [tilespmem:s4+$0xFFFFFFE0]  }
0x2c2: {  	v4 =	vld [tilespmem:s2+$0xFFFFFFF0]  }
0x2c3: {  	v5 =	vld [tilespmem:s2+$0xFFFFFFE0]  }
0x2c4: {  	v6 =	vld [tilespmem:s4+$0xFFFFFFF0]  }
0x2c5: {  	v7 =	vld [tilespmem:s2+$0x10]  }
0x2c6: {  	v8 =	vld [tilespmem:s4+$0x10]  }
0x2c7: {  	v9 =	vld [tilespmem:s4+$0x0]  }
0x2c8: {  	v10 =	vld [tilespmem:s2+$0x0]  }
0x2c9: {  	v3 =	vld.idx.msk [tilespmem:v3+s5+$0x0], $0xffff  }
0x2ca: {  	v4 =	vld.idx.msk [tilespmem:v4+s5+$0x0], $0xffff  }
0x2cb: {  	v5 =	vld.idx.msk [tilespmem:v5+s5+$0x0], $0xffff  }
0x2cc: {  	v6 =	vld.idx.msk [tilespmem:v6+s5+$0x0], $0xffff  }
0x2cd: {  	v7 =	vld.idx.msk [tilespmem:v7+s5+$0x0], $0xffff  }
0x2ce: {  	s24 =	simm.s32 $0x18F60;
	v8 =	vld.idx.msk [tilespmem:v8+s5+$0x0], $0xffff  }
0x2cf: {  	s6 =	simm.s32 $0x0;
	s9 =	simm.s32 $0x1020;
	s28 =	simm.s32 $0x2040;
	v9 =	vld.idx.msk [tilespmem:v9+s5+$0x0], $0xffff  }
0x2d0: {  	s9 =	sand.u32 $0x1700, s9;
	s0 =	sand.u32 $0x380, s6;
	s6 =	simm.s32 $0x3040;
	v10 =	vld.idx.msk [tilespmem:v10+s5+$0x0], $0xffff;
	v11 =	vmul.f32 v3, v0;
	v12 =	vmul.f32 v3, v1  }
0x2d1: {  	s26 =	simm.s32 $0x19F60;
	s7 =	sadd.s32 $0x1B780, s0;
	s4 =	simm.s32 $0x0;
	v5 =	vmul.f32 v5, v3;
	v4 =	vmul.f32 v4, v6  }
0x2d2: {  	s29 =	sand.u32 $0xC0, s6;
	s6 =	simm.s32 $0x1040;
	s4 =	sand.u32 $0x40, s4;
	v3 =	vmul.f32 v3, v2;
	v13 =	vmul.f32 v6, v2  }
0x2d3: {  	s6 =	sand.u32 $0xC0, s6;
	s3 =	simm.s32 $0x1820;
	s8 =	sor.u32 s4, s7;
	v14 =	vmul.f32 v6, v1;
	v4 =	vpack.i.f32.bf16 v4, v5;
	v5 =	vmul.f32 v6, v0  }
0x2d4: {  	s3 =	sand.u32 $0x1F00, s3;
	s0 =	sor.u32 s4, s0;
	s4 =	simm.s32 $0x40;
	v6 =	vmul.f32 v7, v8;
	v3 =	vpack.i.f32.bf16 v13, v3;
	v7 =	vmul.f32 v8, v0;
	[tilespmem:s8+$0x0] =	vst v4  }
0x2d5: {  	s4 =	sand.u32 $0xC0, s4;
	v4 =	vmul.f32 v9, v0;
	s8 =	sand.u32 $0xC0, s28;
	s28 =	simm.s32 $0x820;
	v5 =	vpack.i.f32.bf16 v5, v11;
	[tilespmem:s0+$0x1C380] =	vst v3;
	v3 =	vmul.f32 v10, v9  }
0x2d6: {  	s2 =	simm.s32 $0x80;
	s4 =	sshrl.u32 s4, $0x1;
	v63 =	vmul.f32 v8, v1;
	v62 =	vpack.i.f32.bf16 v14, v12;
	s28 =	sand.u32 $0xF00, s28;
	[tilespmem:s0+$0x1BB80] =	vst v5;
	v5 =	vmul.f32 v9, v1  }
0x2d7: {  	s7 =	sor.u32 s4, s7;
	[tilespmem:s0+$0x1BF80] =	vst v62;
	s9 =	sor.u32 s8, s9;
	s6 =	sor.u32 s6, s28;
	v4 =	vpack.i.f32.bf16 v7, v4;
	v6 =	vpack.i.f32.bf16 v6, v3  }
0x2d8: {  	s31 =	sshrl.u32 s9, $0x1;
	s28 =	simm.s32 $0x0;
	s30 =	sshrl.u32 s6, $0x1;
	v3 =	vmul.f32 v9, v2;
	[tilespmem:s7+$0x0] =	vst v6;
	v5 =	vpack.i.f32.bf16 v63, v5;
	v6 =	vmul.f32 v8, v2  }
.LBB2_20:
0x2d9: {  	s0 =	sor.u32 s29, s3  }
0x2da: {  	[tilespmem:s30+$0x1B780] =	vst v4;
	s1 =	sadd.s32 $0x1, s1;
	s28 =	sadd.s32 $0x40, s28;
	s30 =	smov.u32 s2  }
0x2db: {  	p0 =	sne.s32 s2, $0xF80;
	s2 =	sadd.s32 $0x80, s2;
	[tilespmem:s31+$0x1B780] =	vst v5;
	v3 =	vpack.i.f32.bf16 v6, v3;
	s0 =	sshrl.u32 s0, $0x1  }
0x2dc: {  	[tilespmem:s0+$0x1B780] =	vst v3  }
0x2dd: {  	v3 =	vld [tilespmem:s24+$0xFFFFFFE0]  }
0x2de: {  	v4 =	vld [tilespmem:s26+$0x10]  }
0x2df: {  	v5 =	vld [tilespmem:s26+$0xFFFFFFF0]  }
0x2e0: {  	v6 =	vld [tilespmem:s26+$0xFFFFFFE0]  }
0x2e1: {  	v7 =	vld [tilespmem:s24+$0xFFFFFFF0]  }
0x2e2: {  	v8 =	vld [tilespmem:s26+$0x0]  }
0x2e3: {  	v9 =	vld [tilespmem:s24+$0x10]  }
0x2e4: {  	v10 =	vld [tilespmem:s24+$0x0]  }
0x2e5: {  	v3 =	vld.idx.msk [tilespmem:v3+s5+$0x0], $0xffff  }
0x2e6: {  	v4 =	vld.idx.msk [tilespmem:v4+s5+$0x0], $0xffff  }
0x2e7: {  	v5 =	vld.idx.msk [tilespmem:v5+s5+$0x0], $0xffff  }
0x2e8: {  	v6 =	vld.idx.msk [tilespmem:v6+s5+$0x0], $0xffff  }
0x2e9: {  	v7 =	vld.idx.msk [tilespmem:v7+s5+$0x0], $0xffff  }
0x2ea: {  	v8 =	vld.idx.msk [tilespmem:v8+s5+$0x0], $0xffff  }
0x2eb: {  	v9 =	vld.idx.msk [tilespmem:v9+s5+$0x0], $0xffff  }
0x2ec: {  	v10 =	vld.idx.msk [tilespmem:v10+s5+$0x0], $0xffff  }
0x2ed: {  	s3 =	sadd.s32 $0x1820, s28;
	s26 =	sadd.s32 $0x40, s26;
	s24 =	sadd.s32 $0x40, s24;
	v11 =	vmul.f32 v3, v0  }
0x2ee: {  	s4 =	sadd.s32 $0x3040, s30;
	s6 =	sshrl.u32 s30, $0x1;
	s0 =	sshrl.u32 s28, $0x1;
	v12 =	vmul.f32 v3, v1;
	v13 =	vmul.f32 v3, v2  }
0x2ef: {  	s7 =	sadd.s32 $0x1040, s30;
	s29 =	sand.u32 $0xC0, s4;
	s0 =	sand.u32 $0x380, s0;
	v3 =	vmul.f32 v6, v3;
	v5 =	vmul.f32 v5, v7  }
0x2f0: {  	s9 =	sadd.s32 $0x1020, s28;
	s6 =	sand.u32 $0x40, s6;
	s4 =	sadd.s32 $0x1B780, s0;
	v6 =	vmul.f32 v7, v1;
	v14 =	vmul.f32 v7, v2  }
0x2f1: {  	s31 =	sadd.s32 $0x2040, s30;
	s0 =	sor.u32 s6, s0;
	s8 =	sor.u32 s6, s4;
	v3 =	vpack.i.f32.bf16 v5, v3;
	v5 =	vmul.f32 v7, v0;
	v4 =	vmul.f32 v4, v9  }
.Ltmp9:
0x2f2: {  	s6 =	sadd.s32 $0x40, s30;
	v7 =	vmul.f32 v10, v0;
	[tilespmem:s8+$0x0] =	vst v3;
	v3 =	vpack.i.f32.bf16 v6, v12;
	v6 =	vpack.i.f32.bf16 v14, v13;
	s8 =	sand.u32 $0xC0, s31;
	(pc) =	sbr.rel @p0 .LBB2_20-.Ltmp9, $4  }
0x2f3: {  	s9 =	sand.u32 $0x1700, s9;
	s30 =	sadd.s32 $0x820, s28;
	s6 =	sand.u32 $0xC0, s6;
	v5 =	vpack.i.f32.bf16 v5, v11;
	[tilespmem:s0+$0x1C380] =	vst v6;
	v6 =	vmul.f32 v8, v10;
	v8 =	vmul.f32 v9, v0  }
0x2f4: {  	s7 =	sand.u32 $0xC0, s7;
	s30 =	sand.u32 $0xF00, s30;
	s6 =	sshrl.u32 s6, $0x1;
	v11 =	vmul.f32 v9, v1;
	[tilespmem:s0+$0x1BB80] =	vst v5;
	v5 =	vmul.f32 v10, v1  }
0x2f5: {  	[tilespmem:s0+$0x1BF80] =	vst v3;
	v6 =	vpack.i.f32.bf16 v4, v6;
	s0 =	sor.u32 s6, s4;
	v4 =	vpack.i.f32.bf16 v8, v7;
	s4 =	sor.u32 s7, s30;
	s6 =	sor.u32 s8, s9;
	v3 =	vmul.f32 v10, v2  }
0x2f6: {  	s3 =	sand.u32 $0x1F00, s3;
	[tilespmem:s0+$0x0] =	vst v6;
	s30 =	sshrl.u32 s4, $0x1;
	v5 =	vpack.i.f32.bf16 v11, v5;
	s31 =	sshrl.u32 s6, $0x1;
	v6 =	vmul.f32 v9, v2  }
0x2f7: {  	[tilespmem:s30+$0x1B780] =	vst v4;
	s0 =	sor.u32 s29, s3  }
0x2f8: {  	[tilespmem:s31+$0x1B780] =	vst v5;
	v3 =	vpack.i.f32.bf16 v6, v3;
	s0 =	sshrl.u32 s0, $0x1  }
0x2f9: {  	s1 =	simm.s32 $0x0;
	s26 =	rddreg [dreg:$0x11];
	[tilespmem:s0+$0x1B780] =	vst v3  }
0x2fa: {  	[hbm4b:s26+s1] =	stream.linear.scatter [tilespmem:s21], [sflag:$0x6], $0x1000, $0x38;
	[tilespmem:$0x1C780] =	vst v63  }
0x2fb: {  	s2 =	rddreg [dreg:$0x1d]  }
0x2fc: {  	[tilespmem:s14], [sflag:$0x2] =	stream.linear.gather [hbm4b:s2+s1], $0x800, $0x38;
	[tilespmem:$0x1C780] =	vst v63  }
0x2fd: {  	s3 =	rddreg [dreg:$0x1e]  }
0x2fe: {  	[tilespmem:s15], [sflag:$0x4] =	stream.linear.gather [hbm4b:s3+s1], $0x800, $0x38;
	[tilespmem:$0x1C780] =	vst v63  }
0x2ff: {  	_ =	swait.ge [sflag:s16], $0x800  }
0x300: {  	[sflag:s16] =	ssyncset.done $0x0  }
0x301: {  	[sflag:s16] =	ssyncadd.s32 $0xFFFFF800  }
0x302: {  	_ =	swait.ge [sflag:s17], $0x800  }
0x303: {  	[sflag:s17] =	ssyncset.done $0x0  }
0x304: {  	[sflag:s17] =	ssyncadd.s32 $0xFFFFF800  }
0x305: {  	_ =	swait.ge [sflag:s22], $0x1000  }
0x306: {  	[sflag:s22] =	ssyncset.done $0x0  }
0x307: {  	s4 =	simm.s32 $0x18720;
	[sflag:s22] =	ssyncadd.s32 $0xFFFFF000  }
0x308: {  	s2 =	simm.s32 $0x19720;
	v3 =	vld [tilespmem:s4+$0xFFFFFFE0]  }
0x309: {  	v4 =	vld [tilespmem:s2+$0xFFFFFFF0]  }
0x30a: {  	v5 =	vld [tilespmem:s2+$0xFFFFFFE0]  }
0x30b: {  	v6 =	vld [tilespmem:s4+$0xFFFFFFF0]  }
0x30c: {  	v7 =	vld [tilespmem:s2+$0x10]  }
0x30d: {  	v8 =	vld [tilespmem:s4+$0x10]  }
0x30e: {  	v9 =	vld [tilespmem:s4+$0x0]  }
0x30f: {  	v10 =	vld [tilespmem:s2+$0x0]  }
0x310: {  	v3 =	vld.idx.msk [tilespmem:v3+s5+$0x0], $0xffff  }
0x311: {  	v4 =	vld.idx.msk [tilespmem:v4+s5+$0x0], $0xffff  }
0x312: {  	v5 =	vld.idx.msk [tilespmem:v5+s5+$0x0], $0xffff  }
0x313: {  	v6 =	vld.idx.msk [tilespmem:v6+s5+$0x0], $0xffff  }
0x314: {  	v7 =	vld.idx.msk [tilespmem:v7+s5+$0x0], $0xffff  }
0x315: {  	s24 =	simm.s32 $0x18760;
	v8 =	vld.idx.msk [tilespmem:v8+s5+$0x0], $0xffff  }
0x316: {  	s6 =	simm.s32 $0x0;
	s9 =	simm.s32 $0x1020;
	s28 =	simm.s32 $0x2040;
	v9 =	vld.idx.msk [tilespmem:v9+s5+$0x0], $0xffff  }
0x317: {  	s9 =	sand.u32 $0x1700, s9;
	s0 =	sand.u32 $0x380, s6;
	s6 =	simm.s32 $0x3040;
	v10 =	vld.idx.msk [tilespmem:v10+s5+$0x0], $0xffff;
	v11 =	vmul.f32 v3, v0;
	v12 =	vmul.f32 v3, v1  }
0x318: {  	s26 =	simm.s32 $0x19760;
	s7 =	sadd.s32 $0x1A780, s0;
	s4 =	simm.s32 $0x0;
	v5 =	vmul.f32 v5, v3;
	v4 =	vmul.f32 v4, v6  }
0x319: {  	s29 =	sand.u32 $0xC0, s6;
	s6 =	simm.s32 $0x1040;
	s4 =	sand.u32 $0x40, s4;
	v3 =	vmul.f32 v3, v2;
	v13 =	vmul.f32 v6, v2  }
0x31a: {  	s6 =	sand.u32 $0xC0, s6;
	s3 =	simm.s32 $0x1820;
	s8 =	sor.u32 s4, s7;
	v14 =	vmul.f32 v6, v1;
	v4 =	vpack.i.f32.bf16 v4, v5;
	v5 =	vmul.f32 v6, v0  }
0x31b: {  	s3 =	sand.u32 $0x1F00, s3;
	s0 =	sor.u32 s4, s0;
	s4 =	simm.s32 $0x40;
	v6 =	vmul.f32 v7, v8;
	v3 =	vpack.i.f32.bf16 v13, v3;
	v7 =	vmul.f32 v8, v0;
	[tilespmem:s8+$0x0] =	vst v4  }
0x31c: {  	s4 =	sand.u32 $0xC0, s4;
	v4 =	vmul.f32 v9, v0;
	s8 =	sand.u32 $0xC0, s28;
	s28 =	simm.s32 $0x820;
	v5 =	vpack.i.f32.bf16 v5, v11;
	[tilespmem:s0+$0x1B380] =	vst v3;
	v3 =	vmul.f32 v10, v9  }
0x31d: {  	s2 =	simm.s32 $0x80;
	s4 =	sshrl.u32 s4, $0x1;
	v63 =	vmul.f32 v8, v1;
	v62 =	vpack.i.f32.bf16 v14, v12;
	s28 =	sand.u32 $0xF00, s28;
	[tilespmem:s0+$0x1AB80] =	vst v5;
	v5 =	vmul.f32 v9, v1  }
0x31e: {  	s7 =	sor.u32 s4, s7;
	[tilespmem:s0+$0x1AF80] =	vst v62;
	s9 =	sor.u32 s8, s9;
	s6 =	sor.u32 s6, s28;
	v4 =	vpack.i.f32.bf16 v7, v4;
	v6 =	vpack.i.f32.bf16 v6, v3  }
0x31f: {  	s31 =	sshrl.u32 s9, $0x1;
	s28 =	simm.s32 $0x0;
	s30 =	sshrl.u32 s6, $0x1;
	v3 =	vmul.f32 v9, v2;
	[tilespmem:s7+$0x0] =	vst v6;
	v5 =	vpack.i.f32.bf16 v63, v5;
	v6 =	vmul.f32 v8, v2  }
.LBB2_22:
0x320: {  	s0 =	sor.u32 s29, s3  }
0x321: {  	[tilespmem:s30+$0x1A780] =	vst v4;
	s1 =	sadd.s32 $0x1, s1;
	s28 =	sadd.s32 $0x40, s28;
	s30 =	smov.u32 s2  }
0x322: {  	p0 =	sne.s32 s2, $0xF80;
	s2 =	sadd.s32 $0x80, s2;
	[tilespmem:s31+$0x1A780] =	vst v5;
	v3 =	vpack.i.f32.bf16 v6, v3;
	s0 =	sshrl.u32 s0, $0x1  }
0x323: {  	[tilespmem:s0+$0x1A780] =	vst v3  }
0x324: {  	v3 =	vld [tilespmem:s24+$0xFFFFFFE0]  }
0x325: {  	v4 =	vld [tilespmem:s26+$0x10]  }
0x326: {  	v5 =	vld [tilespmem:s26+$0xFFFFFFF0]  }
0x327: {  	v6 =	vld [tilespmem:s26+$0xFFFFFFE0]  }
0x328: {  	v7 =	vld [tilespmem:s24+$0xFFFFFFF0]  }
0x329: {  	v8 =	vld [tilespmem:s26+$0x0]  }
0x32a: {  	v9 =	vld [tilespmem:s24+$0x10]  }
0x32b: {  	v10 =	vld [tilespmem:s24+$0x0]  }
0x32c: {  	v3 =	vld.idx.msk [tilespmem:v3+s5+$0x0], $0xffff  }
0x32d: {  	v4 =	vld.idx.msk [tilespmem:v4+s5+$0x0], $0xffff  }
0x32e: {  	v5 =	vld.idx.msk [tilespmem:v5+s5+$0x0], $0xffff  }
0x32f: {  	v6 =	vld.idx.msk [tilespmem:v6+s5+$0x0], $0xffff  }
0x330: {  	v7 =	vld.idx.msk [tilespmem:v7+s5+$0x0], $0xffff  }
0x331: {  	v8 =	vld.idx.msk [tilespmem:v8+s5+$0x0], $0xffff  }
0x332: {  	v9 =	vld.idx.msk [tilespmem:v9+s5+$0x0], $0xffff  }
0x333: {  	v10 =	vld.idx.msk [tilespmem:v10+s5+$0x0], $0xffff  }
0x334: {  	s3 =	sadd.s32 $0x1820, s28;
	s26 =	sadd.s32 $0x40, s26;
	s24 =	sadd.s32 $0x40, s24;
	v11 =	vmul.f32 v3, v0  }
0x335: {  	s4 =	sadd.s32 $0x3040, s30;
	s6 =	sshrl.u32 s30, $0x1;
	s0 =	sshrl.u32 s28, $0x1;
	v12 =	vmul.f32 v3, v1;
	v13 =	vmul.f32 v3, v2  }
0x336: {  	s7 =	sadd.s32 $0x1040, s30;
	s29 =	sand.u32 $0xC0, s4;
	s0 =	sand.u32 $0x380, s0;
	v3 =	vmul.f32 v6, v3;
	v5 =	vmul.f32 v5, v7  }
0x337: {  	s9 =	sadd.s32 $0x1020, s28;
	s6 =	sand.u32 $0x40, s6;
	s4 =	sadd.s32 $0x1A780, s0;
	v6 =	vmul.f32 v7, v1;
	v14 =	vmul.f32 v7, v2  }
0x338: {  	s31 =	sadd.s32 $0x2040, s30;
	s0 =	sor.u32 s6, s0;
	s8 =	sor.u32 s6, s4;
	v3 =	vpack.i.f32.bf16 v5, v3;
	v5 =	vmul.f32 v7, v0;
	v4 =	vmul.f32 v4, v9  }
.Ltmp10:
0x339: {  	s6 =	sadd.s32 $0x40, s30;
	v7 =	vmul.f32 v10, v0;
	[tilespmem:s8+$0x0] =	vst v3;
	v3 =	vpack.i.f32.bf16 v6, v12;
	v6 =	vpack.i.f32.bf16 v14, v13;
	s8 =	sand.u32 $0xC0, s31;
	(pc) =	sbr.rel @p0 .LBB2_22-.Ltmp10, $4  }
0x33a: {  	s9 =	sand.u32 $0x1700, s9;
	s30 =	sadd.s32 $0x820, s28;
	s6 =	sand.u32 $0xC0, s6;
	v5 =	vpack.i.f32.bf16 v5, v11;
	[tilespmem:s0+$0x1B380] =	vst v6;
	v6 =	vmul.f32 v8, v10;
	v8 =	vmul.f32 v9, v0  }
0x33b: {  	s7 =	sand.u32 $0xC0, s7;
	s30 =	sand.u32 $0xF00, s30;
	s6 =	sshrl.u32 s6, $0x1;
	v11 =	vmul.f32 v9, v1;
	[tilespmem:s0+$0x1AB80] =	vst v5;
	v5 =	vmul.f32 v10, v1  }
0x33c: {  	[tilespmem:s0+$0x1AF80] =	vst v3;
	v6 =	vpack.i.f32.bf16 v4, v6;
	s0 =	sor.u32 s6, s4;
	v4 =	vpack.i.f32.bf16 v8, v7;
	s4 =	sor.u32 s7, s30;
	s6 =	sor.u32 s8, s9;
	v3 =	vmul.f32 v10, v2  }
0x33d: {  	s3 =	sand.u32 $0x1F00, s3;
	[tilespmem:s0+$0x0] =	vst v6;
	s30 =	sshrl.u32 s4, $0x1;
	v5 =	vpack.i.f32.bf16 v11, v5;
	s31 =	sshrl.u32 s6, $0x1;
	v6 =	vmul.f32 v9, v2  }
0x33e: {  	[tilespmem:s30+$0x1A780] =	vst v4;
	s0 =	sor.u32 s29, s3  }
0x33f: {  	s26 =	rddreg [dreg:$0x12];
	[tilespmem:s31+$0x1A780] =	vst v5;
	v3 =	vpack.i.f32.bf16 v6, v3;
	s0 =	sshrl.u32 s0, $0x1  }
0x340: {  	s1 =	simm.s32 $0x0;
	s2 =	rddreg [dreg:$0x1f];
	[tilespmem:s0+$0x1A780] =	vst v3  }
0x341: {  	[hbm4b:s26+s1] =	stream.linear.scatter [tilespmem:s18], [sflag:$0x5], $0x1000, $0x38;
	[tilespmem:$0x1C780] =	vst v63  }
0x342: {  	s3 =	sld [smem:$0x7F8]  }
0x343: {  	[tilespmem:s12], [sflag:$0x1] =	stream.linear.gather [hbm4b:s2+s1], $0x800, $0x38;
	[tilespmem:$0x1C780] =	vst v63  }
0x344: {  	_ = 	snop  }
0x345: {  	[tilespmem:s13], [sflag:$0x3] =	stream.linear.gather [hbm4b:s3+s1], $0x800, $0x38;
	[tilespmem:$0x1C780] =	vst v63  }
0x346: {  	_ =	swait.ge [sflag:s19], $0x800  }
0x347: {  	[sflag:s19] =	ssyncset.done $0x0  }
0x348: {  	[sflag:s19] =	ssyncadd.s32 $0xFFFFF800  }
0x349: {  	_ =	swait.ge [sflag:s20], $0x800  }
0x34a: {  	[sflag:s20] =	ssyncset.done $0x0  }
0x34b: {  	[sflag:s20] =	ssyncadd.s32 $0xFFFFF800  }
0x34c: {  	_ =	swait.ge [sflag:s23], $0x1000  }
0x34d: {  	[sflag:s23] =	ssyncset.done $0x0  }
0x34e: {  	s4 =	simm.s32 $0x18F20;
	[sflag:s23] =	ssyncadd.s32 $0xFFFFF000  }
0x34f: {  	s2 =	simm.s32 $0x19F20;
	v3 =	vld [tilespmem:s4+$0xFFFFFFE0]  }
0x350: {  	v4 =	vld [tilespmem:s2+$0xFFFFFFF0]  }
0x351: {  	v5 =	vld [tilespmem:s2+$0xFFFFFFE0]  }
0x352: {  	v6 =	vld [tilespmem:s4+$0xFFFFFFF0]  }
0x353: {  	v7 =	vld [tilespmem:s2+$0x10]  }
0x354: {  	v8 =	vld [tilespmem:s4+$0x10]  }
0x355: {  	v9 =	vld [tilespmem:s4+$0x0]  }
0x356: {  	v10 =	vld [tilespmem:s2+$0x0]  }
0x357: {  	v3 =	vld.idx.msk [tilespmem:v3+s5+$0x0], $0xffff  }
0x358: {  	v4 =	vld.idx.msk [tilespmem:v4+s5+$0x0], $0xffff  }
0x359: {  	v5 =	vld.idx.msk [tilespmem:v5+s5+$0x0], $0xffff  }
0x35a: {  	v6 =	vld.idx.msk [tilespmem:v6+s5+$0x0], $0xffff  }
0x35b: {  	v7 =	vld.idx.msk [tilespmem:v7+s5+$0x0], $0xffff  }
0x35c: {  	s24 =	simm.s32 $0x18F60;
	v8 =	vld.idx.msk [tilespmem:v8+s5+$0x0], $0xffff  }
0x35d: {  	s6 =	simm.s32 $0x0;
	s9 =	simm.s32 $0x1020;
	s28 =	simm.s32 $0x2040;
	v9 =	vld.idx.msk [tilespmem:v9+s5+$0x0], $0xffff  }
0x35e: {  	s9 =	sand.u32 $0x1700, s9;
	s0 =	sand.u32 $0x380, s6;
	s6 =	simm.s32 $0x3040;
	v10 =	vld.idx.msk [tilespmem:v10+s5+$0x0], $0xffff;
	v11 =	vmul.f32 v3, v0;
	v12 =	vmul.f32 v3, v1  }
0x35f: {  	s26 =	simm.s32 $0x19F60;
	s7 =	sadd.s32 $0x1B780, s0;
	s4 =	simm.s32 $0x0;
	v5 =	vmul.f32 v5, v3;
	v4 =	vmul.f32 v4, v6  }
0x360: {  	s29 =	sand.u32 $0xC0, s6;
	s6 =	simm.s32 $0x1040;
	s4 =	sand.u32 $0x40, s4;
	v3 =	vmul.f32 v3, v2;
	v13 =	vmul.f32 v6, v2  }
0x361: {  	s6 =	sand.u32 $0xC0, s6;
	s3 =	simm.s32 $0x1820;
	s8 =	sor.u32 s4, s7;
	v14 =	vmul.f32 v6, v1;
	v4 =	vpack.i.f32.bf16 v4, v5;
	v5 =	vmul.f32 v6, v0  }
0x362: {  	s3 =	sand.u32 $0x1F00, s3;
	s0 =	sor.u32 s4, s0;
	s4 =	simm.s32 $0x40;
	v6 =	vmul.f32 v7, v8;
	v3 =	vpack.i.f32.bf16 v13, v3;
	v7 =	vmul.f32 v8, v0;
	[tilespmem:s8+$0x0] =	vst v4  }
0x363: {  	s4 =	sand.u32 $0xC0, s4;
	v4 =	vmul.f32 v9, v0;
	s8 =	sand.u32 $0xC0, s28;
	s28 =	simm.s32 $0x820;
	v5 =	vpack.i.f32.bf16 v5, v11;
	[tilespmem:s0+$0x1C380] =	vst v3;
	v3 =	vmul.f32 v10, v9  }
0x364: {  	s2 =	simm.s32 $0x80;
	s4 =	sshrl.u32 s4, $0x1;
	v63 =	vmul.f32 v8, v1;
	v62 =	vpack.i.f32.bf16 v14, v12;
	s28 =	sand.u32 $0xF00, s28;
	[tilespmem:s0+$0x1BB80] =	vst v5;
	v5 =	vmul.f32 v9, v1  }
0x365: {  	s7 =	sor.u32 s4, s7;
	[tilespmem:s0+$0x1BF80] =	vst v62;
	s9 =	sor.u32 s8, s9;
	s6 =	sor.u32 s6, s28;
	v4 =	vpack.i.f32.bf16 v7, v4;
	v6 =	vpack.i.f32.bf16 v6, v3  }
0x366: {  	s31 =	sshrl.u32 s9, $0x1;
	s28 =	simm.s32 $0x0;
	s30 =	sshrl.u32 s6, $0x1;
	v3 =	vmul.f32 v9, v2;
	[tilespmem:s7+$0x0] =	vst v6;
	v5 =	vpack.i.f32.bf16 v63, v5;
	v6 =	vmul.f32 v8, v2  }
.LBB2_24:
0x367: {  	s0 =	sor.u32 s29, s3  }
0x368: {  	[tilespmem:s30+$0x1B780] =	vst v4;
	s1 =	sadd.s32 $0x1, s1;
	s28 =	sadd.s32 $0x40, s28;
	s30 =	smov.u32 s2  }
0x369: {  	p0 =	sne.s32 s2, $0xF80;
	s2 =	sadd.s32 $0x80, s2;
	[tilespmem:s31+$0x1B780] =	vst v5;
	v3 =	vpack.i.f32.bf16 v6, v3;
	s0 =	sshrl.u32 s0, $0x1  }
0x36a: {  	[tilespmem:s0+$0x1B780] =	vst v3  }
0x36b: {  	v3 =	vld [tilespmem:s24+$0xFFFFFFE0]  }
0x36c: {  	v4 =	vld [tilespmem:s26+$0x10]  }
0x36d: {  	v5 =	vld [tilespmem:s26+$0xFFFFFFF0]  }
0x36e: {  	v6 =	vld [tilespmem:s26+$0xFFFFFFE0]  }
0x36f: {  	v7 =	vld [tilespmem:s24+$0xFFFFFFF0]  }
0x370: {  	v8 =	vld [tilespmem:s26+$0x0]  }
0x371: {  	v9 =	vld [tilespmem:s24+$0x10]  }
0x372: {  	v10 =	vld [tilespmem:s24+$0x0]  }
0x373: {  	v3 =	vld.idx.msk [tilespmem:v3+s5+$0x0], $0xffff  }
0x374: {  	v4 =	vld.idx.msk [tilespmem:v4+s5+$0x0], $0xffff  }
0x375: {  	v5 =	vld.idx.msk [tilespmem:v5+s5+$0x0], $0xffff  }
0x376: {  	v6 =	vld.idx.msk [tilespmem:v6+s5+$0x0], $0xffff  }
0x377: {  	v7 =	vld.idx.msk [tilespmem:v7+s5+$0x0], $0xffff  }
0x378: {  	v8 =	vld.idx.msk [tilespmem:v8+s5+$0x0], $0xffff  }
0x379: {  	v9 =	vld.idx.msk [tilespmem:v9+s5+$0x0], $0xffff  }
0x37a: {  	v10 =	vld.idx.msk [tilespmem:v10+s5+$0x0], $0xffff  }
0x37b: {  	s3 =	sadd.s32 $0x1820, s28;
	s26 =	sadd.s32 $0x40, s26;
	s24 =	sadd.s32 $0x40, s24;
	v11 =	vmul.f32 v3, v0  }
0x37c: {  	s4 =	sadd.s32 $0x3040, s30;
	s6 =	sshrl.u32 s30, $0x1;
	s0 =	sshrl.u32 s28, $0x1;
	v12 =	vmul.f32 v3, v1;
	v13 =	vmul.f32 v3, v2  }
0x37d: {  	s7 =	sadd.s32 $0x1040, s30;
	s29 =	sand.u32 $0xC0, s4;
	s0 =	sand.u32 $0x380, s0;
	v3 =	vmul.f32 v6, v3;
	v5 =	vmul.f32 v5, v7  }
0x37e: {  	s9 =	sadd.s32 $0x1020, s28;
	s6 =	sand.u32 $0x40, s6;
	s4 =	sadd.s32 $0x1B780, s0;
	v6 =	vmul.f32 v7, v1;
	v14 =	vmul.f32 v7, v2  }
0x37f: {  	s31 =	sadd.s32 $0x2040, s30;
	s0 =	sor.u32 s6, s0;
	s8 =	sor.u32 s6, s4;
	v3 =	vpack.i.f32.bf16 v5, v3;
	v5 =	vmul.f32 v7, v0;
	v4 =	vmul.f32 v4, v9  }
.Ltmp11:
0x380: {  	s6 =	sadd.s32 $0x40, s30;
	v7 =	vmul.f32 v10, v0;
	[tilespmem:s8+$0x0] =	vst v3;
	v3 =	vpack.i.f32.bf16 v6, v12;
	v6 =	vpack.i.f32.bf16 v14, v13;
	s8 =	sand.u32 $0xC0, s31;
	(pc) =	sbr.rel @p0 .LBB2_24-.Ltmp11, $4  }
0x381: {  	s9 =	sand.u32 $0x1700, s9;
	s30 =	sadd.s32 $0x820, s28;
	s6 =	sand.u32 $0xC0, s6;
	v5 =	vpack.i.f32.bf16 v5, v11;
	[tilespmem:s0+$0x1C380] =	vst v6;
	v6 =	vmul.f32 v8, v10;
	v8 =	vmul.f32 v9, v0  }
0x382: {  	s7 =	sand.u32 $0xC0, s7;
	s30 =	sand.u32 $0xF00, s30;
	s6 =	sshrl.u32 s6, $0x1;
	v11 =	vmul.f32 v9, v1;
	[tilespmem:s0+$0x1BB80] =	vst v5;
	v5 =	vmul.f32 v10, v1  }
0x383: {  	[tilespmem:s0+$0x1BF80] =	vst v3;
	v6 =	vpack.i.f32.bf16 v4, v6;
	s0 =	sor.u32 s6, s4;
	v4 =	vpack.i.f32.bf16 v8, v7;
	s4 =	sor.u32 s7, s30;
	s6 =	sor.u32 s8, s9;
	v3 =	vmul.f32 v10, v2  }
0x384: {  	s3 =	sand.u32 $0x1F00, s3;
	[tilespmem:s0+$0x0] =	vst v6;
	s30 =	sshrl.u32 s4, $0x1;
	v5 =	vpack.i.f32.bf16 v11, v5;
	s31 =	sshrl.u32 s6, $0x1;
	v6 =	vmul.f32 v9, v2  }
0x385: {  	[tilespmem:s30+$0x1B780] =	vst v4;
	s0 =	sor.u32 s29, s3  }
0x386: {  	s26 =	rddreg [dreg:$0x13];
	[tilespmem:s31+$0x1B780] =	vst v5;
	v3 =	vpack.i.f32.bf16 v6, v3;
	s0 =	sshrl.u32 s0, $0x1  }
0x387: {  	s1 =	simm.s32 $0x0;
	s2 =	sld [smem:$0x7F9];
	[tilespmem:s0+$0x1B780] =	vst v3  }
0x388: {  	[hbm4b:s26+s1] =	stream.linear.scatter [tilespmem:s21], [sflag:$0x6], $0x1000, $0x38;
	[tilespmem:$0x1C780] =	vst v63  }
0x389: {  	s3 =	sld [smem:$0x7FA]  }
0x38a: {  	[tilespmem:s14], [sflag:$0x2] =	stream.linear.gather [hbm4b:s2+s1], $0x800, $0x38;
	[tilespmem:$0x1C780] =	vst v63  }
0x38b: {  	_ = 	snop  }
0x38c: {  	[tilespmem:s15], [sflag:$0x4] =	stream.linear.gather [hbm4b:s3+s1], $0x800, $0x38;
	[tilespmem:$0x1C780] =	vst v63  }
0x38d: {  	_ =	swait.ge [sflag:s16], $0x800  }
0x38e: {  	[sflag:s16] =	ssyncset.done $0x0  }
0x38f: {  	[sflag:s16] =	ssyncadd.s32 $0xFFFFF800  }
0x390: {  	_ =	swait.ge [sflag:s17], $0x800  }
0x391: {  	[sflag:s17] =	ssyncset.done $0x0  }
0x392: {  	[sflag:s17] =	ssyncadd.s32 $0xFFFFF800  }
0x393: {  	_ =	swait.ge [sflag:s22], $0x1000  }
0x394: {  	[sflag:s22] =	ssyncset.done $0x0  }
0x395: {  	s4 =	simm.s32 $0x18720;
	[sflag:s22] =	ssyncadd.s32 $0xFFFFF000  }
0x396: {  	s2 =	simm.s32 $0x19720;
	v3 =	vld [tilespmem:s4+$0xFFFFFFE0]  }
0x397: {  	v4 =	vld [tilespmem:s2+$0xFFFFFFF0]  }
0x398: {  	v5 =	vld [tilespmem:s2+$0xFFFFFFE0]  }
0x399: {  	v6 =	vld [tilespmem:s4+$0xFFFFFFF0]  }
0x39a: {  	v7 =	vld [tilespmem:s2+$0x10]  }
0x39b: {  	v8 =	vld [tilespmem:s4+$0x10]  }
0x39c: {  	v9 =	vld [tilespmem:s4+$0x0]  }
0x39d: {  	v10 =	vld [tilespmem:s2+$0x0]  }
0x39e: {  	v3 =	vld.idx.msk [tilespmem:v3+s5+$0x0], $0xffff  }
0x39f: {  	v4 =	vld.idx.msk [tilespmem:v4+s5+$0x0], $0xffff  }
0x3a0: {  	v5 =	vld.idx.msk [tilespmem:v5+s5+$0x0], $0xffff  }
0x3a1: {  	v6 =	vld.idx.msk [tilespmem:v6+s5+$0x0], $0xffff  }
0x3a2: {  	v7 =	vld.idx.msk [tilespmem:v7+s5+$0x0], $0xffff  }
0x3a3: {  	s24 =	simm.s32 $0x18760;
	v8 =	vld.idx.msk [tilespmem:v8+s5+$0x0], $0xffff  }
0x3a4: {  	s6 =	simm.s32 $0x0;
	s9 =	simm.s32 $0x1020;
	s28 =	simm.s32 $0x2040;
	v9 =	vld.idx.msk [tilespmem:v9+s5+$0x0], $0xffff  }
0x3a5: {  	s9 =	sand.u32 $0x1700, s9;
	s0 =	sand.u32 $0x380, s6;
	s6 =	simm.s32 $0x3040;
	v10 =	vld.idx.msk [tilespmem:v10+s5+$0x0], $0xffff;
	v11 =	vmul.f32 v3, v0;
	v12 =	vmul.f32 v3, v1  }
0x3a6: {  	s26 =	simm.s32 $0x19760;
	s7 =	sadd.s32 $0x1A780, s0;
	s4 =	simm.s32 $0x0;
	v5 =	vmul.f32 v5, v3;
	v4 =	vmul.f32 v4, v6  }
0x3a7: {  	s29 =	sand.u32 $0xC0, s6;
	s6 =	simm.s32 $0x1040;
	s4 =	sand.u32 $0x40, s4;
	v3 =	vmul.f32 v3, v2;
	v13 =	vmul.f32 v6, v2  }
0x3a8: {  	s6 =	sand.u32 $0xC0, s6;
	s3 =	simm.s32 $0x1820;
	s8 =	sor.u32 s4, s7;
	v14 =	vmul.f32 v6, v1;
	v4 =	vpack.i.f32.bf16 v4, v5;
	v5 =	vmul.f32 v6, v0  }
0x3a9: {  	s3 =	sand.u32 $0x1F00, s3;
	s0 =	sor.u32 s4, s0;
	s4 =	simm.s32 $0x40;
	v6 =	vmul.f32 v7, v8;
	v3 =	vpack.i.f32.bf16 v13, v3;
	v7 =	vmul.f32 v8, v0;
	[tilespmem:s8+$0x0] =	vst v4  }
0x3aa: {  	s4 =	sand.u32 $0xC0, s4;
	v4 =	vmul.f32 v9, v0;
	s8 =	sand.u32 $0xC0, s28;
	s28 =	simm.s32 $0x820;
	v5 =	vpack.i.f32.bf16 v5, v11;
	[tilespmem:s0+$0x1B380] =	vst v3;
	v3 =	vmul.f32 v10, v9  }
0x3ab: {  	s2 =	simm.s32 $0x80;
	s4 =	sshrl.u32 s4, $0x1;
	v63 =	vmul.f32 v8, v1;
	v62 =	vpack.i.f32.bf16 v14, v12;
	s28 =	sand.u32 $0xF00, s28;
	[tilespmem:s0+$0x1AB80] =	vst v5;
	v5 =	vmul.f32 v9, v1  }
0x3ac: {  	s7 =	sor.u32 s4, s7;
	[tilespmem:s0+$0x1AF80] =	vst v62;
	s9 =	sor.u32 s8, s9;
	s6 =	sor.u32 s6, s28;
	v4 =	vpack.i.f32.bf16 v7, v4;
	v6 =	vpack.i.f32.bf16 v6, v3  }
0x3ad: {  	s31 =	sshrl.u32 s9, $0x1;
	s28 =	simm.s32 $0x0;
	s30 =	sshrl.u32 s6, $0x1;
	v3 =	vmul.f32 v9, v2;
	[tilespmem:s7+$0x0] =	vst v6;
	v5 =	vpack.i.f32.bf16 v63, v5;
	v6 =	vmul.f32 v8, v2  }
.LBB2_26:
0x3ae: {  	s0 =	sor.u32 s29, s3  }
0x3af: {  	[tilespmem:s30+$0x1A780] =	vst v4;
	s1 =	sadd.s32 $0x1, s1;
	s28 =	sadd.s32 $0x40, s28;
	s30 =	smov.u32 s2  }
0x3b0: {  	p0 =	sne.s32 s2, $0xF80;
	s2 =	sadd.s32 $0x80, s2;
	[tilespmem:s31+$0x1A780] =	vst v5;
	v3 =	vpack.i.f32.bf16 v6, v3;
	s0 =	sshrl.u32 s0, $0x1  }
0x3b1: {  	[tilespmem:s0+$0x1A780] =	vst v3  }
0x3b2: {  	v3 =	vld [tilespmem:s24+$0xFFFFFFE0]  }
0x3b3: {  	v4 =	vld [tilespmem:s26+$0x10]  }
0x3b4: {  	v5 =	vld [tilespmem:s26+$0xFFFFFFF0]  }
0x3b5: {  	v6 =	vld [tilespmem:s26+$0xFFFFFFE0]  }
0x3b6: {  	v7 =	vld [tilespmem:s24+$0xFFFFFFF0]  }
0x3b7: {  	v8 =	vld [tilespmem:s26+$0x0]  }
0x3b8: {  	v9 =	vld [tilespmem:s24+$0x10]  }
0x3b9: {  	v10 =	vld [tilespmem:s24+$0x0]  }
0x3ba: {  	v3 =	vld.idx.msk [tilespmem:v3+s5+$0x0], $0xffff  }
0x3bb: {  	v4 =	vld.idx.msk [tilespmem:v4+s5+$0x0], $0xffff  }
0x3bc: {  	v5 =	vld.idx.msk [tilespmem:v5+s5+$0x0], $0xffff  }
0x3bd: {  	v6 =	vld.idx.msk [tilespmem:v6+s5+$0x0], $0xffff  }
0x3be: {  	v7 =	vld.idx.msk [tilespmem:v7+s5+$0x0], $0xffff  }
0x3bf: {  	v8 =	vld.idx.msk [tilespmem:v8+s5+$0x0], $0xffff  }
0x3c0: {  	v9 =	vld.idx.msk [tilespmem:v9+s5+$0x0], $0xffff  }
0x3c1: {  	v10 =	vld.idx.msk [tilespmem:v10+s5+$0x0], $0xffff  }
0x3c2: {  	s3 =	sadd.s32 $0x1820, s28;
	s26 =	sadd.s32 $0x40, s26;
	s24 =	sadd.s32 $0x40, s24;
	v11 =	vmul.f32 v3, v0  }
0x3c3: {  	s4 =	sadd.s32 $0x3040, s30;
	s6 =	sshrl.u32 s30, $0x1;
	s0 =	sshrl.u32 s28, $0x1;
	v12 =	vmul.f32 v3, v1;
	v13 =	vmul.f32 v3, v2  }
0x3c4: {  	s7 =	sadd.s32 $0x1040, s30;
	s29 =	sand.u32 $0xC0, s4;
	s0 =	sand.u32 $0x380, s0;
	v3 =	vmul.f32 v6, v3;
	v5 =	vmul.f32 v5, v7  }
0x3c5: {  	s9 =	sadd.s32 $0x1020, s28;
	s6 =	sand.u32 $0x40, s6;
	s4 =	sadd.s32 $0x1A780, s0;
	v6 =	vmul.f32 v7, v1;
	v14 =	vmul.f32 v7, v2  }
0x3c6: {  	s31 =	sadd.s32 $0x2040, s30;
	s0 =	sor.u32 s6, s0;
	s8 =	sor.u32 s6, s4;
	v3 =	vpack.i.f32.bf16 v5, v3;
	v5 =	vmul.f32 v7, v0;
	v4 =	vmul.f32 v4, v9  }
.Ltmp12:
0x3c7: {  	s6 =	sadd.s32 $0x40, s30;
	v7 =	vmul.f32 v10, v0;
	[tilespmem:s8+$0x0] =	vst v3;
	v3 =	vpack.i.f32.bf16 v6, v12;
	v6 =	vpack.i.f32.bf16 v14, v13;
	s8 =	sand.u32 $0xC0, s31;
	(pc) =	sbr.rel @p0 .LBB2_26-.Ltmp12, $4  }
0x3c8: {  	s9 =	sand.u32 $0x1700, s9;
	s30 =	sadd.s32 $0x820, s28;
	s6 =	sand.u32 $0xC0, s6;
	v5 =	vpack.i.f32.bf16 v5, v11;
	[tilespmem:s0+$0x1B380] =	vst v6;
	v6 =	vmul.f32 v8, v10;
	v8 =	vmul.f32 v9, v0  }
0x3c9: {  	s7 =	sand.u32 $0xC0, s7;
	s30 =	sand.u32 $0xF00, s30;
	s6 =	sshrl.u32 s6, $0x1;
	v11 =	vmul.f32 v9, v1;
	[tilespmem:s0+$0x1AB80] =	vst v5;
	v5 =	vmul.f32 v10, v1  }
0x3ca: {  	[tilespmem:s0+$0x1AF80] =	vst v3;
	v6 =	vpack.i.f32.bf16 v4, v6;
	s0 =	sor.u32 s6, s4;
	v4 =	vpack.i.f32.bf16 v8, v7;
	s4 =	sor.u32 s7, s30;
	s6 =	sor.u32 s8, s9;
	v3 =	vmul.f32 v10, v2  }
0x3cb: {  	s3 =	sand.u32 $0x1F00, s3;
	[tilespmem:s0+$0x0] =	vst v6;
	s30 =	sshrl.u32 s4, $0x1;
	v5 =	vpack.i.f32.bf16 v11, v5;
	s31 =	sshrl.u32 s6, $0x1;
	v6 =	vmul.f32 v9, v2  }
0x3cc: {  	[tilespmem:s30+$0x1A780] =	vst v4;
	s0 =	sor.u32 s29, s3  }
0x3cd: {  	s26 =	rddreg [dreg:$0x14];
	[tilespmem:s31+$0x1A780] =	vst v5;
	v3 =	vpack.i.f32.bf16 v6, v3;
	s0 =	sshrl.u32 s0, $0x1  }
0x3ce: {  	s1 =	simm.s32 $0x0;
	s2 =	sld [smem:$0x7FB];
	[tilespmem:s0+$0x1A780] =	vst v3  }
0x3cf: {  	[hbm4b:s26+s1] =	stream.linear.scatter [tilespmem:s18], [sflag:$0x5], $0x1000, $0x38;
	[tilespmem:$0x1C780] =	vst v63  }
0x3d0: {  	s3 =	sld [smem:$0x7FC]  }
0x3d1: {  	[tilespmem:s12], [sflag:$0x1] =	stream.linear.gather [hbm4b:s2+s1], $0x800, $0x38;
	[tilespmem:$0x1C780] =	vst v63  }
0x3d2: {  	_ = 	snop  }
0x3d3: {  	[tilespmem:s13], [sflag:$0x3] =	stream.linear.gather [hbm4b:s3+s1], $0x800, $0x38;
	[tilespmem:$0x1C780] =	vst v63  }
0x3d4: {  	_ =	swait.ge [sflag:s19], $0x800  }
0x3d5: {  	[sflag:s19] =	ssyncset.done $0x0  }
0x3d6: {  	[sflag:s19] =	ssyncadd.s32 $0xFFFFF800  }
0x3d7: {  	_ =	swait.ge [sflag:s20], $0x800  }
0x3d8: {  	[sflag:s20] =	ssyncset.done $0x0  }
0x3d9: {  	[sflag:s20] =	ssyncadd.s32 $0xFFFFF800  }
0x3da: {  	_ =	swait.ge [sflag:s23], $0x1000  }
0x3db: {  	[sflag:s23] =	ssyncset.done $0x0  }
0x3dc: {  	s4 =	simm.s32 $0x18F20;
	[sflag:s23] =	ssyncadd.s32 $0xFFFFF000  }
0x3dd: {  	s2 =	simm.s32 $0x19F20;
	v3 =	vld [tilespmem:s4+$0xFFFFFFE0]  }
0x3de: {  	v4 =	vld [tilespmem:s2+$0xFFFFFFF0]  }
0x3df: {  	v5 =	vld [tilespmem:s2+$0xFFFFFFE0]  }
0x3e0: {  	v6 =	vld [tilespmem:s4+$0xFFFFFFF0]  }
0x3e1: {  	v7 =	vld [tilespmem:s2+$0x10]  }
0x3e2: {  	v8 =	vld [tilespmem:s4+$0x10]  }
0x3e3: {  	v9 =	vld [tilespmem:s4+$0x0]  }
0x3e4: {  	v10 =	vld [tilespmem:s2+$0x0]  }
0x3e5: {  	v3 =	vld.idx.msk [tilespmem:v3+s5+$0x0], $0xffff  }
0x3e6: {  	v4 =	vld.idx.msk [tilespmem:v4+s5+$0x0], $0xffff  }
0x3e7: {  	v5 =	vld.idx.msk [tilespmem:v5+s5+$0x0], $0xffff  }
0x3e8: {  	v6 =	vld.idx.msk [tilespmem:v6+s5+$0x0], $0xffff  }
0x3e9: {  	v7 =	vld.idx.msk [tilespmem:v7+s5+$0x0], $0xffff  }
0x3ea: {  	s24 =	simm.s32 $0x18F60;
	v8 =	vld.idx.msk [tilespmem:v8+s5+$0x0], $0xffff  }
0x3eb: {  	s6 =	simm.s32 $0x0;
	s9 =	simm.s32 $0x1020;
	s28 =	simm.s32 $0x2040;
	v9 =	vld.idx.msk [tilespmem:v9+s5+$0x0], $0xffff  }
0x3ec: {  	s9 =	sand.u32 $0x1700, s9;
	s0 =	sand.u32 $0x380, s6;
	s6 =	simm.s32 $0x3040;
	v10 =	vld.idx.msk [tilespmem:v10+s5+$0x0], $0xffff;
	v11 =	vmul.f32 v3, v0;
	v12 =	vmul.f32 v3, v1  }
0x3ed: {  	s26 =	simm.s32 $0x19F60;
	s7 =	sadd.s32 $0x1B780, s0;
	s4 =	simm.s32 $0x0;
	v5 =	vmul.f32 v5, v3;
	v4 =	vmul.f32 v4, v6  }
0x3ee: {  	s29 =	sand.u32 $0xC0, s6;
	s6 =	simm.s32 $0x1040;
	s4 =	sand.u32 $0x40, s4;
	v3 =	vmul.f32 v3, v2;
	v13 =	vmul.f32 v6, v2  }
0x3ef: {  	s6 =	sand.u32 $0xC0, s6;
	s3 =	simm.s32 $0x1820;
	s8 =	sor.u32 s4, s7;
	v14 =	vmul.f32 v6, v1;
	v4 =	vpack.i.f32.bf16 v4, v5;
	v5 =	vmul.f32 v6, v0  }
0x3f0: {  	s3 =	sand.u32 $0x1F00, s3;
	s0 =	sor.u32 s4, s0;
	s4 =	simm.s32 $0x40;
	v6 =	vmul.f32 v7, v8;
	v3 =	vpack.i.f32.bf16 v13, v3;
	v7 =	vmul.f32 v8, v0;
	[tilespmem:s8+$0x0] =	vst v4  }
0x3f1: {  	s4 =	sand.u32 $0xC0, s4;
	v4 =	vmul.f32 v9, v0;
	s8 =	sand.u32 $0xC0, s28;
	s28 =	simm.s32 $0x820;
	v5 =	vpack.i.f32.bf16 v5, v11;
	[tilespmem:s0+$0x1C380] =	vst v3;
	v3 =	vmul.f32 v10, v9  }
0x3f2: {  	s2 =	simm.s32 $0x80;
	s4 =	sshrl.u32 s4, $0x1;
	v63 =	vmul.f32 v8, v1;
	v62 =	vpack.i.f32.bf16 v14, v12;
	s28 =	sand.u32 $0xF00, s28;
	[tilespmem:s0+$0x1BB80] =	vst v5;
	v5 =	vmul.f32 v9, v1  }
0x3f3: {  	s7 =	sor.u32 s4, s7;
	[tilespmem:s0+$0x1BF80] =	vst v62;
	s9 =	sor.u32 s8, s9;
	s6 =	sor.u32 s6, s28;
	v4 =	vpack.i.f32.bf16 v7, v4;
	v6 =	vpack.i.f32.bf16 v6, v3  }
0x3f4: {  	s31 =	sshrl.u32 s9, $0x1;
	s28 =	simm.s32 $0x0;
	s30 =	sshrl.u32 s6, $0x1;
	v3 =	vmul.f32 v9, v2;
	[tilespmem:s7+$0x0] =	vst v6;
	v5 =	vpack.i.f32.bf16 v63, v5;
	v6 =	vmul.f32 v8, v2  }
.LBB2_28:
0x3f5: {  	s0 =	sor.u32 s29, s3  }
0x3f6: {  	[tilespmem:s30+$0x1B780] =	vst v4;
	s1 =	sadd.s32 $0x1, s1;
	s28 =	sadd.s32 $0x40, s28;
	s30 =	smov.u32 s2  }
0x3f7: {  	p0 =	sne.s32 s2, $0xF80;
	s2 =	sadd.s32 $0x80, s2;
	[tilespmem:s31+$0x1B780] =	vst v5;
	v3 =	vpack.i.f32.bf16 v6, v3;
	s0 =	sshrl.u32 s0, $0x1  }
0x3f8: {  	[tilespmem:s0+$0x1B780] =	vst v3  }
0x3f9: {  	v3 =	vld [tilespmem:s24+$0xFFFFFFE0]  }
0x3fa: {  	v4 =	vld [tilespmem:s26+$0x10]  }
0x3fb: {  	v5 =	vld [tilespmem:s26+$0xFFFFFFF0]  }
0x3fc: {  	v6 =	vld [tilespmem:s26+$0xFFFFFFE0]  }
0x3fd: {  	v7 =	vld [tilespmem:s24+$0xFFFFFFF0]  }
0x3fe: {  	v8 =	vld [tilespmem:s26+$0x0]  }
0x3ff: {  	v9 =	vld [tilespmem:s24+$0x10]  }
0x400: {  	v10 =	vld [tilespmem:s24+$0x0]  }
0x401: {  	v3 =	vld.idx.msk [tilespmem:v3+s5+$0x0], $0xffff  }
0x402: {  	v4 =	vld.idx.msk [tilespmem:v4+s5+$0x0], $0xffff  }
0x403: {  	v5 =	vld.idx.msk [tilespmem:v5+s5+$0x0], $0xffff  }
0x404: {  	v6 =	vld.idx.msk [tilespmem:v6+s5+$0x0], $0xffff  }
0x405: {  	v7 =	vld.idx.msk [tilespmem:v7+s5+$0x0], $0xffff  }
0x406: {  	v8 =	vld.idx.msk [tilespmem:v8+s5+$0x0], $0xffff  }
0x407: {  	v9 =	vld.idx.msk [tilespmem:v9+s5+$0x0], $0xffff  }
0x408: {  	v10 =	vld.idx.msk [tilespmem:v10+s5+$0x0], $0xffff  }
0x409: {  	s3 =	sadd.s32 $0x1820, s28;
	s26 =	sadd.s32 $0x40, s26;
	s24 =	sadd.s32 $0x40, s24;
	v11 =	vmul.f32 v3, v0  }
0x40a: {  	s4 =	sadd.s32 $0x3040, s30;
	s6 =	sshrl.u32 s30, $0x1;
	s0 =	sshrl.u32 s28, $0x1;
	v12 =	vmul.f32 v3, v1;
	v13 =	vmul.f32 v3, v2  }
0x40b: {  	s7 =	sadd.s32 $0x1040, s30;
	s29 =	sand.u32 $0xC0, s4;
	s0 =	sand.u32 $0x380, s0;
	v3 =	vmul.f32 v6, v3;
	v5 =	vmul.f32 v5, v7  }
0x40c: {  	s9 =	sadd.s32 $0x1020, s28;
	s6 =	sand.u32 $0x40, s6;
	s4 =	sadd.s32 $0x1B780, s0;
	v6 =	vmul.f32 v7, v1;
	v14 =	vmul.f32 v7, v2  }
0x40d: {  	s31 =	sadd.s32 $0x2040, s30;
	s0 =	sor.u32 s6, s0;
	s8 =	sor.u32 s6, s4;
	v3 =	vpack.i.f32.bf16 v5, v3;
	v5 =	vmul.f32 v7, v0;
	v4 =	vmul.f32 v4, v9  }
.Ltmp13:
0x40e: {  	s6 =	sadd.s32 $0x40, s30;
	v7 =	vmul.f32 v10, v0;
	[tilespmem:s8+$0x0] =	vst v3;
	v3 =	vpack.i.f32.bf16 v6, v12;
	v6 =	vpack.i.f32.bf16 v14, v13;
	s8 =	sand.u32 $0xC0, s31;
	(pc) =	sbr.rel @p0 .LBB2_28-.Ltmp13, $4  }
0x40f: {  	s9 =	sand.u32 $0x1700, s9;
	s30 =	sadd.s32 $0x820, s28;
	s6 =	sand.u32 $0xC0, s6;
	v5 =	vpack.i.f32.bf16 v5, v11;
	[tilespmem:s0+$0x1C380] =	vst v6;
	v6 =	vmul.f32 v8, v10;
	v8 =	vmul.f32 v9, v0  }
0x410: {  	s7 =	sand.u32 $0xC0, s7;
	s30 =	sand.u32 $0xF00, s30;
	s6 =	sshrl.u32 s6, $0x1;
	v11 =	vmul.f32 v9, v1;
	[tilespmem:s0+$0x1BB80] =	vst v5;
	v5 =	vmul.f32 v10, v1  }
0x411: {  	[tilespmem:s0+$0x1BF80] =	vst v3;
	v6 =	vpack.i.f32.bf16 v4, v6;
	s0 =	sor.u32 s6, s4;
	v4 =	vpack.i.f32.bf16 v8, v7;
	s4 =	sor.u32 s7, s30;
	s6 =	sor.u32 s8, s9;
	v3 =	vmul.f32 v10, v2  }
0x412: {  	s3 =	sand.u32 $0x1F00, s3;
	[tilespmem:s0+$0x0] =	vst v6;
	s30 =	sshrl.u32 s4, $0x1;
	v5 =	vpack.i.f32.bf16 v11, v5;
	s31 =	sshrl.u32 s6, $0x1;
	v6 =	vmul.f32 v9, v2  }
0x413: {  	[tilespmem:s30+$0x1B780] =	vst v4;
	s0 =	sor.u32 s29, s3  }
0x414: {  	s2 =	rddreg [dreg:$0x15];
	[tilespmem:s31+$0x1B780] =	vst v5;
	v3 =	vpack.i.f32.bf16 v6, v3;
	s0 =	sshrl.u32 s0, $0x1  }
0x415: {  	s1 =	simm.s32 $0x0;
	s3 =	sld [smem:$0x7FD];
	[tilespmem:s0+$0x1B780] =	vst v3  }
0x416: {  	[hbm4b:s2+s1] =	stream.linear.scatter [tilespmem:s21], [sflag:$0x6], $0x1000, $0x38;
	[tilespmem:$0x1C780] =	vst v63  }
0x417: {  	_ = 	snop  }
0x418: {  	[tilespmem:s14], [sflag:$0x2] =	stream.linear.gather [hbm4b:s3+s1], $0x800, $0x38;
	[tilespmem:$0x1C780] =	vst v63  }
0x419: {  	_ = 	snop  }
0x41a: {  	[tilespmem:s15], [sflag:$0x4] =	stream.linear.gather [hbm4b:s10+s1], $0x800, $0x38;
	[tilespmem:$0x1C780] =	vst v63  }
0x41b: {  	_ =	swait.ge [sflag:s16], $0x800  }
0x41c: {  	[sflag:s16] =	ssyncset.done $0x0  }
0x41d: {  	[sflag:s16] =	ssyncadd.s32 $0xFFFFF800  }
0x41e: {  	_ =	swait.ge [sflag:s17], $0x800  }
0x41f: {  	[sflag:s17] =	ssyncset.done $0x0  }
0x420: {  	[sflag:s17] =	ssyncadd.s32 $0xFFFFF800  }
0x421: {  	_ =	swait.ge [sflag:s22], $0x1000  }
0x422: {  	[sflag:s22] =	ssyncset.done $0x0  }
0x423: {  	s4 =	simm.s32 $0x18720;
	[sflag:s22] =	ssyncadd.s32 $0xFFFFF000  }
0x424: {  	s2 =	simm.s32 $0x19720;
	v3 =	vld [tilespmem:s4+$0xFFFFFFE0]  }
0x425: {  	v4 =	vld [tilespmem:s2+$0xFFFFFFF0]  }
0x426: {  	v5 =	vld [tilespmem:s2+$0xFFFFFFE0]  }
0x427: {  	v6 =	vld [tilespmem:s4+$0xFFFFFFF0]  }
0x428: {  	v7 =	vld [tilespmem:s2+$0x10]  }
0x429: {  	v8 =	vld [tilespmem:s4+$0x10]  }
0x42a: {  	v9 =	vld [tilespmem:s4+$0x0]  }
0x42b: {  	v10 =	vld [tilespmem:s2+$0x0]  }
0x42c: {  	v3 =	vld.idx.msk [tilespmem:v3+s5+$0x0], $0xffff  }
0x42d: {  	v4 =	vld.idx.msk [tilespmem:v4+s5+$0x0], $0xffff  }
0x42e: {  	v5 =	vld.idx.msk [tilespmem:v5+s5+$0x0], $0xffff  }
0x42f: {  	v6 =	vld.idx.msk [tilespmem:v6+s5+$0x0], $0xffff  }
0x430: {  	v7 =	vld.idx.msk [tilespmem:v7+s5+$0x0], $0xffff  }
0x431: {  	s24 =	simm.s32 $0x18760;
	v8 =	vld.idx.msk [tilespmem:v8+s5+$0x0], $0xffff  }
0x432: {  	s26 =	simm.s32 $0x19760;
	s6 =	simm.s32 $0x0;
	s9 =	simm.s32 $0x1020;
	v9 =	vld.idx.msk [tilespmem:v9+s5+$0x0], $0xffff  }
0x433: {  	s28 =	simm.s32 $0x2040;
	s9 =	sand.u32 $0x1700, s9;
	s0 =	sand.u32 $0x380, s6;
	v10 =	vld.idx.msk [tilespmem:v10+s5+$0x0], $0xffff;
	v11 =	vmul.f32 v3, v0;
	v12 =	vmul.f32 v3, v1  }
0x434: {  	s6 =	simm.s32 $0x3040;
	s7 =	sadd.s32 $0x1A780, s0;
	s4 =	simm.s32 $0x0;
	v5 =	vmul.f32 v5, v3;
	v4 =	vmul.f32 v4, v6  }
0x435: {  	s29 =	sand.u32 $0xC0, s6;
	s6 =	simm.s32 $0x1040;
	s4 =	sand.u32 $0x40, s4;
	v3 =	vmul.f32 v3, v2;
	v13 =	vmul.f32 v6, v2  }
0x436: {  	s6 =	sand.u32 $0xC0, s6;
	s3 =	simm.s32 $0x1820;
	s8 =	sor.u32 s4, s7;
	v14 =	vmul.f32 v6, v1;
	v4 =	vpack.i.f32.bf16 v4, v5;
	v5 =	vmul.f32 v6, v0  }
0x437: {  	s3 =	sand.u32 $0x1F00, s3;
	s0 =	sor.u32 s4, s0;
	s4 =	simm.s32 $0x40;
	v6 =	vmul.f32 v7, v8;
	v3 =	vpack.i.f32.bf16 v13, v3;
	v7 =	vmul.f32 v8, v0;
	[tilespmem:s8+$0x0] =	vst v4  }
0x438: {  	s4 =	sand.u32 $0xC0, s4;
	v4 =	vmul.f32 v9, v0;
	s8 =	sand.u32 $0xC0, s28;
	s28 =	simm.s32 $0x820;
	v5 =	vpack.i.f32.bf16 v5, v11;
	[tilespmem:s0+$0x1B380] =	vst v3;
	v3 =	vmul.f32 v10, v9  }
0x439: {  	s2 =	simm.s32 $0x80;
	s4 =	sshrl.u32 s4, $0x1;
	v63 =	vmul.f32 v8, v1;
	v62 =	vpack.i.f32.bf16 v14, v12;
	s28 =	sand.u32 $0xF00, s28;
	[tilespmem:s0+$0x1AB80] =	vst v5;
	v5 =	vmul.f32 v9, v1  }
0x43a: {  	s7 =	sor.u32 s4, s7;
	[tilespmem:s0+$0x1AF80] =	vst v62;
	s9 =	sor.u32 s8, s9;
	s6 =	sor.u32 s6, s28;
	v4 =	vpack.i.f32.bf16 v7, v4;
	v6 =	vpack.i.f32.bf16 v6, v3  }
0x43b: {  	s31 =	sshrl.u32 s9, $0x1;
	s28 =	simm.s32 $0x0;
	s30 =	sshrl.u32 s6, $0x1;
	v3 =	vmul.f32 v9, v2;
	[tilespmem:s7+$0x0] =	vst v6;
	v5 =	vpack.i.f32.bf16 v63, v5;
	v6 =	vmul.f32 v8, v2  }
.LBB2_30:
0x43c: {  	s0 =	sor.u32 s29, s3  }
0x43d: {  	[tilespmem:s30+$0x1A780] =	vst v4;
	s1 =	sadd.s32 $0x1, s1;
	s28 =	sadd.s32 $0x40, s28;
	s30 =	smov.u32 s2  }
0x43e: {  	p0 =	sne.s32 s2, $0xF80;
	s2 =	sadd.s32 $0x80, s2;
	[tilespmem:s31+$0x1A780] =	vst v5;
	v3 =	vpack.i.f32.bf16 v6, v3;
	s0 =	sshrl.u32 s0, $0x1  }
0x43f: {  	[tilespmem:s0+$0x1A780] =	vst v3  }
0x440: {  	v3 =	vld [tilespmem:s24+$0xFFFFFFE0]  }
0x441: {  	v4 =	vld [tilespmem:s26+$0x10]  }
0x442: {  	v5 =	vld [tilespmem:s26+$0xFFFFFFF0]  }
0x443: {  	v6 =	vld [tilespmem:s26+$0xFFFFFFE0]  }
0x444: {  	v7 =	vld [tilespmem:s24+$0xFFFFFFF0]  }
0x445: {  	v8 =	vld [tilespmem:s26+$0x0]  }
0x446: {  	v9 =	vld [tilespmem:s24+$0x10]  }
0x447: {  	v10 =	vld [tilespmem:s24+$0x0]  }
0x448: {  	v3 =	vld.idx.msk [tilespmem:v3+s5+$0x0], $0xffff  }
0x449: {  	v4 =	vld.idx.msk [tilespmem:v4+s5+$0x0], $0xffff  }
0x44a: {  	v5 =	vld.idx.msk [tilespmem:v5+s5+$0x0], $0xffff  }
0x44b: {  	v6 =	vld.idx.msk [tilespmem:v6+s5+$0x0], $0xffff  }
0x44c: {  	v7 =	vld.idx.msk [tilespmem:v7+s5+$0x0], $0xffff  }
0x44d: {  	v8 =	vld.idx.msk [tilespmem:v8+s5+$0x0], $0xffff  }
0x44e: {  	v9 =	vld.idx.msk [tilespmem:v9+s5+$0x0], $0xffff  }
0x44f: {  	v10 =	vld.idx.msk [tilespmem:v10+s5+$0x0], $0xffff  }
0x450: {  	s3 =	sadd.s32 $0x1820, s28;
	s26 =	sadd.s32 $0x40, s26;
	s24 =	sadd.s32 $0x40, s24;
	v11 =	vmul.f32 v3, v0  }
0x451: {  	s4 =	sadd.s32 $0x3040, s30;
	s6 =	sshrl.u32 s30, $0x1;
	s0 =	sshrl.u32 s28, $0x1;
	v12 =	vmul.f32 v3, v1;
	v13 =	vmul.f32 v3, v2  }
0x452: {  	s7 =	sadd.s32 $0x1040, s30;
	s29 =	sand.u32 $0xC0, s4;
	s0 =	sand.u32 $0x380, s0;
	v3 =	vmul.f32 v6, v3;
	v5 =	vmul.f32 v5, v7  }
0x453: {  	s9 =	sadd.s32 $0x1020, s28;
	s6 =	sand.u32 $0x40, s6;
	s4 =	sadd.s32 $0x1A780, s0;
	v6 =	vmul.f32 v7, v1;
	v14 =	vmul.f32 v7, v2  }
0x454: {  	s31 =	sadd.s32 $0x2040, s30;
	s0 =	sor.u32 s6, s0;
	s8 =	sor.u32 s6, s4;
	v3 =	vpack.i.f32.bf16 v5, v3;
	v5 =	vmul.f32 v7, v0;
	v4 =	vmul.f32 v4, v9  }
.Ltmp14:
0x455: {  	s6 =	sadd.s32 $0x40, s30;
	v7 =	vmul.f32 v10, v0;
	[tilespmem:s8+$0x0] =	vst v3;
	v3 =	vpack.i.f32.bf16 v6, v12;
	v6 =	vpack.i.f32.bf16 v14, v13;
	s8 =	sand.u32 $0xC0, s31;
	(pc) =	sbr.rel @p0 .LBB2_30-.Ltmp14, $4  }
0x456: {  	s9 =	sand.u32 $0x1700, s9;
	s30 =	sadd.s32 $0x820, s28;
	s6 =	sand.u32 $0xC0, s6;
	v5 =	vpack.i.f32.bf16 v5, v11;
	[tilespmem:s0+$0x1B380] =	vst v6;
	v6 =	vmul.f32 v8, v10;
	v8 =	vmul.f32 v9, v0  }
0x457: {  	s7 =	sand.u32 $0xC0, s7;
	s30 =	sand.u32 $0xF00, s30;
	s6 =	sshrl.u32 s6, $0x1;
	v11 =	vmul.f32 v9, v1;
	[tilespmem:s0+$0x1AB80] =	vst v5;
	v5 =	vmul.f32 v10, v1  }
0x458: {  	[tilespmem:s0+$0x1AF80] =	vst v3;
	v6 =	vpack.i.f32.bf16 v4, v6;
	s0 =	sor.u32 s6, s4;
	v4 =	vpack.i.f32.bf16 v8, v7;
	s4 =	sor.u32 s7, s30;
	s6 =	sor.u32 s8, s9;
	v3 =	vmul.f32 v10, v2  }
0x459: {  	s3 =	sand.u32 $0x1F00, s3;
	[tilespmem:s0+$0x0] =	vst v6;
	s30 =	sshrl.u32 s4, $0x1;
	v5 =	vpack.i.f32.bf16 v11, v5;
	s31 =	sshrl.u32 s6, $0x1;
	v6 =	vmul.f32 v9, v2  }
0x45a: {  	[tilespmem:s30+$0x1A780] =	vst v4;
	s0 =	sor.u32 s29, s3  }
0x45b: {  	[tilespmem:s31+$0x1A780] =	vst v5;
	v3 =	vpack.i.f32.bf16 v6, v3;
	s0 =	sshrl.u32 s0, $0x1  }
0x45c: {  	s1 =	simm.s32 $0x0;
	s3 =	rddreg [dreg:$0x16];
	[tilespmem:s0+$0x1A780] =	vst v3  }
0x45d: {  	[hbm4b:s3+s1] =	stream.linear.scatter [tilespmem:s18], [sflag:$0x5], $0x1000, $0x38;
	[tilespmem:$0x1C780] =	vst v63  }
0x45e: {  	_ =	swait.ge [sflag:s19], $0x800  }
0x45f: {  	[sflag:s19] =	ssyncset.done $0x0  }
0x460: {  	[sflag:s19] =	ssyncadd.s32 $0xFFFFF800  }
0x461: {  	_ =	swait.ge [sflag:s20], $0x800  }
0x462: {  	[sflag:s20] =	ssyncset.done $0x0  }
0x463: {  	[sflag:s20] =	ssyncadd.s32 $0xFFFFF800  }
0x464: {  	_ =	swait.ge [sflag:s23], $0x1000  }
0x465: {  	[sflag:s23] =	ssyncset.done $0x0  }
0x466: {  	s4 =	simm.s32 $0x18F20;
	[sflag:s23] =	ssyncadd.s32 $0xFFFFF000  }
0x467: {  	s2 =	simm.s32 $0x19F20;
	v3 =	vld [tilespmem:s4+$0xFFFFFFE0]  }
0x468: {  	v4 =	vld [tilespmem:s2+$0xFFFFFFF0]  }
0x469: {  	v5 =	vld [tilespmem:s2+$0xFFFFFFE0]  }
0x46a: {  	v6 =	vld [tilespmem:s4+$0xFFFFFFF0]  }
0x46b: {  	v7 =	vld [tilespmem:s2+$0x10]  }
0x46c: {  	v8 =	vld [tilespmem:s4+$0x10]  }
0x46d: {  	v9 =	vld [tilespmem:s4+$0x0]  }
0x46e: {  	v10 =	vld [tilespmem:s2+$0x0]  }
0x46f: {  	v3 =	vld.idx.msk [tilespmem:v3+s5+$0x0], $0xffff  }
0x470: {  	v4 =	vld.idx.msk [tilespmem:v4+s5+$0x0], $0xffff  }
0x471: {  	v5 =	vld.idx.msk [tilespmem:v5+s5+$0x0], $0xffff  }
0x472: {  	v6 =	vld.idx.msk [tilespmem:v6+s5+$0x0], $0xffff  }
0x473: {  	v7 =	vld.idx.msk [tilespmem:v7+s5+$0x0], $0xffff  }
0x474: {  	s24 =	simm.s32 $0x18F60;
	v8 =	vld.idx.msk [tilespmem:v8+s5+$0x0], $0xffff  }
0x475: {  	s26 =	simm.s32 $0x19F60;
	s6 =	simm.s32 $0x0;
	s9 =	simm.s32 $0x1020;
	v9 =	vld.idx.msk [tilespmem:v9+s5+$0x0], $0xffff  }
0x476: {  	s28 =	simm.s32 $0x2040;
	s9 =	sand.u32 $0x1700, s9;
	s0 =	sand.u32 $0x380, s6;
	v10 =	vld.idx.msk [tilespmem:v10+s5+$0x0], $0xffff;
	v11 =	vmul.f32 v3, v0;
	v12 =	vmul.f32 v3, v1  }
0x477: {  	s6 =	simm.s32 $0x3040;
	s7 =	sadd.s32 $0x1B780, s0;
	s4 =	simm.s32 $0x0;
	v5 =	vmul.f32 v5, v3;
	v4 =	vmul.f32 v4, v6  }
0x478: {  	s29 =	sand.u32 $0xC0, s6;
	s6 =	simm.s32 $0x1040;
	s4 =	sand.u32 $0x40, s4;
	v3 =	vmul.f32 v3, v2;
	v13 =	vmul.f32 v6, v2  }
0x479: {  	s3 =	simm.s32 $0x1820;
	s6 =	sand.u32 $0xC0, s6;
	s8 =	sor.u32 s4, s7;
	v14 =	vmul.f32 v6, v1;
	v4 =	vpack.i.f32.bf16 v4, v5;
	v5 =	vmul.f32 v6, v0  }
0x47a: {  	s3 =	sand.u32 $0x1F00, s3;
	s0 =	sor.u32 s4, s0;
	s4 =	simm.s32 $0x40;
	v6 =	vmul.f32 v7, v8;
	v3 =	vpack.i.f32.bf16 v13, v3;
	v7 =	vmul.f32 v8, v0;
	[tilespmem:s8+$0x0] =	vst v4  }
0x47b: {  	s4 =	sand.u32 $0xC0, s4;
	v4 =	vmul.f32 v9, v0;
	s8 =	sand.u32 $0xC0, s28;
	s28 =	simm.s32 $0x820;
	v5 =	vpack.i.f32.bf16 v5, v11;
	[tilespmem:s0+$0x1C380] =	vst v3;
	v3 =	vmul.f32 v10, v9  }
0x47c: {  	s2 =	simm.s32 $0x80;
	s4 =	sshrl.u32 s4, $0x1;
	v63 =	vmul.f32 v8, v1;
	v62 =	vpack.i.f32.bf16 v14, v12;
	s28 =	sand.u32 $0xF00, s28;
	[tilespmem:s0+$0x1BB80] =	vst v5;
	v5 =	vmul.f32 v9, v1  }
0x47d: {  	s7 =	sor.u32 s4, s7;
	[tilespmem:s0+$0x1BF80] =	vst v62;
	s9 =	sor.u32 s8, s9;
	s6 =	sor.u32 s6, s28;
	v4 =	vpack.i.f32.bf16 v7, v4;
	v6 =	vpack.i.f32.bf16 v6, v3  }
0x47e: {  	s31 =	sshrl.u32 s9, $0x1;
	s28 =	simm.s32 $0x0;
	s30 =	sshrl.u32 s6, $0x1;
	v3 =	vmul.f32 v9, v2;
	[tilespmem:s7+$0x0] =	vst v6;
	v5 =	vpack.i.f32.bf16 v63, v5;
	v6 =	vmul.f32 v8, v2  }
.LBB2_32:
0x47f: {  	s0 =	sor.u32 s29, s3  }
0x480: {  	[tilespmem:s30+$0x1B780] =	vst v4;
	s1 =	sadd.s32 $0x1, s1;
	s28 =	sadd.s32 $0x40, s28;
	s30 =	smov.u32 s2  }
0x481: {  	p0 =	sne.s32 s2, $0xF80;
	s2 =	sadd.s32 $0x80, s2;
	[tilespmem:s31+$0x1B780] =	vst v5;
	v3 =	vpack.i.f32.bf16 v6, v3;
	s0 =	sshrl.u32 s0, $0x1  }
0x482: {  	[tilespmem:s0+$0x1B780] =	vst v3  }
0x483: {  	v3 =	vld [tilespmem:s24+$0xFFFFFFE0]  }
0x484: {  	v4 =	vld [tilespmem:s26+$0x10]  }
0x485: {  	v5 =	vld [tilespmem:s26+$0xFFFFFFF0]  }
0x486: {  	v6 =	vld [tilespmem:s26+$0xFFFFFFE0]  }
0x487: {  	v7 =	vld [tilespmem:s24+$0xFFFFFFF0]  }
0x488: {  	v8 =	vld [tilespmem:s26+$0x0]  }
0x489: {  	v9 =	vld [tilespmem:s24+$0x10]  }
0x48a: {  	v10 =	vld [tilespmem:s24+$0x0]  }
0x48b: {  	v3 =	vld.idx.msk [tilespmem:v3+s5+$0x0], $0xffff  }
0x48c: {  	v4 =	vld.idx.msk [tilespmem:v4+s5+$0x0], $0xffff  }
0x48d: {  	v5 =	vld.idx.msk [tilespmem:v5+s5+$0x0], $0xffff  }
0x48e: {  	v6 =	vld.idx.msk [tilespmem:v6+s5+$0x0], $0xffff  }
0x48f: {  	v7 =	vld.idx.msk [tilespmem:v7+s5+$0x0], $0xffff  }
0x490: {  	v8 =	vld.idx.msk [tilespmem:v8+s5+$0x0], $0xffff  }
0x491: {  	v9 =	vld.idx.msk [tilespmem:v9+s5+$0x0], $0xffff  }
0x492: {  	v10 =	vld.idx.msk [tilespmem:v10+s5+$0x0], $0xffff  }
0x493: {  	s3 =	sadd.s32 $0x1820, s28;
	s26 =	sadd.s32 $0x40, s26;
	s24 =	sadd.s32 $0x40, s24;
	v11 =	vmul.f32 v3, v0  }
0x494: {  	s4 =	sadd.s32 $0x3040, s30;
	s6 =	sshrl.u32 s30, $0x1;
	s0 =	sshrl.u32 s28, $0x1;
	v12 =	vmul.f32 v3, v1;
	v13 =	vmul.f32 v3, v2  }
0x495: {  	s7 =	sadd.s32 $0x1040, s30;
	s29 =	sand.u32 $0xC0, s4;
	s0 =	sand.u32 $0x380, s0;
	v3 =	vmul.f32 v6, v3;
	v5 =	vmul.f32 v5, v7  }
0x496: {  	s9 =	sadd.s32 $0x1020, s28;
	s6 =	sand.u32 $0x40, s6;
	s4 =	sadd.s32 $0x1B780, s0;
	v6 =	vmul.f32 v7, v1;
	v14 =	vmul.f32 v7, v2  }
0x497: {  	s31 =	sadd.s32 $0x2040, s30;
	s0 =	sor.u32 s6, s0;
	s8 =	sor.u32 s6, s4;
	v3 =	vpack.i.f32.bf16 v5, v3;
	v5 =	vmul.f32 v7, v0;
	v4 =	vmul.f32 v4, v9  }
.Ltmp15:
0x498: {  	s6 =	sadd.s32 $0x40, s30;
	v7 =	vmul.f32 v10, v0;
	[tilespmem:s8+$0x0] =	vst v3;
	v3 =	vpack.i.f32.bf16 v6, v12;
	v6 =	vpack.i.f32.bf16 v14, v13;
	s8 =	sand.u32 $0xC0, s31;
	(pc) =	sbr.rel @p0 .LBB2_32-.Ltmp15, $4  }
0x499: {  	s9 =	sand.u32 $0x1700, s9;
	s30 =	sadd.s32 $0x820, s28;
	s6 =	sand.u32 $0xC0, s6;
	v5 =	vpack.i.f32.bf16 v5, v11;
	[tilespmem:s0+$0x1C380] =	vst v6;
	v6 =	vmul.f32 v8, v10;
	v8 =	vmul.f32 v9, v0  }
0x49a: {  	s7 =	sand.u32 $0xC0, s7;
	s30 =	sand.u32 $0xF00, s30;
	s6 =	sshrl.u32 s6, $0x1;
	v11 =	vmul.f32 v9, v1;
	[tilespmem:s0+$0x1BB80] =	vst v5;
	v5 =	vmul.f32 v10, v1  }
0x49b: {  	[tilespmem:s0+$0x1BF80] =	vst v3;
	v6 =	vpack.i.f32.bf16 v4, v6;
	s0 =	sor.u32 s6, s4;
	v4 =	vpack.i.f32.bf16 v8, v7;
	s4 =	sor.u32 s7, s30;
	s6 =	sor.u32 s8, s9;
	v3 =	vmul.f32 v10, v2  }
0x49c: {  	s3 =	sand.u32 $0x1F00, s3;
	[tilespmem:s0+$0x0] =	vst v6;
	s30 =	sshrl.u32 s4, $0x1;
	v5 =	vpack.i.f32.bf16 v11, v5;
	s31 =	sshrl.u32 s6, $0x1;
	v6 =	vmul.f32 v9, v2  }
0x49d: {  	[tilespmem:s30+$0x1B780] =	vst v4;
	s0 =	sor.u32 s29, s3  }
0x49e: {  	[tilespmem:s31+$0x1B780] =	vst v5;
	v0 =	vpack.i.f32.bf16 v6, v3;
	s0 =	sshrl.u32 s0, $0x1  }
0x49f: {  	s30 =	rddreg [dreg:$0x17];
	[tilespmem:s0+$0x1B780] =	vst v0  }
0x4a0: {  	[hbm4b:s30+s5] =	stream.linear.scatter [tilespmem:s21], [sflag:$0x6], $0x1000, $0x38;
	[tilespmem:$0x1C780] =	vst v63  }
0x4a1: {  	_ =	swait.ge [sflag:s22], $0x1000  }
0x4a2: {  	[sflag:s22] =	ssyncset.done $0x0  }
0x4a3: {  	[sflag:s22] =	ssyncadd.s32 $0xFFFFF000  }
0x4a4: {  	_ =	swait.ge [sflag:s23], $0x1000  }
0x4a5: {  	s25 =	sadd.s32 $0x1, s25;
	s31 =	rddreg [dreg:$0x19]  }
0x4a6: {  	p0 =	sne.s32 s25, s31  }
.Ltmp16:
0x4a7: {  	_ = 	snop;
	(pc) =	sbr.rel @p0 .LBB2_1-.Ltmp16, $3  }
0x4a8: {  	_ =	sdelay $0x1  }
0x4a9: {  	[sflag:s23] =	ssyncset.done $0x0  }
0x4aa: {  	[sflag:s23] =	ssyncadd.s32 $0xFFFFF000  }
0x4ab: {  	_ =	sfence.sel $0x180000  }
0x4ac: {  	[bflag:$0x0] =	sbarrier.arrive $0xFFFF  }
0x4ad: {  	_ =	strace $0x90000047  }
0x4ae: {  	s0 =	stileid.u32;
	[bflag:$0x2] =	sbarrier.arrive $0xFFFF  }
0x4af: {  	p0 =	sne.s32 s0, $0x0;
	s0 =	rddreg [dreg:$0x5]  }
0x4b0: {  	s0 =	sadd.s32 @!p0 $0x100000, s0  }
0x4b1: {  	[sflag:s0] =	ssyncadd.tile.s32 @!p0 $0x1;
	_ =	shalt  }
.Lfunc_end2:
_tile_overlayer_lowered:
.L_overlay_start_2:
0x4b2: {  	(tag) =	ssettag $0x2  }
0x4b3: {  	s0 =	rddreg [dreg:$0x0];
	s2 =	stileid.u32  }
0x4b4: {  	s1 =	rddreg [dreg:$0x1];
	p0 =	sne.s32 s2, $0x0  }
0x4b5: {  	s3 =	rddreg [dreg:$0x2];
	[bflag:$0x3] =	sbarrier.arrive $0xFFFF;
	s2 =	simm.s32 @!p0 $0x1C07  }
0x4b6: {  	[timem:s3], [sflag:s2] =	dma.local @!p0 [hbm:s0], s1  }
0x4b7: {  	s0 =	simm.s32 @!p0 $0x7  }
0x4b8: {  	_ =	swait.ge @!p0 [sflag:s0], s1  }
0x4b9: {  	s1 =	ssub.s32 @!p0 $0x0, s1;
	[sflag:s0] =	ssyncset.done @!p0 $0x0  }
0x4ba: {  	[sflag:s0] =	ssyncadd.s32 @!p0 s1  }
0x4bb: {  	[bflag:$0x3] =	sbarrier.arrive $0xFFFF  }
0x4bc: {  	_ =	shalt  }

</sc_bundles>
